<compile_context>
chip_gen: v7x
topology: tpu7x:2x2x1
jax: 0.10.2.dev20260603
libtpu: 0.0.44.dev20260713+nightly
codegen_flags: <defaults>
</compile_context>

<pallas_src>
import functools

import jax
import jax.numpy as jnp
from jax import lax
from jax.experimental import pallas as pl
from jax.experimental.pallas import tpu as pltpu
from jax.experimental.pallas import tpu_sc as plsc

NC = 2
NS = 16
L = 16
NW = NC * NS

NNODE = 50000
NPAD = 50176
NROWS_W = NPAD // NW
NSLICE = NPAD // NS
EDGES = 800000
EPAD = 819200
EW = EPAD // NW
EC = 512
NCHUNK = EW // EC
RECW = 32
CN = 784

f32 = jnp.float32
i32 = jnp.int32


def _silu(x):
    return x / (1.0 + jnp.exp(-x))


_MESH = dict(core_axis_name="c", subcore_axis_name="s")



@functools.partial(
    pl.kernel,
    out_type=(jax.ShapeDtypeStruct((NPAD * RECW,), f32),
              jax.ShapeDtypeStruct((NPAD * RECW,), f32)),
    mesh=plsc.VectorSubcoreMesh(**_MESH),
    scratch_types=[
        pltpu.VMEM((CN * 24,), f32),
        pltpu.VMEM((CN * 9,), f32),
        pltpu.VMEM((CN * 3,), f32),
        pltpu.VMEM((32,), f32),
        pltpu.VMEM((CN * RECW,), f32),
    ],
    compiler_params=pltpu.CompilerParams(needs_layout_passes=False, use_tc_tiling_on_sc=False),
)
def _pkern(fvf, ffr, fpo, tvf, tfr, tpo, wf, wt, srcrec, dstrec,
           vbuf, fbuf, pbuf, wbuf, recbuf):
    wid = lax.axis_index("s") * NC + lax.axis_index("c")
    base_row = wid * NROWS_W

    def do_side(vf_h, fr_h, po_h, w_h, out_h):
        pltpu.sync_copy(w_h, wbuf)
        wv = [wbuf[pl.ds(0, L)], wbuf[pl.ds(L, L)]]
        ws = [wv[i // L][i % L] for i in range(32)]
        for ch in range(NROWS_W // CN):
            r0 = base_row + ch * CN
            pltpu.sync_copy(vf_h.at[pl.ds(r0 * 24, CN * 24)], vbuf)
            pltpu.sync_copy(fr_h.at[pl.ds(r0 * 9, CN * 9)], fbuf)
            pltpu.sync_copy(po_h.at[pl.ds(r0 * 3, CN * 3)], pbuf)

            def group(g, carry):
                row = g * L + lax.iota(i32, L)
                rv = row * 24
                xf = [plsc.load_gather(vbuf, [rv + c]) for c in range(24)]
                T = [[jnp.zeros((L,), f32) for _ in range(3)] for _ in range(4)]
                for h in range(4):
                    for f in range(8):
                        w = ws[h * 8 + f]
                        for j in range(3):
                            T[h][j] = T[h][j] + w * xf[3 * f + j]
                rf = row * 9
                Fm = [plsc.load_gather(fbuf, [rf + c]) for c in range(9)]
                rp = row * 3
                po = [plsc.load_gather(pbuf, [rp + c]) for c in range(3)]
                ro = row * RECW
                for h in range(4):
                    for k in range(3):
                        a = (T[h][0] * Fm[k] + T[h][1] * Fm[3 + k]
                             + T[h][2] * Fm[6 + k])
                        plsc.store_scatter(recbuf, [ro + (3 * h + k)], a)
                for k in range(3):
                    pv = po[0] * Fm[k] + po[1] * Fm[3 + k] + po[2] * Fm[6 + k]
                    plsc.store_scatter(recbuf, [ro + (12 + k)], pv)
                for c in range(9):
                    plsc.store_scatter(recbuf, [ro + (15 + c)], Fm[c])
                for c in range(3):
                    plsc.store_scatter(recbuf, [ro + (24 + c)], po[c])
                z = jnp.zeros((L,), f32)
                for c in range(27, 32):
                    plsc.store_scatter(recbuf, [ro + c], z)
                return carry

            lax.fori_loop(0, CN // L, group, 0)
            pltpu.sync_copy(recbuf, out_h.at[pl.ds(r0 * RECW, CN * RECW)])

    do_side(fvf, ffr, fpo, wf, srcrec)
    do_side(tvf, tfr, tpo, wt, dstrec)



@functools.partial(
    pl.kernel,
    out_type=(jax.ShapeDtypeStruct((EPAD,), f32),
              jax.ShapeDtypeStruct((NC * NPAD,), f32)),
    mesh=plsc.VectorSubcoreMesh(**_MESH),
    scratch_types=[
        pltpu.VMEM((EC, RECW), f32),
        pltpu.VMEM((EC, RECW), f32),
        pltpu.VMEM((EC,), i32),
        pltpu.VMEM((EC,), i32),
        pltpu.VMEM((EC,), f32),
        pltpu.VMEM((32,), f32),
        pltpu.VMEM((NSLICE,), f32),
        pltpu.VMEM_SHARED((NPAD,), f32),
        pltpu.SemaphoreType.DMA,
        pltpu.SemaphoreType.DMA,
    ],
    compiler_params=pltpu.CompilerParams(needs_layout_passes=False, use_tc_tiling_on_sc=False),
)
def _akern(srcrec, dstrec, srcix, dstix, wa, exh, partials,
           sbuf, dbuf, sidx, didx, exbuf, wabuf, slicebuf, denom_sh,
           sem1, sem2):
    c = lax.axis_index("c")
    s = lax.axis_index("s")
    wid = s * NC + c

    def zg(i, carry):
        slicebuf[pl.ds(i * L, L)] = jnp.zeros((L,), f32)
        return carry

    lax.fori_loop(0, NSLICE // L, zg, 0)
    pltpu.sync_copy(slicebuf, denom_sh.at[pl.ds(s * NSLICE, NSLICE)])
    pltpu.sync_copy(wa, wabuf)
    wav = [wabuf[pl.ds(0, L)], wabuf[pl.ds(L, L)]]
    was = [wav[i // L][i % L] for i in range(30)]
    plsc.subcore_barrier()

    ebase = wid * EW

    def chunk(gch, carry):
        b = ebase + gch * EC
        pltpu.sync_copy(srcix.at[pl.ds(b, EC)], sidx)
        pltpu.sync_copy(dstix.at[pl.ds(b, EC)], didx)
        cp1 = pltpu.async_copy(srcrec.at[sidx], sbuf, sem1)
        cp2 = pltpu.async_copy(dstrec.at[didx], dbuf, sem2)
        cp1.wait()
        cp2.wait()

        def group(g, gc):
            row = g * L + lax.iota(i32, L)

            def lgs(col):
                return plsc.load_gather(sbuf, [row, jnp.full((L,), col, i32)])

            def lgd(col):
                return plsc.load_gather(dbuf, [row, jnp.full((L,), col, i32)])

            acc = jnp.zeros((L,), f32)
            for i in range(12):
                acc = acc + was[i] * _silu(lgs(i))
            tp = [lgd(24 + k) for k in range(3)]
            for k in range(3):
                cf = (tp[0] * lgs(15 + k) + tp[1] * lgs(18 + k)
                      + tp[2] * lgs(21 + k))
                acc = acc + was[12 + k] * _silu(cf - lgs(12 + k))
            for i in range(12):
                acc = acc + was[15 + i] * _silu(lgd(i))
            fp = [lgs(24 + k) for k in range(3)]
            for k in range(3):
                ct = (fp[0] * lgd(15 + k) + fp[1] * lgd(18 + k)
                      + fp[2] * lgd(21 + k))
                acc = acc + was[27 + k] * _silu(ct - lgd(12 + k))
            exbuf[pl.ds(g * L, L)] = jnp.exp(acc)
            return gc

        lax.fori_loop(0, EC // L, group, 0)
        pltpu.sync_copy(exbuf, exh.at[pl.ds(b, EC)])
        pltpu.sync_copy(exbuf, denom_sh.at[sidx], add=True)
        return carry

    lax.fori_loop(0, NCHUNK, chunk, 0)
    plsc.subcore_barrier()
    pltpu.sync_copy(denom_sh.at[pl.ds(s * NSLICE, NSLICE)], slicebuf)
    pltpu.sync_copy(slicebuf, partials.at[pl.ds(c * NPAD + s * NSLICE, NSLICE)])



@functools.partial(
    pl.kernel,
    out_type=jax.ShapeDtypeStruct((EPAD,), f32),
    mesh=plsc.VectorSubcoreMesh(**_MESH),
    scratch_types=[
        pltpu.VMEM((NSLICE,), f32),
        pltpu.VMEM((NSLICE,), f32),
        pltpu.VMEM((EC,), i32),
        pltpu.VMEM((EC,), f32),
        pltpu.VMEM((EC,), f32),
        pltpu.VMEM((EC,), f32),
        pltpu.VMEM_SHARED((NPAD,), f32),
    ],
    compiler_params=pltpu.CompilerParams(needs_layout_passes=False, use_tc_tiling_on_sc=False),
)
def _bkern(partials, exh, srcix, att,
           p0buf, p1buf, sidx, exbuf, dvbuf, attbuf, denom_sh):
    c = lax.axis_index("c")
    s = lax.axis_index("s")
    wid = s * NC + c

    pltpu.sync_copy(partials.at[pl.ds(s * NSLICE, NSLICE)], p0buf)
    pltpu.sync_copy(partials.at[pl.ds(NPAD + s * NSLICE, NSLICE)], p1buf)

    def addg(i, carry):
        sl = pl.ds(i * L, L)
        p0buf[sl] = p0buf[sl] + p1buf[sl]
        return carry

    lax.fori_loop(0, NSLICE // L, addg, 0)
    pltpu.sync_copy(p0buf, denom_sh.at[pl.ds(s * NSLICE, NSLICE)])
    plsc.subcore_barrier()

    ebase = wid * EW

    def chunk(gch, carry):
        b = ebase + gch * EC
        pltpu.sync_copy(srcix.at[pl.ds(b, EC)], sidx)
        pltpu.sync_copy(exh.at[pl.ds(b, EC)], exbuf)
        pltpu.sync_copy(denom_sh.at[sidx], dvbuf)

        def group(g, gc):
            sl = pl.ds(g * L, L)
            attbuf[sl] = exbuf[sl] / dvbuf[sl]
            return gc

        lax.fori_loop(0, EC // L, group, 0)
        pltpu.sync_copy(attbuf, att.at[pl.ds(b, EC)])
        return carry

    lax.fori_loop(0, NCHUNK, chunk, 0)



def kernel(from_vec, to_vec, edge_index, from_frame, to_frame,
           from_pos, to_pos, Wf, Wt, Wa):
    npad = NPAD - NNODE
    fvf = jnp.pad(from_vec.reshape(NNODE, 24), ((0, npad), (0, 0))).reshape(-1)
    tvf = jnp.pad(to_vec.reshape(NNODE, 24), ((0, npad), (0, 0))).reshape(-1)
    ffr = jnp.pad(from_frame.reshape(NNODE, 9), ((0, npad), (0, 0))).reshape(-1)
    tfr = jnp.pad(to_frame.reshape(NNODE, 9), ((0, npad), (0, 0))).reshape(-1)
    fpo = jnp.pad(from_pos, ((0, npad), (0, 0))).reshape(-1)
    tpo = jnp.pad(to_pos, ((0, npad), (0, 0))).reshape(-1)
    wf = Wf.reshape(-1)
    wt = Wt.reshape(-1)
    wa = jnp.pad(Wa.reshape(-1), (0, 2))

    srcrec, dstrec = _pkern(fvf, ffr, fpo, tvf, tfr, tpo, wf, wt)
    srcrec = srcrec.reshape(NPAD, RECW)
    dstrec = dstrec.reshape(NPAD, RECW)

    epad = EPAD - EDGES
    srcp = jnp.pad(edge_index[0], (0, epad), constant_values=NNODE)
    dstp = jnp.pad(edge_index[1], (0, epad), constant_values=NNODE)

    exh, partials = _akern(srcrec, dstrec, srcp, dstp, wa)
    attp = _bkern(partials, exh, srcp)
    return attp[:EDGES, None]

# --- scband reference (transcript-rebuilt; emitter-appended) ---
"""Pipeline reference for scband-geometry-location-attention-head-76845554860755 (READ-ONLY COPY).

The authoritative reference and input builder live on the scoring server;
editing this copy changes nothing except your own understanding.
"""

import jax, jax.numpy as jnp
import numpy as np

N = 50000
E = 800000
FVD = 8
TVD = 8
H = 4

def setup_inputs(seed: int = 0) -> dict:
    key = jax.random.key(seed)
    ks = jax.random.split(key, 12)
    from_vec = jax.random.normal(ks[0], (N, FVD, 3), dtype=jnp.float32)
    to_vec = jax.random.normal(ks[1], (N, TVD, 3), dtype=jnp.float32)
    edge_index = jax.random.randint(ks[2], (2, E), 0, N, dtype=jnp.int32)
    from_frame = jax.random.normal(ks[3], (N, 3, 3), dtype=jnp.float32)
    to_frame = jax.random.normal(ks[4], (N, 3, 3), dtype=jnp.float32)
    from_pos = jax.random.normal(ks[5], (N, 3), dtype=jnp.float32)
    to_pos = jax.random.normal(ks[6], (N, 3), dtype=jnp.float32)
    # Learned parameters (nn.Linear weight layout: [out, in], bias=False)
    Wf = jax.random.normal(ks[7], (H, FVD), dtype=jnp.float32) * (1.0 / np.sqrt(FVD))
    Wt = jax.random.normal(ks[8], (H, TVD), dtype=jnp.float32) * (1.0 / np.sqrt(TVD))
    Wa = jax.random.normal(ks[9], (1, H * 2 * 3 + 2 * 3), dtype=jnp.float32) * (1.0 / np.sqrt(H * 2 * 3 + 2 * 3))
    return {"from_vec": from_vec, "to_vec": to_vec, "edge_index": edge_index,
            "from_frame": from_frame, "to_frame": to_frame,
            "from_pos": from_pos, "to_pos": to_pos,
            "Wf": Wf, "Wt": Wt, "Wa": Wa}

def reference(from_vec, to_vec, edge_index, from_frame, to_frame, from_pos, to_pos, Wf, Wt, Wa):
    src = edge_index[0]
    dst = edge_index[1]
    # gather vector features and frames per edge
    from_v = jnp.take(from_vec, src, axis=0)          # [E, FVD, 3]
    from_frame_sel = jnp.take(from_frame, src, axis=0)  # [E, 3, 3]
    to_v = jnp.take(to_vec, dst, axis=0)              # [E, TVD, 3]
    to_frame_sel = jnp.take(to_frame, dst, axis=0)    # [E, 3, 3]
    # projections (linear, no bias): x @ W.T
    from_v_trans = jnp.swapaxes(from_v, -1, -2) @ Wf.T  # [E, 3, H]
    to_v_trans = jnp.swapaxes(to_v, -1, -2) @ Wt.T      # [E, 3, H]
    # positional difference channel
    from_pos_sel = jnp.take(from_pos, src, axis=0)
    to_pos_sel = jnp.take(to_pos, dst, axis=0)
    pos_diff = (to_pos_sel - from_pos_sel)[..., None]   # [E, 3, 1]
    fv = jnp.swapaxes(jnp.concatenate([from_v_trans, pos_diff], axis=-1), -1, -2)  # [E, H+1, 3]
    tv = jnp.swapaxes(jnp.concatenate([to_v_trans, -pos_diff], axis=-1), -1, -2)   # [E, H+1, 3]
    # scalarize by frame (bmm)
    fvs = jnp.einsum('eij,ejk->eik', fv, from_frame_sel).reshape(fv.shape[0], -1)  # [E, (H+1)*3]
    tvs = jnp.einsum('eij,ejk->eik', tv, to_frame_sel).reshape(tv.shape[0], -1)
    v_scalarized = jnp.concatenate([fvs, tvs], axis=1)  # [E, 2*(H+1)*3]
    raw = (jax.nn.silu(v_scalarized) @ Wa.T)[:, 0]      # [E]
    # scatter_softmax over incidence_index[0] (higher_to_lower=True), dim_size = incidence_size[1] = N
    seg = src
    seg_max = jax.ops.segment_max(raw, seg, num_segments=N)
    ex = jnp.exp(raw - jnp.take(seg_max, seg, axis=0))
    denom = jax.ops.segment_sum(ex, seg, num_segments=N)
    att = ex / jnp.take(denom, seg, axis=0)
    return att[:, None]

if __name__ == "__main__":
    import jax
    _d = setup_inputs()
    print(jax.jit(kernel)(*tuple(_d.values())))

</pallas_src>

<mosaic_0001>
#map = affine_map<(d0, d1) -> (0)>
module attributes {stable_mosaic.version = 14 : i64} {
  func.func @_pkern(%arg0: i32, %arg1: i32, %arg2: memref<1204224xf32, #tpu.memory_space<hbm>>, %arg3: memref<451584xf32, #tpu.memory_space<hbm>>, %arg4: memref<150528xf32, #tpu.memory_space<hbm>>, %arg5: memref<1204224xf32, #tpu.memory_space<hbm>>, %arg6: memref<451584xf32, #tpu.memory_space<hbm>>, %arg7: memref<150528xf32, #tpu.memory_space<hbm>>, %arg8: memref<32xf32, #tpu.memory_space<hbm>>, %arg9: memref<32xf32, #tpu.memory_space<hbm>>, %arg10: memref<1605632xf32, #tpu.memory_space<hbm>>, %arg11: memref<1605632xf32, #tpu.memory_space<hbm>>, %arg12: memref<18816xf32, #tpu.memory_space<vmem>>, %arg13: memref<7056xf32, #tpu.memory_space<vmem>>, %arg14: memref<2352xf32, #tpu.memory_space<vmem>>, %arg15: memref<32xf32, #tpu.memory_space<vmem>>, %arg16: memref<25088xf32, #tpu.memory_space<vmem>>) attributes {dimension_semantics = [#tpu.dimension_semantics<core_parallel>, #tpu.dimension_semantics<subcore_parallel>], iteration_bounds = array<i64: 2, 16>, scalar_prefetch = 0 : i64, scratch_operands = 5 : i64, tpu.core_type = #tpu.core_type<sc_vector_subcore>, window_params = [{transform_indices = #map}, {transform_indices = #map}, {transform_indices = #map}, {transform_indices = #map}, {transform_indices = #map}, {transform_indices = #map}, {transform_indices = #map}, {transform_indices = #map}, {transform_indices = #map}, {transform_indices = #map}]} {
    %mul3A = arith.constant 2 : i32
    %mul3A_0 = arith.muli %arg1, %mul3A : i32
    %add3A = arith.addi %mul3A_0, %arg0 : i32
    %mul3A_1 = arith.constant 1568 : i32
    %mul3A_2 = arith.muli %add3A, %mul3A_1 : i32
    "tpu.region"() ({
      %run_scoped3A = tpu.sem_alloc : memref<!tpu.dma_semaphore, #tpu.memory_space<semaphore_mem>>
      tpu.enqueue_dma source(%arg8 : memref<32xf32, #tpu.memory_space<hbm>>) target(%arg15 : memref<32xf32, #tpu.memory_space<vmem>>) target_semaphore(%run_scoped3A : memref<!tpu.dma_semaphore, #tpu.memory_space<semaphore_mem>>)
      tpu.wait_dma2 semaphore(%run_scoped3A : memref<!tpu.dma_semaphore, #tpu.memory_space<semaphore_mem>>) src(%arg8 : memref<32xf32, #tpu.memory_space<hbm>>) dst(%arg15 : memref<32xf32, #tpu.memory_space<vmem>>)
      tpu.yield
    }) : () -> ()
    %get3A = arith.constant 0 : index
    %get3A_3 = tpu.vector_load %arg15[%get3A] {strides = array<i32>} : memref<32xf32, #tpu.memory_space<vmem>>, vector<16xf32>,
    %get3A_4 = arith.constant 16 : index
    %get3A_5 = tpu.vector_load %arg15[%get3A_4] {strides = array<i32>} : memref<32xf32, #tpu.memory_space<vmem>>, vector<16xf32>,
    %slice3A = vector.extract_strided_slice %get3A_3 {offsets = [0], sizes = [1], strides = [1]} : vector<16xf32> to vector<1xf32>
    %squeeze3A = vector.extract %slice3A[0] : f32 from vector<1xf32>
    %slice3A_6 = vector.extract_strided_slice %get3A_3 {offsets = [1], sizes = [1], strides = [1]} : vector<16xf32> to vector<1xf32>
    %squeeze3A_7 = vector.extract %slice3A_6[0] : f32 from vector<1xf32>
    %slice3A_8 = vector.extract_strided_slice %get3A_3 {offsets = [2], sizes = [1], strides = [1]} : vector<16xf32> to vector<1xf32>
    %squeeze3A_9 = vector.extract %slice3A_8[0] : f32 from vector<1xf32>
    %slice3A_10 = vector.extract_strided_slice %get3A_3 {offsets = [3], sizes = [1], strides = [1]} : vector<16xf32> to vector<1xf32>
    %squeeze3A_11 = vector.extract %slice3A_10[0] : f32 from vector<1xf32>
    %slice3A_12 = vector.extract_strided_slice %get3A_3 {offsets = [4], sizes = [1], strides = [1]} : vector<16xf32> to vector<1xf32>
    %squeeze3A_13 = vector.extract %slice3A_12[0] : f32 from vector<1xf32>
    %slice3A_14 = vector.extract_strided_slice %get3A_3 {offsets = [5], sizes = [1], strides = [1]} : vector<16xf32> to vector<1xf32>
    %squeeze3A_15 = vector.extract %slice3A_14[0] : f32 from vector<1xf32>
    %slice3A_16 = vector.extract_strided_slice %get3A_3 {offsets = [6], sizes = [1], strides = [1]} : vector<16xf32> to vector<1xf32>
    %squeeze3A_17 = vector.extract %slice3A_16[0] : f32 from vector<1xf32>
    %slice3A_18 = vector.extract_strided_slice %get3A_3 {offsets = [7], sizes = [1], strides = [1]} : vector<16xf32> to vector<1xf32>
    %squeeze3A_19 = vector.extract %slice3A_18[0] : f32 from vector<1xf32>
    %slice3A_20 = vector.extract_strided_slice %get3A_3 {offsets = [8], sizes = [1], strides = [1]} : vector<16xf32> to vector<1xf32>
    %squeeze3A_21 = vector.extract %slice3A_20[0] : f32 from vector<1xf32>
    %slice3A_22 = vector.extract_strided_slice %get3A_3 {offsets = [9], sizes = [1], strides = [1]} : vector<16xf32> to vector<1xf32>
    %squeeze3A_23 = vector.extract %slice3A_22[0] : f32 from vector<1xf32>
    %slice3A_24 = vector.extract_strided_slice %get3A_3 {offsets = [10], sizes = [1], strides = [1]} : vector<16xf32> to vector<1xf32>
    %squeeze3A_25 = vector.extract %slice3A_24[0] : f32 from vector<1xf32>
    %slice3A_26 = vector.extract_strided_slice %get3A_3 {offsets = [11], sizes = [1], strides = [1]} : vector<16xf32> to vector<1xf32>
    %squeeze3A_27 = vector.extract %slice3A_26[0] : f32 from vector<1xf32>
    %slice3A_28 = vector.extract_strided_slice %get3A_3 {offsets = [12], sizes = [1], strides = [1]} : vector<16xf32> to vector<1xf32>
    %squeeze3A_29 = vector.extract %slice3A_28[0] : f32 from vector<1xf32>
    %slice3A_30 = vector.extract_strided_slice %get3A_3 {offsets = [13], sizes = [1], strides = [1]} : vector<16xf32> to vector<1xf32>
    %squeeze3A_31 = vector.extract %slice3A_30[0] : f32 from vector<1xf32>
    %slice3A_32 = vector.extract_strided_slice %get3A_3 {offsets = [14], sizes = [1], strides = [1]} : vector<16xf32> to vector<1xf32>
    %squeeze3A_33 = vector.extract %slice3A_32[0] : f32 from vector<1xf32>
    %slice3A_34 = vector.extract_strided_slice %get3A_3 {offsets = [15], sizes = [1], strides = [1]} : vector<16xf32> to vector<1xf32>
    %squeeze3A_35 = vector.extract %slice3A_34[0] : f32 from vector<1xf32>
    %slice3A_36 = vector.extract_strided_slice %get3A_5 {offsets = [0], sizes = [1], strides = [1]} : vector<16xf32> to vector<1xf32>
    %squeeze3A_37 = vector.extract %slice3A_36[0] : f32 from vector<1xf32>
    %slice3A_38 = vector.extract_strided_slice %get3A_5 {offsets = [1], sizes = [1], strides = [1]} : vector<16xf32> to vector<1xf32>
    %squeeze3A_39 = vector.extract %slice3A_38[0] : f32 from vector<1xf32>
    %slice3A_40 = vector.extract_strided_slice %get3A_5 {offsets = [2], sizes = [1], strides = [1]} : vector<16xf32> to vector<1xf32>
    %squeeze3A_41 = vector.extract %slice3A_40[0] : f32 from vector<1xf32>
    %slice3A_42 = vector.extract_strided_slice %get3A_5 {offsets = [3], sizes = [1], strides = [1]} : vector<16xf32> to vector<1xf32>
    %squeeze3A_43 = vector.extract %slice3A_42[0] : f32 from vector<1xf32>
    %slice3A_44 = vector.extract_strided_slice %get3A_5 {offsets = [4], sizes = [1], strides = [1]} : vector<16xf32> to vector<1xf32>
    %squeeze3A_45 = vector.extract %slice3A_44[0] : f32 from vector<1xf32>
    %slice3A_46 = vector.extract_strided_slice %get3A_5 {offsets = [5], sizes = [1], strides = [1]} : vector<16xf32> to vector<1xf32>
    %squeeze3A_47 = vector.extract %slice3A_46[0] : f32 from vector<1xf32>
    %slice3A_48 = vector.extract_strided_slice %get3A_5 {offsets = [6], sizes = [1], strides = [1]} : vector<16xf32> to vector<1xf32>
    %squeeze3A_49 = vector.extract %slice3A_48[0] : f32 from vector<1xf32>
    %slice3A_50 = vector.extract_strided_slice %get3A_5 {offsets = [7], sizes = [1], strides = [1]} : vector<16xf32> to vector<1xf32>
    %squeeze3A_51 = vector.extract %slice3A_50[0] : f32 from vector<1xf32>
    %slice3A_52 = vector.extract_strided_slice %get3A_5 {offsets = [8], sizes = [1], strides = [1]} : vector<16xf32> to vector<1xf32>
    %squeeze3A_53 = vector.extract %slice3A_52[0] : f32 from vector<1xf32>
    %slice3A_54 = vector.extract_strided_slice %get3A_5 {offsets = [9], sizes = [1], strides = [1]} : vector<16xf32> to vector<1xf32>
    %squeeze3A_55 = vector.extract %slice3A_54[0] : f32 from vector<1xf32>
    %slice3A_56 = vector.extract_strided_slice %get3A_5 {offsets = [10], sizes = [1], strides = [1]} : vector<16xf32> to vector<1xf32>
    %squeeze3A_57 = vector.extract %slice3A_56[0] : f32 from vector<1xf32>
    %slice3A_58 = vector.extract_strided_slice %get3A_5 {offsets = [11], sizes = [1], strides = [1]} : vector<16xf32> to vector<1xf32>
    %squeeze3A_59 = vector.extract %slice3A_58[0] : f32 from vector<1xf32>
    %slice3A_60 = vector.extract_strided_slice %get3A_5 {offsets = [12], sizes = [1], strides = [1]} : vector<16xf32> to vector<1xf32>
    %squeeze3A_61 = vector.extract %slice3A_60[0] : f32 from vector<1xf32>
    %slice3A_62 = vector.extract_strided_slice %get3A_5 {offsets = [13], sizes = [1], strides = [1]} : vector<16xf32> to vector<1xf32>
    %squeeze3A_63 = vector.extract %slice3A_62[0] : f32 from vector<1xf32>
    %slice3A_64 = vector.extract_strided_slice %get3A_5 {offsets = [14], sizes = [1], strides = [1]} : vector<16xf32> to vector<1xf32>
    %squeeze3A_65 = vector.extract %slice3A_64[0] : f32 from vector<1xf32>
    %slice3A_66 = vector.extract_strided_slice %get3A_5 {offsets = [15], sizes = [1], strides = [1]} : vector<16xf32> to vector<1xf32>
    %squeeze3A_67 = vector.extract %slice3A_66[0] : f32 from vector<1xf32>
    %add3A_68 = arith.constant 0 : i32
    %add3A_69 = arith.addi %mul3A_2, %add3A_68 : i32
    %mul3A_70 = arith.constant 24 : i32
    %mul3A_71 = arith.muli %add3A_69, %mul3A_70 : i32
    "tpu.region"() ({
      %run_scoped3A = tpu.sem_alloc : memref<!tpu.dma_semaphore, #tpu.memory_space<semaphore_mem>>
      %dma_start3A = tpu.memref_slice %arg2[%mul3A_71] : memref<1204224xf32, #tpu.memory_space<hbm>> -> memref<18816xf32, #tpu.memory_space<hbm>>
      %dma_start3A_199 = tpu.memref_slice %arg2[%mul3A_71] : memref<1204224xf32, #tpu.memory_space<hbm>> -> memref<18816xf32, #tpu.memory_space<hbm>>
      tpu.enqueue_dma source(%dma_start3A_199 : memref<18816xf32, #tpu.memory_space<hbm>>) target(%arg12 : memref<18816xf32, #tpu.memory_space<vmem>>) target_semaphore(%run_scoped3A : memref<!tpu.dma_semaphore, #tpu.memory_space<semaphore_mem>>)
      %dma_wait3A = tpu.memref_slice %arg2[%mul3A_71] : memref<1204224xf32, #tpu.memory_space<hbm>> -> memref<18816xf32, #tpu.memory_space<hbm>>
      %dma_wait3A_200 = tpu.memref_slice %arg2[%mul3A_71] : memref<1204224xf32, #tpu.memory_space<hbm>> -> memref<18816xf32, #tpu.memory_space<hbm>>
      tpu.wait_dma2 semaphore(%run_scoped3A : memref<!tpu.dma_semaphore, #tpu.memory_space<semaphore_mem>>) src(%dma_wait3A_200 : memref<18816xf32, #tpu.memory_space<hbm>>) dst(%arg12 : memref<18816xf32, #tpu.memory_space<vmem>>)
      tpu.yield
    }) : () -> ()
    %mul3A_72 = arith.constant 9 : i32
    %mul3A_73 = arith.muli %add3A_69, %mul3A_72 : i32
    "tpu.region"() ({
      %run_scoped3A = tpu.sem_alloc : memref<!tpu.dma_semaphore, #tpu.memory_space<semaphore_mem>>
      %dma_start3A = tpu.memref_slice %arg3[%mul3A_73] : memref<451584xf32, #tpu.memory_space<hbm>> -> memref<7056xf32, #tpu.memory_space<hbm>>
      %dma_start3A_199 = tpu.memref_slice %arg3[%mul3A_73] : memref<451584xf32, #tpu.memory_space<hbm>> -> memref<7056xf32, #tpu.memory_space<hbm>>
      tpu.enqueue_dma source(%dma_start3A_199 : memref<7056xf32, #tpu.memory_space<hbm>>) target(%arg13 : memref<7056xf32, #tpu.memory_space<vmem>>) target_semaphore(%run_scoped3A : memref<!tpu.dma_semaphore, #tpu.memory_space<semaphore_mem>>)
      %dma_wait3A = tpu.memref_slice %arg3[%mul3A_73] : memref<451584xf32, #tpu.memory_space<hbm>> -> memref<7056xf32, #tpu.memory_space<hbm>>
      %dma_wait3A_200 = tpu.memref_slice %arg3[%mul3A_73] : memref<451584xf32, #tpu.memory_space<hbm>> -> memref<7056xf32, #tpu.memory_space<hbm>>
      tpu.wait_dma2 semaphore(%run_scoped3A : memref<!tpu.dma_semaphore, #tpu.memory_space<semaphore_mem>>) src(%dma_wait3A_200 : memref<7056xf32, #tpu.memory_space<hbm>>) dst(%arg13 : memref<7056xf32, #tpu.memory_space<vmem>>)
      tpu.yield
    }) : () -> ()
    %mul3A_74 = arith.constant 3 : i32
    %mul3A_75 = arith.muli %add3A_69, %mul3A_74 : i32
    "tpu.region"() ({
      %run_scoped3A = tpu.sem_alloc : memref<!tpu.dma_semaphore, #tpu.memory_space<semaphore_mem>>
      %dma_start3A = tpu.memref_slice %arg4[%mul3A_75] : memref<150528xf32, #tpu.memory_space<hbm>> -> memref<2352xf32, #tpu.memory_space<hbm>>
      %dma_start3A_199 = tpu.memref_slice %arg4[%mul3A_75] : memref<150528xf32, #tpu.memory_space<hbm>> -> memref<2352xf32, #tpu.memory_space<hbm>>
      tpu.enqueue_dma source(%dma_start3A_199 : memref<2352xf32, #tpu.memory_space<hbm>>) target(%arg14 : memref<2352xf32, #tpu.memory_space<vmem>>) target_semaphore(%run_scoped3A : memref<!tpu.dma_semaphore, #tpu.memory_space<semaphore_mem>>)
      %dma_wait3A = tpu.memref_slice %arg4[%mul3A_75] : memref<150528xf32, #tpu.memory_space<hbm>> -> memref<2352xf32, #tpu.memory_space<hbm>>
      %dma_wait3A_200 = tpu.memref_slice %arg4[%mul3A_75] : memref<150528xf32, #tpu.memory_space<hbm>> -> memref<2352xf32, #tpu.memory_space<hbm>>
      tpu.wait_dma2 semaphore(%run_scoped3A : memref<!tpu.dma_semaphore, #tpu.memory_space<semaphore_mem>>) src(%dma_wait3A_200 : memref<2352xf32, #tpu.memory_space<hbm>>) dst(%arg14 : memref<2352xf32, #tpu.memory_space<vmem>>)
      tpu.yield
    }) : () -> ()
    %scan3A = arith.constant 0 : i32
    %scan3A_76 = arith.constant 0 : i32
    %scan3A_77 = arith.constant 49 : i32
    %scan3A_78 = arith.addi %scan3A_76, %scan3A_77 : i32
    %scan3A_79 = arith.constant 1 : i32
    scf.for %scan3A_199 = %scan3A_76 to %scan3A_78 step %scan3A_79  : i32 {
      %mul3A_200 = arith.constant 16 : i32
      %mul3A_201 = arith.muli %scan3A_199, %mul3A_200 : i32
      %iota3A = tpu.iota {dimensions = array<i32: 0>} : vector<16xi32>
      %add3A_202 = vector.broadcast %mul3A_201 : i32 to vector<16xi32>
      %add3A_203 = arith.addi %add3A_202, %iota3A : vector<16xi32>
      %mul3A_204 = arith.constant 24 : i32
      %mul3A_205 = vector.broadcast %mul3A_204 : i32 to vector<16xi32>
      %mul3A_206 = arith.muli %add3A_203, %mul3A_205 : vector<16xi32>
      %add3A_207 = arith.constant 0 : i32
      %add3A_208 = vector.broadcast %add3A_207 : i32 to vector<16xi32>
      %add3A_209 = arith.addi %mul3A_206, %add3A_208 : vector<16xi32>
      %gather3A = tpu.vector_load_idx %arg12[%add3A_209] : memref<18816xf32, #tpu.memory_space<vmem>>[vector<16xi32>], vector<16xf32>,
      %add3A_210 = arith.constant 1 : i32
      %add3A_211 = vector.broadcast %add3A_210 : i32 to vector<16xi32>
      %add3A_212 = arith.addi %mul3A_206, %add3A_211 : vector<16xi32>
      %gather3A_213 = tpu.vector_load_idx %arg12[%add3A_212] : memref<18816xf32, #tpu.memory_space<vmem>>[vector<16xi32>], vector<16xf32>,
      %add3A_214 = arith.constant 2 : i32
      %add3A_215 = vector.broadcast %add3A_214 : i32 to vector<16xi32>
      %add3A_216 = arith.addi %mul3A_206, %add3A_215 : vector<16xi32>
      %gather3A_217 = tpu.vector_load_idx %arg12[%add3A_216] : memref<18816xf32, #tpu.memory_space<vmem>>[vector<16xi32>], vector<16xf32>,
      %add3A_218 = arith.constant 3 : i32
      %add3A_219 = vector.broadcast %add3A_218 : i32 to vector<16xi32>
      %add3A_220 = arith.addi %mul3A_206, %add3A_219 : vector<16xi32>
      %gather3A_221 = tpu.vector_load_idx %arg12[%add3A_220] : memref<18816xf32, #tpu.memory_space<vmem>>[vector<16xi32>], vector<16xf32>,
      %add3A_222 = arith.constant 4 : i32
      %add3A_223 = vector.broadcast %add3A_222 : i32 to vector<16xi32>
      %add3A_224 = arith.addi %mul3A_206, %add3A_223 : vector<16xi32>
      %gather3A_225 = tpu.vector_load_idx %arg12[%add3A_224] : memref<18816xf32, #tpu.memory_space<vmem>>[vector<16xi32>], vector<16xf32>,
      %add3A_226 = arith.constant 5 : i32
      %add3A_227 = vector.broadcast %add3A_226 : i32 to vector<16xi32>
      %add3A_228 = arith.addi %mul3A_206, %add3A_227 : vector<16xi32>
      %gather3A_229 = tpu.vector_load_idx %arg12[%add3A_228] : memref<18816xf32, #tpu.memory_space<vmem>>[vector<16xi32>], vector<16xf32>,
      %add3A_230 = arith.constant 6 : i32
      %add3A_231 = vector.broadcast %add3A_230 : i32 to vector<16xi32>
      %add3A_232 = arith.addi %mul3A_206, %add3A_231 : vector<16xi32>
      %gather3A_233 = tpu.vector_load_idx %arg12[%add3A_232] : memref<18816xf32, #tpu.memory_space<vmem>>[vector<16xi32>], vector<16xf32>,
      %add3A_234 = arith.constant 7 : i32
      %add3A_235 = vector.broadcast %add3A_234 : i32 to vector<16xi32>
      %add3A_236 = arith.addi %mul3A_206, %add3A_235 : vector<16xi32>
      %gather3A_237 = tpu.vector_load_idx %arg12[%add3A_236] : memref<18816xf32, #tpu.memory_space<vmem>>[vector<16xi32>], vector<16xf32>,
      %add3A_238 = arith.constant 8 : i32
      %add3A_239 = vector.broadcast %add3A_238 : i32 to vector<16xi32>
      %add3A_240 = arith.addi %mul3A_206, %add3A_239 : vector<16xi32>
      %gather3A_241 = tpu.vector_load_idx %arg12[%add3A_240] : memref<18816xf32, #tpu.memory_space<vmem>>[vector<16xi32>], vector<16xf32>,
      %add3A_242 = arith.constant 9 : i32
      %add3A_243 = vector.broadcast %add3A_242 : i32 to vector<16xi32>
      %add3A_244 = arith.addi %mul3A_206, %add3A_243 : vector<16xi32>
      %gather3A_245 = tpu.vector_load_idx %arg12[%add3A_244] : memref<18816xf32, #tpu.memory_space<vmem>>[vector<16xi32>], vector<16xf32>,
      %add3A_246 = arith.constant 10 : i32
      %add3A_247 = vector.broadcast %add3A_246 : i32 to vector<16xi32>
      %add3A_248 = arith.addi %mul3A_206, %add3A_247 : vector<16xi32>
      %gather3A_249 = tpu.vector_load_idx %arg12[%add3A_248] : memref<18816xf32, #tpu.memory_space<vmem>>[vector<16xi32>], vector<16xf32>,
      %add3A_250 = arith.constant 11 : i32
      %add3A_251 = vector.broadcast %add3A_250 : i32 to vector<16xi32>
      %add3A_252 = arith.addi %mul3A_206, %add3A_251 : vector<16xi32>
      %gather3A_253 = tpu.vector_load_idx %arg12[%add3A_252] : memref<18816xf32, #tpu.memory_space<vmem>>[vector<16xi32>], vector<16xf32>,
      %add3A_254 = arith.constant 12 : i32
      %add3A_255 = vector.broadcast %add3A_254 : i32 to vector<16xi32>
      %add3A_256 = arith.addi %mul3A_206, %add3A_255 : vector<16xi32>
      %gather3A_257 = tpu.vector_load_idx %arg12[%add3A_256] : memref<18816xf32, #tpu.memory_space<vmem>>[vector<16xi32>], vector<16xf32>,
      %add3A_258 = arith.constant 13 : i32
      %add3A_259 = vector.broadcast %add3A_258 : i32 to vector<16xi32>
      %add3A_260 = arith.addi %mul3A_206, %add3A_259 : vector<16xi32>
      %gather3A_261 = tpu.vector_load_idx %arg12[%add3A_260] : memref<18816xf32, #tpu.memory_space<vmem>>[vector<16xi32>], vector<16xf32>,
      %add3A_262 = arith.constant 14 : i32
      %add3A_263 = vector.broadcast %add3A_262 : i32 to vector<16xi32>
      %add3A_264 = arith.addi %mul3A_206, %add3A_263 : vector<16xi32>
      %gather3A_265 = tpu.vector_load_idx %arg12[%add3A_264] : memref<18816xf32, #tpu.memory_space<vmem>>[vector<16xi32>], vector<16xf32>,
      %add3A_266 = arith.constant 15 : i32
      %add3A_267 = vector.broadcast %add3A_266 : i32 to vector<16xi32>
      %add3A_268 = arith.addi %mul3A_206, %add3A_267 : vector<16xi32>
      %gather3A_269 = tpu.vector_load_idx %arg12[%add3A_268] : memref<18816xf32, #tpu.memory_space<vmem>>[vector<16xi32>], vector<16xf32>,
      %add3A_270 = arith.constant 16 : i32
      %add3A_271 = vector.broadcast %add3A_270 : i32 to vector<16xi32>
      %add3A_272 = arith.addi %mul3A_206, %add3A_271 : vector<16xi32>
      %gather3A_273 = tpu.vector_load_idx %arg12[%add3A_272] : memref<18816xf32, #tpu.memory_space<vmem>>[vector<16xi32>], vector<16xf32>,
      %add3A_274 = arith.constant 17 : i32
      %add3A_275 = vector.broadcast %add3A_274 : i32 to vector<16xi32>
      %add3A_276 = arith.addi %mul3A_206, %add3A_275 : vector<16xi32>
      %gather3A_277 = tpu.vector_load_idx %arg12[%add3A_276] : memref<18816xf32, #tpu.memory_space<vmem>>[vector<16xi32>], vector<16xf32>,
      %add3A_278 = arith.constant 18 : i32
      %add3A_279 = vector.broadcast %add3A_278 : i32 to vector<16xi32>
      %add3A_280 = arith.addi %mul3A_206, %add3A_279 : vector<16xi32>
      %gather3A_281 = tpu.vector_load_idx %arg12[%add3A_280] : memref<18816xf32, #tpu.memory_space<vmem>>[vector<16xi32>], vector<16xf32>,
      %add3A_282 = arith.constant 19 : i32
      %add3A_283 = vector.broadcast %add3A_282 : i32 to vector<16xi32>
      %add3A_284 = arith.addi %mul3A_206, %add3A_283 : vector<16xi32>
      %gather3A_285 = tpu.vector_load_idx %arg12[%add3A_284] : memref<18816xf32, #tpu.memory_space<vmem>>[vector<16xi32>], vector<16xf32>,
      %add3A_286 = arith.constant 20 : i32
      %add3A_287 = vector.broadcast %add3A_286 : i32 to vector<16xi32>
      %add3A_288 = arith.addi %mul3A_206, %add3A_287 : vector<16xi32>
      %gather3A_289 = tpu.vector_load_idx %arg12[%add3A_288] : memref<18816xf32, #tpu.memory_space<vmem>>[vector<16xi32>], vector<16xf32>,
      %add3A_290 = arith.constant 21 : i32
      %add3A_291 = vector.broadcast %add3A_290 : i32 to vector<16xi32>
      %add3A_292 = arith.addi %mul3A_206, %add3A_291 : vector<16xi32>
      %gather3A_293 = tpu.vector_load_idx %arg12[%add3A_292] : memref<18816xf32, #tpu.memory_space<vmem>>[vector<16xi32>], vector<16xf32>,
      %add3A_294 = arith.constant 22 : i32
      %add3A_295 = vector.broadcast %add3A_294 : i32 to vector<16xi32>
      %add3A_296 = arith.addi %mul3A_206, %add3A_295 : vector<16xi32>
      %gather3A_297 = tpu.vector_load_idx %arg12[%add3A_296] : memref<18816xf32, #tpu.memory_space<vmem>>[vector<16xi32>], vector<16xf32>,
      %add3A_298 = arith.constant 23 : i32
      %add3A_299 = vector.broadcast %add3A_298 : i32 to vector<16xi32>
      %add3A_300 = arith.addi %mul3A_206, %add3A_299 : vector<16xi32>
      %gather3A_301 = tpu.vector_load_idx %arg12[%add3A_300] : memref<18816xf32, #tpu.memory_space<vmem>>[vector<16xi32>], vector<16xf32>,
      %broadcast_in_dim3A = arith.constant 0.000000e+00 : f32
      %broadcast_in_dim3A_302 = vector.broadcast %broadcast_in_dim3A : f32 to vector<16xf32>
      %broadcast_in_dim3A_303 = arith.constant 0.000000e+00 : f32
      %broadcast_in_dim3A_304 = vector.broadcast %broadcast_in_dim3A_303 : f32 to vector<16xf32>
      %broadcast_in_dim3A_305 = arith.constant 0.000000e+00 : f32
      %broadcast_in_dim3A_306 = vector.broadcast %broadcast_in_dim3A_305 : f32 to vector<16xf32>
      %broadcast_in_dim3A_307 = arith.constant 0.000000e+00 : f32
      %broadcast_in_dim3A_308 = vector.broadcast %broadcast_in_dim3A_307 : f32 to vector<16xf32>
      %broadcast_in_dim3A_309 = arith.constant 0.000000e+00 : f32
      %broadcast_in_dim3A_310 = vector.broadcast %broadcast_in_dim3A_309 : f32 to vector<16xf32>
      %broadcast_in_dim3A_311 = arith.constant 0.000000e+00 : f32
      %broadcast_in_dim3A_312 = vector.broadcast %broadcast_in_dim3A_311 : f32 to vector<16xf32>
      %broadcast_in_dim3A_313 = arith.constant 0.000000e+00 : f32
      %broadcast_in_dim3A_314 = vector.broadcast %broadcast_in_dim3A_313 : f32 to vector<16xf32>
      %broadcast_in_dim3A_315 = arith.constant 0.000000e+00 : f32
      %broadcast_in_dim3A_316 = vector.broadcast %broadcast_in_dim3A_315 : f32 to vector<16xf32>
      %broadcast_in_dim3A_317 = arith.constant 0.000000e+00 : f32
      %broadcast_in_dim3A_318 = vector.broadcast %broadcast_in_dim3A_317 : f32 to vector<16xf32>
      %broadcast_in_dim3A_319 = arith.constant 0.000000e+00 : f32
      %broadcast_in_dim3A_320 = vector.broadcast %broadcast_in_dim3A_319 : f32 to vector<16xf32>
      %broadcast_in_dim3A_321 = arith.constant 0.000000e+00 : f32
      %broadcast_in_dim3A_322 = vector.broadcast %broadcast_in_dim3A_321 : f32 to vector<16xf32>
      %broadcast_in_dim3A_323 = arith.constant 0.000000e+00 : f32
      %broadcast_in_dim3A_324 = vector.broadcast %broadcast_in_dim3A_323 : f32 to vector<16xf32>
      %mul3A_325 = vector.broadcast %squeeze3A : f32 to vector<16xf32>
      %mul3A_326 = arith.mulf %mul3A_325, %gather3A : vector<16xf32>
      %add3A_327 = arith.addf %broadcast_in_dim3A_302, %mul3A_326 : vector<16xf32>
      %mul3A_328 = vector.broadcast %squeeze3A : f32 to vector<16xf32>
      %mul3A_329 = arith.mulf %mul3A_328, %gather3A_213 : vector<16xf32>
      %add3A_330 = arith.addf %broadcast_in_dim3A_304, %mul3A_329 : vector<16xf32>
      %mul3A_331 = vector.broadcast %squeeze3A : f32 to vector<16xf32>
      %mul3A_332 = arith.mulf %mul3A_331, %gather3A_217 : vector<16xf32>
      %add3A_333 = arith.addf %broadcast_in_dim3A_306, %mul3A_332 : vector<16xf32>
      %mul3A_334 = vector.broadcast %squeeze3A_7 : f32 to vector<16xf32>
      %mul3A_335 = arith.mulf %mul3A_334, %gather3A_221 : vector<16xf32>
      %add3A_336 = arith.addf %add3A_327, %mul3A_335 : vector<16xf32>
      %mul3A_337 = vector.broadcast %squeeze3A_7 : f32 to vector<16xf32>
      %mul3A_338 = arith.mulf %mul3A_337, %gather3A_225 : vector<16xf32>
      %add3A_339 = arith.addf %add3A_330, %mul3A_338 : vector<16xf32>
      %mul3A_340 = vector.broadcast %squeeze3A_7 : f32 to vector<16xf32>
      %mul3A_341 = arith.mulf %mul3A_340, %gather3A_229 : vector<16xf32>
      %add3A_342 = arith.addf %add3A_333, %mul3A_341 : vector<16xf32>
      %mul3A_343 = vector.broadcast %squeeze3A_9 : f32 to vector<16xf32>
      %mul3A_344 = arith.mulf %mul3A_343, %gather3A_233 : vector<16xf32>
      %add3A_345 = arith.addf %add3A_336, %mul3A_344 : vector<16xf32>
      %mul3A_346 = vector.broadcast %squeeze3A_9 : f32 to vector<16xf32>
      %mul3A_347 = arith.mulf %mul3A_346, %gather3A_237 : vector<16xf32>
      %add3A_348 = arith.addf %add3A_339, %mul3A_347 : vector<16xf32>
      %mul3A_349 = vector.broadcast %squeeze3A_9 : f32 to vector<16xf32>
      %mul3A_350 = arith.mulf %mul3A_349, %gather3A_241 : vector<16xf32>
      %add3A_351 = arith.addf %add3A_342, %mul3A_350 : vector<16xf32>
      %mul3A_352 = vector.broadcast %squeeze3A_11 : f32 to vector<16xf32>
      %mul3A_353 = arith.mulf %mul3A_352, %gather3A_245 : vector<16xf32>
      %add3A_354 = arith.addf %add3A_345, %mul3A_353 : vector<16xf32>
      %mul3A_355 = vector.broadcast %squeeze3A_11 : f32 to vector<16xf32>
      %mul3A_356 = arith.mulf %mul3A_355, %gather3A_249 : vector<16xf32>
      %add3A_357 = arith.addf %add3A_348, %mul3A_356 : vector<16xf32>
      %mul3A_358 = vector.broadcast %squeeze3A_11 : f32 to vector<16xf32>
      %mul3A_359 = arith.mulf %mul3A_358, %gather3A_253 : vector<16xf32>
      %add3A_360 = arith.addf %add3A_351, %mul3A_359 : vector<16xf32>
      %mul3A_361 = vector.broadcast %squeeze3A_13 : f32 to vector<16xf32>
      %mul3A_362 = arith.mulf %mul3A_361, %gather3A_257 : vector<16xf32>
      %add3A_363 = arith.addf %add3A_354, %mul3A_362 : vector<16xf32>
      %mul3A_364 = vector.broadcast %squeeze3A_13 : f32 to vector<16xf32>
      %mul3A_365 = arith.mulf %mul3A_364, %gather3A_261 : vector<16xf32>
      %add3A_366 = arith.addf %add3A_357, %mul3A_365 : vector<16xf32>
      %mul3A_367 = vector.broadcast %squeeze3A_13 : f32 to vector<16xf32>
      %mul3A_368 = arith.mulf %mul3A_367, %gather3A_265 : vector<16xf32>
      %add3A_369 = arith.addf %add3A_360, %mul3A_368 : vector<16xf32>
      %mul3A_370 = vector.broadcast %squeeze3A_15 : f32 to vector<16xf32>
      %mul3A_371 = arith.mulf %mul3A_370, %gather3A_269 : vector<16xf32>
      %add3A_372 = arith.addf %add3A_363, %mul3A_371 : vector<16xf32>
      %mul3A_373 = vector.broadcast %squeeze3A_15 : f32 to vector<16xf32>
      %mul3A_374 = arith.mulf %mul3A_373, %gather3A_273 : vector<16xf32>
      %add3A_375 = arith.addf %add3A_366, %mul3A_374 : vector<16xf32>
      %mul3A_376 = vector.broadcast %squeeze3A_15 : f32 to vector<16xf32>
      %mul3A_377 = arith.mulf %mul3A_376, %gather3A_277 : vector<16xf32>
      %add3A_378 = arith.addf %add3A_369, %mul3A_377 : vector<16xf32>
      %mul3A_379 = vector.broadcast %squeeze3A_17 : f32 to vector<16xf32>
      %mul3A_380 = arith.mulf %mul3A_379, %gather3A_281 : vector<16xf32>
      %add3A_381 = arith.addf %add3A_372, %mul3A_380 : vector<16xf32>
      %mul3A_382 = vector.broadcast %squeeze3A_17 : f32 to vector<16xf32>
      %mul3A_383 = arith.mulf %mul3A_382, %gather3A_285 : vector<16xf32>
      %add3A_384 = arith.addf %add3A_375, %mul3A_383 : vector<16xf32>
      %mul3A_385 = vector.broadcast %squeeze3A_17 : f32 to vector<16xf32>
      %mul3A_386 = arith.mulf %mul3A_385, %gather3A_289 : vector<16xf32>
      %add3A_387 = arith.addf %add3A_378, %mul3A_386 : vector<16xf32>
      %mul3A_388 = vector.broadcast %squeeze3A_19 : f32 to vector<16xf32>
      %mul3A_389 = arith.mulf %mul3A_388, %gather3A_293 : vector<16xf32>
      %add3A_390 = arith.addf %add3A_381, %mul3A_389 : vector<16xf32>
      %mul3A_391 = vector.broadcast %squeeze3A_19 : f32 to vector<16xf32>
      %mul3A_392 = arith.mulf %mul3A_391, %gather3A_297 : vector<16xf32>
      %add3A_393 = arith.addf %add3A_384, %mul3A_392 : vector<16xf32>
      %mul3A_394 = vector.broadcast %squeeze3A_19 : f32 to vector<16xf32>
      %mul3A_395 = arith.mulf %mul3A_394, %gather3A_301 : vector<16xf32>
      %add3A_396 = arith.addf %add3A_387, %mul3A_395 : vector<16xf32>
      %mul3A_397 = vector.broadcast %squeeze3A_21 : f32 to vector<16xf32>
      %mul3A_398 = arith.mulf %mul3A_397, %gather3A : vector<16xf32>
      %add3A_399 = arith.addf %broadcast_in_dim3A_308, %mul3A_398 : vector<16xf32>
      %mul3A_400 = vector.broadcast %squeeze3A_21 : f32 to vector<16xf32>
      %mul3A_401 = arith.mulf %mul3A_400, %gather3A_213 : vector<16xf32>
      %add3A_402 = arith.addf %broadcast_in_dim3A_310, %mul3A_401 : vector<16xf32>
      %mul3A_403 = vector.broadcast %squeeze3A_21 : f32 to vector<16xf32>
      %mul3A_404 = arith.mulf %mul3A_403, %gather3A_217 : vector<16xf32>
      %add3A_405 = arith.addf %broadcast_in_dim3A_312, %mul3A_404 : vector<16xf32>
      %mul3A_406 = vector.broadcast %squeeze3A_23 : f32 to vector<16xf32>
      %mul3A_407 = arith.mulf %mul3A_406, %gather3A_221 : vector<16xf32>
      %add3A_408 = arith.addf %add3A_399, %mul3A_407 : vector<16xf32>
      %mul3A_409 = vector.broadcast %squeeze3A_23 : f32 to vector<16xf32>
      %mul3A_410 = arith.mulf %mul3A_409, %gather3A_225 : vector<16xf32>
      %add3A_411 = arith.addf %add3A_402, %mul3A_410 : vector<16xf32>
      %mul3A_412 = vector.broadcast %squeeze3A_23 : f32 to vector<16xf32>
      %mul3A_413 = arith.mulf %mul3A_412, %gather3A_229 : vector<16xf32>
      %add3A_414 = arith.addf %add3A_405, %mul3A_413 : vector<16xf32>
      %mul3A_415 = vector.broadcast %squeeze3A_25 : f32 to vector<16xf32>
      %mul3A_416 = arith.mulf %mul3A_415, %gather3A_233 : vector<16xf32>
      %add3A_417 = arith.addf %add3A_408, %mul3A_416 : vector<16xf32>
      %mul3A_418 = vector.broadcast %squeeze3A_25 : f32 to vector<16xf32>
      %mul3A_419 = arith.mulf %mul3A_418, %gather3A_237 : vector<16xf32>
      %add3A_420 = arith.addf %add3A_411, %mul3A_419 : vector<16xf32>
      %mul3A_421 = vector.broadcast %squeeze3A_25 : f32 to vector<16xf32>
      %mul3A_422 = arith.mulf %mul3A_421, %gather3A_241 : vector<16xf32>
      %add3A_423 = arith.addf %add3A_414, %mul3A_422 : vector<16xf32>
      %mul3A_424 = vector.broadcast %squeeze3A_27 : f32 to vector<16xf32>
      %mul3A_425 = arith.mulf %mul3A_424, %gather3A_245 : vector<16xf32>
      %add3A_426 = arith.addf %add3A_417, %mul3A_425 : vector<16xf32>
      %mul3A_427 = vector.broadcast %squeeze3A_27 : f32 to vector<16xf32>
      %mul3A_428 = arith.mulf %mul3A_427, %gather3A_249 : vector<16xf32>
      %add3A_429 = arith.addf %add3A_420, %mul3A_428 : vector<16xf32>
      %mul3A_430 = vector.broadcast %squeeze3A_27 : f32 to vector<16xf32>
      %mul3A_431 = arith.mulf %mul3A_430, %gather3A_253 : vector<16xf32>
      %add3A_432 = arith.addf %add3A_423, %mul3A_431 : vector<16xf32>
      %mul3A_433 = vector.broadcast %squeeze3A_29 : f32 to vector<16xf32>
      %mul3A_434 = arith.mulf %mul3A_433, %gather3A_257 : vector<16xf32>
      %add3A_435 = arith.addf %add3A_426, %mul3A_434 : vector<16xf32>
      %mul3A_436 = vector.broadcast %squeeze3A_29 : f32 to vector<16xf32>
      %mul3A_437 = arith.mulf %mul3A_436, %gather3A_261 : vector<16xf32>
      %add3A_438 = arith.addf %add3A_429, %mul3A_437 : vector<16xf32>
      %mul3A_439 = vector.broadcast %squeeze3A_29 : f32 to vector<16xf32>
      %mul3A_440 = arith.mulf %mul3A_439, %gather3A_265 : vector<16xf32>
      %add3A_441 = arith.addf %add3A_432, %mul3A_440 : vector<16xf32>
      %mul3A_442 = vector.broadcast %squeeze3A_31 : f32 to vector<16xf32>
      %mul3A_443 = arith.mulf %mul3A_442, %gather3A_269 : vector<16xf32>
      %add3A_444 = arith.addf %add3A_435, %mul3A_443 : vector<16xf32>
      %mul3A_445 = vector.broadcast %squeeze3A_31 : f32 to vector<16xf32>
      %mul3A_446 = arith.mulf %mul3A_445, %gather3A_273 : vector<16xf32>
      %add3A_447 = arith.addf %add3A_438, %mul3A_446 : vector<16xf32>
      %mul3A_448 = vector.broadcast %squeeze3A_31 : f32 to vector<16xf32>
      %mul3A_449 = arith.mulf %mul3A_448, %gather3A_277 : vector<16xf32>
      %add3A_450 = arith.addf %add3A_441, %mul3A_449 : vector<16xf32>
      %mul3A_451 = vector.broadcast %squeeze3A_33 : f32 to vector<16xf32>
      %mul3A_452 = arith.mulf %mul3A_451, %gather3A_281 : vector<16xf32>
      %add3A_453 = arith.addf %add3A_444, %mul3A_452 : vector<16xf32>
      %mul3A_454 = vector.broadcast %squeeze3A_33 : f32 to vector<16xf32>
      %mul3A_455 = arith.mulf %mul3A_454, %gather3A_285 : vector<16xf32>
      %add3A_456 = arith.addf %add3A_447, %mul3A_455 : vector<16xf32>
      %mul3A_457 = vector.broadcast %squeeze3A_33 : f32 to vector<16xf32>
      %mul3A_458 = arith.mulf %mul3A_457, %gather3A_289 : vector<16xf32>
      %add3A_459 = arith.addf %add3A_450, %mul3A_458 : vector<16xf32>
      %mul3A_460 = vector.broadcast %squeeze3A_35 : f32 to vector<16xf32>
      %mul3A_461 = arith.mulf %mul3A_460, %gather3A_293 : vector<16xf32>
      %add3A_462 = arith.addf %add3A_453, %mul3A_461 : vector<16xf32>
      %mul3A_463 = vector.broadcast %squeeze3A_35 : f32 to vector<16xf32>
      %mul3A_464 = arith.mulf %mul3A_463, %gather3A_297 : vector<16xf32>
      %add3A_465 = arith.addf %add3A_456, %mul3A_464 : vector<16xf32>
      %mul3A_466 = vector.broadcast %squeeze3A_35 : f32 to vector<16xf32>
      %mul3A_467 = arith.mulf %mul3A_466, %gather3A_301 : vector<16xf32>
      %add3A_468 = arith.addf %add3A_459, %mul3A_467 : vector<16xf32>
      %mul3A_469 = vector.broadcast %squeeze3A_37 : f32 to vector<16xf32>
      %mul3A_470 = arith.mulf %mul3A_469, %gather3A : vector<16xf32>
      %add3A_471 = arith.addf %broadcast_in_dim3A_314, %mul3A_470 : vector<16xf32>
      %mul3A_472 = vector.broadcast %squeeze3A_37 : f32 to vector<16xf32>
      %mul3A_473 = arith.mulf %mul3A_472, %gather3A_213 : vector<16xf32>
      %add3A_474 = arith.addf %broadcast_in_dim3A_316, %mul3A_473 : vector<16xf32>
      %mul3A_475 = vector.broadcast %squeeze3A_37 : f32 to vector<16xf32>
      %mul3A_476 = arith.mulf %mul3A_475, %gather3A_217 : vector<16xf32>
      %add3A_477 = arith.addf %broadcast_in_dim3A_318, %mul3A_476 : vector<16xf32>
      %mul3A_478 = vector.broadcast %squeeze3A_39 : f32 to vector<16xf32>
      %mul3A_479 = arith.mulf %mul3A_478, %gather3A_221 : vector<16xf32>
      %add3A_480 = arith.addf %add3A_471, %mul3A_479 : vector<16xf32>
      %mul3A_481 = vector.broadcast %squeeze3A_39 : f32 to vector<16xf32>
      %mul3A_482 = arith.mulf %mul3A_481, %gather3A_225 : vector<16xf32>
      %add3A_483 = arith.addf %add3A_474, %mul3A_482 : vector<16xf32>
      %mul3A_484 = vector.broadcast %squeeze3A_39 : f32 to vector<16xf32>
      %mul3A_485 = arith.mulf %mul3A_484, %gather3A_229 : vector<16xf32>
      %add3A_486 = arith.addf %add3A_477, %mul3A_485 : vector<16xf32>
      %mul3A_487 = vector.broadcast %squeeze3A_41 : f32 to vector<16xf32>
      %mul3A_488 = arith.mulf %mul3A_487, %gather3A_233 : vector<16xf32>
      %add3A_489 = arith.addf %add3A_480, %mul3A_488 : vector<16xf32>
      %mul3A_490 = vector.broadcast %squeeze3A_41 : f32 to vector<16xf32>
      %mul3A_491 = arith.mulf %mul3A_490, %gather3A_237 : vector<16xf32>
      %add3A_492 = arith.addf %add3A_483, %mul3A_491 : vector<16xf32>
      %mul3A_493 = vector.broadcast %squeeze3A_41 : f32 to vector<16xf32>
      %mul3A_494 = arith.mulf %mul3A_493, %gather3A_241 : vector<16xf32>
      %add3A_495 = arith.addf %add3A_486, %mul3A_494 : vector<16xf32>
      %mul3A_496 = vector.broadcast %squeeze3A_43 : f32 to vector<16xf32>
      %mul3A_497 = arith.mulf %mul3A_496, %gather3A_245 : vector<16xf32>
      %add3A_498 = arith.addf %add3A_489, %mul3A_497 : vector<16xf32>
      %mul3A_499 = vector.broadcast %squeeze3A_43 : f32 to vector<16xf32>
      %mul3A_500 = arith.mulf %mul3A_499, %gather3A_249 : vector<16xf32>
      %add3A_501 = arith.addf %add3A_492, %mul3A_500 : vector<16xf32>
      %mul3A_502 = vector.broadcast %squeeze3A_43 : f32 to vector<16xf32>
      %mul3A_503 = arith.mulf %mul3A_502, %gather3A_253 : vector<16xf32>
      %add3A_504 = arith.addf %add3A_495, %mul3A_503 : vector<16xf32>
      %mul3A_505 = vector.broadcast %squeeze3A_45 : f32 to vector<16xf32>
      %mul3A_506 = arith.mulf %mul3A_505, %gather3A_257 : vector<16xf32>
      %add3A_507 = arith.addf %add3A_498, %mul3A_506 : vector<16xf32>
      %mul3A_508 = vector.broadcast %squeeze3A_45 : f32 to vector<16xf32>
      %mul3A_509 = arith.mulf %mul3A_508, %gather3A_261 : vector<16xf32>
      %add3A_510 = arith.addf %add3A_501, %mul3A_509 : vector<16xf32>
      %mul3A_511 = vector.broadcast %squeeze3A_45 : f32 to vector<16xf32>
      %mul3A_512 = arith.mulf %mul3A_511, %gather3A_265 : vector<16xf32>
      %add3A_513 = arith.addf %add3A_504, %mul3A_512 : vector<16xf32>
      %mul3A_514 = vector.broadcast %squeeze3A_47 : f32 to vector<16xf32>
      %mul3A_515 = arith.mulf %mul3A_514, %gather3A_269 : vector<16xf32>
      %add3A_516 = arith.addf %add3A_507, %mul3A_515 : vector<16xf32>
      %mul3A_517 = vector.broadcast %squeeze3A_47 : f32 to vector<16xf32>
      %mul3A_518 = arith.mulf %mul3A_517, %gather3A_273 : vector<16xf32>
      %add3A_519 = arith.addf %add3A_510, %mul3A_518 : vector<16xf32>
      %mul3A_520 = vector.broadcast %squeeze3A_47 : f32 to vector<16xf32>
      %mul3A_521 = arith.mulf %mul3A_520, %gather3A_277 : vector<16xf32>
      %add3A_522 = arith.addf %add3A_513, %mul3A_521 : vector<16xf32>
      %mul3A_523 = vector.broadcast %squeeze3A_49 : f32 to vector<16xf32>
      %mul3A_524 = arith.mulf %mul3A_523, %gather3A_281 : vector<16xf32>
      %add3A_525 = arith.addf %add3A_516, %mul3A_524 : vector<16xf32>
      %mul3A_526 = vector.broadcast %squeeze3A_49 : f32 to vector<16xf32>
      %mul3A_527 = arith.mulf %mul3A_526, %gather3A_285 : vector<16xf32>
      %add3A_528 = arith.addf %add3A_519, %mul3A_527 : vector<16xf32>
      %mul3A_529 = vector.broadcast %squeeze3A_49 : f32 to vector<16xf32>
      %mul3A_530 = arith.mulf %mul3A_529, %gather3A_289 : vector<16xf32>
      %add3A_531 = arith.addf %add3A_522, %mul3A_530 : vector<16xf32>
      %mul3A_532 = vector.broadcast %squeeze3A_51 : f32 to vector<16xf32>
      %mul3A_533 = arith.mulf %mul3A_532, %gather3A_293 : vector<16xf32>
      %add3A_534 = arith.addf %add3A_525, %mul3A_533 : vector<16xf32>
      %mul3A_535 = vector.broadcast %squeeze3A_51 : f32 to vector<16xf32>
      %mul3A_536 = arith.mulf %mul3A_535, %gather3A_297 : vector<16xf32>
      %add3A_537 = arith.addf %add3A_528, %mul3A_536 : vector<16xf32>
      %mul3A_538 = vector.broadcast %squeeze3A_51 : f32 to vector<16xf32>
      %mul3A_539 = arith.mulf %mul3A_538, %gather3A_301 : vector<16xf32>
      %add3A_540 = arith.addf %add3A_531, %mul3A_539 : vector<16xf32>
      %mul3A_541 = vector.broadcast %squeeze3A_53 : f32 to vector<16xf32>
      %mul3A_542 = arith.mulf %mul3A_541, %gather3A : vector<16xf32>
      %add3A_543 = arith.addf %broadcast_in_dim3A_320, %mul3A_542 : vector<16xf32>
      %mul3A_544 = vector.broadcast %squeeze3A_53 : f32 to vector<16xf32>
      %mul3A_545 = arith.mulf %mul3A_544, %gather3A_213 : vector<16xf32>
      %add3A_546 = arith.addf %broadcast_in_dim3A_322, %mul3A_545 : vector<16xf32>
      %mul3A_547 = vector.broadcast %squeeze3A_53 : f32 to vector<16xf32>
      %mul3A_548 = arith.mulf %mul3A_547, %gather3A_217 : vector<16xf32>
      %add3A_549 = arith.addf %broadcast_in_dim3A_324, %mul3A_548 : vector<16xf32>
      %mul3A_550 = vector.broadcast %squeeze3A_55 : f32 to vector<16xf32>
      %mul3A_551 = arith.mulf %mul3A_550, %gather3A_221 : vector<16xf32>
      %add3A_552 = arith.addf %add3A_543, %mul3A_551 : vector<16xf32>
      %mul3A_553 = vector.broadcast %squeeze3A_55 : f32 to vector<16xf32>
      %mul3A_554 = arith.mulf %mul3A_553, %gather3A_225 : vector<16xf32>
      %add3A_555 = arith.addf %add3A_546, %mul3A_554 : vector<16xf32>
      %mul3A_556 = vector.broadcast %squeeze3A_55 : f32 to vector<16xf32>
      %mul3A_557 = arith.mulf %mul3A_556, %gather3A_229 : vector<16xf32>
      %add3A_558 = arith.addf %add3A_549, %mul3A_557 : vector<16xf32>
      %mul3A_559 = vector.broadcast %squeeze3A_57 : f32 to vector<16xf32>
      %mul3A_560 = arith.mulf %mul3A_559, %gather3A_233 : vector<16xf32>
      %add3A_561 = arith.addf %add3A_552, %mul3A_560 : vector<16xf32>
      %mul3A_562 = vector.broadcast %squeeze3A_57 : f32 to vector<16xf32>
      %mul3A_563 = arith.mulf %mul3A_562, %gather3A_237 : vector<16xf32>
      %add3A_564 = arith.addf %add3A_555, %mul3A_563 : vector<16xf32>
      %mul3A_565 = vector.broadcast %squeeze3A_57 : f32 to vector<16xf32>
      %mul3A_566 = arith.mulf %mul3A_565, %gather3A_241 : vector<16xf32>
      %add3A_567 = arith.addf %add3A_558, %mul3A_566 : vector<16xf32>
      %mul3A_568 = vector.broadcast %squeeze3A_59 : f32 to vector<16xf32>
      %mul3A_569 = arith.mulf %mul3A_568, %gather3A_245 : vector<16xf32>
      %add3A_570 = arith.addf %add3A_561, %mul3A_569 : vector<16xf32>
      %mul3A_571 = vector.broadcast %squeeze3A_59 : f32 to vector<16xf32>
      %mul3A_572 = arith.mulf %mul3A_571, %gather3A_249 : vector<16xf32>
      %add3A_573 = arith.addf %add3A_564, %mul3A_572 : vector<16xf32>
      %mul3A_574 = vector.broadcast %squeeze3A_59 : f32 to vector<16xf32>
      %mul3A_575 = arith.mulf %mul3A_574, %gather3A_253 : vector<16xf32>
      %add3A_576 = arith.addf %add3A_567, %mul3A_575 : vector<16xf32>
      %mul3A_577 = vector.broadcast %squeeze3A_61 : f32 to vector<16xf32>
      %mul3A_578 = arith.mulf %mul3A_577, %gather3A_257 : vector<16xf32>
      %add3A_579 = arith.addf %add3A_570, %mul3A_578 : vector<16xf32>
      %mul3A_580 = vector.broadcast %squeeze3A_61 : f32 to vector<16xf32>
      %mul3A_581 = arith.mulf %mul3A_580, %gather3A_261 : vector<16xf32>
      %add3A_582 = arith.addf %add3A_573, %mul3A_581 : vector<16xf32>
      %mul3A_583 = vector.broadcast %squeeze3A_61 : f32 to vector<16xf32>
      %mul3A_584 = arith.mulf %mul3A_583, %gather3A_265 : vector<16xf32>
      %add3A_585 = arith.addf %add3A_576, %mul3A_584 : vector<16xf32>
      %mul3A_586 = vector.broadcast %squeeze3A_63 : f32 to vector<16xf32>
      %mul3A_587 = arith.mulf %mul3A_586, %gather3A_269 : vector<16xf32>
      %add3A_588 = arith.addf %add3A_579, %mul3A_587 : vector<16xf32>
      %mul3A_589 = vector.broadcast %squeeze3A_63 : f32 to vector<16xf32>
      %mul3A_590 = arith.mulf %mul3A_589, %gather3A_273 : vector<16xf32>
      %add3A_591 = arith.addf %add3A_582, %mul3A_590 : vector<16xf32>
      %mul3A_592 = vector.broadcast %squeeze3A_63 : f32 to vector<16xf32>
      %mul3A_593 = arith.mulf %mul3A_592, %gather3A_277 : vector<16xf32>
      %add3A_594 = arith.addf %add3A_585, %mul3A_593 : vector<16xf32>
      %mul3A_595 = vector.broadcast %squeeze3A_65 : f32 to vector<16xf32>
      %mul3A_596 = arith.mulf %mul3A_595, %gather3A_281 : vector<16xf32>
      %add3A_597 = arith.addf %add3A_588, %mul3A_596 : vector<16xf32>
      %mul3A_598 = vector.broadcast %squeeze3A_65 : f32 to vector<16xf32>
      %mul3A_599 = arith.mulf %mul3A_598, %gather3A_285 : vector<16xf32>
      %add3A_600 = arith.addf %add3A_591, %mul3A_599 : vector<16xf32>
      %mul3A_601 = vector.broadcast %squeeze3A_65 : f32 to vector<16xf32>
      %mul3A_602 = arith.mulf %mul3A_601, %gather3A_289 : vector<16xf32>
      %add3A_603 = arith.addf %add3A_594, %mul3A_602 : vector<16xf32>
      %mul3A_604 = vector.broadcast %squeeze3A_67 : f32 to vector<16xf32>
      %mul3A_605 = arith.mulf %mul3A_604, %gather3A_293 : vector<16xf32>
      %add3A_606 = arith.addf %add3A_597, %mul3A_605 : vector<16xf32>
      %mul3A_607 = vector.broadcast %squeeze3A_67 : f32 to vector<16xf32>
      %mul3A_608 = arith.mulf %mul3A_607, %gather3A_297 : vector<16xf32>
      %add3A_609 = arith.addf %add3A_600, %mul3A_608 : vector<16xf32>
      %mul3A_610 = vector.broadcast %squeeze3A_67 : f32 to vector<16xf32>
      %mul3A_611 = arith.mulf %mul3A_610, %gather3A_301 : vector<16xf32>
      %add3A_612 = arith.addf %add3A_603, %mul3A_611 : vector<16xf32>
      %mul3A_613 = arith.constant 9 : i32
      %mul3A_614 = vector.broadcast %mul3A_613 : i32 to vector<16xi32>
      %mul3A_615 = arith.muli %add3A_203, %mul3A_614 : vector<16xi32>
      %add3A_616 = arith.constant 0 : i32
      %add3A_617 = vector.broadcast %add3A_616 : i32 to vector<16xi32>
      %add3A_618 = arith.addi %mul3A_615, %add3A_617 : vector<16xi32>
      %gather3A_619 = tpu.vector_load_idx %arg13[%add3A_618] : memref<7056xf32, #tpu.memory_space<vmem>>[vector<16xi32>], vector<16xf32>,
      %add3A_620 = arith.constant 1 : i32
      %add3A_621 = vector.broadcast %add3A_620 : i32 to vector<16xi32>
      %add3A_622 = arith.addi %mul3A_615, %add3A_621 : vector<16xi32>
      %gather3A_623 = tpu.vector_load_idx %arg13[%add3A_622] : memref<7056xf32, #tpu.memory_space<vmem>>[vector<16xi32>], vector<16xf32>,
      %add3A_624 = arith.constant 2 : i32
      %add3A_625 = vector.broadcast %add3A_624 : i32 to vector<16xi32>
      %add3A_626 = arith.addi %mul3A_615, %add3A_625 : vector<16xi32>
      %gather3A_627 = tpu.vector_load_idx %arg13[%add3A_626] : memref<7056xf32, #tpu.memory_space<vmem>>[vector<16xi32>], vector<16xf32>,
      %add3A_628 = arith.constant 3 : i32
      %add3A_629 = vector.broadcast %add3A_628 : i32 to vector<16xi32>
      %add3A_630 = arith.addi %mul3A_615, %add3A_629 : vector<16xi32>
      %gather3A_631 = tpu.vector_load_idx %arg13[%add3A_630] : memref<7056xf32, #tpu.memory_space<vmem>>[vector<16xi32>], vector<16xf32>,
      %add3A_632 = arith.constant 4 : i32
      %add3A_633 = vector.broadcast %add3A_632 : i32 to vector<16xi32>
      %add3A_634 = arith.addi %mul3A_615, %add3A_633 : vector<16xi32>
      %gather3A_635 = tpu.vector_load_idx %arg13[%add3A_634] : memref<7056xf32, #tpu.memory_space<vmem>>[vector<16xi32>], vector<16xf32>,
      %add3A_636 = arith.constant 5 : i32
      %add3A_637 = vector.broadcast %add3A_636 : i32 to vector<16xi32>
      %add3A_638 = arith.addi %mul3A_615, %add3A_637 : vector<16xi32>
      %gather3A_639 = tpu.vector_load_idx %arg13[%add3A_638] : memref<7056xf32, #tpu.memory_space<vmem>>[vector<16xi32>], vector<16xf32>,
      %add3A_640 = arith.constant 6 : i32
      %add3A_641 = vector.broadcast %add3A_640 : i32 to vector<16xi32>
      %add3A_642 = arith.addi %mul3A_615, %add3A_641 : vector<16xi32>
      %gather3A_643 = tpu.vector_load_idx %arg13[%add3A_642] : memref<7056xf32, #tpu.memory_space<vmem>>[vector<16xi32>], vector<16xf32>,
      %add3A_644 = arith.constant 7 : i32
      %add3A_645 = vector.broadcast %add3A_644 : i32 to vector<16xi32>
      %add3A_646 = arith.addi %mul3A_615, %add3A_645 : vector<16xi32>
      %gather3A_647 = tpu.vector_load_idx %arg13[%add3A_646] : memref<7056xf32, #tpu.memory_space<vmem>>[vector<16xi32>], vector<16xf32>,
      %add3A_648 = arith.constant 8 : i32
      %add3A_649 = vector.broadcast %add3A_648 : i32 to vector<16xi32>
      %add3A_650 = arith.addi %mul3A_615, %add3A_649 : vector<16xi32>
      %gather3A_651 = tpu.vector_load_idx %arg13[%add3A_650] : memref<7056xf32, #tpu.memory_space<vmem>>[vector<16xi32>], vector<16xf32>,
      %mul3A_652 = arith.constant 3 : i32
      %mul3A_653 = vector.broadcast %mul3A_652 : i32 to vector<16xi32>
      %mul3A_654 = arith.muli %add3A_203, %mul3A_653 : vector<16xi32>
      %add3A_655 = arith.constant 0 : i32
      %add3A_656 = vector.broadcast %add3A_655 : i32 to vector<16xi32>
      %add3A_657 = arith.addi %mul3A_654, %add3A_656 : vector<16xi32>
      %gather3A_658 = tpu.vector_load_idx %arg14[%add3A_657] : memref<2352xf32, #tpu.memory_space<vmem>>[vector<16xi32>], vector<16xf32>,
      %add3A_659 = arith.constant 1 : i32
      %add3A_660 = vector.broadcast %add3A_659 : i32 to vector<16xi32>
      %add3A_661 = arith.addi %mul3A_654, %add3A_660 : vector<16xi32>
      %gather3A_662 = tpu.vector_load_idx %arg14[%add3A_661] : memref<2352xf32, #tpu.memory_space<vmem>>[vector<16xi32>], vector<16xf32>,
      %add3A_663 = arith.constant 2 : i32
      %add3A_664 = vector.broadcast %add3A_663 : i32 to vector<16xi32>
      %add3A_665 = arith.addi %mul3A_654, %add3A_664 : vector<16xi32>
      %gather3A_666 = tpu.vector_load_idx %arg14[%add3A_665] : memref<2352xf32, #tpu.memory_space<vmem>>[vector<16xi32>], vector<16xf32>,
      %mul3A_667 = arith.constant 32 : i32
      %mul3A_668 = vector.broadcast %mul3A_667 : i32 to vector<16xi32>
      %mul3A_669 = arith.muli %add3A_203, %mul3A_668 : vector<16xi32>
      %mul3A_670 = arith.mulf %add3A_390, %gather3A_619 : vector<16xf32>
      %mul3A_671 = arith.mulf %add3A_393, %gather3A_631 : vector<16xf32>
      %add3A_672 = arith.addf %mul3A_670, %mul3A_671 : vector<16xf32>
      %mul3A_673 = arith.mulf %add3A_396, %gather3A_643 : vector<16xf32>
      %add3A_674 = arith.addf %add3A_672, %mul3A_673 : vector<16xf32>
      %add3A_675 = arith.constant 0 : i32
      %add3A_676 = vector.broadcast %add3A_675 : i32 to vector<16xi32>
      %add3A_677 = arith.addi %mul3A_669, %add3A_676 : vector<16xi32>
      tpu.vector_store_idx %arg16[%add3A_677], %add3A_674 : memref<25088xf32, #tpu.memory_space<vmem>>[vector<16xi32>], vector<16xf32>,
      %mul3A_678 = arith.mulf %add3A_390, %gather3A_623 : vector<16xf32>
      %mul3A_679 = arith.mulf %add3A_393, %gather3A_635 : vector<16xf32>
      %add3A_680 = arith.addf %mul3A_678, %mul3A_679 : vector<16xf32>
      %mul3A_681 = arith.mulf %add3A_396, %gather3A_647 : vector<16xf32>
      %add3A_682 = arith.addf %add3A_680, %mul3A_681 : vector<16xf32>
      %add3A_683 = arith.constant 1 : i32
      %add3A_684 = vector.broadcast %add3A_683 : i32 to vector<16xi32>
      %add3A_685 = arith.addi %mul3A_669, %add3A_684 : vector<16xi32>
      tpu.vector_store_idx %arg16[%add3A_685], %add3A_682 : memref<25088xf32, #tpu.memory_space<vmem>>[vector<16xi32>], vector<16xf32>,
      %mul3A_686 = arith.mulf %add3A_390, %gather3A_627 : vector<16xf32>
      %mul3A_687 = arith.mulf %add3A_393, %gather3A_639 : vector<16xf32>
      %add3A_688 = arith.addf %mul3A_686, %mul3A_687 : vector<16xf32>
      %mul3A_689 = arith.mulf %add3A_396, %gather3A_651 : vector<16xf32>
      %add3A_690 = arith.addf %add3A_688, %mul3A_689 : vector<16xf32>
      %add3A_691 = arith.constant 2 : i32
      %add3A_692 = vector.broadcast %add3A_691 : i32 to vector<16xi32>
      %add3A_693 = arith.addi %mul3A_669, %add3A_692 : vector<16xi32>
      tpu.vector_store_idx %arg16[%add3A_693], %add3A_690 : memref<25088xf32, #tpu.memory_space<vmem>>[vector<16xi32>], vector<16xf32>,
      %mul3A_694 = arith.mulf %add3A_462, %gather3A_619 : vector<16xf32>
      %mul3A_695 = arith.mulf %add3A_465, %gather3A_631 : vector<16xf32>
      %add3A_696 = arith.addf %mul3A_694, %mul3A_695 : vector<16xf32>
      %mul3A_697 = arith.mulf %add3A_468, %gather3A_643 : vector<16xf32>
      %add3A_698 = arith.addf %add3A_696, %mul3A_697 : vector<16xf32>
      %add3A_699 = arith.constant 3 : i32
      %add3A_700 = vector.broadcast %add3A_699 : i32 to vector<16xi32>
      %add3A_701 = arith.addi %mul3A_669, %add3A_700 : vector<16xi32>
      tpu.vector_store_idx %arg16[%add3A_701], %add3A_698 : memref<25088xf32, #tpu.memory_space<vmem>>[vector<16xi32>], vector<16xf32>,
      %mul3A_702 = arith.mulf %add3A_462, %gather3A_623 : vector<16xf32>
      %mul3A_703 = arith.mulf %add3A_465, %gather3A_635 : vector<16xf32>
      %add3A_704 = arith.addf %mul3A_702, %mul3A_703 : vector<16xf32>
      %mul3A_705 = arith.mulf %add3A_468, %gather3A_647 : vector<16xf32>
      %add3A_706 = arith.addf %add3A_704, %mul3A_705 : vector<16xf32>
      %add3A_707 = arith.constant 4 : i32
      %add3A_708 = vector.broadcast %add3A_707 : i32 to vector<16xi32>
      %add3A_709 = arith.addi %mul3A_669, %add3A_708 : vector<16xi32>
      tpu.vector_store_idx %arg16[%add3A_709], %add3A_706 : memref<25088xf32, #tpu.memory_space<vmem>>[vector<16xi32>], vector<16xf32>,
      %mul3A_710 = arith.mulf %add3A_462, %gather3A_627 : vector<16xf32>
      %mul3A_711 = arith.mulf %add3A_465, %gather3A_639 : vector<16xf32>
      %add3A_712 = arith.addf %mul3A_710, %mul3A_711 : vector<16xf32>
      %mul3A_713 = arith.mulf %add3A_468, %gather3A_651 : vector<16xf32>
      %add3A_714 = arith.addf %add3A_712, %mul3A_713 : vector<16xf32>
      %add3A_715 = arith.constant 5 : i32
      %add3A_716 = vector.broadcast %add3A_715 : i32 to vector<16xi32>
      %add3A_717 = arith.addi %mul3A_669, %add3A_716 : vector<16xi32>
      tpu.vector_store_idx %arg16[%add3A_717], %add3A_714 : memref<25088xf32, #tpu.memory_space<vmem>>[vector<16xi32>], vector<16xf32>,
      %mul3A_718 = arith.mulf %add3A_534, %gather3A_619 : vector<16xf32>
      %mul3A_719 = arith.mulf %add3A_537, %gather3A_631 : vector<16xf32>
      %add3A_720 = arith.addf %mul3A_718, %mul3A_719 : vector<16xf32>
      %mul3A_721 = arith.mulf %add3A_540, %gather3A_643 : vector<16xf32>
      %add3A_722 = arith.addf %add3A_720, %mul3A_721 : vector<16xf32>
      %add3A_723 = arith.constant 6 : i32
      %add3A_724 = vector.broadcast %add3A_723 : i32 to vector<16xi32>
      %add3A_725 = arith.addi %mul3A_669, %add3A_724 : vector<16xi32>
      tpu.vector_store_idx %arg16[%add3A_725], %add3A_722 : memref<25088xf32, #tpu.memory_space<vmem>>[vector<16xi32>], vector<16xf32>,
      %mul3A_726 = arith.mulf %add3A_534, %gather3A_623 : vector<16xf32>
      %mul3A_727 = arith.mulf %add3A_537, %gather3A_635 : vector<16xf32>
      %add3A_728 = arith.addf %mul3A_726, %mul3A_727 : vector<16xf32>
      %mul3A_729 = arith.mulf %add3A_540, %gather3A_647 : vector<16xf32>
      %add3A_730 = arith.addf %add3A_728, %mul3A_729 : vector<16xf32>
      %add3A_731 = arith.constant 7 : i32
      %add3A_732 = vector.broadcast %add3A_731 : i32 to vector<16xi32>
      %add3A_733 = arith.addi %mul3A_669, %add3A_732 : vector<16xi32>
      tpu.vector_store_idx %arg16[%add3A_733], %add3A_730 : memref<25088xf32, #tpu.memory_space<vmem>>[vector<16xi32>], vector<16xf32>,
      %mul3A_734 = arith.mulf %add3A_534, %gather3A_627 : vector<16xf32>
      %mul3A_735 = arith.mulf %add3A_537, %gather3A_639 : vector<16xf32>
      %add3A_736 = arith.addf %mul3A_734, %mul3A_735 : vector<16xf32>
      %mul3A_737 = arith.mulf %add3A_540, %gather3A_651 : vector<16xf32>
      %add3A_738 = arith.addf %add3A_736, %mul3A_737 : vector<16xf32>
      %add3A_739 = arith.constant 8 : i32
      %add3A_740 = vector.broadcast %add3A_739 : i32 to vector<16xi32>
      %add3A_741 = arith.addi %mul3A_669, %add3A_740 : vector<16xi32>
      tpu.vector_store_idx %arg16[%add3A_741], %add3A_738 : memref<25088xf32, #tpu.memory_space<vmem>>[vector<16xi32>], vector<16xf32>,
      %mul3A_742 = arith.mulf %add3A_606, %gather3A_619 : vector<16xf32>
      %mul3A_743 = arith.mulf %add3A_609, %gather3A_631 : vector<16xf32>
      %add3A_744 = arith.addf %mul3A_742, %mul3A_743 : vector<16xf32>
      %mul3A_745 = arith.mulf %add3A_612, %gather3A_643 : vector<16xf32>
      %add3A_746 = arith.addf %add3A_744, %mul3A_745 : vector<16xf32>
      %add3A_747 = arith.constant 9 : i32
      %add3A_748 = vector.broadcast %add3A_747 : i32 to vector<16xi32>
      %add3A_749 = arith.addi %mul3A_669, %add3A_748 : vector<16xi32>
      tpu.vector_store_idx %arg16[%add3A_749], %add3A_746 : memref<25088xf32, #tpu.memory_space<vmem>>[vector<16xi32>], vector<16xf32>,
      %mul3A_750 = arith.mulf %add3A_606, %gather3A_623 : vector<16xf32>
      %mul3A_751 = arith.mulf %add3A_609, %gather3A_635 : vector<16xf32>
      %add3A_752 = arith.addf %mul3A_750, %mul3A_751 : vector<16xf32>
      %mul3A_753 = arith.mulf %add3A_612, %gather3A_647 : vector<16xf32>
      %add3A_754 = arith.addf %add3A_752, %mul3A_753 : vector<16xf32>
      %add3A_755 = arith.constant 10 : i32
      %add3A_756 = vector.broadcast %add3A_755 : i32 to vector<16xi32>
      %add3A_757 = arith.addi %mul3A_669, %add3A_756 : vector<16xi32>
      tpu.vector_store_idx %arg16[%add3A_757], %add3A_754 : memref<25088xf32, #tpu.memory_space<vmem>>[vector<16xi32>], vector<16xf32>,
      %mul3A_758 = arith.mulf %add3A_606, %gather3A_627 : vector<16xf32>
      %mul3A_759 = arith.mulf %add3A_609, %gather3A_639 : vector<16xf32>
      %add3A_760 = arith.addf %mul3A_758, %mul3A_759 : vector<16xf32>
      %mul3A_761 = arith.mulf %add3A_612, %gather3A_651 : vector<16xf32>
      %add3A_762 = arith.addf %add3A_760, %mul3A_761 : vector<16xf32>
      %add3A_763 = arith.constant 11 : i32
      %add3A_764 = vector.broadcast %add3A_763 : i32 to vector<16xi32>
      %add3A_765 = arith.addi %mul3A_669, %add3A_764 : vector<16xi32>
      tpu.vector_store_idx %arg16[%add3A_765], %add3A_762 : memref<25088xf32, #tpu.memory_space<vmem>>[vector<16xi32>], vector<16xf32>,
      %mul3A_766 = arith.mulf %gather3A_658, %gather3A_619 : vector<16xf32>
      %mul3A_767 = arith.mulf %gather3A_662, %gather3A_631 : vector<16xf32>
      %add3A_768 = arith.addf %mul3A_766, %mul3A_767 : vector<16xf32>
      %mul3A_769 = arith.mulf %gather3A_666, %gather3A_643 : vector<16xf32>
      %add3A_770 = arith.addf %add3A_768, %mul3A_769 : vector<16xf32>
      %add3A_771 = arith.constant 12 : i32
      %add3A_772 = vector.broadcast %add3A_771 : i32 to vector<16xi32>
      %add3A_773 = arith.addi %mul3A_669, %add3A_772 : vector<16xi32>
      tpu.vector_store_idx %arg16[%add3A_773], %add3A_770 : memref<25088xf32, #tpu.memory_space<vmem>>[vector<16xi32>], vector<16xf32>,
      %mul3A_774 = arith.mulf %gather3A_658, %gather3A_623 : vector<16xf32>
      %mul3A_775 = arith.mulf %gather3A_662, %gather3A_635 : vector<16xf32>
      %add3A_776 = arith.addf %mul3A_774, %mul3A_775 : vector<16xf32>
      %mul3A_777 = arith.mulf %gather3A_666, %gather3A_647 : vector<16xf32>
      %add3A_778 = arith.addf %add3A_776, %mul3A_777 : vector<16xf32>
      %add3A_779 = arith.constant 13 : i32
      %add3A_780 = vector.broadcast %add3A_779 : i32 to vector<16xi32>
      %add3A_781 = arith.addi %mul3A_669, %add3A_780 : vector<16xi32>
      tpu.vector_store_idx %arg16[%add3A_781], %add3A_778 : memref<25088xf32, #tpu.memory_space<vmem>>[vector<16xi32>], vector<16xf32>,
      %mul3A_782 = arith.mulf %gather3A_658, %gather3A_627 : vector<16xf32>
      %mul3A_783 = arith.mulf %gather3A_662, %gather3A_639 : vector<16xf32>
      %add3A_784 = arith.addf %mul3A_782, %mul3A_783 : vector<16xf32>
      %mul3A_785 = arith.mulf %gather3A_666, %gather3A_651 : vector<16xf32>
      %add3A_786 = arith.addf %add3A_784, %mul3A_785 : vector<16xf32>
      %add3A_787 = arith.constant 14 : i32
      %add3A_788 = vector.broadcast %add3A_787 : i32 to vector<16xi32>
      %add3A_789 = arith.addi %mul3A_669, %add3A_788 : vector<16xi32>
      tpu.vector_store_idx %arg16[%add3A_789], %add3A_786 : memref<25088xf32, #tpu.memory_space<vmem>>[vector<16xi32>], vector<16xf32>,
      %add3A_790 = arith.constant 15 : i32
      %add3A_791 = vector.broadcast %add3A_790 : i32 to vector<16xi32>
      %add3A_792 = arith.addi %mul3A_669, %add3A_791 : vector<16xi32>
      tpu.vector_store_idx %arg16[%add3A_792], %gather3A_619 : memref<25088xf32, #tpu.memory_space<vmem>>[vector<16xi32>], vector<16xf32>,
      %add3A_793 = arith.constant 16 : i32
      %add3A_794 = vector.broadcast %add3A_793 : i32 to vector<16xi32>
      %add3A_795 = arith.addi %mul3A_669, %add3A_794 : vector<16xi32>
      tpu.vector_store_idx %arg16[%add3A_795], %gather3A_623 : memref<25088xf32, #tpu.memory_space<vmem>>[vector<16xi32>], vector<16xf32>,
      %add3A_796 = arith.constant 17 : i32
      %add3A_797 = vector.broadcast %add3A_796 : i32 to vector<16xi32>
      %add3A_798 = arith.addi %mul3A_669, %add3A_797 : vector<16xi32>
      tpu.vector_store_idx %arg16[%add3A_798], %gather3A_627 : memref<25088xf32, #tpu.memory_space<vmem>>[vector<16xi32>], vector<16xf32>,
      %add3A_799 = arith.constant 18 : i32
      %add3A_800 = vector.broadcast %add3A_799 : i32 to vector<16xi32>
      %add3A_801 = arith.addi %mul3A_669, %add3A_800 : vector<16xi32>
      tpu.vector_store_idx %arg16[%add3A_801], %gather3A_631 : memref<25088xf32, #tpu.memory_space<vmem>>[vector<16xi32>], vector<16xf32>,
      %add3A_802 = arith.constant 19 : i32
      %add3A_803 = vector.broadcast %add3A_802 : i32 to vector<16xi32>
      %add3A_804 = arith.addi %mul3A_669, %add3A_803 : vector<16xi32>
      tpu.vector_store_idx %arg16[%add3A_804], %gather3A_635 : memref<25088xf32, #tpu.memory_space<vmem>>[vector<16xi32>], vector<16xf32>,
      %add3A_805 = arith.constant 20 : i32
      %add3A_806 = vector.broadcast %add3A_805 : i32 to vector<16xi32>
      %add3A_807 = arith.addi %mul3A_669, %add3A_806 : vector<16xi32>
      tpu.vector_store_idx %arg16[%add3A_807], %gather3A_639 : memref<25088xf32, #tpu.memory_space<vmem>>[vector<16xi32>], vector<16xf32>,
      %add3A_808 = arith.constant 21 : i32
      %add3A_809 = vector.broadcast %add3A_808 : i32 to vector<16xi32>
      %add3A_810 = arith.addi %mul3A_669, %add3A_809 : vector<16xi32>
      tpu.vector_store_idx %arg16[%add3A_810], %gather3A_643 : memref<25088xf32, #tpu.memory_space<vmem>>[vector<16xi32>], vector<16xf32>,
      %add3A_811 = arith.constant 22 : i32
      %add3A_812 = vector.broadcast %add3A_811 : i32 to vector<16xi32>
      %add3A_813 = arith.addi %mul3A_669, %add3A_812 : vector<16xi32>
      tpu.vector_store_idx %arg16[%add3A_813], %gather3A_647 : memref<25088xf32, #tpu.memory_space<vmem>>[vector<16xi32>], vector<16xf32>,
      %add3A_814 = arith.constant 23 : i32
      %add3A_815 = vector.broadcast %add3A_814 : i32 to vector<16xi32>
      %add3A_816 = arith.addi %mul3A_669, %add3A_815 : vector<16xi32>
      tpu.vector_store_idx %arg16[%add3A_816], %gather3A_651 : memref<25088xf32, #tpu.memory_space<vmem>>[vector<16xi32>], vector<16xf32>,
      %add3A_817 = arith.constant 24 : i32
      %add3A_818 = vector.broadcast %add3A_817 : i32 to vector<16xi32>
      %add3A_819 = arith.addi %mul3A_669, %add3A_818 : vector<16xi32>
      tpu.vector_store_idx %arg16[%add3A_819], %gather3A_658 : memref<25088xf32, #tpu.memory_space<vmem>>[vector<16xi32>], vector<16xf32>,
      %add3A_820 = arith.constant 25 : i32
      %add3A_821 = vector.broadcast %add3A_820 : i32 to vector<16xi32>
      %add3A_822 = arith.addi %mul3A_669, %add3A_821 : vector<16xi32>
      tpu.vector_store_idx %arg16[%add3A_822], %gather3A_662 : memref<25088xf32, #tpu.memory_space<vmem>>[vector<16xi32>], vector<16xf32>,
      %add3A_823 = arith.constant 26 : i32
      %add3A_824 = vector.broadcast %add3A_823 : i32 to vector<16xi32>
      %add3A_825 = arith.addi %mul3A_669, %add3A_824 : vector<16xi32>
      tpu.vector_store_idx %arg16[%add3A_825], %gather3A_666 : memref<25088xf32, #tpu.memory_space<vmem>>[vector<16xi32>], vector<16xf32>,
      %broadcast_in_dim3A_826 = arith.constant 0.000000e+00 : f32
      %broadcast_in_dim3A_827 = vector.broadcast %broadcast_in_dim3A_826 : f32 to vector<16xf32>
      %add3A_828 = arith.constant 27 : i32
      %add3A_829 = vector.broadcast %add3A_828 : i32 to vector<16xi32>
      %add3A_830 = arith.addi %mul3A_669, %add3A_829 : vector<16xi32>
      tpu.vector_store_idx %arg16[%add3A_830], %broadcast_in_dim3A_827 : memref<25088xf32, #tpu.memory_space<vmem>>[vector<16xi32>], vector<16xf32>,
      %add3A_831 = arith.constant 28 : i32
      %add3A_832 = vector.broadcast %add3A_831 : i32 to vector<16xi32>
      %add3A_833 = arith.addi %mul3A_669, %add3A_832 : vector<16xi32>
      tpu.vector_store_idx %arg16[%add3A_833], %broadcast_in_dim3A_827 : memref<25088xf32, #tpu.memory_space<vmem>>[vector<16xi32>], vector<16xf32>,
      %add3A_834 = arith.constant 29 : i32
      %add3A_835 = vector.broadcast %add3A_834 : i32 to vector<16xi32>
      %add3A_836 = arith.addi %mul3A_669, %add3A_835 : vector<16xi32>
      tpu.vector_store_idx %arg16[%add3A_836], %broadcast_in_dim3A_827 : memref<25088xf32, #tpu.memory_space<vmem>>[vector<16xi32>], vector<16xf32>,
      %add3A_837 = arith.constant 30 : i32
      %add3A_838 = vector.broadcast %add3A_837 : i32 to vector<16xi32>
      %add3A_839 = arith.addi %mul3A_669, %add3A_838 : vector<16xi32>
      tpu.vector_store_idx %arg16[%add3A_839], %broadcast_in_dim3A_827 : memref<25088xf32, #tpu.memory_space<vmem>>[vector<16xi32>], vector<16xf32>,
      %add3A_840 = arith.constant 31 : i32
      %add3A_841 = vector.broadcast %add3A_840 : i32 to vector<16xi32>
      %add3A_842 = arith.addi %mul3A_669, %add3A_841 : vector<16xi32>
      tpu.vector_store_idx %arg16[%add3A_842], %broadcast_in_dim3A_827 : memref<25088xf32, #tpu.memory_space<vmem>>[vector<16xi32>], vector<16xf32>,
    }
    %scan3A_80 = arith.constant 49 : i32
    %mul3A_81 = arith.constant 32 : i32
    %mul3A_82 = arith.muli %add3A_69, %mul3A_81 : i32
    "tpu.region"() ({
      %run_scoped3A = tpu.sem_alloc : memref<!tpu.dma_semaphore, #tpu.memory_space<semaphore_mem>>
      %dma_start3A = tpu.memref_slice %arg10[%mul3A_82] : memref<1605632xf32, #tpu.memory_space<hbm>> -> memref<25088xf32, #tpu.memory_space<hbm>>
      %dma_start3A_199 = tpu.memref_slice %arg10[%mul3A_82] : memref<1605632xf32, #tpu.memory_space<hbm>> -> memref<25088xf32, #tpu.memory_space<hbm>>
      tpu.enqueue_dma source(%arg16 : memref<25088xf32, #tpu.memory_space<vmem>>) target(%dma_start3A_199 : memref<25088xf32, #tpu.memory_space<hbm>>) target_semaphore(%run_scoped3A : memref<!tpu.dma_semaphore, #tpu.memory_space<semaphore_mem>>)
      %dma_wait3A = tpu.memref_slice %arg10[%mul3A_82] : memref<1605632xf32, #tpu.memory_space<hbm>> -> memref<25088xf32, #tpu.memory_space<hbm>>
      %dma_wait3A_200 = tpu.memref_slice %arg10[%mul3A_82] : memref<1605632xf32, #tpu.memory_space<hbm>> -> memref<25088xf32, #tpu.memory_space<hbm>>
      tpu.wait_dma2 semaphore(%run_scoped3A : memref<!tpu.dma_semaphore, #tpu.memory_space<semaphore_mem>>) src(%arg16 : memref<25088xf32, #tpu.memory_space<vmem>>) dst(%dma_wait3A_200 : memref<25088xf32, #tpu.memory_space<hbm>>)
      tpu.yield
    }) : () -> ()
    %add3A_83 = arith.constant 784 : i32
    %add3A_84 = arith.addi %mul3A_2, %add3A_83 : i32
    %mul3A_85 = arith.constant 24 : i32
    %mul3A_86 = arith.muli %add3A_84, %mul3A_85 : i32
    "tpu.region"() ({
      %run_scoped3A = tpu.sem_alloc : memref<!tpu.dma_semaphore, #tpu.memory_space<semaphore_mem>>
      %dma_start3A = tpu.memref_slice %arg2[%mul3A_86] : memref<1204224xf32, #tpu.memory_space<hbm>> -> memref<18816xf32, #tpu.memory_space<hbm>>
      %dma_start3A_199 = tpu.memref_slice %arg2[%mul3A_86] : memref<1204224xf32, #tpu.memory_space<hbm>> -> memref<18816xf32, #tpu.memory_space<hbm>>
      tpu.enqueue_dma source(%dma_start3A_199 : memref<18816xf32, #tpu.memory_space<hbm>>) target(%arg12 : memref<18816xf32, #tpu.memory_space<vmem>>) target_semaphore(%run_scoped3A : memref<!tpu.dma_semaphore, #tpu.memory_space<semaphore_mem>>)
      %dma_wait3A = tpu.memref_slice %arg2[%mul3A_86] : memref<1204224xf32, #tpu.memory_space<hbm>> -> memref<18816xf32, #tpu.memory_space<hbm>>
      %dma_wait3A_200 = tpu.memref_slice %arg2[%mul3A_86] : memref<1204224xf32, #tpu.memory_space<hbm>> -> memref<18816xf32, #tpu.memory_space<hbm>>
      tpu.wait_dma2 semaphore(%run_scoped3A : memref<!tpu.dma_semaphore, #tpu.memory_space<semaphore_mem>>) src(%dma_wait3A_200 : memref<18816xf32, #tpu.memory_space<hbm>>) dst(%arg12 : memref<18816xf32, #tpu.memory_space<vmem>>)
      tpu.yield
    }) : () -> ()
    %mul3A_87 = arith.constant 9 : i32
    %mul3A_88 = arith.muli %add3A_84, %mul3A_87 : i32
    "tpu.region"() ({
      %run_scoped3A = tpu.sem_alloc : memref<!tpu.dma_semaphore, #tpu.memory_space<semaphore_mem>>
      %dma_start3A = tpu.memref_slice %arg3[%mul3A_88] : memref<451584xf32, #tpu.memory_space<hbm>> -> memref<7056xf32, #tpu.memory_space<hbm>>
      %dma_start3A_199 = tpu.memref_slice %arg3[%mul3A_88] : memref<451584xf32, #tpu.memory_space<hbm>> -> memref<7056xf32, #tpu.memory_space<hbm>>
      tpu.enqueue_dma source(%dma_start3A_199 : memref<7056xf32, #tpu.memory_space<hbm>>) target(%arg13 : memref<7056xf32, #tpu.memory_space<vmem>>) target_semaphore(%run_scoped3A : memref<!tpu.dma_semaphore, #tpu.memory_space<semaphore_mem>>)
      %dma_wait3A = tpu.memref_slice %arg3[%mul3A_88] : memref<451584xf32, #tpu.memory_space<hbm>> -> memref<7056xf32, #tpu.memory_space<hbm>>
      %dma_wait3A_200 = tpu.memref_slice %arg3[%mul3A_88] : memref<451584xf32, #tpu.memory_space<hbm>> -> memref<7056xf32, #tpu.memory_space<hbm>>
      tpu.wait_dma2 semaphore(%run_scoped3A : memref<!tpu.dma_semaphore, #tpu.memory_space<semaphore_mem>>) src(%dma_wait3A_200 : memref<7056xf32, #tpu.memory_space<hbm>>) dst(%arg13 : memref<7056xf32, #tpu.memory_space<vmem>>)
      tpu.yield
    }) : () -> ()
    %mul3A_89 = arith.constant 3 : i32
    %mul3A_90 = arith.muli %add3A_84, %mul3A_89 : i32
    "tpu.region"() ({
      %run_scoped3A = tpu.sem_alloc : memref<!tpu.dma_semaphore, #tpu.memory_space<semaphore_mem>>
      %dma_start3A = tpu.memref_slice %arg4[%mul3A_90] : memref<150528xf32, #tpu.memory_space<hbm>> -> memref<2352xf32, #tpu.memory_space<hbm>>
      %dma_start3A_199 = tpu.memref_slice %arg4[%mul3A_90] : memref<150528xf32, #tpu.memory_space<hbm>> -> memref<2352xf32, #tpu.memory_space<hbm>>
      tpu.enqueue_dma source(%dma_start3A_199 : memref<2352xf32, #tpu.memory_space<hbm>>) target(%arg14 : memref<2352xf32, #tpu.memory_space<vmem>>) target_semaphore(%run_scoped3A : memref<!tpu.dma_semaphore, #tpu.memory_space<semaphore_mem>>)
      %dma_wait3A = tpu.memref_slice %arg4[%mul3A_90] : memref<150528xf32, #tpu.memory_space<hbm>> -> memref<2352xf32, #tpu.memory_space<hbm>>
      %dma_wait3A_200 = tpu.memref_slice %arg4[%mul3A_90] : memref<150528xf32, #tpu.memory_space<hbm>> -> memref<2352xf32, #tpu.memory_space<hbm>>
      tpu.wait_dma2 semaphore(%run_scoped3A : memref<!tpu.dma_semaphore, #tpu.memory_space<semaphore_mem>>) src(%dma_wait3A_200 : memref<2352xf32, #tpu.memory_space<hbm>>) dst(%arg14 : memref<2352xf32, #tpu.memory_space<vmem>>)
      tpu.yield
    }) : () -> ()
    %scan3A_91 = arith.constant 0 : i32
    %scan3A_92 = arith.constant 0 : i32
    %scan3A_93 = arith.constant 49 : i32
    %scan3A_94 = arith.addi %scan3A_92, %scan3A_93 : i32
    %scan3A_95 = arith.constant 1 : i32
    scf.for %scan3A_199 = %scan3A_92 to %scan3A_94 step %scan3A_95  : i32 {
      %mul3A_200 = arith.constant 16 : i32
      %mul3A_201 = arith.muli %scan3A_199, %mul3A_200 : i32
      %iota3A = tpu.iota {dimensions = array<i32: 0>} : vector<16xi32>
      %add3A_202 = vector.broadcast %mul3A_201 : i32 to vector<16xi32>
      %add3A_203 = arith.addi %add3A_202, %iota3A : vector<16xi32>
      %mul3A_204 = arith.constant 24 : i32
      %mul3A_205 = vector.broadcast %mul3A_204 : i32 to vector<16xi32>
      %mul3A_206 = arith.muli %add3A_203, %mul3A_205 : vector<16xi32>
      %add3A_207 = arith.constant 0 : i32
      %add3A_208 = vector.broadcast %add3A_207 : i32 to vector<16xi32>
      %add3A_209 = arith.addi %mul3A_206, %add3A_208 : vector<16xi32>
      %gather3A = tpu.vector_load_idx %arg12[%add3A_209] : memref<18816xf32, #tpu.memory_space<vmem>>[vector<16xi32>], vector<16xf32>,
      %add3A_210 = arith.constant 1 : i32
      %add3A_211 = vector.broadcast %add3A_210 : i32 to vector<16xi32>
      %add3A_212 = arith.addi %mul3A_206, %add3A_211 : vector<16xi32>
      %gather3A_213 = tpu.vector_load_idx %arg12[%add3A_212] : memref<18816xf32, #tpu.memory_space<vmem>>[vector<16xi32>], vector<16xf32>,
      %add3A_214 = arith.constant 2 : i32
      %add3A_215 = vector.broadcast %add3A_214 : i32 to vector<16xi32>
      %add3A_216 = arith.addi %mul3A_206, %add3A_215 : vector<16xi32>
      %gather3A_217 = tpu.vector_load_idx %arg12[%add3A_216] : memref<18816xf32, #tpu.memory_space<vmem>>[vector<16xi32>], vector<16xf32>,
      %add3A_218 = arith.constant 3 : i32
      %add3A_219 = vector.broadcast %add3A_218 : i32 to vector<16xi32>
      %add3A_220 = arith.addi %mul3A_206, %add3A_219 : vector<16xi32>
      %gather3A_221 = tpu.vector_load_idx %arg12[%add3A_220] : memref<18816xf32, #tpu.memory_space<vmem>>[vector<16xi32>], vector<16xf32>,
      %add3A_222 = arith.constant 4 : i32
      %add3A_223 = vector.broadcast %add3A_222 : i32 to vector<16xi32>
      %add3A_224 = arith.addi %mul3A_206, %add3A_223 : vector<16xi32>
      %gather3A_225 = tpu.vector_load_idx %arg12[%add3A_224] : memref<18816xf32, #tpu.memory_space<vmem>>[vector<16xi32>], vector<16xf32>,
      %add3A_226 = arith.constant 5 : i32
      %add3A_227 = vector.broadcast %add3A_226 : i32 to vector<16xi32>
      %add3A_228 = arith.addi %mul3A_206, %add3A_227 : vector<16xi32>
      %gather3A_229 = tpu.vector_load_idx %arg12[%add3A_228] : memref<18816xf32, #tpu.memory_space<vmem>>[vector<16xi32>], vector<16xf32>,
      %add3A_230 = arith.constant 6 : i32
      %add3A_231 = vector.broadcast %add3A_230 : i32 to vector<16xi32>
      %add3A_232 = arith.addi %mul3A_206, %add3A_231 : vector<16xi32>
      %gather3A_233 = tpu.vector_load_idx %arg12[%add3A_232] : memref<18816xf32, #tpu.memory_space<vmem>>[vector<16xi32>], vector<16xf32>,
      %add3A_234 = arith.constant 7 : i32
      %add3A_235 = vector.broadcast %add3A_234 : i32 to vector<16xi32>
      %add3A_236 = arith.addi %mul3A_206, %add3A_235 : vector<16xi32>
      %gather3A_237 = tpu.vector_load_idx %arg12[%add3A_236] : memref<18816xf32, #tpu.memory_space<vmem>>[vector<16xi32>], vector<16xf32>,
      %add3A_238 = arith.constant 8 : i32
      %add3A_239 = vector.broadcast %add3A_238 : i32 to vector<16xi32>
      %add3A_240 = arith.addi %mul3A_206, %add3A_239 : vector<16xi32>
      %gather3A_241 = tpu.vector_load_idx %arg12[%add3A_240] : memref<18816xf32, #tpu.memory_space<vmem>>[vector<16xi32>], vector<16xf32>,
      %add3A_242 = arith.constant 9 : i32
      %add3A_243 = vector.broadcast %add3A_242 : i32 to vector<16xi32>
      %add3A_244 = arith.addi %mul3A_206, %add3A_243 : vector<16xi32>
      %gather3A_245 = tpu.vector_load_idx %arg12[%add3A_244] : memref<18816xf32, #tpu.memory_space<vmem>>[vector<16xi32>], vector<16xf32>,
      %add3A_246 = arith.constant 10 : i32
      %add3A_247 = vector.broadcast %add3A_246 : i32 to vector<16xi32>
      %add3A_248 = arith.addi %mul3A_206, %add3A_247 : vector<16xi32>
      %gather3A_249 = tpu.vector_load_idx %arg12[%add3A_248] : memref<18816xf32, #tpu.memory_space<vmem>>[vector<16xi32>], vector<16xf32>,
      %add3A_250 = arith.constant 11 : i32
      %add3A_251 = vector.broadcast %add3A_250 : i32 to vector<16xi32>
      %add3A_252 = arith.addi %mul3A_206, %add3A_251 : vector<16xi32>
      %gather3A_253 = tpu.vector_load_idx %arg12[%add3A_252] : memref<18816xf32, #tpu.memory_space<vmem>>[vector<16xi32>], vector<16xf32>,
      %add3A_254 = arith.constant 12 : i32
      %add3A_255 = vector.broadcast %add3A_254 : i32 to vector<16xi32>
      %add3A_256 = arith.addi %mul3A_206, %add3A_255 : vector<16xi32>
      %gather3A_257 = tpu.vector_load_idx %arg12[%add3A_256] : memref<18816xf32, #tpu.memory_space<vmem>>[vector<16xi32>], vector<16xf32>,
      %add3A_258 = arith.constant 13 : i32
      %add3A_259 = vector.broadcast %add3A_258 : i32 to vector<16xi32>
      %add3A_260 = arith.addi %mul3A_206, %add3A_259 : vector<16xi32>
      %gather3A_261 = tpu.vector_load_idx %arg12[%add3A_260] : memref<18816xf32, #tpu.memory_space<vmem>>[vector<16xi32>], vector<16xf32>,
      %add3A_262 = arith.constant 14 : i32
      %add3A_263 = vector.broadcast %add3A_262 : i32 to vector<16xi32>
      %add3A_264 = arith.addi %mul3A_206, %add3A_263 : vector<16xi32>
      %gather3A_265 = tpu.vector_load_idx %arg12[%add3A_264] : memref<18816xf32, #tpu.memory_space<vmem>>[vector<16xi32>], vector<16xf32>,
      %add3A_266 = arith.constant 15 : i32
      %add3A_267 = vector.broadcast %add3A_266 : i32 to vector<16xi32>
      %add3A_268 = arith.addi %mul3A_206, %add3A_267 : vector<16xi32>
      %gather3A_269 = tpu.vector_load_idx %arg12[%add3A_268] : memref<18816xf32, #tpu.memory_space<vmem>>[vector<16xi32>], vector<16xf32>,
      %add3A_270 = arith.constant 16 : i32
      %add3A_271 = vector.broadcast %add3A_270 : i32 to vector<16xi32>
      %add3A_272 = arith.addi %mul3A_206, %add3A_271 : vector<16xi32>
      %gather3A_273 = tpu.vector_load_idx %arg12[%add3A_272] : memref<18816xf32, #tpu.memory_space<vmem>>[vector<16xi32>], vector<16xf32>,
      %add3A_274 = arith.constant 17 : i32
      %add3A_275 = vector.broadcast %add3A_274 : i32 to vector<16xi32>
      %add3A_276 = arith.addi %mul3A_206, %add3A_275 : vector<16xi32>
      %gather3A_277 = tpu.vector_load_idx %arg12[%add3A_276] : memref<18816xf32, #tpu.memory_space<vmem>>[vector<16xi32>], vector<16xf32>,
      %add3A_278 = arith.constant 18 : i32
      %add3A_279 = vector.broadcast %add3A_278 : i32 to vector<16xi32>
      %add3A_280 = arith.addi %mul3A_206, %add3A_279 : vector<16xi32>
      %gather3A_281 = tpu.vector_load_idx %arg12[%add3A_280] : memref<18816xf32, #tpu.memory_space<vmem>>[vector<16xi32>], vector<16xf32>,
      %add3A_282 = arith.constant 19 : i32
      %add3A_283 = vector.broadcast %add3A_282 : i32 to vector<16xi32>
      %add3A_284 = arith.addi %mul3A_206, %add3A_283 : vector<16xi32>
      %gather3A_285 = tpu.vector_load_idx %arg12[%add3A_284] : memref<18816xf32, #tpu.memory_space<vmem>>[vector<16xi32>], vector<16xf32>,
      %add3A_286 = arith.constant 20 : i32
      %add3A_287 = vector.broadcast %add3A_286 : i32 to vector<16xi32>
      %add3A_288 = arith.addi %mul3A_206, %add3A_287 : vector<16xi32>
      %gather3A_289 = tpu.vector_load_idx %arg12[%add3A_288] : memref<18816xf32, #tpu.memory_space<vmem>>[vector<16xi32>], vector<16xf32>,
      %add3A_290 = arith.constant 21 : i32
      %add3A_291 = vector.broadcast %add3A_290 : i32 to vector<16xi32>
      %add3A_292 = arith.addi %mul3A_206, %add3A_291 : vector<16xi32>
      %gather3A_293 = tpu.vector_load_idx %arg12[%add3A_292] : memref<18816xf32, #tpu.memory_space<vmem>>[vector<16xi32>], vector<16xf32>,
      %add3A_294 = arith.constant 22 : i32
      %add3A_295 = vector.broadcast %add3A_294 : i32 to vector<16xi32>
      %add3A_296 = arith.addi %mul3A_206, %add3A_295 : vector<16xi32>
      %gather3A_297 = tpu.vector_load_idx %arg12[%add3A_296] : memref<18816xf32, #tpu.memory_space<vmem>>[vector<16xi32>], vector<16xf32>,
      %add3A_298 = arith.constant 23 : i32
      %add3A_299 = vector.broadcast %add3A_298 : i32 to vector<16xi32>
      %add3A_300 = arith.addi %mul3A_206, %add3A_299 : vector<16xi32>
      %gather3A_301 = tpu.vector_load_idx %arg12[%add3A_300] : memref<18816xf32, #tpu.memory_space<vmem>>[vector<16xi32>], vector<16xf32>,
      %broadcast_in_dim3A = arith.constant 0.000000e+00 : f32
      %broadcast_in_dim3A_302 = vector.broadcast %broadcast_in_dim3A : f32 to vector<16xf32>
      %broadcast_in_dim3A_303 = arith.constant 0.000000e+00 : f32
      %broadcast_in_dim3A_304 = vector.broadcast %broadcast_in_dim3A_303 : f32 to vector<16xf32>
      %broadcast_in_dim3A_305 = arith.constant 0.000000e+00 : f32
      %broadcast_in_dim3A_306 = vector.broadcast %broadcast_in_dim3A_305 : f32 to vector<16xf32>
      %broadcast_in_dim3A_307 = arith.constant 0.000000e+00 : f32
      %broadcast_in_dim3A_308 = vector.broadcast %broadcast_in_dim3A_307 : f32 to vector<16xf32>
      %broadcast_in_dim3A_309 = arith.constant 0.000000e+00 : f32
      %broadcast_in_dim3A_310 = vector.broadcast %broadcast_in_dim3A_309 : f32 to vector<16xf32>
      %broadcast_in_dim3A_311 = arith.constant 0.000000e+00 : f32
      %broadcast_in_dim3A_312 = vector.broadcast %broadcast_in_dim3A_311 : f32 to vector<16xf32>
      %broadcast_in_dim3A_313 = arith.constant 0.000000e+00 : f32
      %broadcast_in_dim3A_314 = vector.broadcast %broadcast_in_dim3A_313 : f32 to vector<16xf32>
      %broadcast_in_dim3A_315 = arith.constant 0.000000e+00 : f32
      %broadcast_in_dim3A_316 = vector.broadcast %broadcast_in_dim3A_315 : f32 to vector<16xf32>
      %broadcast_in_dim3A_317 = arith.constant 0.000000e+00 : f32
      %broadcast_in_dim3A_318 = vector.broadcast %broadcast_in_dim3A_317 : f32 to vector<16xf32>
      %broadcast_in_dim3A_319 = arith.constant 0.000000e+00 : f32
      %broadcast_in_dim3A_320 = vector.broadcast %broadcast_in_dim3A_319 : f32 to vector<16xf32>
      %broadcast_in_dim3A_321 = arith.constant 0.000000e+00 : f32
      %broadcast_in_dim3A_322 = vector.broadcast %broadcast_in_dim3A_321 : f32 to vector<16xf32>
      %broadcast_in_dim3A_323 = arith.constant 0.000000e+00 : f32
      %broadcast_in_dim3A_324 = vector.broadcast %broadcast_in_dim3A_323 : f32 to vector<16xf32>
      %mul3A_325 = vector.broadcast %squeeze3A : f32 to vector<16xf32>
      %mul3A_326 = arith.mulf %mul3A_325, %gather3A : vector<16xf32>
      %add3A_327 = arith.addf %broadcast_in_dim3A_302, %mul3A_326 : vector<16xf32>
      %mul3A_328 = vector.broadcast %squeeze3A : f32 to vector<16xf32>
      %mul3A_329 = arith.mulf %mul3A_328, %gather3A_213 : vector<16xf32>
      %add3A_330 = arith.addf %broadcast_in_dim3A_304, %mul3A_329 : vector<16xf32>
      %mul3A_331 = vector.broadcast %squeeze3A : f32 to vector<16xf32>
      %mul3A_332 = arith.mulf %mul3A_331, %gather3A_217 : vector<16xf32>
      %add3A_333 = arith.addf %broadcast_in_dim3A_306, %mul3A_332 : vector<16xf32>
      %mul3A_334 = vector.broadcast %squeeze3A_7 : f32 to vector<16xf32>
      %mul3A_335 = arith.mulf %mul3A_334, %gather3A_221 : vector<16xf32>
      %add3A_336 = arith.addf %add3A_327, %mul3A_335 : vector<16xf32>
      %mul3A_337 = vector.broadcast %squeeze3A_7 : f32 to vector<16xf32>
      %mul3A_338 = arith.mulf %mul3A_337, %gather3A_225 : vector<16xf32>
      %add3A_339 = arith.addf %add3A_330, %mul3A_338 : vector<16xf32>
      %mul3A_340 = vector.broadcast %squeeze3A_7 : f32 to vector<16xf32>
      %mul3A_341 = arith.mulf %mul3A_340, %gather3A_229 : vector<16xf32>
      %add3A_342 = arith.addf %add3A_333, %mul3A_341 : vector<16xf32>
      %mul3A_343 = vector.broadcast %squeeze3A_9 : f32 to vector<16xf32>
      %mul3A_344 = arith.mulf %mul3A_343, %gather3A_233 : vector<16xf32>
      %add3A_345 = arith.addf %add3A_336, %mul3A_344 : vector<16xf32>
      %mul3A_346 = vector.broadcast %squeeze3A_9 : f32 to vector<16xf32>
      %mul3A_347 = arith.mulf %mul3A_346, %gather3A_237 : vector<16xf32>
      %add3A_348 = arith.addf %add3A_339, %mul3A_347 : vector<16xf32>
      %mul3A_349 = vector.broadcast %squeeze3A_9 : f32 to vector<16xf32>
      %mul3A_350 = arith.mulf %mul3A_349, %gather3A_241 : vector<16xf32>
      %add3A_351 = arith.addf %add3A_342, %mul3A_350 : vector<16xf32>
      %mul3A_352 = vector.broadcast %squeeze3A_11 : f32 to vector<16xf32>
      %mul3A_353 = arith.mulf %mul3A_352, %gather3A_245 : vector<16xf32>
      %add3A_354 = arith.addf %add3A_345, %mul3A_353 : vector<16xf32>
      %mul3A_355 = vector.broadcast %squeeze3A_11 : f32 to vector<16xf32>
      %mul3A_356 = arith.mulf %mul3A_355, %gather3A_249 : vector<16xf32>
      %add3A_357 = arith.addf %add3A_348, %mul3A_356 : vector<16xf32>
      %mul3A_358 = vector.broadcast %squeeze3A_11 : f32 to vector<16xf32>
      %mul3A_359 = arith.mulf %mul3A_358, %gather3A_253 : vector<16xf32>
      %add3A_360 = arith.addf %add3A_351, %mul3A_359 : vector<16xf32>
      %mul3A_361 = vector.broadcast %squeeze3A_13 : f32 to vector<16xf32>
      %mul3A_362 = arith.mulf %mul3A_361, %gather3A_257 : vector<16xf32>
      %add3A_363 = arith.addf %add3A_354, %mul3A_362 : vector<16xf32>
      %mul3A_364 = vector.broadcast %squeeze3A_13 : f32 to vector<16xf32>
      %mul3A_365 = arith.mulf %mul3A_364, %gather3A_261 : vector<16xf32>
      %add3A_366 = arith.addf %add3A_357, %mul3A_365 : vector<16xf32>
      %mul3A_367 = vector.broadcast %squeeze3A_13 : f32 to vector<16xf32>
      %mul3A_368 = arith.mulf %mul3A_367, %gather3A_265 : vector<16xf32>
      %add3A_369 = arith.addf %add3A_360, %mul3A_368 : vector<16xf32>
      %mul3A_370 = vector.broadcast %squeeze3A_15 : f32 to vector<16xf32>
      %mul3A_371 = arith.mulf %mul3A_370, %gather3A_269 : vector<16xf32>
      %add3A_372 = arith.addf %add3A_363, %mul3A_371 : vector<16xf32>
      %mul3A_373 = vector.broadcast %squeeze3A_15 : f32 to vector<16xf32>
      %mul3A_374 = arith.mulf %mul3A_373, %gather3A_273 : vector<16xf32>
      %add3A_375 = arith.addf %add3A_366, %mul3A_374 : vector<16xf32>
      %mul3A_376 = vector.broadcast %squeeze3A_15 : f32 to vector<16xf32>
      %mul3A_377 = arith.mulf %mul3A_376, %gather3A_277 : vector<16xf32>
      %add3A_378 = arith.addf %add3A_369, %mul3A_377 : vector<16xf32>
      %mul3A_379 = vector.broadcast %squeeze3A_17 : f32 to vector<16xf32>
      %mul3A_380 = arith.mulf %mul3A_379, %gather3A_281 : vector<16xf32>
      %add3A_381 = arith.addf %add3A_372, %mul3A_380 : vector<16xf32>
      %mul3A_382 = vector.broadcast %squeeze3A_17 : f32 to vector<16xf32>
      %mul3A_383 = arith.mulf %mul3A_382, %gather3A_285 : vector<16xf32>
      %add3A_384 = arith.addf %add3A_375, %mul3A_383 : vector<16xf32>
      %mul3A_385 = vector.broadcast %squeeze3A_17 : f32 to vector<16xf32>
      %mul3A_386 = arith.mulf %mul3A_385, %gather3A_289 : vector<16xf32>
      %add3A_387 = arith.addf %add3A_378, %mul3A_386 : vector<16xf32>
      %mul3A_388 = vector.broadcast %squeeze3A_19 : f32 to vector<16xf32>
      %mul3A_389 = arith.mulf %mul3A_388, %gather3A_293 : vector<16xf32>
      %add3A_390 = arith.addf %add3A_381, %mul3A_389 : vector<16xf32>
      %mul3A_391 = vector.broadcast %squeeze3A_19 : f32 to vector<16xf32>
      %mul3A_392 = arith.mulf %mul3A_391, %gather3A_297 : vector<16xf32>
      %add3A_393 = arith.addf %add3A_384, %mul3A_392 : vector<16xf32>
      %mul3A_394 = vector.broadcast %squeeze3A_19 : f32 to vector<16xf32>
      %mul3A_395 = arith.mulf %mul3A_394, %gather3A_301 : vector<16xf32>
      %add3A_396 = arith.addf %add3A_387, %mul3A_395 : vector<16xf32>
      %mul3A_397 = vector.broadcast %squeeze3A_21 : f32 to vector<16xf32>
      %mul3A_398 = arith.mulf %mul3A_397, %gather3A : vector<16xf32>
      %add3A_399 = arith.addf %broadcast_in_dim3A_308, %mul3A_398 : vector<16xf32>
      %mul3A_400 = vector.broadcast %squeeze3A_21 : f32 to vector<16xf32>
      %mul3A_401 = arith.mulf %mul3A_400, %gather3A_213 : vector<16xf32>
      %add3A_402 = arith.addf %broadcast_in_dim3A_310, %mul3A_401 : vector<16xf32>
      %mul3A_403 = vector.broadcast %squeeze3A_21 : f32 to vector<16xf32>
      %mul3A_404 = arith.mulf %mul3A_403, %gather3A_217 : vector<16xf32>
      %add3A_405 = arith.addf %broadcast_in_dim3A_312, %mul3A_404 : vector<16xf32>
      %mul3A_406 = vector.broadcast %squeeze3A_23 : f32 to vector<16xf32>
      %mul3A_407 = arith.mulf %mul3A_406, %gather3A_221 : vector<16xf32>
      %add3A_408 = arith.addf %add3A_399, %mul3A_407 : vector<16xf32>
      %mul3A_409 = vector.broadcast %squeeze3A_23 : f32 to vector<16xf32>
      %mul3A_410 = arith.mulf %mul3A_409, %gather3A_225 : vector<16xf32>
      %add3A_411 = arith.addf %add3A_402, %mul3A_410 : vector<16xf32>
      %mul3A_412 = vector.broadcast %squeeze3A_23 : f32 to vector<16xf32>
      %mul3A_413 = arith.mulf %mul3A_412, %gather3A_229 : vector<16xf32>
      %add3A_414 = arith.addf %add3A_405, %mul3A_413 : vector<16xf32>
      %mul3A_415 = vector.broadcast %squeeze3A_25 : f32 to vector<16xf32>
      %mul3A_416 = arith.mulf %mul3A_415, %gather3A_233 : vector<16xf32>
      %add3A_417 = arith.addf %add3A_408, %mul3A_416 : vector<16xf32>
      %mul3A_418 = vector.broadcast %squeeze3A_25 : f32 to vector<16xf32>
      %mul3A_419 = arith.mulf %mul3A_418, %gather3A_237 : vector<16xf32>
      %add3A_420 = arith.addf %add3A_411, %mul3A_419 : vector<16xf32>
      %mul3A_421 = vector.broadcast %squeeze3A_25 : f32 to vector<16xf32>
      %mul3A_422 = arith.mulf %mul3A_421, %gather3A_241 : vector<16xf32>
      %add3A_423 = arith.addf %add3A_414, %mul3A_422 : vector<16xf32>
      %mul3A_424 = vector.broadcast %squeeze3A_27 : f32 to vector<16xf32>
      %mul3A_425 = arith.mulf %mul3A_424, %gather3A_245 : vector<16xf32>
      %add3A_426 = arith.addf %add3A_417, %mul3A_425 : vector<16xf32>
      %mul3A_427 = vector.broadcast %squeeze3A_27 : f32 to vector<16xf32>
      %mul3A_428 = arith.mulf %mul3A_427, %gather3A_249 : vector<16xf32>
      %add3A_429 = arith.addf %add3A_420, %mul3A_428 : vector<16xf32>
      %mul3A_430 = vector.broadcast %squeeze3A_27 : f32 to vector<16xf32>
      %mul3A_431 = arith.mulf %mul3A_430, %gather3A_253 : vector<16xf32>
      %add3A_432 = arith.addf %add3A_423, %mul3A_431 : vector<16xf32>
      %mul3A_433 = vector.broadcast %squeeze3A_29 : f32 to vector<16xf32>
      %mul3A_434 = arith.mulf %mul3A_433, %gather3A_257 : vector<16xf32>
      %add3A_435 = arith.addf %add3A_426, %mul3A_434 : vector<16xf32>
      %mul3A_436 = vector.broadcast %squeeze3A_29 : f32 to vector<16xf32>
      %mul3A_437 = arith.mulf %mul3A_436, %gather3A_261 : vector<16xf32>
      %add3A_438 = arith.addf %add3A_429, %mul3A_437 : vector<16xf32>
      %mul3A_439 = vector.broadcast %squeeze3A_29 : f32 to vector<16xf32>
      %mul3A_440 = arith.mulf %mul3A_439, %gather3A_265 : vector<16xf32>
      %add3A_441 = arith.addf %add3A_432, %mul3A_440 : vector<16xf32>
      %mul3A_442 = vector.broadcast %squeeze3A_31 : f32 to vector<16xf32>
      %mul3A_443 = arith.mulf %mul3A_442, %gather3A_269 : vector<16xf32>
      %add3A_444 = arith.addf %add3A_435, %mul3A_443 : vector<16xf32>
      %mul3A_445 = vector.broadcast %squeeze3A_31 : f32 to vector<16xf32>
      %mul3A_446 = arith.mulf %mul3A_445, %gather3A_273 : vector<16xf32>
      %add3A_447 = arith.addf %add3A_438, %mul3A_446 : vector<16xf32>
      %mul3A_448 = vector.broadcast %squeeze3A_31 : f32 to vector<16xf32>
      %mul3A_449 = arith.mulf %mul3A_448, %gather3A_277 : vector<16xf32>
      %add3A_450 = arith.addf %add3A_441, %mul3A_449 : vector<16xf32>
      %mul3A_451 = vector.broadcast %squeeze3A_33 : f32 to vector<16xf32>
      %mul3A_452 = arith.mulf %mul3A_451, %gather3A_281 : vector<16xf32>
      %add3A_453 = arith.addf %add3A_444, %mul3A_452 : vector<16xf32>
      %mul3A_454 = vector.broadcast %squeeze3A_33 : f32 to vector<16xf32>
      %mul3A_455 = arith.mulf %mul3A_454, %gather3A_285 : vector<16xf32>
      %add3A_456 = arith.addf %add3A_447, %mul3A_455 : vector<16xf32>
      %mul3A_457 = vector.broadcast %squeeze3A_33 : f32 to vector<16xf32>
      %mul3A_458 = arith.mulf %mul3A_457, %gather3A_289 : vector<16xf32>
      %add3A_459 = arith.addf %add3A_450, %mul3A_458 : vector<16xf32>
      %mul3A_460 = vector.broadcast %squeeze3A_35 : f32 to vector<16xf32>
      %mul3A_461 = arith.mulf %mul3A_460, %gather3A_293 : vector<16xf32>
      %add3A_462 = arith.addf %add3A_453, %mul3A_461 : vector<16xf32>
      %mul3A_463 = vector.broadcast %squeeze3A_35 : f32 to vector<16xf32>
      %mul3A_464 = arith.mulf %mul3A_463, %gather3A_297 : vector<16xf32>
      %add3A_465 = arith.addf %add3A_456, %mul3A_464 : vector<16xf32>
      %mul3A_466 = vector.broadcast %squeeze3A_35 : f32 to vector<16xf32>
      %mul3A_467 = arith.mulf %mul3A_466, %gather3A_301 : vector<16xf32>
      %add3A_468 = arith.addf %add3A_459, %mul3A_467 : vector<16xf32>
      %mul3A_469 = vector.broadcast %squeeze3A_37 : f32 to vector<16xf32>
      %mul3A_470 = arith.mulf %mul3A_469, %gather3A : vector<16xf32>
      %add3A_471 = arith.addf %broadcast_in_dim3A_314, %mul3A_470 : vector<16xf32>
      %mul3A_472 = vector.broadcast %squeeze3A_37 : f32 to vector<16xf32>
      %mul3A_473 = arith.mulf %mul3A_472, %gather3A_213 : vector<16xf32>
      %add3A_474 = arith.addf %broadcast_in_dim3A_316, %mul3A_473 : vector<16xf32>
      %mul3A_475 = vector.broadcast %squeeze3A_37 : f32 to vector<16xf32>
      %mul3A_476 = arith.mulf %mul3A_475, %gather3A_217 : vector<16xf32>
      %add3A_477 = arith.addf %broadcast_in_dim3A_318, %mul3A_476 : vector<16xf32>
      %mul3A_478 = vector.broadcast %squeeze3A_39 : f32 to vector<16xf32>
      %mul3A_479 = arith.mulf %mul3A_478, %gather3A_221 : vector<16xf32>
      %add3A_480 = arith.addf %add3A_471, %mul3A_479 : vector<16xf32>
      %mul3A_481 = vector.broadcast %squeeze3A_39 : f32 to vector<16xf32>
      %mul3A_482 = arith.mulf %mul3A_481, %gather3A_225 : vector<16xf32>
      %add3A_483 = arith.addf %add3A_474, %mul3A_482 : vector<16xf32>
      %mul3A_484 = vector.broadcast %squeeze3A_39 : f32 to vector<16xf32>
      %mul3A_485 = arith.mulf %mul3A_484, %gather3A_229 : vector<16xf32>
      %add3A_486 = arith.addf %add3A_477, %mul3A_485 : vector<16xf32>
      %mul3A_487 = vector.broadcast %squeeze3A_41 : f32 to vector<16xf32>
      %mul3A_488 = arith.mulf %mul3A_487, %gather3A_233 : vector<16xf32>
      %add3A_489 = arith.addf %add3A_480, %mul3A_488 : vector<16xf32>
      %mul3A_490 = vector.broadcast %squeeze3A_41 : f32 to vector<16xf32>
      %mul3A_491 = arith.mulf %mul3A_490, %gather3A_237 : vector<16xf32>
      %add3A_492 = arith.addf %add3A_483, %mul3A_491 : vector<16xf32>
      %mul3A_493 = vector.broadcast %squeeze3A_41 : f32 to vector<16xf32>
      %mul3A_494 = arith.mulf %mul3A_493, %gather3A_241 : vector<16xf32>
      %add3A_495 = arith.addf %add3A_486, %mul3A_494 : vector<16xf32>
      %mul3A_496 = vector.broadcast %squeeze3A_43 : f32 to vector<16xf32>
      %mul3A_497 = arith.mulf %mul3A_496, %gather3A_245 : vector<16xf32>
      %add3A_498 = arith.addf %add3A_489, %mul3A_497 : vector<16xf32>
      %mul3A_499 = vector.broadcast %squeeze3A_43 : f32 to vector<16xf32>
      %mul3A_500 = arith.mulf %mul3A_499, %gather3A_249 : vector<16xf32>
      %add3A_501 = arith.addf %add3A_492, %mul3A_500 : vector<16xf32>
      %mul3A_502 = vector.broadcast %squeeze3A_43 : f32 to vector<16xf32>
      %mul3A_503 = arith.mulf %mul3A_502, %gather3A_253 : vector<16xf32>
      %add3A_504 = arith.addf %add3A_495, %mul3A_503 : vector<16xf32>
      %mul3A_505 = vector.broadcast %squeeze3A_45 : f32 to vector<16xf32>
      %mul3A_506 = arith.mulf %mul3A_505, %gather3A_257 : vector<16xf32>
      %add3A_507 = arith.addf %add3A_498, %mul3A_506 : vector<16xf32>
      %mul3A_508 = vector.broadcast %squeeze3A_45 : f32 to vector<16xf32>
      %mul3A_509 = arith.mulf %mul3A_508, %gather3A_261 : vector<16xf32>
      %add3A_510 = arith.addf %add3A_501, %mul3A_509 : vector<16xf32>
      %mul3A_511 = vector.broadcast %squeeze3A_45 : f32 to vector<16xf32>
      %mul3A_512 = arith.mulf %mul3A_511, %gather3A_265 : vector<16xf32>
      %add3A_513 = arith.addf %add3A_504, %mul3A_512 : vector<16xf32>
      %mul3A_514 = vector.broadcast %squeeze3A_47 : f32 to vector<16xf32>
      %mul3A_515 = arith.mulf %mul3A_514, %gather3A_269 : vector<16xf32>
      %add3A_516 = arith.addf %add3A_507, %mul3A_515 : vector<16xf32>
      %mul3A_517 = vector.broadcast %squeeze3A_47 : f32 to vector<16xf32>
      %mul3A_518 = arith.mulf %mul3A_517, %gather3A_273 : vector<16xf32>
      %add3A_519 = arith.addf %add3A_510, %mul3A_518 : vector<16xf32>
      %mul3A_520 = vector.broadcast %squeeze3A_47 : f32 to vector<16xf32>
      %mul3A_521 = arith.mulf %mul3A_520, %gather3A_277 : vector<16xf32>
      %add3A_522 = arith.addf %add3A_513, %mul3A_521 : vector<16xf32>
      %mul3A_523 = vector.broadcast %squeeze3A_49 : f32 to vector<16xf32>
      %mul3A_524 = arith.mulf %mul3A_523, %gather3A_281 : vector<16xf32>
      %add3A_525 = arith.addf %add3A_516, %mul3A_524 : vector<16xf32>
      %mul3A_526 = vector.broadcast %squeeze3A_49 : f32 to vector<16xf32>
      %mul3A_527 = arith.mulf %mul3A_526, %gather3A_285 : vector<16xf32>
      %add3A_528 = arith.addf %add3A_519, %mul3A_527 : vector<16xf32>
      %mul3A_529 = vector.broadcast %squeeze3A_49 : f32 to vector<16xf32>
      %mul3A_530 = arith.mulf %mul3A_529, %gather3A_289 : vector<16xf32>
      %add3A_531 = arith.addf %add3A_522, %mul3A_530 : vector<16xf32>
      %mul3A_532 = vector.broadcast %squeeze3A_51 : f32 to vector<16xf32>
      %mul3A_533 = arith.mulf %mul3A_532, %gather3A_293 : vector<16xf32>
      %add3A_534 = arith.addf %add3A_525, %mul3A_533 : vector<16xf32>
      %mul3A_535 = vector.broadcast %squeeze3A_51 : f32 to vector<16xf32>
      %mul3A_536 = arith.mulf %mul3A_535, %gather3A_297 : vector<16xf32>
      %add3A_537 = arith.addf %add3A_528, %mul3A_536 : vector<16xf32>
      %mul3A_538 = vector.broadcast %squeeze3A_51 : f32 to vector<16xf32>
      %mul3A_539 = arith.mulf %mul3A_538, %gather3A_301 : vector<16xf32>
      %add3A_540 = arith.addf %add3A_531, %mul3A_539 : vector<16xf32>
      %mul3A_541 = vector.broadcast %squeeze3A_53 : f32 to vector<16xf32>
      %mul3A_542 = arith.mulf %mul3A_541, %gather3A : vector<16xf32>
      %add3A_543 = arith.addf %broadcast_in_dim3A_320, %mul3A_542 : vector<16xf32>
      %mul3A_544 = vector.broadcast %squeeze3A_53 : f32 to vector<16xf32>
      %mul3A_545 = arith.mulf %mul3A_544, %gather3A_213 : vector<16xf32>
      %add3A_546 = arith.addf %broadcast_in_dim3A_322, %mul3A_545 : vector<16xf32>
      %mul3A_547 = vector.broadcast %squeeze3A_53 : f32 to vector<16xf32>
      %mul3A_548 = arith.mulf %mul3A_547, %gather3A_217 : vector<16xf32>
      %add3A_549 = arith.addf %broadcast_in_dim3A_324, %mul3A_548 : vector<16xf32>
      %mul3A_550 = vector.broadcast %squeeze3A_55 : f32 to vector<16xf32>
      %mul3A_551 = arith.mulf %mul3A_550, %gather3A_221 : vector<16xf32>
      %add3A_552 = arith.addf %add3A_543, %mul3A_551 : vector<16xf32>
      %mul3A_553 = vector.broadcast %squeeze3A_55 : f32 to vector<16xf32>
      %mul3A_554 = arith.mulf %mul3A_553, %gather3A_225 : vector<16xf32>
      %add3A_555 = arith.addf %add3A_546, %mul3A_554 : vector<16xf32>
      %mul3A_556 = vector.broadcast %squeeze3A_55 : f32 to vector<16xf32>
      %mul3A_557 = arith.mulf %mul3A_556, %gather3A_229 : vector<16xf32>
      %add3A_558 = arith.addf %add3A_549, %mul3A_557 : vector<16xf32>
      %mul3A_559 = vector.broadcast %squeeze3A_57 : f32 to vector<16xf32>
      %mul3A_560 = arith.mulf %mul3A_559, %gather3A_233 : vector<16xf32>
      %add3A_561 = arith.addf %add3A_552, %mul3A_560 : vector<16xf32>
      %mul3A_562 = vector.broadcast %squeeze3A_57 : f32 to vector<16xf32>
      %mul3A_563 = arith.mulf %mul3A_562, %gather3A_237 : vector<16xf32>
      %add3A_564 = arith.addf %add3A_555, %mul3A_563 : vector<16xf32>
      %mul3A_565 = vector.broadcast %squeeze3A_57 : f32 to vector<16xf32>
      %mul3A_566 = arith.mulf %mul3A_565, %gather3A_241 : vector<16xf32>
      %add3A_567 = arith.addf %add3A_558, %mul3A_566 : vector<16xf32>
      %mul3A_568 = vector.broadcast %squeeze3A_59 : f32 to vector<16xf32>
      %mul3A_569 = arith.mulf %mul3A_568, %gather3A_245 : vector<16xf32>
      %add3A_570 = arith.addf %add3A_561, %mul3A_569 : vector<16xf32>
      %mul3A_571 = vector.broadcast %squeeze3A_59 : f32 to vector<16xf32>
      %mul3A_572 = arith.mulf %mul3A_571, %gather3A_249 : vector<16xf32>
      %add3A_573 = arith.addf %add3A_564, %mul3A_572 : vector<16xf32>
      %mul3A_574 = vector.broadcast %squeeze3A_59 : f32 to vector<16xf32>
      %mul3A_575 = arith.mulf %mul3A_574, %gather3A_253 : vector<16xf32>
      %add3A_576 = arith.addf %add3A_567, %mul3A_575 : vector<16xf32>
      %mul3A_577 = vector.broadcast %squeeze3A_61 : f32 to vector<16xf32>
      %mul3A_578 = arith.mulf %mul3A_577, %gather3A_257 : vector<16xf32>
      %add3A_579 = arith.addf %add3A_570, %mul3A_578 : vector<16xf32>
      %mul3A_580 = vector.broadcast %squeeze3A_61 : f32 to vector<16xf32>
      %mul3A_581 = arith.mulf %mul3A_580, %gather3A_261 : vector<16xf32>
      %add3A_582 = arith.addf %add3A_573, %mul3A_581 : vector<16xf32>
      %mul3A_583 = vector.broadcast %squeeze3A_61 : f32 to vector<16xf32>
      %mul3A_584 = arith.mulf %mul3A_583, %gather3A_265 : vector<16xf32>
      %add3A_585 = arith.addf %add3A_576, %mul3A_584 : vector<16xf32>
      %mul3A_586 = vector.broadcast %squeeze3A_63 : f32 to vector<16xf32>
      %mul3A_587 = arith.mulf %mul3A_586, %gather3A_269 : vector<16xf32>
      %add3A_588 = arith.addf %add3A_579, %mul3A_587 : vector<16xf32>
      %mul3A_589 = vector.broadcast %squeeze3A_63 : f32 to vector<16xf32>
      %mul3A_590 = arith.mulf %mul3A_589, %gather3A_273 : vector<16xf32>
      %add3A_591 = arith.addf %add3A_582, %mul3A_590 : vector<16xf32>
      %mul3A_592 = vector.broadcast %squeeze3A_63 : f32 to vector<16xf32>
      %mul3A_593 = arith.mulf %mul3A_592, %gather3A_277 : vector<16xf32>
      %add3A_594 = arith.addf %add3A_585, %mul3A_593 : vector<16xf32>
      %mul3A_595 = vector.broadcast %squeeze3A_65 : f32 to vector<16xf32>
      %mul3A_596 = arith.mulf %mul3A_595, %gather3A_281 : vector<16xf32>
      %add3A_597 = arith.addf %add3A_588, %mul3A_596 : vector<16xf32>
      %mul3A_598 = vector.broadcast %squeeze3A_65 : f32 to vector<16xf32>
      %mul3A_599 = arith.mulf %mul3A_598, %gather3A_285 : vector<16xf32>
      %add3A_600 = arith.addf %add3A_591, %mul3A_599 : vector<16xf32>
      %mul3A_601 = vector.broadcast %squeeze3A_65 : f32 to vector<16xf32>
      %mul3A_602 = arith.mulf %mul3A_601, %gather3A_289 : vector<16xf32>
      %add3A_603 = arith.addf %add3A_594, %mul3A_602 : vector<16xf32>
      %mul3A_604 = vector.broadcast %squeeze3A_67 : f32 to vector<16xf32>
      %mul3A_605 = arith.mulf %mul3A_604, %gather3A_293 : vector<16xf32>
      %add3A_606 = arith.addf %add3A_597, %mul3A_605 : vector<16xf32>
      %mul3A_607 = vector.broadcast %squeeze3A_67 : f32 to vector<16xf32>
      %mul3A_608 = arith.mulf %mul3A_607, %gather3A_297 : vector<16xf32>
      %add3A_609 = arith.addf %add3A_600, %mul3A_608 : vector<16xf32>
      %mul3A_610 = vector.broadcast %squeeze3A_67 : f32 to vector<16xf32>
      %mul3A_611 = arith.mulf %mul3A_610, %gather3A_301 : vector<16xf32>
      %add3A_612 = arith.addf %add3A_603, %mul3A_611 : vector<16xf32>
      %mul3A_613 = arith.constant 9 : i32
      %mul3A_614 = vector.broadcast %mul3A_613 : i32 to vector<16xi32>
      %mul3A_615 = arith.muli %add3A_203, %mul3A_614 : vector<16xi32>
      %add3A_616 = arith.constant 0 : i32
      %add3A_617 = vector.broadcast %add3A_616 : i32 to vector<16xi32>
      %add3A_618 = arith.addi %mul3A_615, %add3A_617 : vector<16xi32>
      %gather3A_619 = tpu.vector_load_idx %arg13[%add3A_618] : memref<7056xf32, #tpu.memory_space<vmem>>[vector<16xi32>], vector<16xf32>,
      %add3A_620 = arith.constant 1 : i32
      %add3A_621 = vector.broadcast %add3A_620 : i32 to vector<16xi32>
      %add3A_622 = arith.addi %mul3A_615, %add3A_621 : vector<16xi32>
      %gather3A_623 = tpu.vector_load_idx %arg13[%add3A_622] : memref<7056xf32, #tpu.memory_space<vmem>>[vector<16xi32>], vector<16xf32>,
      %add3A_624 = arith.constant 2 : i32
      %add3A_625 = vector.broadcast %add3A_624 : i32 to vector<16xi32>
      %add3A_626 = arith.addi %mul3A_615, %add3A_625 : vector<16xi32>
      %gather3A_627 = tpu.vector_load_idx %arg13[%add3A_626] : memref<7056xf32, #tpu.memory_space<vmem>>[vector<16xi32>], vector<16xf32>,
      %add3A_628 = arith.constant 3 : i32
      %add3A_629 = vector.broadcast %add3A_628 : i32 to vector<16xi32>
      %add3A_630 = arith.addi %mul3A_615, %add3A_629 : vector<16xi32>
      %gather3A_631 = tpu.vector_load_idx %arg13[%add3A_630] : memref<7056xf32, #tpu.memory_space<vmem>>[vector<16xi32>], vector<16xf32>,
      %add3A_632 = arith.constant 4 : i32
      %add3A_633 = vector.broadcast %add3A_632 : i32 to vector<16xi32>
      %add3A_634 = arith.addi %mul3A_615, %add3A_633 : vector<16xi32>
      %gather3A_635 = tpu.vector_load_idx %arg13[%add3A_634] : memref<7056xf32, #tpu.memory_space<vmem>>[vector<16xi32>], vector<16xf32>,
      %add3A_636 = arith.constant 5 : i32
      %add3A_637 = vector.broadcast %add3A_636 : i32 to vector<16xi32>
      %add3A_638 = arith.addi %mul3A_615, %add3A_637 : vector<16xi32>
      %gather3A_639 = tpu.vector_load_idx %arg13[%add3A_638] : memref<7056xf32, #tpu.memory_space<vmem>>[vector<16xi32>], vector<16xf32>,
      %add3A_640 = arith.constant 6 : i32
      %add3A_641 = vector.broadcast %add3A_640 : i32 to vector<16xi32>
      %add3A_642 = arith.addi %mul3A_615, %add3A_641 : vector<16xi32>
      %gather3A_643 = tpu.vector_load_idx %arg13[%add3A_642] : memref<7056xf32, #tpu.memory_space<vmem>>[vector<16xi32>], vector<16xf32>,
      %add3A_644 = arith.constant 7 : i32
      %add3A_645 = vector.broadcast %add3A_644 : i32 to vector<16xi32>
      %add3A_646 = arith.addi %mul3A_615, %add3A_645 : vector<16xi32>
      %gather3A_647 = tpu.vector_load_idx %arg13[%add3A_646] : memref<7056xf32, #tpu.memory_space<vmem>>[vector<16xi32>], vector<16xf32>,
      %add3A_648 = arith.constant 8 : i32
      %add3A_649 = vector.broadcast %add3A_648 : i32 to vector<16xi32>
      %add3A_650 = arith.addi %mul3A_615, %add3A_649 : vector<16xi32>
      %gather3A_651 = tpu.vector_load_idx %arg13[%add3A_650] : memref<7056xf32, #tpu.memory_space<vmem>>[vector<16xi32>], vector<16xf32>,
      %mul3A_652 = arith.constant 3 : i32
      %mul3A_653 = vector.broadcast %mul3A_652 : i32 to vector<16xi32>
      %mul3A_654 = arith.muli %add3A_203, %mul3A_653 : vector<16xi32>
      %add3A_655 = arith.constant 0 : i32
      %add3A_656 = vector.broadcast %add3A_655 : i32 to vector<16xi32>
      %add3A_657 = arith.addi %mul3A_654, %add3A_656 : vector<16xi32>
      %gather3A_658 = tpu.vector_load_idx %arg14[%add3A_657] : memref<2352xf32, #tpu.memory_space<vmem>>[vector<16xi32>], vector<16xf32>,
      %add3A_659 = arith.constant 1 : i32
      %add3A_660 = vector.broadcast %add3A_659 : i32 to vector<16xi32>
      %add3A_661 = arith.addi %mul3A_654, %add3A_660 : vector<16xi32>
      %gather3A_662 = tpu.vector_load_idx %arg14[%add3A_661] : memref<2352xf32, #tpu.memory_space<vmem>>[vector<16xi32>], vector<16xf32>,
      %add3A_663 = arith.constant 2 : i32
      %add3A_664 = vector.broadcast %add3A_663 : i32 to vector<16xi32>
      %add3A_665 = arith.addi %mul3A_654, %add3A_664 : vector<16xi32>
      %gather3A_666 = tpu.vector_load_idx %arg14[%add3A_665] : memref<2352xf32, #tpu.memory_space<vmem>>[vector<16xi32>], vector<16xf32>,
      %mul3A_667 = arith.constant 32 : i32
      %mul3A_668 = vector.broadcast %mul3A_667 : i32 to vector<16xi32>
      %mul3A_669 = arith.muli %add3A_203, %mul3A_668 : vector<16xi32>
      %mul3A_670 = arith.mulf %add3A_390, %gather3A_619 : vector<16xf32>
      %mul3A_671 = arith.mulf %add3A_393, %gather3A_631 : vector<16xf32>
      %add3A_672 = arith.addf %mul3A_670, %mul3A_671 : vector<16xf32>
      %mul3A_673 = arith.mulf %add3A_396, %gather3A_643 : vector<16xf32>
      %add3A_674 = arith.addf %add3A_672, %mul3A_673 : vector<16xf32>
      %add3A_675 = arith.constant 0 : i32
      %add3A_676 = vector.broadcast %add3A_675 : i32 to vector<16xi32>
      %add3A_677 = arith.addi %mul3A_669, %add3A_676 : vector<16xi32>
      tpu.vector_store_idx %arg16[%add3A_677], %add3A_674 : memref<25088xf32, #tpu.memory_space<vmem>>[vector<16xi32>], vector<16xf32>,
      %mul3A_678 = arith.mulf %add3A_390, %gather3A_623 : vector<16xf32>
      %mul3A_679 = arith.mulf %add3A_393, %gather3A_635 : vector<16xf32>
      %add3A_680 = arith.addf %mul3A_678, %mul3A_679 : vector<16xf32>
      %mul3A_681 = arith.mulf %add3A_396, %gather3A_647 : vector<16xf32>
      %add3A_682 = arith.addf %add3A_680, %mul3A_681 : vector<16xf32>
      %add3A_683 = arith.constant 1 : i32
      %add3A_684 = vector.broadcast %add3A_683 : i32 to vector<16xi32>
      %add3A_685 = arith.addi %mul3A_669, %add3A_684 : vector<16xi32>
      tpu.vector_store_idx %arg16[%add3A_685], %add3A_682 : memref<25088xf32, #tpu.memory_space<vmem>>[vector<16xi32>], vector<16xf32>,
      %mul3A_686 = arith.mulf %add3A_390, %gather3A_627 : vector<16xf32>
      %mul3A_687 = arith.mulf %add3A_393, %gather3A_639 : vector<16xf32>
      %add3A_688 = arith.addf %mul3A_686, %mul3A_687 : vector<16xf32>
      %mul3A_689 = arith.mulf %add3A_396, %gather3A_651 : vector<16xf32>
      %add3A_690 = arith.addf %add3A_688, %mul3A_689 : vector<16xf32>
      %add3A_691 = arith.constant 2 : i32
      %add3A_692 = vector.broadcast %add3A_691 : i32 to vector<16xi32>
      %add3A_693 = arith.addi %mul3A_669, %add3A_692 : vector<16xi32>
      tpu.vector_store_idx %arg16[%add3A_693], %add3A_690 : memref<25088xf32, #tpu.memory_space<vmem>>[vector<16xi32>], vector<16xf32>,
      %mul3A_694 = arith.mulf %add3A_462, %gather3A_619 : vector<16xf32>
      %mul3A_695 = arith.mulf %add3A_465, %gather3A_631 : vector<16xf32>
      %add3A_696 = arith.addf %mul3A_694, %mul3A_695 : vector<16xf32>
      %mul3A_697 = arith.mulf %add3A_468, %gather3A_643 : vector<16xf32>
      %add3A_698 = arith.addf %add3A_696, %mul3A_697 : vector<16xf32>
      %add3A_699 = arith.constant 3 : i32
      %add3A_700 = vector.broadcast %add3A_699 : i32 to vector<16xi32>
      %add3A_701 = arith.addi %mul3A_669, %add3A_700 : vector<16xi32>
      tpu.vector_store_idx %arg16[%add3A_701], %add3A_698 : memref<25088xf32, #tpu.memory_space<vmem>>[vector<16xi32>], vector<16xf32>,
      %mul3A_702 = arith.mulf %add3A_462, %gather3A_623 : vector<16xf32>
      %mul3A_703 = arith.mulf %add3A_465, %gather3A_635 : vector<16xf32>
      %add3A_704 = arith.addf %mul3A_702, %mul3A_703 : vector<16xf32>
      %mul3A_705 = arith.mulf %add3A_468, %gather3A_647 : vector<16xf32>
      %add3A_706 = arith.addf %add3A_704, %mul3A_705 : vector<16xf32>
      %add3A_707 = arith.constant 4 : i32
      %add3A_708 = vector.broadcast %add3A_707 : i32 to vector<16xi32>
      %add3A_709 = arith.addi %mul3A_669, %add3A_708 : vector<16xi32>
      tpu.vector_store_idx %arg16[%add3A_709], %add3A_706 : memref<25088xf32, #tpu.memory_space<vmem>>[vector<16xi32>], vector<16xf32>,
      %mul3A_710 = arith.mulf %add3A_462, %gather3A_627 : vector<16xf32>
      %mul3A_711 = arith.mulf %add3A_465, %gather3A_639 : vector<16xf32>
      %add3A_712 = arith.addf %mul3A_710, %mul3A_711 : vector<16xf32>
      %mul3A_713 = arith.mulf %add3A_468, %gather3A_651 : vector<16xf32>
      %add3A_714 = arith.addf %add3A_712, %mul3A_713 : vector<16xf32>
      %add3A_715 = arith.constant 5 : i32
      %add3A_716 = vector.broadcast %add3A_715 : i32 to vector<16xi32>
      %add3A_717 = arith.addi %mul3A_669, %add3A_716 : vector<16xi32>
      tpu.vector_store_idx %arg16[%add3A_717], %add3A_714 : memref<25088xf32, #tpu.memory_space<vmem>>[vector<16xi32>], vector<16xf32>,
      %mul3A_718 = arith.mulf %add3A_534, %gather3A_619 : vector<16xf32>
      %mul3A_719 = arith.mulf %add3A_537, %gather3A_631 : vector<16xf32>
      %add3A_720 = arith.addf %mul3A_718, %mul3A_719 : vector<16xf32>
      %mul3A_721 = arith.mulf %add3A_540, %gather3A_643 : vector<16xf32>
      %add3A_722 = arith.addf %add3A_720, %mul3A_721 : vector<16xf32>
      %add3A_723 = arith.constant 6 : i32
      %add3A_724 = vector.broadcast %add3A_723 : i32 to vector<16xi32>
      %add3A_725 = arith.addi %mul3A_669, %add3A_724 : vector<16xi32>
      tpu.vector_store_idx %arg16[%add3A_725], %add3A_722 : memref<25088xf32, #tpu.memory_space<vmem>>[vector<16xi32>], vector<16xf32>,
      %mul3A_726 = arith.mulf %add3A_534, %gather3A_623 : vector<16xf32>
      %mul3A_727 = arith.mulf %add3A_537, %gather3A_635 : vector<16xf32>
      %add3A_728 = arith.addf %mul3A_726, %mul3A_727 : vector<16xf32>
      %mul3A_729 = arith.mulf %add3A_540, %gather3A_647 : vector<16xf32>
      %add3A_730 = arith.addf %add3A_728, %mul3A_729 : vector<16xf32>
      %add3A_731 = arith.constant 7 : i32
      %add3A_732 = vector.broadcast %add3A_731 : i32 to vector<16xi32>
      %add3A_733 = arith.addi %mul3A_669, %add3A_732 : vector<16xi32>
      tpu.vector_store_idx %arg16[%add3A_733], %add3A_730 : memref<25088xf32, #tpu.memory_space<vmem>>[vector<16xi32>], vector<16xf32>,
      %mul3A_734 = arith.mulf %add3A_534, %gather3A_627 : vector<16xf32>
      %mul3A_735 = arith.mulf %add3A_537, %gather3A_639 : vector<16xf32>
      %add3A_736 = arith.addf %mul3A_734, %mul3A_735 : vector<16xf32>
      %mul3A_737 = arith.mulf %add3A_540, %gather3A_651 : vector<16xf32>
      %add3A_738 = arith.addf %add3A_736, %mul3A_737 : vector<16xf32>
      %add3A_739 = arith.constant 8 : i32
      %add3A_740 = vector.broadcast %add3A_739 : i32 to vector<16xi32>
      %add3A_741 = arith.addi %mul3A_669, %add3A_740 : vector<16xi32>
      tpu.vector_store_idx %arg16[%add3A_741], %add3A_738 : memref<25088xf32, #tpu.memory_space<vmem>>[vector<16xi32>], vector<16xf32>,
      %mul3A_742 = arith.mulf %add3A_606, %gather3A_619 : vector<16xf32>
      %mul3A_743 = arith.mulf %add3A_609, %gather3A_631 : vector<16xf32>
      %add3A_744 = arith.addf %mul3A_742, %mul3A_743 : vector<16xf32>
      %mul3A_745 = arith.mulf %add3A_612, %gather3A_643 : vector<16xf32>
      %add3A_746 = arith.addf %add3A_744, %mul3A_745 : vector<16xf32>
      %add3A_747 = arith.constant 9 : i32
      %add3A_748 = vector.broadcast %add3A_747 : i32 to vector<16xi32>
      %add3A_749 = arith.addi %mul3A_669, %add3A_748 : vector<16xi32>
      tpu.vector_store_idx %arg16[%add3A_749], %add3A_746 : memref<25088xf32, #tpu.memory_space<vmem>>[vector<16xi32>], vector<16xf32>,
      %mul3A_750 = arith.mulf %add3A_606, %gather3A_623 : vector<16xf32>
      %mul3A_751 = arith.mulf %add3A_609, %gather3A_635 : vector<16xf32>
      %add3A_752 = arith.addf %mul3A_750, %mul3A_751 : vector<16xf32>
      %mul3A_753 = arith.mulf %add3A_612, %gather3A_647 : vector<16xf32>
      %add3A_754 = arith.addf %add3A_752, %mul3A_753 : vector<16xf32>
      %add3A_755 = arith.constant 10 : i32
      %add3A_756 = vector.broadcast %add3A_755 : i32 to vector<16xi32>
      %add3A_757 = arith.addi %mul3A_669, %add3A_756 : vector<16xi32>
      tpu.vector_store_idx %arg16[%add3A_757], %add3A_754 : memref<25088xf32, #tpu.memory_space<vmem>>[vector<16xi32>], vector<16xf32>,
      %mul3A_758 = arith.mulf %add3A_606, %gather3A_627 : vector<16xf32>
      %mul3A_759 = arith.mulf %add3A_609, %gather3A_639 : vector<16xf32>
      %add3A_760 = arith.addf %mul3A_758, %mul3A_759 : vector<16xf32>
      %mul3A_761 = arith.mulf %add3A_612, %gather3A_651 : vector<16xf32>
      %add3A_762 = arith.addf %add3A_760, %mul3A_761 : vector<16xf32>
      %add3A_763 = arith.constant 11 : i32
      %add3A_764 = vector.broadcast %add3A_763 : i32 to vector<16xi32>
      %add3A_765 = arith.addi %mul3A_669, %add3A_764 : vector<16xi32>
      tpu.vector_store_idx %arg16[%add3A_765], %add3A_762 : memref<25088xf32, #tpu.memory_space<vmem>>[vector<16xi32>], vector<16xf32>,
      %mul3A_766 = arith.mulf %gather3A_658, %gather3A_619 : vector<16xf32>
      %mul3A_767 = arith.mulf %gather3A_662, %gather3A_631 : vector<16xf32>
      %add3A_768 = arith.addf %mul3A_766, %mul3A_767 : vector<16xf32>
      %mul3A_769 = arith.mulf %gather3A_666, %gather3A_643 : vector<16xf32>
      %add3A_770 = arith.addf %add3A_768, %mul3A_769 : vector<16xf32>
      %add3A_771 = arith.constant 12 : i32
      %add3A_772 = vector.broadcast %add3A_771 : i32 to vector<16xi32>
      %add3A_773 = arith.addi %mul3A_669, %add3A_772 : vector<16xi32>
      tpu.vector_store_idx %arg16[%add3A_773], %add3A_770 : memref<25088xf32, #tpu.memory_space<vmem>>[vector<16xi32>], vector<16xf32>,
      %mul3A_774 = arith.mulf %gather3A_658, %gather3A_623 : vector<16xf32>
      %mul3A_775 = arith.mulf %gather3A_662, %gather3A_635 : vector<16xf32>
      %add3A_776 = arith.addf %mul3A_774, %mul3A_775 : vector<16xf32>
      %mul3A_777 = arith.mulf %gather3A_666, %gather3A_647 : vector<16xf32>
      %add3A_778 = arith.addf %add3A_776, %mul3A_777 : vector<16xf32>
      %add3A_779 = arith.constant 13 : i32
      %add3A_780 = vector.broadcast %add3A_779 : i32 to vector<16xi32>
      %add3A_781 = arith.addi %mul3A_669, %add3A_780 : vector<16xi32>
      tpu.vector_store_idx %arg16[%add3A_781], %add3A_778 : memref<25088xf32, #tpu.memory_space<vmem>>[vector<16xi32>], vector<16xf32>,
      %mul3A_782 = arith.mulf %gather3A_658, %gather3A_627 : vector<16xf32>
      %mul3A_783 = arith.mulf %gather3A_662, %gather3A_639 : vector<16xf32>
      %add3A_784 = arith.addf %mul3A_782, %mul3A_783 : vector<16xf32>
      %mul3A_785 = arith.mulf %gather3A_666, %gather3A_651 : vector<16xf32>
      %add3A_786 = arith.addf %add3A_784, %mul3A_785 : vector<16xf32>
      %add3A_787 = arith.constant 14 : i32
      %add3A_788 = vector.broadcast %add3A_787 : i32 to vector<16xi32>
      %add3A_789 = arith.addi %mul3A_669, %add3A_788 : vector<16xi32>
      tpu.vector_store_idx %arg16[%add3A_789], %add3A_786 : memref<25088xf32, #tpu.memory_space<vmem>>[vector<16xi32>], vector<16xf32>,
      %add3A_790 = arith.constant 15 : i32
      %add3A_791 = vector.broadcast %add3A_790 : i32 to vector<16xi32>
      %add3A_792 = arith.addi %mul3A_669, %add3A_791 : vector<16xi32>
      tpu.vector_store_idx %arg16[%add3A_792], %gather3A_619 : memref<25088xf32, #tpu.memory_space<vmem>>[vector<16xi32>], vector<16xf32>,
      %add3A_793 = arith.constant 16 : i32
      %add3A_794 = vector.broadcast %add3A_793 : i32 to vector<16xi32>
      %add3A_795 = arith.addi %mul3A_669, %add3A_794 : vector<16xi32>
      tpu.vector_store_idx %arg16[%add3A_795], %gather3A_623 : memref<25088xf32, #tpu.memory_space<vmem>>[vector<16xi32>], vector<16xf32>,
      %add3A_796 = arith.constant 17 : i32
      %add3A_797 = vector.broadcast %add3A_796 : i32 to vector<16xi32>
      %add3A_798 = arith.addi %mul3A_669, %add3A_797 : vector<16xi32>
      tpu.vector_store_idx %arg16[%add3A_798], %gather3A_627 : memref<25088xf32, #tpu.memory_space<vmem>>[vector<16xi32>], vector<16xf32>,
      %add3A_799 = arith.constant 18 : i32
      %add3A_800 = vector.broadcast %add3A_799 : i32 to vector<16xi32>
      %add3A_801 = arith.addi %mul3A_669, %add3A_800 : vector<16xi32>
      tpu.vector_store_idx %arg16[%add3A_801], %gather3A_631 : memref<25088xf32, #tpu.memory_space<vmem>>[vector<16xi32>], vector<16xf32>,
      %add3A_802 = arith.constant 19 : i32
      %add3A_803 = vector.broadcast %add3A_802 : i32 to vector<16xi32>
      %add3A_804 = arith.addi %mul3A_669, %add3A_803 : vector<16xi32>
      tpu.vector_store_idx %arg16[%add3A_804], %gather3A_635 : memref<25088xf32, #tpu.memory_space<vmem>>[vector<16xi32>], vector<16xf32>,
      %add3A_805 = arith.constant 20 : i32
      %add3A_806 = vector.broadcast %add3A_805 : i32 to vector<16xi32>
      %add3A_807 = arith.addi %mul3A_669, %add3A_806 : vector<16xi32>
      tpu.vector_store_idx %arg16[%add3A_807], %gather3A_639 : memref<25088xf32, #tpu.memory_space<vmem>>[vector<16xi32>], vector<16xf32>,
      %add3A_808 = arith.constant 21 : i32
      %add3A_809 = vector.broadcast %add3A_808 : i32 to vector<16xi32>
      %add3A_810 = arith.addi %mul3A_669, %add3A_809 : vector<16xi32>
      tpu.vector_store_idx %arg16[%add3A_810], %gather3A_643 : memref<25088xf32, #tpu.memory_space<vmem>>[vector<16xi32>], vector<16xf32>,
      %add3A_811 = arith.constant 22 : i32
      %add3A_812 = vector.broadcast %add3A_811 : i32 to vector<16xi32>
      %add3A_813 = arith.addi %mul3A_669, %add3A_812 : vector<16xi32>
      tpu.vector_store_idx %arg16[%add3A_813], %gather3A_647 : memref<25088xf32, #tpu.memory_space<vmem>>[vector<16xi32>], vector<16xf32>,
      %add3A_814 = arith.constant 23 : i32
      %add3A_815 = vector.broadcast %add3A_814 : i32 to vector<16xi32>
      %add3A_816 = arith.addi %mul3A_669, %add3A_815 : vector<16xi32>
      tpu.vector_store_idx %arg16[%add3A_816], %gather3A_651 : memref<25088xf32, #tpu.memory_space<vmem>>[vector<16xi32>], vector<16xf32>,
      %add3A_817 = arith.constant 24 : i32
      %add3A_818 = vector.broadcast %add3A_817 : i32 to vector<16xi32>
      %add3A_819 = arith.addi %mul3A_669, %add3A_818 : vector<16xi32>
      tpu.vector_store_idx %arg16[%add3A_819], %gather3A_658 : memref<25088xf32, #tpu.memory_space<vmem>>[vector<16xi32>], vector<16xf32>,
      %add3A_820 = arith.constant 25 : i32
      %add3A_821 = vector.broadcast %add3A_820 : i32 to vector<16xi32>
      %add3A_822 = arith.addi %mul3A_669, %add3A_821 : vector<16xi32>
      tpu.vector_store_idx %arg16[%add3A_822], %gather3A_662 : memref<25088xf32, #tpu.memory_space<vmem>>[vector<16xi32>], vector<16xf32>,
      %add3A_823 = arith.constant 26 : i32
      %add3A_824 = vector.broadcast %add3A_823 : i32 to vector<16xi32>
      %add3A_825 = arith.addi %mul3A_669, %add3A_824 : vector<16xi32>
      tpu.vector_store_idx %arg16[%add3A_825], %gather3A_666 : memref<25088xf32, #tpu.memory_space<vmem>>[vector<16xi32>], vector<16xf32>,
      %broadcast_in_dim3A_826 = arith.constant 0.000000e+00 : f32
      %broadcast_in_dim3A_827 = vector.broadcast %broadcast_in_dim3A_826 : f32 to vector<16xf32>
      %add3A_828 = arith.constant 27 : i32
      %add3A_829 = vector.broadcast %add3A_828 : i32 to vector<16xi32>
      %add3A_830 = arith.addi %mul3A_669, %add3A_829 : vector<16xi32>
      tpu.vector_store_idx %arg16[%add3A_830], %broadcast_in_dim3A_827 : memref<25088xf32, #tpu.memory_space<vmem>>[vector<16xi32>], vector<16xf32>,
      %add3A_831 = arith.constant 28 : i32
      %add3A_832 = vector.broadcast %add3A_831 : i32 to vector<16xi32>
      %add3A_833 = arith.addi %mul3A_669, %add3A_832 : vector<16xi32>
      tpu.vector_store_idx %arg16[%add3A_833], %broadcast_in_dim3A_827 : memref<25088xf32, #tpu.memory_space<vmem>>[vector<16xi32>], vector<16xf32>,
      %add3A_834 = arith.constant 29 : i32
      %add3A_835 = vector.broadcast %add3A_834 : i32 to vector<16xi32>
      %add3A_836 = arith.addi %mul3A_669, %add3A_835 : vector<16xi32>
      tpu.vector_store_idx %arg16[%add3A_836], %broadcast_in_dim3A_827 : memref<25088xf32, #tpu.memory_space<vmem>>[vector<16xi32>], vector<16xf32>,
      %add3A_837 = arith.constant 30 : i32
      %add3A_838 = vector.broadcast %add3A_837 : i32 to vector<16xi32>
      %add3A_839 = arith.addi %mul3A_669, %add3A_838 : vector<16xi32>
      tpu.vector_store_idx %arg16[%add3A_839], %broadcast_in_dim3A_827 : memref<25088xf32, #tpu.memory_space<vmem>>[vector<16xi32>], vector<16xf32>,
      %add3A_840 = arith.constant 31 : i32
      %add3A_841 = vector.broadcast %add3A_840 : i32 to vector<16xi32>
      %add3A_842 = arith.addi %mul3A_669, %add3A_841 : vector<16xi32>
      tpu.vector_store_idx %arg16[%add3A_842], %broadcast_in_dim3A_827 : memref<25088xf32, #tpu.memory_space<vmem>>[vector<16xi32>], vector<16xf32>,
    }
    %scan3A_96 = arith.constant 49 : i32
    %mul3A_97 = arith.constant 32 : i32
    %mul3A_98 = arith.muli %add3A_84, %mul3A_97 : i32
    "tpu.region"() ({
      %run_scoped3A = tpu.sem_alloc : memref<!tpu.dma_semaphore, #tpu.memory_space<semaphore_mem>>
      %dma_start3A = tpu.memref_slice %arg10[%mul3A_98] : memref<1605632xf32, #tpu.memory_space<hbm>> -> memref<25088xf32, #tpu.memory_space<hbm>>
      %dma_start3A_199 = tpu.memref_slice %arg10[%mul3A_98] : memref<1605632xf32, #tpu.memory_space<hbm>> -> memref<25088xf32, #tpu.memory_space<hbm>>
      tpu.enqueue_dma source(%arg16 : memref<25088xf32, #tpu.memory_space<vmem>>) target(%dma_start3A_199 : memref<25088xf32, #tpu.memory_space<hbm>>) target_semaphore(%run_scoped3A : memref<!tpu.dma_semaphore, #tpu.memory_space<semaphore_mem>>)
      %dma_wait3A = tpu.memref_slice %arg10[%mul3A_98] : memref<1605632xf32, #tpu.memory_space<hbm>> -> memref<25088xf32, #tpu.memory_space<hbm>>
      %dma_wait3A_200 = tpu.memref_slice %arg10[%mul3A_98] : memref<1605632xf32, #tpu.memory_space<hbm>> -> memref<25088xf32, #tpu.memory_space<hbm>>
      tpu.wait_dma2 semaphore(%run_scoped3A : memref<!tpu.dma_semaphore, #tpu.memory_space<semaphore_mem>>) src(%arg16 : memref<25088xf32, #tpu.memory_space<vmem>>) dst(%dma_wait3A_200 : memref<25088xf32, #tpu.memory_space<hbm>>)
      tpu.yield
    }) : () -> ()
    "tpu.region"() ({
      %run_scoped3A = tpu.sem_alloc : memref<!tpu.dma_semaphore, #tpu.memory_space<semaphore_mem>>
      tpu.enqueue_dma source(%arg9 : memref<32xf32, #tpu.memory_space<hbm>>) target(%arg15 : memref<32xf32, #tpu.memory_space<vmem>>) target_semaphore(%run_scoped3A : memref<!tpu.dma_semaphore, #tpu.memory_space<semaphore_mem>>)
      tpu.wait_dma2 semaphore(%run_scoped3A : memref<!tpu.dma_semaphore, #tpu.memory_space<semaphore_mem>>) src(%arg9 : memref<32xf32, #tpu.memory_space<hbm>>) dst(%arg15 : memref<32xf32, #tpu.memory_space<vmem>>)
      tpu.yield
    }) : () -> ()
    %get3A_99 = arith.constant 0 : index
    %get3A_100 = tpu.vector_load %arg15[%get3A_99] {strides = array<i32>} : memref<32xf32, #tpu.memory_space<vmem>>, vector<16xf32>,
    %get3A_101 = arith.constant 16 : index
    %get3A_102 = tpu.vector_load %arg15[%get3A_101] {strides = array<i32>} : memref<32xf32, #tpu.memory_space<vmem>>, vector<16xf32>,
    %slice3A_103 = vector.extract_strided_slice %get3A_100 {offsets = [0], sizes = [1], strides = [1]} : vector<16xf32> to vector<1xf32>
    %squeeze3A_104 = vector.extract %slice3A_103[0] : f32 from vector<1xf32>
    %slice3A_105 = vector.extract_strided_slice %get3A_100 {offsets = [1], sizes = [1], strides = [1]} : vector<16xf32> to vector<1xf32>
    %squeeze3A_106 = vector.extract %slice3A_105[0] : f32 from vector<1xf32>
    %slice3A_107 = vector.extract_strided_slice %get3A_100 {offsets = [2], sizes = [1], strides = [1]} : vector<16xf32> to vector<1xf32>
    %squeeze3A_108 = vector.extract %slice3A_107[0] : f32 from vector<1xf32>
    %slice3A_109 = vector.extract_strided_slice %get3A_100 {offsets = [3], sizes = [1], strides = [1]} : vector<16xf32> to vector<1xf32>
    %squeeze3A_110 = vector.extract %slice3A_109[0] : f32 from vector<1xf32>
    %slice3A_111 = vector.extract_strided_slice %get3A_100 {offsets = [4], sizes = [1], strides = [1]} : vector<16xf32> to vector<1xf32>
    %squeeze3A_112 = vector.extract %slice3A_111[0] : f32 from vector<1xf32>
    %slice3A_113 = vector.extract_strided_slice %get3A_100 {offsets = [5], sizes = [1], strides = [1]} : vector<16xf32> to vector<1xf32>
    %squeeze3A_114 = vector.extract %slice3A_113[0] : f32 from vector<1xf32>
    %slice3A_115 = vector.extract_strided_slice %get3A_100 {offsets = [6], sizes = [1], strides = [1]} : vector<16xf32> to vector<1xf32>
    %squeeze3A_116 = vector.extract %slice3A_115[0] : f32 from vector<1xf32>
    %slice3A_117 = vector.extract_strided_slice %get3A_100 {offsets = [7], sizes = [1], strides = [1]} : vector<16xf32> to vector<1xf32>
    %squeeze3A_118 = vector.extract %slice3A_117[0] : f32 from vector<1xf32>
    %slice3A_119 = vector.extract_strided_slice %get3A_100 {offsets = [8], sizes = [1], strides = [1]} : vector<16xf32> to vector<1xf32>
    %squeeze3A_120 = vector.extract %slice3A_119[0] : f32 from vector<1xf32>
    %slice3A_121 = vector.extract_strided_slice %get3A_100 {offsets = [9], sizes = [1], strides = [1]} : vector<16xf32> to vector<1xf32>
    %squeeze3A_122 = vector.extract %slice3A_121[0] : f32 from vector<1xf32>
    %slice3A_123 = vector.extract_strided_slice %get3A_100 {offsets = [10], sizes = [1], strides = [1]} : vector<16xf32> to vector<1xf32>
    %squeeze3A_124 = vector.extract %slice3A_123[0] : f32 from vector<1xf32>
    %slice3A_125 = vector.extract_strided_slice %get3A_100 {offsets = [11], sizes = [1], strides = [1]} : vector<16xf32> to vector<1xf32>
    %squeeze3A_126 = vector.extract %slice3A_125[0] : f32 from vector<1xf32>
    %slice3A_127 = vector.extract_strided_slice %get3A_100 {offsets = [12], sizes = [1], strides = [1]} : vector<16xf32> to vector<1xf32>
    %squeeze3A_128 = vector.extract %slice3A_127[0] : f32 from vector<1xf32>
    %slice3A_129 = vector.extract_strided_slice %get3A_100 {offsets = [13], sizes = [1], strides = [1]} : vector<16xf32> to vector<1xf32>
    %squeeze3A_130 = vector.extract %slice3A_129[0] : f32 from vector<1xf32>
    %slice3A_131 = vector.extract_strided_slice %get3A_100 {offsets = [14], sizes = [1], strides = [1]} : vector<16xf32> to vector<1xf32>
    %squeeze3A_132 = vector.extract %slice3A_131[0] : f32 from vector<1xf32>
    %slice3A_133 = vector.extract_strided_slice %get3A_100 {offsets = [15], sizes = [1], strides = [1]} : vector<16xf32> to vector<1xf32>
    %squeeze3A_134 = vector.extract %slice3A_133[0] : f32 from vector<1xf32>
    %slice3A_135 = vector.extract_strided_slice %get3A_102 {offsets = [0], sizes = [1], strides = [1]} : vector<16xf32> to vector<1xf32>
    %squeeze3A_136 = vector.extract %slice3A_135[0] : f32 from vector<1xf32>
    %slice3A_137 = vector.extract_strided_slice %get3A_102 {offsets = [1], sizes = [1], strides = [1]} : vector<16xf32> to vector<1xf32>
    %squeeze3A_138 = vector.extract %slice3A_137[0] : f32 from vector<1xf32>
    %slice3A_139 = vector.extract_strided_slice %get3A_102 {offsets = [2], sizes = [1], strides = [1]} : vector<16xf32> to vector<1xf32>
    %squeeze3A_140 = vector.extract %slice3A_139[0] : f32 from vector<1xf32>
    %slice3A_141 = vector.extract_strided_slice %get3A_102 {offsets = [3], sizes = [1], strides = [1]} : vector<16xf32> to vector<1xf32>
    %squeeze3A_142 = vector.extract %slice3A_141[0] : f32 from vector<1xf32>
    %slice3A_143 = vector.extract_strided_slice %get3A_102 {offsets = [4], sizes = [1], strides = [1]} : vector<16xf32> to vector<1xf32>
    %squeeze3A_144 = vector.extract %slice3A_143[0] : f32 from vector<1xf32>
    %slice3A_145 = vector.extract_strided_slice %get3A_102 {offsets = [5], sizes = [1], strides = [1]} : vector<16xf32> to vector<1xf32>
    %squeeze3A_146 = vector.extract %slice3A_145[0] : f32 from vector<1xf32>
    %slice3A_147 = vector.extract_strided_slice %get3A_102 {offsets = [6], sizes = [1], strides = [1]} : vector<16xf32> to vector<1xf32>
    %squeeze3A_148 = vector.extract %slice3A_147[0] : f32 from vector<1xf32>
    %slice3A_149 = vector.extract_strided_slice %get3A_102 {offsets = [7], sizes = [1], strides = [1]} : vector<16xf32> to vector<1xf32>
    %squeeze3A_150 = vector.extract %slice3A_149[0] : f32 from vector<1xf32>
    %slice3A_151 = vector.extract_strided_slice %get3A_102 {offsets = [8], sizes = [1], strides = [1]} : vector<16xf32> to vector<1xf32>
    %squeeze3A_152 = vector.extract %slice3A_151[0] : f32 from vector<1xf32>
    %slice3A_153 = vector.extract_strided_slice %get3A_102 {offsets = [9], sizes = [1], strides = [1]} : vector<16xf32> to vector<1xf32>
    %squeeze3A_154 = vector.extract %slice3A_153[0] : f32 from vector<1xf32>
    %slice3A_155 = vector.extract_strided_slice %get3A_102 {offsets = [10], sizes = [1], strides = [1]} : vector<16xf32> to vector<1xf32>
    %squeeze3A_156 = vector.extract %slice3A_155[0] : f32 from vector<1xf32>
    %slice3A_157 = vector.extract_strided_slice %get3A_102 {offsets = [11], sizes = [1], strides = [1]} : vector<16xf32> to vector<1xf32>
    %squeeze3A_158 = vector.extract %slice3A_157[0] : f32 from vector<1xf32>
    %slice3A_159 = vector.extract_strided_slice %get3A_102 {offsets = [12], sizes = [1], strides = [1]} : vector<16xf32> to vector<1xf32>
    %squeeze3A_160 = vector.extract %slice3A_159[0] : f32 from vector<1xf32>
    %slice3A_161 = vector.extract_strided_slice %get3A_102 {offsets = [13], sizes = [1], strides = [1]} : vector<16xf32> to vector<1xf32>
    %squeeze3A_162 = vector.extract %slice3A_161[0] : f32 from vector<1xf32>
    %slice3A_163 = vector.extract_strided_slice %get3A_102 {offsets = [14], sizes = [1], strides = [1]} : vector<16xf32> to vector<1xf32>
    %squeeze3A_164 = vector.extract %slice3A_163[0] : f32 from vector<1xf32>
    %slice3A_165 = vector.extract_strided_slice %get3A_102 {offsets = [15], sizes = [1], strides = [1]} : vector<16xf32> to vector<1xf32>
    %squeeze3A_166 = vector.extract %slice3A_165[0] : f32 from vector<1xf32>
    %add3A_167 = arith.constant 0 : i32
    %add3A_168 = arith.addi %mul3A_2, %add3A_167 : i32
    %mul3A_169 = arith.constant 24 : i32
    %mul3A_170 = arith.muli %add3A_168, %mul3A_169 : i32
    "tpu.region"() ({
      %run_scoped3A = tpu.sem_alloc : memref<!tpu.dma_semaphore, #tpu.memory_space<semaphore_mem>>
      %dma_start3A = tpu.memref_slice %arg5[%mul3A_170] : memref<1204224xf32, #tpu.memory_space<hbm>> -> memref<18816xf32, #tpu.memory_space<hbm>>
      %dma_start3A_199 = tpu.memref_slice %arg5[%mul3A_170] : memref<1204224xf32, #tpu.memory_space<hbm>> -> memref<18816xf32, #tpu.memory_space<hbm>>
      tpu.enqueue_dma source(%dma_start3A_199 : memref<18816xf32, #tpu.memory_space<hbm>>) target(%arg12 : memref<18816xf32, #tpu.memory_space<vmem>>) target_semaphore(%run_scoped3A : memref<!tpu.dma_semaphore, #tpu.memory_space<semaphore_mem>>)
      %dma_wait3A = tpu.memref_slice %arg5[%mul3A_170] : memref<1204224xf32, #tpu.memory_space<hbm>> -> memref<18816xf32, #tpu.memory_space<hbm>>
      %dma_wait3A_200 = tpu.memref_slice %arg5[%mul3A_170] : memref<1204224xf32, #tpu.memory_space<hbm>> -> memref<18816xf32, #tpu.memory_space<hbm>>
      tpu.wait_dma2 semaphore(%run_scoped3A : memref<!tpu.dma_semaphore, #tpu.memory_space<semaphore_mem>>) src(%dma_wait3A_200 : memref<18816xf32, #tpu.memory_space<hbm>>) dst(%arg12 : memref<18816xf32, #tpu.memory_space<vmem>>)
      tpu.yield
    }) : () -> ()
    %mul3A_171 = arith.constant 9 : i32
    %mul3A_172 = arith.muli %add3A_168, %mul3A_171 : i32
    "tpu.region"() ({
      %run_scoped3A = tpu.sem_alloc : memref<!tpu.dma_semaphore, #tpu.memory_space<semaphore_mem>>
      %dma_start3A = tpu.memref_slice %arg6[%mul3A_172] : memref<451584xf32, #tpu.memory_space<hbm>> -> memref<7056xf32, #tpu.memory_space<hbm>>
      %dma_start3A_199 = tpu.memref_slice %arg6[%mul3A_172] : memref<451584xf32, #tpu.memory_space<hbm>> -> memref<7056xf32, #tpu.memory_space<hbm>>
      tpu.enqueue_dma source(%dma_start3A_199 : memref<7056xf32, #tpu.memory_space<hbm>>) target(%arg13 : memref<7056xf32, #tpu.memory_space<vmem>>) target_semaphore(%run_scoped3A : memref<!tpu.dma_semaphore, #tpu.memory_space<semaphore_mem>>)
      %dma_wait3A = tpu.memref_slice %arg6[%mul3A_172] : memref<451584xf32, #tpu.memory_space<hbm>> -> memref<7056xf32, #tpu.memory_space<hbm>>
      %dma_wait3A_200 = tpu.memref_slice %arg6[%mul3A_172] : memref<451584xf32, #tpu.memory_space<hbm>> -> memref<7056xf32, #tpu.memory_space<hbm>>
      tpu.wait_dma2 semaphore(%run_scoped3A : memref<!tpu.dma_semaphore, #tpu.memory_space<semaphore_mem>>) src(%dma_wait3A_200 : memref<7056xf32, #tpu.memory_space<hbm>>) dst(%arg13 : memref<7056xf32, #tpu.memory_space<vmem>>)
      tpu.yield
    }) : () -> ()
    %mul3A_173 = arith.constant 3 : i32
    %mul3A_174 = arith.muli %add3A_168, %mul3A_173 : i32
    "tpu.region"() ({
      %run_scoped3A = tpu.sem_alloc : memref<!tpu.dma_semaphore, #tpu.memory_space<semaphore_mem>>
      %dma_start3A = tpu.memref_slice %arg7[%mul3A_174] : memref<150528xf32, #tpu.memory_space<hbm>> -> memref<2352xf32, #tpu.memory_space<hbm>>
      %dma_start3A_199 = tpu.memref_slice %arg7[%mul3A_174] : memref<150528xf32, #tpu.memory_space<hbm>> -> memref<2352xf32, #tpu.memory_space<hbm>>
      tpu.enqueue_dma source(%dma_start3A_199 : memref<2352xf32, #tpu.memory_space<hbm>>) target(%arg14 : memref<2352xf32, #tpu.memory_space<vmem>>) target_semaphore(%run_scoped3A : memref<!tpu.dma_semaphore, #tpu.memory_space<semaphore_mem>>)
      %dma_wait3A = tpu.memref_slice %arg7[%mul3A_174] : memref<150528xf32, #tpu.memory_space<hbm>> -> memref<2352xf32, #tpu.memory_space<hbm>>
      %dma_wait3A_200 = tpu.memref_slice %arg7[%mul3A_174] : memref<150528xf32, #tpu.memory_space<hbm>> -> memref<2352xf32, #tpu.memory_space<hbm>>
      tpu.wait_dma2 semaphore(%run_scoped3A : memref<!tpu.dma_semaphore, #tpu.memory_space<semaphore_mem>>) src(%dma_wait3A_200 : memref<2352xf32, #tpu.memory_space<hbm>>) dst(%arg14 : memref<2352xf32, #tpu.memory_space<vmem>>)
      tpu.yield
    }) : () -> ()
    %scan3A_175 = arith.constant 0 : i32
    %scan3A_176 = arith.constant 0 : i32
    %scan3A_177 = arith.constant 49 : i32
    %scan3A_178 = arith.addi %scan3A_176, %scan3A_177 : i32
    %scan3A_179 = arith.constant 1 : i32
    scf.for %scan3A_199 = %scan3A_176 to %scan3A_178 step %scan3A_179  : i32 {
      %mul3A_200 = arith.constant 16 : i32
      %mul3A_201 = arith.muli %scan3A_199, %mul3A_200 : i32
      %iota3A = tpu.iota {dimensions = array<i32: 0>} : vector<16xi32>
      %add3A_202 = vector.broadcast %mul3A_201 : i32 to vector<16xi32>
      %add3A_203 = arith.addi %add3A_202, %iota3A : vector<16xi32>
      %mul3A_204 = arith.constant 24 : i32
      %mul3A_205 = vector.broadcast %mul3A_204 : i32 to vector<16xi32>
      %mul3A_206 = arith.muli %add3A_203, %mul3A_205 : vector<16xi32>
      %add3A_207 = arith.constant 0 : i32
      %add3A_208 = vector.broadcast %add3A_207 : i32 to vector<16xi32>
      %add3A_209 = arith.addi %mul3A_206, %add3A_208 : vector<16xi32>
      %gather3A = tpu.vector_load_idx %arg12[%add3A_209] : memref<18816xf32, #tpu.memory_space<vmem>>[vector<16xi32>], vector<16xf32>,
      %add3A_210 = arith.constant 1 : i32
      %add3A_211 = vector.broadcast %add3A_210 : i32 to vector<16xi32>
      %add3A_212 = arith.addi %mul3A_206, %add3A_211 : vector<16xi32>
      %gather3A_213 = tpu.vector_load_idx %arg12[%add3A_212] : memref<18816xf32, #tpu.memory_space<vmem>>[vector<16xi32>], vector<16xf32>,
      %add3A_214 = arith.constant 2 : i32
      %add3A_215 = vector.broadcast %add3A_214 : i32 to vector<16xi32>
      %add3A_216 = arith.addi %mul3A_206, %add3A_215 : vector<16xi32>
      %gather3A_217 = tpu.vector_load_idx %arg12[%add3A_216] : memref<18816xf32, #tpu.memory_space<vmem>>[vector<16xi32>], vector<16xf32>,
      %add3A_218 = arith.constant 3 : i32
      %add3A_219 = vector.broadcast %add3A_218 : i32 to vector<16xi32>
      %add3A_220 = arith.addi %mul3A_206, %add3A_219 : vector<16xi32>
      %gather3A_221 = tpu.vector_load_idx %arg12[%add3A_220] : memref<18816xf32, #tpu.memory_space<vmem>>[vector<16xi32>], vector<16xf32>,
      %add3A_222 = arith.constant 4 : i32
      %add3A_223 = vector.broadcast %add3A_222 : i32 to vector<16xi32>
      %add3A_224 = arith.addi %mul3A_206, %add3A_223 : vector<16xi32>
      %gather3A_225 = tpu.vector_load_idx %arg12[%add3A_224] : memref<18816xf32, #tpu.memory_space<vmem>>[vector<16xi32>], vector<16xf32>,
      %add3A_226 = arith.constant 5 : i32
      %add3A_227 = vector.broadcast %add3A_226 : i32 to vector<16xi32>
      %add3A_228 = arith.addi %mul3A_206, %add3A_227 : vector<16xi32>
      %gather3A_229 = tpu.vector_load_idx %arg12[%add3A_228] : memref<18816xf32, #tpu.memory_space<vmem>>[vector<16xi32>], vector<16xf32>,
      %add3A_230 = arith.constant 6 : i32
      %add3A_231 = vector.broadcast %add3A_230 : i32 to vector<16xi32>
      %add3A_232 = arith.addi %mul3A_206, %add3A_231 : vector<16xi32>
      %gather3A_233 = tpu.vector_load_idx %arg12[%add3A_232] : memref<18816xf32, #tpu.memory_space<vmem>>[vector<16xi32>], vector<16xf32>,
      %add3A_234 = arith.constant 7 : i32
      %add3A_235 = vector.broadcast %add3A_234 : i32 to vector<16xi32>
      %add3A_236 = arith.addi %mul3A_206, %add3A_235 : vector<16xi32>
      %gather3A_237 = tpu.vector_load_idx %arg12[%add3A_236] : memref<18816xf32, #tpu.memory_space<vmem>>[vector<16xi32>], vector<16xf32>,
      %add3A_238 = arith.constant 8 : i32
      %add3A_239 = vector.broadcast %add3A_238 : i32 to vector<16xi32>
      %add3A_240 = arith.addi %mul3A_206, %add3A_239 : vector<16xi32>
      %gather3A_241 = tpu.vector_load_idx %arg12[%add3A_240] : memref<18816xf32, #tpu.memory_space<vmem>>[vector<16xi32>], vector<16xf32>,
      %add3A_242 = arith.constant 9 : i32
      %add3A_243 = vector.broadcast %add3A_242 : i32 to vector<16xi32>
      %add3A_244 = arith.addi %mul3A_206, %add3A_243 : vector<16xi32>
      %gather3A_245 = tpu.vector_load_idx %arg12[%add3A_244] : memref<18816xf32, #tpu.memory_space<vmem>>[vector<16xi32>], vector<16xf32>,
      %add3A_246 = arith.constant 10 : i32
      %add3A_247 = vector.broadcast %add3A_246 : i32 to vector<16xi32>
      %add3A_248 = arith.addi %mul3A_206, %add3A_247 : vector<16xi32>
      %gather3A_249 = tpu.vector_load_idx %arg12[%add3A_248] : memref<18816xf32, #tpu.memory_space<vmem>>[vector<16xi32>], vector<16xf32>,
      %add3A_250 = arith.constant 11 : i32
      %add3A_251 = vector.broadcast %add3A_250 : i32 to vector<16xi32>
      %add3A_252 = arith.addi %mul3A_206, %add3A_251 : vector<16xi32>
      %gather3A_253 = tpu.vector_load_idx %arg12[%add3A_252] : memref<18816xf32, #tpu.memory_space<vmem>>[vector<16xi32>], vector<16xf32>,
      %add3A_254 = arith.constant 12 : i32
      %add3A_255 = vector.broadcast %add3A_254 : i32 to vector<16xi32>
      %add3A_256 = arith.addi %mul3A_206, %add3A_255 : vector<16xi32>
      %gather3A_257 = tpu.vector_load_idx %arg12[%add3A_256] : memref<18816xf32, #tpu.memory_space<vmem>>[vector<16xi32>], vector<16xf32>,
      %add3A_258 = arith.constant 13 : i32
      %add3A_259 = vector.broadcast %add3A_258 : i32 to vector<16xi32>
      %add3A_260 = arith.addi %mul3A_206, %add3A_259 : vector<16xi32>
      %gather3A_261 = tpu.vector_load_idx %arg12[%add3A_260] : memref<18816xf32, #tpu.memory_space<vmem>>[vector<16xi32>], vector<16xf32>,
      %add3A_262 = arith.constant 14 : i32
      %add3A_263 = vector.broadcast %add3A_262 : i32 to vector<16xi32>
      %add3A_264 = arith.addi %mul3A_206, %add3A_263 : vector<16xi32>
      %gather3A_265 = tpu.vector_load_idx %arg12[%add3A_264] : memref<18816xf32, #tpu.memory_space<vmem>>[vector<16xi32>], vector<16xf32>,
      %add3A_266 = arith.constant 15 : i32
      %add3A_267 = vector.broadcast %add3A_266 : i32 to vector<16xi32>
      %add3A_268 = arith.addi %mul3A_206, %add3A_267 : vector<16xi32>
      %gather3A_269 = tpu.vector_load_idx %arg12[%add3A_268] : memref<18816xf32, #tpu.memory_space<vmem>>[vector<16xi32>], vector<16xf32>,
      %add3A_270 = arith.constant 16 : i32
      %add3A_271 = vector.broadcast %add3A_270 : i32 to vector<16xi32>
      %add3A_272 = arith.addi %mul3A_206, %add3A_271 : vector<16xi32>
      %gather3A_273 = tpu.vector_load_idx %arg12[%add3A_272] : memref<18816xf32, #tpu.memory_space<vmem>>[vector<16xi32>], vector<16xf32>,
      %add3A_274 = arith.constant 17 : i32
      %add3A_275 = vector.broadcast %add3A_274 : i32 to vector<16xi32>
      %add3A_276 = arith.addi %mul3A_206, %add3A_275 : vector<16xi32>
      %gather3A_277 = tpu.vector_load_idx %arg12[%add3A_276] : memref<18816xf32, #tpu.memory_space<vmem>>[vector<16xi32>], vector<16xf32>,
      %add3A_278 = arith.constant 18 : i32
      %add3A_279 = vector.broadcast %add3A_278 : i32 to vector<16xi32>
      %add3A_280 = arith.addi %mul3A_206, %add3A_279 : vector<16xi32>
      %gather3A_281 = tpu.vector_load_idx %arg12[%add3A_280] : memref<18816xf32, #tpu.memory_space<vmem>>[vector<16xi32>], vector<16xf32>,
      %add3A_282 = arith.constant 19 : i32
      %add3A_283 = vector.broadcast %add3A_282 : i32 to vector<16xi32>
      %add3A_284 = arith.addi %mul3A_206, %add3A_283 : vector<16xi32>
      %gather3A_285 = tpu.vector_load_idx %arg12[%add3A_284] : memref<18816xf32, #tpu.memory_space<vmem>>[vector<16xi32>], vector<16xf32>,
      %add3A_286 = arith.constant 20 : i32
      %add3A_287 = vector.broadcast %add3A_286 : i32 to vector<16xi32>
      %add3A_288 = arith.addi %mul3A_206, %add3A_287 : vector<16xi32>
      %gather3A_289 = tpu.vector_load_idx %arg12[%add3A_288] : memref<18816xf32, #tpu.memory_space<vmem>>[vector<16xi32>], vector<16xf32>,
      %add3A_290 = arith.constant 21 : i32
      %add3A_291 = vector.broadcast %add3A_290 : i32 to vector<16xi32>
      %add3A_292 = arith.addi %mul3A_206, %add3A_291 : vector<16xi32>
      %gather3A_293 = tpu.vector_load_idx %arg12[%add3A_292] : memref<18816xf32, #tpu.memory_space<vmem>>[vector<16xi32>], vector<16xf32>,
      %add3A_294 = arith.constant 22 : i32
      %add3A_295 = vector.broadcast %add3A_294 : i32 to vector<16xi32>
      %add3A_296 = arith.addi %mul3A_206, %add3A_295 : vector<16xi32>
      %gather3A_297 = tpu.vector_load_idx %arg12[%add3A_296] : memref<18816xf32, #tpu.memory_space<vmem>>[vector<16xi32>], vector<16xf32>,
      %add3A_298 = arith.constant 23 : i32
      %add3A_299 = vector.broadcast %add3A_298 : i32 to vector<16xi32>
      %add3A_300 = arith.addi %mul3A_206, %add3A_299 : vector<16xi32>
      %gather3A_301 = tpu.vector_load_idx %arg12[%add3A_300] : memref<18816xf32, #tpu.memory_space<vmem>>[vector<16xi32>], vector<16xf32>,
      %broadcast_in_dim3A = arith.constant 0.000000e+00 : f32
      %broadcast_in_dim3A_302 = vector.broadcast %broadcast_in_dim3A : f32 to vector<16xf32>
      %broadcast_in_dim3A_303 = arith.constant 0.000000e+00 : f32
      %broadcast_in_dim3A_304 = vector.broadcast %broadcast_in_dim3A_303 : f32 to vector<16xf32>
      %broadcast_in_dim3A_305 = arith.constant 0.000000e+00 : f32
      %broadcast_in_dim3A_306 = vector.broadcast %broadcast_in_dim3A_305 : f32 to vector<16xf32>
      %broadcast_in_dim3A_307 = arith.constant 0.000000e+00 : f32
      %broadcast_in_dim3A_308 = vector.broadcast %broadcast_in_dim3A_307 : f32 to vector<16xf32>
      %broadcast_in_dim3A_309 = arith.constant 0.000000e+00 : f32
      %broadcast_in_dim3A_310 = vector.broadcast %broadcast_in_dim3A_309 : f32 to vector<16xf32>
      %broadcast_in_dim3A_311 = arith.constant 0.000000e+00 : f32
      %broadcast_in_dim3A_312 = vector.broadcast %broadcast_in_dim3A_311 : f32 to vector<16xf32>
      %broadcast_in_dim3A_313 = arith.constant 0.000000e+00 : f32
      %broadcast_in_dim3A_314 = vector.broadcast %broadcast_in_dim3A_313 : f32 to vector<16xf32>
      %broadcast_in_dim3A_315 = arith.constant 0.000000e+00 : f32
      %broadcast_in_dim3A_316 = vector.broadcast %broadcast_in_dim3A_315 : f32 to vector<16xf32>
      %broadcast_in_dim3A_317 = arith.constant 0.000000e+00 : f32
      %broadcast_in_dim3A_318 = vector.broadcast %broadcast_in_dim3A_317 : f32 to vector<16xf32>
      %broadcast_in_dim3A_319 = arith.constant 0.000000e+00 : f32
      %broadcast_in_dim3A_320 = vector.broadcast %broadcast_in_dim3A_319 : f32 to vector<16xf32>
      %broadcast_in_dim3A_321 = arith.constant 0.000000e+00 : f32
      %broadcast_in_dim3A_322 = vector.broadcast %broadcast_in_dim3A_321 : f32 to vector<16xf32>
      %broadcast_in_dim3A_323 = arith.constant 0.000000e+00 : f32
      %broadcast_in_dim3A_324 = vector.broadcast %broadcast_in_dim3A_323 : f32 to vector<16xf32>
      %mul3A_325 = vector.broadcast %squeeze3A_104 : f32 to vector<16xf32>
      %mul3A_326 = arith.mulf %mul3A_325, %gather3A : vector<16xf32>
      %add3A_327 = arith.addf %broadcast_in_dim3A_302, %mul3A_326 : vector<16xf32>
      %mul3A_328 = vector.broadcast %squeeze3A_104 : f32 to vector<16xf32>
      %mul3A_329 = arith.mulf %mul3A_328, %gather3A_213 : vector<16xf32>
      %add3A_330 = arith.addf %broadcast_in_dim3A_304, %mul3A_329 : vector<16xf32>
      %mul3A_331 = vector.broadcast %squeeze3A_104 : f32 to vector<16xf32>
      %mul3A_332 = arith.mulf %mul3A_331, %gather3A_217 : vector<16xf32>
      %add3A_333 = arith.addf %broadcast_in_dim3A_306, %mul3A_332 : vector<16xf32>
      %mul3A_334 = vector.broadcast %squeeze3A_106 : f32 to vector<16xf32>
      %mul3A_335 = arith.mulf %mul3A_334, %gather3A_221 : vector<16xf32>
      %add3A_336 = arith.addf %add3A_327, %mul3A_335 : vector<16xf32>
      %mul3A_337 = vector.broadcast %squeeze3A_106 : f32 to vector<16xf32>
      %mul3A_338 = arith.mulf %mul3A_337, %gather3A_225 : vector<16xf32>
      %add3A_339 = arith.addf %add3A_330, %mul3A_338 : vector<16xf32>
      %mul3A_340 = vector.broadcast %squeeze3A_106 : f32 to vector<16xf32>
      %mul3A_341 = arith.mulf %mul3A_340, %gather3A_229 : vector<16xf32>
      %add3A_342 = arith.addf %add3A_333, %mul3A_341 : vector<16xf32>
      %mul3A_343 = vector.broadcast %squeeze3A_108 : f32 to vector<16xf32>
      %mul3A_344 = arith.mulf %mul3A_343, %gather3A_233 : vector<16xf32>
      %add3A_345 = arith.addf %add3A_336, %mul3A_344 : vector<16xf32>
      %mul3A_346 = vector.broadcast %squeeze3A_108 : f32 to vector<16xf32>
      %mul3A_347 = arith.mulf %mul3A_346, %gather3A_237 : vector<16xf32>
      %add3A_348 = arith.addf %add3A_339, %mul3A_347 : vector<16xf32>
      %mul3A_349 = vector.broadcast %squeeze3A_108 : f32 to vector<16xf32>
      %mul3A_350 = arith.mulf %mul3A_349, %gather3A_241 : vector<16xf32>
      %add3A_351 = arith.addf %add3A_342, %mul3A_350 : vector<16xf32>
      %mul3A_352 = vector.broadcast %squeeze3A_110 : f32 to vector<16xf32>
      %mul3A_353 = arith.mulf %mul3A_352, %gather3A_245 : vector<16xf32>
      %add3A_354 = arith.addf %add3A_345, %mul3A_353 : vector<16xf32>
      %mul3A_355 = vector.broadcast %squeeze3A_110 : f32 to vector<16xf32>
      %mul3A_356 = arith.mulf %mul3A_355, %gather3A_249 : vector<16xf32>
      %add3A_357 = arith.addf %add3A_348, %mul3A_356 : vector<16xf32>
      %mul3A_358 = vector.broadcast %squeeze3A_110 : f32 to vector<16xf32>
      %mul3A_359 = arith.mulf %mul3A_358, %gather3A_253 : vector<16xf32>
      %add3A_360 = arith.addf %add3A_351, %mul3A_359 : vector<16xf32>
      %mul3A_361 = vector.broadcast %squeeze3A_112 : f32 to vector<16xf32>
      %mul3A_362 = arith.mulf %mul3A_361, %gather3A_257 : vector<16xf32>
      %add3A_363 = arith.addf %add3A_354, %mul3A_362 : vector<16xf32>
      %mul3A_364 = vector.broadcast %squeeze3A_112 : f32 to vector<16xf32>
      %mul3A_365 = arith.mulf %mul3A_364, %gather3A_261 : vector<16xf32>
      %add3A_366 = arith.addf %add3A_357, %mul3A_365 : vector<16xf32>
      %mul3A_367 = vector.broadcast %squeeze3A_112 : f32 to vector<16xf32>
      %mul3A_368 = arith.mulf %mul3A_367, %gather3A_265 : vector<16xf32>
      %add3A_369 = arith.addf %add3A_360, %mul3A_368 : vector<16xf32>
      %mul3A_370 = vector.broadcast %squeeze3A_114 : f32 to vector<16xf32>
      %mul3A_371 = arith.mulf %mul3A_370, %gather3A_269 : vector<16xf32>
      %add3A_372 = arith.addf %add3A_363, %mul3A_371 : vector<16xf32>
      %mul3A_373 = vector.broadcast %squeeze3A_114 : f32 to vector<16xf32>
      %mul3A_374 = arith.mulf %mul3A_373, %gather3A_273 : vector<16xf32>
      %add3A_375 = arith.addf %add3A_366, %mul3A_374 : vector<16xf32>
      %mul3A_376 = vector.broadcast %squeeze3A_114 : f32 to vector<16xf32>
      %mul3A_377 = arith.mulf %mul3A_376, %gather3A_277 : vector<16xf32>
      %add3A_378 = arith.addf %add3A_369, %mul3A_377 : vector<16xf32>
      %mul3A_379 = vector.broadcast %squeeze3A_116 : f32 to vector<16xf32>
      %mul3A_380 = arith.mulf %mul3A_379, %gather3A_281 : vector<16xf32>
      %add3A_381 = arith.addf %add3A_372, %mul3A_380 : vector<16xf32>
      %mul3A_382 = vector.broadcast %squeeze3A_116 : f32 to vector<16xf32>
      %mul3A_383 = arith.mulf %mul3A_382, %gather3A_285 : vector<16xf32>
      %add3A_384 = arith.addf %add3A_375, %mul3A_383 : vector<16xf32>
      %mul3A_385 = vector.broadcast %squeeze3A_116 : f32 to vector<16xf32>
      %mul3A_386 = arith.mulf %mul3A_385, %gather3A_289 : vector<16xf32>
      %add3A_387 = arith.addf %add3A_378, %mul3A_386 : vector<16xf32>
      %mul3A_388 = vector.broadcast %squeeze3A_118 : f32 to vector<16xf32>
      %mul3A_389 = arith.mulf %mul3A_388, %gather3A_293 : vector<16xf32>
      %add3A_390 = arith.addf %add3A_381, %mul3A_389 : vector<16xf32>
      %mul3A_391 = vector.broadcast %squeeze3A_118 : f32 to vector<16xf32>
      %mul3A_392 = arith.mulf %mul3A_391, %gather3A_297 : vector<16xf32>
      %add3A_393 = arith.addf %add3A_384, %mul3A_392 : vector<16xf32>
      %mul3A_394 = vector.broadcast %squeeze3A_118 : f32 to vector<16xf32>
      %mul3A_395 = arith.mulf %mul3A_394, %gather3A_301 : vector<16xf32>
      %add3A_396 = arith.addf %add3A_387, %mul3A_395 : vector<16xf32>
      %mul3A_397 = vector.broadcast %squeeze3A_120 : f32 to vector<16xf32>
      %mul3A_398 = arith.mulf %mul3A_397, %gather3A : vector<16xf32>
      %add3A_399 = arith.addf %broadcast_in_dim3A_308, %mul3A_398 : vector<16xf32>
      %mul3A_400 = vector.broadcast %squeeze3A_120 : f32 to vector<16xf32>
      %mul3A_401 = arith.mulf %mul3A_400, %gather3A_213 : vector<16xf32>
      %add3A_402 = arith.addf %broadcast_in_dim3A_310, %mul3A_401 : vector<16xf32>
      %mul3A_403 = vector.broadcast %squeeze3A_120 : f32 to vector<16xf32>
      %mul3A_404 = arith.mulf %mul3A_403, %gather3A_217 : vector<16xf32>
      %add3A_405 = arith.addf %broadcast_in_dim3A_312, %mul3A_404 : vector<16xf32>
      %mul3A_406 = vector.broadcast %squeeze3A_122 : f32 to vector<16xf32>
      %mul3A_407 = arith.mulf %mul3A_406, %gather3A_221 : vector<16xf32>
      %add3A_408 = arith.addf %add3A_399, %mul3A_407 : vector<16xf32>
      %mul3A_409 = vector.broadcast %squeeze3A_122 : f32 to vector<16xf32>
      %mul3A_410 = arith.mulf %mul3A_409, %gather3A_225 : vector<16xf32>
      %add3A_411 = arith.addf %add3A_402, %mul3A_410 : vector<16xf32>
      %mul3A_412 = vector.broadcast %squeeze3A_122 : f32 to vector<16xf32>
      %mul3A_413 = arith.mulf %mul3A_412, %gather3A_229 : vector<16xf32>
      %add3A_414 = arith.addf %add3A_405, %mul3A_413 : vector<16xf32>
      %mul3A_415 = vector.broadcast %squeeze3A_124 : f32 to vector<16xf32>
      %mul3A_416 = arith.mulf %mul3A_415, %gather3A_233 : vector<16xf32>
      %add3A_417 = arith.addf %add3A_408, %mul3A_416 : vector<16xf32>
      %mul3A_418 = vector.broadcast %squeeze3A_124 : f32 to vector<16xf32>
      %mul3A_419 = arith.mulf %mul3A_418, %gather3A_237 : vector<16xf32>
      %add3A_420 = arith.addf %add3A_411, %mul3A_419 : vector<16xf32>
      %mul3A_421 = vector.broadcast %squeeze3A_124 : f32 to vector<16xf32>
      %mul3A_422 = arith.mulf %mul3A_421, %gather3A_241 : vector<16xf32>
      %add3A_423 = arith.addf %add3A_414, %mul3A_422 : vector<16xf32>
      %mul3A_424 = vector.broadcast %squeeze3A_126 : f32 to vector<16xf32>
      %mul3A_425 = arith.mulf %mul3A_424, %gather3A_245 : vector<16xf32>
      %add3A_426 = arith.addf %add3A_417, %mul3A_425 : vector<16xf32>
      %mul3A_427 = vector.broadcast %squeeze3A_126 : f32 to vector<16xf32>
      %mul3A_428 = arith.mulf %mul3A_427, %gather3A_249 : vector<16xf32>
      %add3A_429 = arith.addf %add3A_420, %mul3A_428 : vector<16xf32>
      %mul3A_430 = vector.broadcast %squeeze3A_126 : f32 to vector<16xf32>
      %mul3A_431 = arith.mulf %mul3A_430, %gather3A_253 : vector<16xf32>
      %add3A_432 = arith.addf %add3A_423, %mul3A_431 : vector<16xf32>
      %mul3A_433 = vector.broadcast %squeeze3A_128 : f32 to vector<16xf32>
      %mul3A_434 = arith.mulf %mul3A_433, %gather3A_257 : vector<16xf32>
      %add3A_435 = arith.addf %add3A_426, %mul3A_434 : vector<16xf32>
      %mul3A_436 = vector.broadcast %squeeze3A_128 : f32 to vector<16xf32>
      %mul3A_437 = arith.mulf %mul3A_436, %gather3A_261 : vector<16xf32>
      %add3A_438 = arith.addf %add3A_429, %mul3A_437 : vector<16xf32>
      %mul3A_439 = vector.broadcast %squeeze3A_128 : f32 to vector<16xf32>
      %mul3A_440 = arith.mulf %mul3A_439, %gather3A_265 : vector<16xf32>
      %add3A_441 = arith.addf %add3A_432, %mul3A_440 : vector<16xf32>
      %mul3A_442 = vector.broadcast %squeeze3A_130 : f32 to vector<16xf32>
      %mul3A_443 = arith.mulf %mul3A_442, %gather3A_269 : vector<16xf32>
      %add3A_444 = arith.addf %add3A_435, %mul3A_443 : vector<16xf32>
      %mul3A_445 = vector.broadcast %squeeze3A_130 : f32 to vector<16xf32>
      %mul3A_446 = arith.mulf %mul3A_445, %gather3A_273 : vector<16xf32>
      %add3A_447 = arith.addf %add3A_438, %mul3A_446 : vector<16xf32>
      %mul3A_448 = vector.broadcast %squeeze3A_130 : f32 to vector<16xf32>
      %mul3A_449 = arith.mulf %mul3A_448, %gather3A_277 : vector<16xf32>
      %add3A_450 = arith.addf %add3A_441, %mul3A_449 : vector<16xf32>
      %mul3A_451 = vector.broadcast %squeeze3A_132 : f32 to vector<16xf32>
      %mul3A_452 = arith.mulf %mul3A_451, %gather3A_281 : vector<16xf32>
      %add3A_453 = arith.addf %add3A_444, %mul3A_452 : vector<16xf32>
      %mul3A_454 = vector.broadcast %squeeze3A_132 : f32 to vector<16xf32>
      %mul3A_455 = arith.mulf %mul3A_454, %gather3A_285 : vector<16xf32>
      %add3A_456 = arith.addf %add3A_447, %mul3A_455 : vector<16xf32>
      %mul3A_457 = vector.broadcast %squeeze3A_132 : f32 to vector<16xf32>
      %mul3A_458 = arith.mulf %mul3A_457, %gather3A_289 : vector<16xf32>
      %add3A_459 = arith.addf %add3A_450, %mul3A_458 : vector<16xf32>
      %mul3A_460 = vector.broadcast %squeeze3A_134 : f32 to vector<16xf32>
      %mul3A_461 = arith.mulf %mul3A_460, %gather3A_293 : vector<16xf32>
      %add3A_462 = arith.addf %add3A_453, %mul3A_461 : vector<16xf32>
      %mul3A_463 = vector.broadcast %squeeze3A_134 : f32 to vector<16xf32>
      %mul3A_464 = arith.mulf %mul3A_463, %gather3A_297 : vector<16xf32>
      %add3A_465 = arith.addf %add3A_456, %mul3A_464 : vector<16xf32>
      %mul3A_466 = vector.broadcast %squeeze3A_134 : f32 to vector<16xf32>
      %mul3A_467 = arith.mulf %mul3A_466, %gather3A_301 : vector<16xf32>
      %add3A_468 = arith.addf %add3A_459, %mul3A_467 : vector<16xf32>
      %mul3A_469 = vector.broadcast %squeeze3A_136 : f32 to vector<16xf32>
      %mul3A_470 = arith.mulf %mul3A_469, %gather3A : vector<16xf32>
      %add3A_471 = arith.addf %broadcast_in_dim3A_314, %mul3A_470 : vector<16xf32>
      %mul3A_472 = vector.broadcast %squeeze3A_136 : f32 to vector<16xf32>
      %mul3A_473 = arith.mulf %mul3A_472, %gather3A_213 : vector<16xf32>
      %add3A_474 = arith.addf %broadcast_in_dim3A_316, %mul3A_473 : vector<16xf32>
      %mul3A_475 = vector.broadcast %squeeze3A_136 : f32 to vector<16xf32>
      %mul3A_476 = arith.mulf %mul3A_475, %gather3A_217 : vector<16xf32>
      %add3A_477 = arith.addf %broadcast_in_dim3A_318, %mul3A_476 : vector<16xf32>
      %mul3A_478 = vector.broadcast %squeeze3A_138 : f32 to vector<16xf32>
      %mul3A_479 = arith.mulf %mul3A_478, %gather3A_221 : vector<16xf32>
      %add3A_480 = arith.addf %add3A_471, %mul3A_479 : vector<16xf32>
      %mul3A_481 = vector.broadcast %squeeze3A_138 : f32 to vector<16xf32>
      %mul3A_482 = arith.mulf %mul3A_481, %gather3A_225 : vector<16xf32>
      %add3A_483 = arith.addf %add3A_474, %mul3A_482 : vector<16xf32>
      %mul3A_484 = vector.broadcast %squeeze3A_138 : f32 to vector<16xf32>
      %mul3A_485 = arith.mulf %mul3A_484, %gather3A_229 : vector<16xf32>
      %add3A_486 = arith.addf %add3A_477, %mul3A_485 : vector<16xf32>
      %mul3A_487 = vector.broadcast %squeeze3A_140 : f32 to vector<16xf32>
      %mul3A_488 = arith.mulf %mul3A_487, %gather3A_233 : vector<16xf32>
      %add3A_489 = arith.addf %add3A_480, %mul3A_488 : vector<16xf32>
      %mul3A_490 = vector.broadcast %squeeze3A_140 : f32 to vector<16xf32>
      %mul3A_491 = arith.mulf %mul3A_490, %gather3A_237 : vector<16xf32>
      %add3A_492 = arith.addf %add3A_483, %mul3A_491 : vector<16xf32>
      %mul3A_493 = vector.broadcast %squeeze3A_140 : f32 to vector<16xf32>
      %mul3A_494 = arith.mulf %mul3A_493, %gather3A_241 : vector<16xf32>
      %add3A_495 = arith.addf %add3A_486, %mul3A_494 : vector<16xf32>
      %mul3A_496 = vector.broadcast %squeeze3A_142 : f32 to vector<16xf32>
      %mul3A_497 = arith.mulf %mul3A_496, %gather3A_245 : vector<16xf32>
      %add3A_498 = arith.addf %add3A_489, %mul3A_497 : vector<16xf32>
      %mul3A_499 = vector.broadcast %squeeze3A_142 : f32 to vector<16xf32>
      %mul3A_500 = arith.mulf %mul3A_499, %gather3A_249 : vector<16xf32>
      %add3A_501 = arith.addf %add3A_492, %mul3A_500 : vector<16xf32>
      %mul3A_502 = vector.broadcast %squeeze3A_142 : f32 to vector<16xf32>
      %mul3A_503 = arith.mulf %mul3A_502, %gather3A_253 : vector<16xf32>
      %add3A_504 = arith.addf %add3A_495, %mul3A_503 : vector<16xf32>
      %mul3A_505 = vector.broadcast %squeeze3A_144 : f32 to vector<16xf32>
      %mul3A_506 = arith.mulf %mul3A_505, %gather3A_257 : vector<16xf32>
      %add3A_507 = arith.addf %add3A_498, %mul3A_506 : vector<16xf32>
      %mul3A_508 = vector.broadcast %squeeze3A_144 : f32 to vector<16xf32>
      %mul3A_509 = arith.mulf %mul3A_508, %gather3A_261 : vector<16xf32>
      %add3A_510 = arith.addf %add3A_501, %mul3A_509 : vector<16xf32>
      %mul3A_511 = vector.broadcast %squeeze3A_144 : f32 to vector<16xf32>
      %mul3A_512 = arith.mulf %mul3A_511, %gather3A_265 : vector<16xf32>
      %add3A_513 = arith.addf %add3A_504, %mul3A_512 : vector<16xf32>
      %mul3A_514 = vector.broadcast %squeeze3A_146 : f32 to vector<16xf32>
      %mul3A_515 = arith.mulf %mul3A_514, %gather3A_269 : vector<16xf32>
      %add3A_516 = arith.addf %add3A_507, %mul3A_515 : vector<16xf32>
      %mul3A_517 = vector.broadcast %squeeze3A_146 : f32 to vector<16xf32>
      %mul3A_518 = arith.mulf %mul3A_517, %gather3A_273 : vector<16xf32>
      %add3A_519 = arith.addf %add3A_510, %mul3A_518 : vector<16xf32>
      %mul3A_520 = vector.broadcast %squeeze3A_146 : f32 to vector<16xf32>
      %mul3A_521 = arith.mulf %mul3A_520, %gather3A_277 : vector<16xf32>
      %add3A_522 = arith.addf %add3A_513, %mul3A_521 : vector<16xf32>
      %mul3A_523 = vector.broadcast %squeeze3A_148 : f32 to vector<16xf32>
      %mul3A_524 = arith.mulf %mul3A_523, %gather3A_281 : vector<16xf32>
      %add3A_525 = arith.addf %add3A_516, %mul3A_524 : vector<16xf32>
      %mul3A_526 = vector.broadcast %squeeze3A_148 : f32 to vector<16xf32>
      %mul3A_527 = arith.mulf %mul3A_526, %gather3A_285 : vector<16xf32>
      %add3A_528 = arith.addf %add3A_519, %mul3A_527 : vector<16xf32>
      %mul3A_529 = vector.broadcast %squeeze3A_148 : f32 to vector<16xf32>
      %mul3A_530 = arith.mulf %mul3A_529, %gather3A_289 : vector<16xf32>
      %add3A_531 = arith.addf %add3A_522, %mul3A_530 : vector<16xf32>
      %mul3A_532 = vector.broadcast %squeeze3A_150 : f32 to vector<16xf32>
      %mul3A_533 = arith.mulf %mul3A_532, %gather3A_293 : vector<16xf32>
      %add3A_534 = arith.addf %add3A_525, %mul3A_533 : vector<16xf32>
      %mul3A_535 = vector.broadcast %squeeze3A_150 : f32 to vector<16xf32>
      %mul3A_536 = arith.mulf %mul3A_535, %gather3A_297 : vector<16xf32>
      %add3A_537 = arith.addf %add3A_528, %mul3A_536 : vector<16xf32>
      %mul3A_538 = vector.broadcast %squeeze3A_150 : f32 to vector<16xf32>
      %mul3A_539 = arith.mulf %mul3A_538, %gather3A_301 : vector<16xf32>
      %add3A_540 = arith.addf %add3A_531, %mul3A_539 : vector<16xf32>
      %mul3A_541 = vector.broadcast %squeeze3A_152 : f32 to vector<16xf32>
      %mul3A_542 = arith.mulf %mul3A_541, %gather3A : vector<16xf32>
      %add3A_543 = arith.addf %broadcast_in_dim3A_320, %mul3A_542 : vector<16xf32>
      %mul3A_544 = vector.broadcast %squeeze3A_152 : f32 to vector<16xf32>
      %mul3A_545 = arith.mulf %mul3A_544, %gather3A_213 : vector<16xf32>
      %add3A_546 = arith.addf %broadcast_in_dim3A_322, %mul3A_545 : vector<16xf32>
      %mul3A_547 = vector.broadcast %squeeze3A_152 : f32 to vector<16xf32>
      %mul3A_548 = arith.mulf %mul3A_547, %gather3A_217 : vector<16xf32>
      %add3A_549 = arith.addf %broadcast_in_dim3A_324, %mul3A_548 : vector<16xf32>
      %mul3A_550 = vector.broadcast %squeeze3A_154 : f32 to vector<16xf32>
      %mul3A_551 = arith.mulf %mul3A_550, %gather3A_221 : vector<16xf32>
      %add3A_552 = arith.addf %add3A_543, %mul3A_551 : vector<16xf32>
      %mul3A_553 = vector.broadcast %squeeze3A_154 : f32 to vector<16xf32>
      %mul3A_554 = arith.mulf %mul3A_553, %gather3A_225 : vector<16xf32>
      %add3A_555 = arith.addf %add3A_546, %mul3A_554 : vector<16xf32>
      %mul3A_556 = vector.broadcast %squeeze3A_154 : f32 to vector<16xf32>
      %mul3A_557 = arith.mulf %mul3A_556, %gather3A_229 : vector<16xf32>
      %add3A_558 = arith.addf %add3A_549, %mul3A_557 : vector<16xf32>
      %mul3A_559 = vector.broadcast %squeeze3A_156 : f32 to vector<16xf32>
      %mul3A_560 = arith.mulf %mul3A_559, %gather3A_233 : vector<16xf32>
      %add3A_561 = arith.addf %add3A_552, %mul3A_560 : vector<16xf32>
      %mul3A_562 = vector.broadcast %squeeze3A_156 : f32 to vector<16xf32>
      %mul3A_563 = arith.mulf %mul3A_562, %gather3A_237 : vector<16xf32>
      %add3A_564 = arith.addf %add3A_555, %mul3A_563 : vector<16xf32>
      %mul3A_565 = vector.broadcast %squeeze3A_156 : f32 to vector<16xf32>
      %mul3A_566 = arith.mulf %mul3A_565, %gather3A_241 : vector<16xf32>
      %add3A_567 = arith.addf %add3A_558, %mul3A_566 : vector<16xf32>
      %mul3A_568 = vector.broadcast %squeeze3A_158 : f32 to vector<16xf32>
      %mul3A_569 = arith.mulf %mul3A_568, %gather3A_245 : vector<16xf32>
      %add3A_570 = arith.addf %add3A_561, %mul3A_569 : vector<16xf32>
      %mul3A_571 = vector.broadcast %squeeze3A_158 : f32 to vector<16xf32>
      %mul3A_572 = arith.mulf %mul3A_571, %gather3A_249 : vector<16xf32>
      %add3A_573 = arith.addf %add3A_564, %mul3A_572 : vector<16xf32>
      %mul3A_574 = vector.broadcast %squeeze3A_158 : f32 to vector<16xf32>
      %mul3A_575 = arith.mulf %mul3A_574, %gather3A_253 : vector<16xf32>
      %add3A_576 = arith.addf %add3A_567, %mul3A_575 : vector<16xf32>
      %mul3A_577 = vector.broadcast %squeeze3A_160 : f32 to vector<16xf32>
      %mul3A_578 = arith.mulf %mul3A_577, %gather3A_257 : vector<16xf32>
      %add3A_579 = arith.addf %add3A_570, %mul3A_578 : vector<16xf32>
      %mul3A_580 = vector.broadcast %squeeze3A_160 : f32 to vector<16xf32>
      %mul3A_581 = arith.mulf %mul3A_580, %gather3A_261 : vector<16xf32>
      %add3A_582 = arith.addf %add3A_573, %mul3A_581 : vector<16xf32>
      %mul3A_583 = vector.broadcast %squeeze3A_160 : f32 to vector<16xf32>
      %mul3A_584 = arith.mulf %mul3A_583, %gather3A_265 : vector<16xf32>
      %add3A_585 = arith.addf %add3A_576, %mul3A_584 : vector<16xf32>
      %mul3A_586 = vector.broadcast %squeeze3A_162 : f32 to vector<16xf32>
      %mul3A_587 = arith.mulf %mul3A_586, %gather3A_269 : vector<16xf32>
      %add3A_588 = arith.addf %add3A_579, %mul3A_587 : vector<16xf32>
      %mul3A_589 = vector.broadcast %squeeze3A_162 : f32 to vector<16xf32>
      %mul3A_590 = arith.mulf %mul3A_589, %gather3A_273 : vector<16xf32>
      %add3A_591 = arith.addf %add3A_582, %mul3A_590 : vector<16xf32>
      %mul3A_592 = vector.broadcast %squeeze3A_162 : f32 to vector<16xf32>
      %mul3A_593 = arith.mulf %mul3A_592, %gather3A_277 : vector<16xf32>
      %add3A_594 = arith.addf %add3A_585, %mul3A_593 : vector<16xf32>
      %mul3A_595 = vector.broadcast %squeeze3A_164 : f32 to vector<16xf32>
      %mul3A_596 = arith.mulf %mul3A_595, %gather3A_281 : vector<16xf32>
      %add3A_597 = arith.addf %add3A_588, %mul3A_596 : vector<16xf32>
      %mul3A_598 = vector.broadcast %squeeze3A_164 : f32 to vector<16xf32>
      %mul3A_599 = arith.mulf %mul3A_598, %gather3A_285 : vector<16xf32>
      %add3A_600 = arith.addf %add3A_591, %mul3A_599 : vector<16xf32>
      %mul3A_601 = vector.broadcast %squeeze3A_164 : f32 to vector<16xf32>
      %mul3A_602 = arith.mulf %mul3A_601, %gather3A_289 : vector<16xf32>
      %add3A_603 = arith.addf %add3A_594, %mul3A_602 : vector<16xf32>
      %mul3A_604 = vector.broadcast %squeeze3A_166 : f32 to vector<16xf32>
      %mul3A_605 = arith.mulf %mul3A_604, %gather3A_293 : vector<16xf32>
      %add3A_606 = arith.addf %add3A_597, %mul3A_605 : vector<16xf32>
      %mul3A_607 = vector.broadcast %squeeze3A_166 : f32 to vector<16xf32>
      %mul3A_608 = arith.mulf %mul3A_607, %gather3A_297 : vector<16xf32>
      %add3A_609 = arith.addf %add3A_600, %mul3A_608 : vector<16xf32>
      %mul3A_610 = vector.broadcast %squeeze3A_166 : f32 to vector<16xf32>
      %mul3A_611 = arith.mulf %mul3A_610, %gather3A_301 : vector<16xf32>
      %add3A_612 = arith.addf %add3A_603, %mul3A_611 : vector<16xf32>
      %mul3A_613 = arith.constant 9 : i32
      %mul3A_614 = vector.broadcast %mul3A_613 : i32 to vector<16xi32>
      %mul3A_615 = arith.muli %add3A_203, %mul3A_614 : vector<16xi32>
      %add3A_616 = arith.constant 0 : i32
      %add3A_617 = vector.broadcast %add3A_616 : i32 to vector<16xi32>
      %add3A_618 = arith.addi %mul3A_615, %add3A_617 : vector<16xi32>
      %gather3A_619 = tpu.vector_load_idx %arg13[%add3A_618] : memref<7056xf32, #tpu.memory_space<vmem>>[vector<16xi32>], vector<16xf32>,
      %add3A_620 = arith.constant 1 : i32
      %add3A_621 = vector.broadcast %add3A_620 : i32 to vector<16xi32>
      %add3A_622 = arith.addi %mul3A_615, %add3A_621 : vector<16xi32>
      %gather3A_623 = tpu.vector_load_idx %arg13[%add3A_622] : memref<7056xf32, #tpu.memory_space<vmem>>[vector<16xi32>], vector<16xf32>,
      %add3A_624 = arith.constant 2 : i32
      %add3A_625 = vector.broadcast %add3A_624 : i32 to vector<16xi32>
      %add3A_626 = arith.addi %mul3A_615, %add3A_625 : vector<16xi32>
      %gather3A_627 = tpu.vector_load_idx %arg13[%add3A_626] : memref<7056xf32, #tpu.memory_space<vmem>>[vector<16xi32>], vector<16xf32>,
      %add3A_628 = arith.constant 3 : i32
      %add3A_629 = vector.broadcast %add3A_628 : i32 to vector<16xi32>
      %add3A_630 = arith.addi %mul3A_615, %add3A_629 : vector<16xi32>
      %gather3A_631 = tpu.vector_load_idx %arg13[%add3A_630] : memref<7056xf32, #tpu.memory_space<vmem>>[vector<16xi32>], vector<16xf32>,
      %add3A_632 = arith.constant 4 : i32
      %add3A_633 = vector.broadcast %add3A_632 : i32 to vector<16xi32>
      %add3A_634 = arith.addi %mul3A_615, %add3A_633 : vector<16xi32>
      %gather3A_635 = tpu.vector_load_idx %arg13[%add3A_634] : memref<7056xf32, #tpu.memory_space<vmem>>[vector<16xi32>], vector<16xf32>,
      %add3A_636 = arith.constant 5 : i32
      %add3A_637 = vector.broadcast %add3A_636 : i32 to vector<16xi32>
      %add3A_638 = arith.addi %mul3A_615, %add3A_637 : vector<16xi32>
      %gather3A_639 = tpu.vector_load_idx %arg13[%add3A_638] : memref<7056xf32, #tpu.memory_space<vmem>>[vector<16xi32>], vector<16xf32>,
      %add3A_640 = arith.constant 6 : i32
      %add3A_641 = vector.broadcast %add3A_640 : i32 to vector<16xi32>
      %add3A_642 = arith.addi %mul3A_615, %add3A_641 : vector<16xi32>
      %gather3A_643 = tpu.vector_load_idx %arg13[%add3A_642] : memref<7056xf32, #tpu.memory_space<vmem>>[vector<16xi32>], vector<16xf32>,
      %add3A_644 = arith.constant 7 : i32
      %add3A_645 = vector.broadcast %add3A_644 : i32 to vector<16xi32>
      %add3A_646 = arith.addi %mul3A_615, %add3A_645 : vector<16xi32>
      %gather3A_647 = tpu.vector_load_idx %arg13[%add3A_646] : memref<7056xf32, #tpu.memory_space<vmem>>[vector<16xi32>], vector<16xf32>,
      %add3A_648 = arith.constant 8 : i32
      %add3A_649 = vector.broadcast %add3A_648 : i32 to vector<16xi32>
      %add3A_650 = arith.addi %mul3A_615, %add3A_649 : vector<16xi32>
      %gather3A_651 = tpu.vector_load_idx %arg13[%add3A_650] : memref<7056xf32, #tpu.memory_space<vmem>>[vector<16xi32>], vector<16xf32>,
      %mul3A_652 = arith.constant 3 : i32
      %mul3A_653 = vector.broadcast %mul3A_652 : i32 to vector<16xi32>
      %mul3A_654 = arith.muli %add3A_203, %mul3A_653 : vector<16xi32>
      %add3A_655 = arith.constant 0 : i32
      %add3A_656 = vector.broadcast %add3A_655 : i32 to vector<16xi32>
      %add3A_657 = arith.addi %mul3A_654, %add3A_656 : vector<16xi32>
      %gather3A_658 = tpu.vector_load_idx %arg14[%add3A_657] : memref<2352xf32, #tpu.memory_space<vmem>>[vector<16xi32>], vector<16xf32>,
      %add3A_659 = arith.constant 1 : i32
      %add3A_660 = vector.broadcast %add3A_659 : i32 to vector<16xi32>
      %add3A_661 = arith.addi %mul3A_654, %add3A_660 : vector<16xi32>
      %gather3A_662 = tpu.vector_load_idx %arg14[%add3A_661] : memref<2352xf32, #tpu.memory_space<vmem>>[vector<16xi32>], vector<16xf32>,
      %add3A_663 = arith.constant 2 : i32
      %add3A_664 = vector.broadcast %add3A_663 : i32 to vector<16xi32>
      %add3A_665 = arith.addi %mul3A_654, %add3A_664 : vector<16xi32>
      %gather3A_666 = tpu.vector_load_idx %arg14[%add3A_665] : memref<2352xf32, #tpu.memory_space<vmem>>[vector<16xi32>], vector<16xf32>,
      %mul3A_667 = arith.constant 32 : i32
      %mul3A_668 = vector.broadcast %mul3A_667 : i32 to vector<16xi32>
      %mul3A_669 = arith.muli %add3A_203, %mul3A_668 : vector<16xi32>
      %mul3A_670 = arith.mulf %add3A_390, %gather3A_619 : vector<16xf32>
      %mul3A_671 = arith.mulf %add3A_393, %gather3A_631 : vector<16xf32>
      %add3A_672 = arith.addf %mul3A_670, %mul3A_671 : vector<16xf32>
      %mul3A_673 = arith.mulf %add3A_396, %gather3A_643 : vector<16xf32>
      %add3A_674 = arith.addf %add3A_672, %mul3A_673 : vector<16xf32>
      %add3A_675 = arith.constant 0 : i32
      %add3A_676 = vector.broadcast %add3A_675 : i32 to vector<16xi32>
      %add3A_677 = arith.addi %mul3A_669, %add3A_676 : vector<16xi32>
      tpu.vector_store_idx %arg16[%add3A_677], %add3A_674 : memref<25088xf32, #tpu.memory_space<vmem>>[vector<16xi32>], vector<16xf32>,
      %mul3A_678 = arith.mulf %add3A_390, %gather3A_623 : vector<16xf32>
      %mul3A_679 = arith.mulf %add3A_393, %gather3A_635 : vector<16xf32>
      %add3A_680 = arith.addf %mul3A_678, %mul3A_679 : vector<16xf32>
      %mul3A_681 = arith.mulf %add3A_396, %gather3A_647 : vector<16xf32>
      %add3A_682 = arith.addf %add3A_680, %mul3A_681 : vector<16xf32>
      %add3A_683 = arith.constant 1 : i32
      %add3A_684 = vector.broadcast %add3A_683 : i32 to vector<16xi32>
      %add3A_685 = arith.addi %mul3A_669, %add3A_684 : vector<16xi32>
      tpu.vector_store_idx %arg16[%add3A_685], %add3A_682 : memref<25088xf32, #tpu.memory_space<vmem>>[vector<16xi32>], vector<16xf32>,
      %mul3A_686 = arith.mulf %add3A_390, %gather3A_627 : vector<16xf32>
      %mul3A_687 = arith.mulf %add3A_393, %gather3A_639 : vector<16xf32>
      %add3A_688 = arith.addf %mul3A_686, %mul3A_687 : vector<16xf32>
      %mul3A_689 = arith.mulf %add3A_396, %gather3A_651 : vector<16xf32>
      %add3A_690 = arith.addf %add3A_688, %mul3A_689 : vector<16xf32>
      %add3A_691 = arith.constant 2 : i32
      %add3A_692 = vector.broadcast %add3A_691 : i32 to vector<16xi32>
      %add3A_693 = arith.addi %mul3A_669, %add3A_692 : vector<16xi32>
      tpu.vector_store_idx %arg16[%add3A_693], %add3A_690 : memref<25088xf32, #tpu.memory_space<vmem>>[vector<16xi32>], vector<16xf32>,
      %mul3A_694 = arith.mulf %add3A_462, %gather3A_619 : vector<16xf32>
      %mul3A_695 = arith.mulf %add3A_465, %gather3A_631 : vector<16xf32>
      %add3A_696 = arith.addf %mul3A_694, %mul3A_695 : vector<16xf32>
      %mul3A_697 = arith.mulf %add3A_468, %gather3A_643 : vector<16xf32>
      %add3A_698 = arith.addf %add3A_696, %mul3A_697 : vector<16xf32>
      %add3A_699 = arith.constant 3 : i32
      %add3A_700 = vector.broadcast %add3A_699 : i32 to vector<16xi32>
      %add3A_701 = arith.addi %mul3A_669, %add3A_700 : vector<16xi32>
      tpu.vector_store_idx %arg16[%add3A_701], %add3A_698 : memref<25088xf32, #tpu.memory_space<vmem>>[vector<16xi32>], vector<16xf32>,
      %mul3A_702 = arith.mulf %add3A_462, %gather3A_623 : vector<16xf32>
      %mul3A_703 = arith.mulf %add3A_465, %gather3A_635 : vector<16xf32>
      %add3A_704 = arith.addf %mul3A_702, %mul3A_703 : vector<16xf32>
      %mul3A_705 = arith.mulf %add3A_468, %gather3A_647 : vector<16xf32>
      %add3A_706 = arith.addf %add3A_704, %mul3A_705 : vector<16xf32>
      %add3A_707 = arith.constant 4 : i32
      %add3A_708 = vector.broadcast %add3A_707 : i32 to vector<16xi32>
      %add3A_709 = arith.addi %mul3A_669, %add3A_708 : vector<16xi32>
      tpu.vector_store_idx %arg16[%add3A_709], %add3A_706 : memref<25088xf32, #tpu.memory_space<vmem>>[vector<16xi32>], vector<16xf32>,
      %mul3A_710 = arith.mulf %add3A_462, %gather3A_627 : vector<16xf32>
      %mul3A_711 = arith.mulf %add3A_465, %gather3A_639 : vector<16xf32>
      %add3A_712 = arith.addf %mul3A_710, %mul3A_711 : vector<16xf32>
      %mul3A_713 = arith.mulf %add3A_468, %gather3A_651 : vector<16xf32>
      %add3A_714 = arith.addf %add3A_712, %mul3A_713 : vector<16xf32>
      %add3A_715 = arith.constant 5 : i32
      %add3A_716 = vector.broadcast %add3A_715 : i32 to vector<16xi32>
      %add3A_717 = arith.addi %mul3A_669, %add3A_716 : vector<16xi32>
      tpu.vector_store_idx %arg16[%add3A_717], %add3A_714 : memref<25088xf32, #tpu.memory_space<vmem>>[vector<16xi32>], vector<16xf32>,
      %mul3A_718 = arith.mulf %add3A_534, %gather3A_619 : vector<16xf32>
      %mul3A_719 = arith.mulf %add3A_537, %gather3A_631 : vector<16xf32>
      %add3A_720 = arith.addf %mul3A_718, %mul3A_719 : vector<16xf32>
      %mul3A_721 = arith.mulf %add3A_540, %gather3A_643 : vector<16xf32>
      %add3A_722 = arith.addf %add3A_720, %mul3A_721 : vector<16xf32>
      %add3A_723 = arith.constant 6 : i32
      %add3A_724 = vector.broadcast %add3A_723 : i32 to vector<16xi32>
      %add3A_725 = arith.addi %mul3A_669, %add3A_724 : vector<16xi32>
      tpu.vector_store_idx %arg16[%add3A_725], %add3A_722 : memref<25088xf32, #tpu.memory_space<vmem>>[vector<16xi32>], vector<16xf32>,
      %mul3A_726 = arith.mulf %add3A_534, %gather3A_623 : vector<16xf32>
      %mul3A_727 = arith.mulf %add3A_537, %gather3A_635 : vector<16xf32>
      %add3A_728 = arith.addf %mul3A_726, %mul3A_727 : vector<16xf32>
      %mul3A_729 = arith.mulf %add3A_540, %gather3A_647 : vector<16xf32>
      %add3A_730 = arith.addf %add3A_728, %mul3A_729 : vector<16xf32>
      %add3A_731 = arith.constant 7 : i32
      %add3A_732 = vector.broadcast %add3A_731 : i32 to vector<16xi32>
      %add3A_733 = arith.addi %mul3A_669, %add3A_732 : vector<16xi32>
      tpu.vector_store_idx %arg16[%add3A_733], %add3A_730 : memref<25088xf32, #tpu.memory_space<vmem>>[vector<16xi32>], vector<16xf32>,
      %mul3A_734 = arith.mulf %add3A_534, %gather3A_627 : vector<16xf32>
      %mul3A_735 = arith.mulf %add3A_537, %gather3A_639 : vector<16xf32>
      %add3A_736 = arith.addf %mul3A_734, %mul3A_735 : vector<16xf32>
      %mul3A_737 = arith.mulf %add3A_540, %gather3A_651 : vector<16xf32>
      %add3A_738 = arith.addf %add3A_736, %mul3A_737 : vector<16xf32>
      %add3A_739 = arith.constant 8 : i32
      %add3A_740 = vector.broadcast %add3A_739 : i32 to vector<16xi32>
      %add3A_741 = arith.addi %mul3A_669, %add3A_740 : vector<16xi32>
      tpu.vector_store_idx %arg16[%add3A_741], %add3A_738 : memref<25088xf32, #tpu.memory_space<vmem>>[vector<16xi32>], vector<16xf32>,
      %mul3A_742 = arith.mulf %add3A_606, %gather3A_619 : vector<16xf32>
      %mul3A_743 = arith.mulf %add3A_609, %gather3A_631 : vector<16xf32>
      %add3A_744 = arith.addf %mul3A_742, %mul3A_743 : vector<16xf32>
      %mul3A_745 = arith.mulf %add3A_612, %gather3A_643 : vector<16xf32>
      %add3A_746 = arith.addf %add3A_744, %mul3A_745 : vector<16xf32>
      %add3A_747 = arith.constant 9 : i32
      %add3A_748 = vector.broadcast %add3A_747 : i32 to vector<16xi32>
      %add3A_749 = arith.addi %mul3A_669, %add3A_748 : vector<16xi32>
      tpu.vector_store_idx %arg16[%add3A_749], %add3A_746 : memref<25088xf32, #tpu.memory_space<vmem>>[vector<16xi32>], vector<16xf32>,
      %mul3A_750 = arith.mulf %add3A_606, %gather3A_623 : vector<16xf32>
      %mul3A_751 = arith.mulf %add3A_609, %gather3A_635 : vector<16xf32>
      %add3A_752 = arith.addf %mul3A_750, %mul3A_751 : vector<16xf32>
      %mul3A_753 = arith.mulf %add3A_612, %gather3A_647 : vector<16xf32>
      %add3A_754 = arith.addf %add3A_752, %mul3A_753 : vector<16xf32>
      %add3A_755 = arith.constant 10 : i32
      %add3A_756 = vector.broadcast %add3A_755 : i32 to vector<16xi32>
      %add3A_757 = arith.addi %mul3A_669, %add3A_756 : vector<16xi32>
      tpu.vector_store_idx %arg16[%add3A_757], %add3A_754 : memref<25088xf32, #tpu.memory_space<vmem>>[vector<16xi32>], vector<16xf32>,
      %mul3A_758 = arith.mulf %add3A_606, %gather3A_627 : vector<16xf32>
      %mul3A_759 = arith.mulf %add3A_609, %gather3A_639 : vector<16xf32>
      %add3A_760 = arith.addf %mul3A_758, %mul3A_759 : vector<16xf32>
      %mul3A_761 = arith.mulf %add3A_612, %gather3A_651 : vector<16xf32>
      %add3A_762 = arith.addf %add3A_760, %mul3A_761 : vector<16xf32>
      %add3A_763 = arith.constant 11 : i32
      %add3A_764 = vector.broadcast %add3A_763 : i32 to vector<16xi32>
      %add3A_765 = arith.addi %mul3A_669, %add3A_764 : vector<16xi32>
      tpu.vector_store_idx %arg16[%add3A_765], %add3A_762 : memref<25088xf32, #tpu.memory_space<vmem>>[vector<16xi32>], vector<16xf32>,
      %mul3A_766 = arith.mulf %gather3A_658, %gather3A_619 : vector<16xf32>
      %mul3A_767 = arith.mulf %gather3A_662, %gather3A_631 : vector<16xf32>
      %add3A_768 = arith.addf %mul3A_766, %mul3A_767 : vector<16xf32>
      %mul3A_769 = arith.mulf %gather3A_666, %gather3A_643 : vector<16xf32>
      %add3A_770 = arith.addf %add3A_768, %mul3A_769 : vector<16xf32>
      %add3A_771 = arith.constant 12 : i32
      %add3A_772 = vector.broadcast %add3A_771 : i32 to vector<16xi32>
      %add3A_773 = arith.addi %mul3A_669, %add3A_772 : vector<16xi32>
      tpu.vector_store_idx %arg16[%add3A_773], %add3A_770 : memref<25088xf32, #tpu.memory_space<vmem>>[vector<16xi32>], vector<16xf32>,
      %mul3A_774 = arith.mulf %gather3A_658, %gather3A_623 : vector<16xf32>
      %mul3A_775 = arith.mulf %gather3A_662, %gather3A_635 : vector<16xf32>
      %add3A_776 = arith.addf %mul3A_774, %mul3A_775 : vector<16xf32>
      %mul3A_777 = arith.mulf %gather3A_666, %gather3A_647 : vector<16xf32>
      %add3A_778 = arith.addf %add3A_776, %mul3A_777 : vector<16xf32>
      %add3A_779 = arith.constant 13 : i32
      %add3A_780 = vector.broadcast %add3A_779 : i32 to vector<16xi32>
      %add3A_781 = arith.addi %mul3A_669, %add3A_780 : vector<16xi32>
      tpu.vector_store_idx %arg16[%add3A_781], %add3A_778 : memref<25088xf32, #tpu.memory_space<vmem>>[vector<16xi32>], vector<16xf32>,
      %mul3A_782 = arith.mulf %gather3A_658, %gather3A_627 : vector<16xf32>
      %mul3A_783 = arith.mulf %gather3A_662, %gather3A_639 : vector<16xf32>
      %add3A_784 = arith.addf %mul3A_782, %mul3A_783 : vector<16xf32>
      %mul3A_785 = arith.mulf %gather3A_666, %gather3A_651 : vector<16xf32>
      %add3A_786 = arith.addf %add3A_784, %mul3A_785 : vector<16xf32>
      %add3A_787 = arith.constant 14 : i32
      %add3A_788 = vector.broadcast %add3A_787 : i32 to vector<16xi32>
      %add3A_789 = arith.addi %mul3A_669, %add3A_788 : vector<16xi32>
      tpu.vector_store_idx %arg16[%add3A_789], %add3A_786 : memref<25088xf32, #tpu.memory_space<vmem>>[vector<16xi32>], vector<16xf32>,
      %add3A_790 = arith.constant 15 : i32
      %add3A_791 = vector.broadcast %add3A_790 : i32 to vector<16xi32>
      %add3A_792 = arith.addi %mul3A_669, %add3A_791 : vector<16xi32>
      tpu.vector_store_idx %arg16[%add3A_792], %gather3A_619 : memref<25088xf32, #tpu.memory_space<vmem>>[vector<16xi32>], vector<16xf32>,
      %add3A_793 = arith.constant 16 : i32
      %add3A_794 = vector.broadcast %add3A_793 : i32 to vector<16xi32>
      %add3A_795 = arith.addi %mul3A_669, %add3A_794 : vector<16xi32>
      tpu.vector_store_idx %arg16[%add3A_795], %gather3A_623 : memref<25088xf32, #tpu.memory_space<vmem>>[vector<16xi32>], vector<16xf32>,
      %add3A_796 = arith.constant 17 : i32
      %add3A_797 = vector.broadcast %add3A_796 : i32 to vector<16xi32>
      %add3A_798 = arith.addi %mul3A_669, %add3A_797 : vector<16xi32>
      tpu.vector_store_idx %arg16[%add3A_798], %gather3A_627 : memref<25088xf32, #tpu.memory_space<vmem>>[vector<16xi32>], vector<16xf32>,
      %add3A_799 = arith.constant 18 : i32
      %add3A_800 = vector.broadcast %add3A_799 : i32 to vector<16xi32>
      %add3A_801 = arith.addi %mul3A_669, %add3A_800 : vector<16xi32>
      tpu.vector_store_idx %arg16[%add3A_801], %gather3A_631 : memref<25088xf32, #tpu.memory_space<vmem>>[vector<16xi32>], vector<16xf32>,
      %add3A_802 = arith.constant 19 : i32
      %add3A_803 = vector.broadcast %add3A_802 : i32 to vector<16xi32>
      %add3A_804 = arith.addi %mul3A_669, %add3A_803 : vector<16xi32>
      tpu.vector_store_idx %arg16[%add3A_804], %gather3A_635 : memref<25088xf32, #tpu.memory_space<vmem>>[vector<16xi32>], vector<16xf32>,
      %add3A_805 = arith.constant 20 : i32
      %add3A_806 = vector.broadcast %add3A_805 : i32 to vector<16xi32>
      %add3A_807 = arith.addi %mul3A_669, %add3A_806 : vector<16xi32>
      tpu.vector_store_idx %arg16[%add3A_807], %gather3A_639 : memref<25088xf32, #tpu.memory_space<vmem>>[vector<16xi32>], vector<16xf32>,
      %add3A_808 = arith.constant 21 : i32
      %add3A_809 = vector.broadcast %add3A_808 : i32 to vector<16xi32>
      %add3A_810 = arith.addi %mul3A_669, %add3A_809 : vector<16xi32>
      tpu.vector_store_idx %arg16[%add3A_810], %gather3A_643 : memref<25088xf32, #tpu.memory_space<vmem>>[vector<16xi32>], vector<16xf32>,
      %add3A_811 = arith.constant 22 : i32
      %add3A_812 = vector.broadcast %add3A_811 : i32 to vector<16xi32>
      %add3A_813 = arith.addi %mul3A_669, %add3A_812 : vector<16xi32>
      tpu.vector_store_idx %arg16[%add3A_813], %gather3A_647 : memref<25088xf32, #tpu.memory_space<vmem>>[vector<16xi32>], vector<16xf32>,
      %add3A_814 = arith.constant 23 : i32
      %add3A_815 = vector.broadcast %add3A_814 : i32 to vector<16xi32>
      %add3A_816 = arith.addi %mul3A_669, %add3A_815 : vector<16xi32>
      tpu.vector_store_idx %arg16[%add3A_816], %gather3A_651 : memref<25088xf32, #tpu.memory_space<vmem>>[vector<16xi32>], vector<16xf32>,
      %add3A_817 = arith.constant 24 : i32
      %add3A_818 = vector.broadcast %add3A_817 : i32 to vector<16xi32>
      %add3A_819 = arith.addi %mul3A_669, %add3A_818 : vector<16xi32>
      tpu.vector_store_idx %arg16[%add3A_819], %gather3A_658 : memref<25088xf32, #tpu.memory_space<vmem>>[vector<16xi32>], vector<16xf32>,
      %add3A_820 = arith.constant 25 : i32
      %add3A_821 = vector.broadcast %add3A_820 : i32 to vector<16xi32>
      %add3A_822 = arith.addi %mul3A_669, %add3A_821 : vector<16xi32>
      tpu.vector_store_idx %arg16[%add3A_822], %gather3A_662 : memref<25088xf32, #tpu.memory_space<vmem>>[vector<16xi32>], vector<16xf32>,
      %add3A_823 = arith.constant 26 : i32
      %add3A_824 = vector.broadcast %add3A_823 : i32 to vector<16xi32>
      %add3A_825 = arith.addi %mul3A_669, %add3A_824 : vector<16xi32>
      tpu.vector_store_idx %arg16[%add3A_825], %gather3A_666 : memref<25088xf32, #tpu.memory_space<vmem>>[vector<16xi32>], vector<16xf32>,
      %broadcast_in_dim3A_826 = arith.constant 0.000000e+00 : f32
      %broadcast_in_dim3A_827 = vector.broadcast %broadcast_in_dim3A_826 : f32 to vector<16xf32>
      %add3A_828 = arith.constant 27 : i32
      %add3A_829 = vector.broadcast %add3A_828 : i32 to vector<16xi32>
      %add3A_830 = arith.addi %mul3A_669, %add3A_829 : vector<16xi32>
      tpu.vector_store_idx %arg16[%add3A_830], %broadcast_in_dim3A_827 : memref<25088xf32, #tpu.memory_space<vmem>>[vector<16xi32>], vector<16xf32>,
      %add3A_831 = arith.constant 28 : i32
      %add3A_832 = vector.broadcast %add3A_831 : i32 to vector<16xi32>
      %add3A_833 = arith.addi %mul3A_669, %add3A_832 : vector<16xi32>
      tpu.vector_store_idx %arg16[%add3A_833], %broadcast_in_dim3A_827 : memref<25088xf32, #tpu.memory_space<vmem>>[vector<16xi32>], vector<16xf32>,
      %add3A_834 = arith.constant 29 : i32
      %add3A_835 = vector.broadcast %add3A_834 : i32 to vector<16xi32>
      %add3A_836 = arith.addi %mul3A_669, %add3A_835 : vector<16xi32>
      tpu.vector_store_idx %arg16[%add3A_836], %broadcast_in_dim3A_827 : memref<25088xf32, #tpu.memory_space<vmem>>[vector<16xi32>], vector<16xf32>,
      %add3A_837 = arith.constant 30 : i32
      %add3A_838 = vector.broadcast %add3A_837 : i32 to vector<16xi32>
      %add3A_839 = arith.addi %mul3A_669, %add3A_838 : vector<16xi32>
      tpu.vector_store_idx %arg16[%add3A_839], %broadcast_in_dim3A_827 : memref<25088xf32, #tpu.memory_space<vmem>>[vector<16xi32>], vector<16xf32>,
      %add3A_840 = arith.constant 31 : i32
      %add3A_841 = vector.broadcast %add3A_840 : i32 to vector<16xi32>
      %add3A_842 = arith.addi %mul3A_669, %add3A_841 : vector<16xi32>
      tpu.vector_store_idx %arg16[%add3A_842], %broadcast_in_dim3A_827 : memref<25088xf32, #tpu.memory_space<vmem>>[vector<16xi32>], vector<16xf32>,
    }
    %scan3A_180 = arith.constant 49 : i32
    %mul3A_181 = arith.constant 32 : i32
    %mul3A_182 = arith.muli %add3A_168, %mul3A_181 : i32
    "tpu.region"() ({
      %run_scoped3A = tpu.sem_alloc : memref<!tpu.dma_semaphore, #tpu.memory_space<semaphore_mem>>
      %dma_start3A = tpu.memref_slice %arg11[%mul3A_182] : memref<1605632xf32, #tpu.memory_space<hbm>> -> memref<25088xf32, #tpu.memory_space<hbm>>
      %dma_start3A_199 = tpu.memref_slice %arg11[%mul3A_182] : memref<1605632xf32, #tpu.memory_space<hbm>> -> memref<25088xf32, #tpu.memory_space<hbm>>
      tpu.enqueue_dma source(%arg16 : memref<25088xf32, #tpu.memory_space<vmem>>) target(%dma_start3A_199 : memref<25088xf32, #tpu.memory_space<hbm>>) target_semaphore(%run_scoped3A : memref<!tpu.dma_semaphore, #tpu.memory_space<semaphore_mem>>)
      %dma_wait3A = tpu.memref_slice %arg11[%mul3A_182] : memref<1605632xf32, #tpu.memory_space<hbm>> -> memref<25088xf32, #tpu.memory_space<hbm>>
      %dma_wait3A_200 = tpu.memref_slice %arg11[%mul3A_182] : memref<1605632xf32, #tpu.memory_space<hbm>> -> memref<25088xf32, #tpu.memory_space<hbm>>
      tpu.wait_dma2 semaphore(%run_scoped3A : memref<!tpu.dma_semaphore, #tpu.memory_space<semaphore_mem>>) src(%arg16 : memref<25088xf32, #tpu.memory_space<vmem>>) dst(%dma_wait3A_200 : memref<25088xf32, #tpu.memory_space<hbm>>)
      tpu.yield
    }) : () -> ()
    %add3A_183 = arith.constant 784 : i32
    %add3A_184 = arith.addi %mul3A_2, %add3A_183 : i32
    %mul3A_185 = arith.constant 24 : i32
    %mul3A_186 = arith.muli %add3A_184, %mul3A_185 : i32
    "tpu.region"() ({
      %run_scoped3A = tpu.sem_alloc : memref<!tpu.dma_semaphore, #tpu.memory_space<semaphore_mem>>
      %dma_start3A = tpu.memref_slice %arg5[%mul3A_186] : memref<1204224xf32, #tpu.memory_space<hbm>> -> memref<18816xf32, #tpu.memory_space<hbm>>
      %dma_start3A_199 = tpu.memref_slice %arg5[%mul3A_186] : memref<1204224xf32, #tpu.memory_space<hbm>> -> memref<18816xf32, #tpu.memory_space<hbm>>
      tpu.enqueue_dma source(%dma_start3A_199 : memref<18816xf32, #tpu.memory_space<hbm>>) target(%arg12 : memref<18816xf32, #tpu.memory_space<vmem>>) target_semaphore(%run_scoped3A : memref<!tpu.dma_semaphore, #tpu.memory_space<semaphore_mem>>)
      %dma_wait3A = tpu.memref_slice %arg5[%mul3A_186] : memref<1204224xf32, #tpu.memory_space<hbm>> -> memref<18816xf32, #tpu.memory_space<hbm>>
      %dma_wait3A_200 = tpu.memref_slice %arg5[%mul3A_186] : memref<1204224xf32, #tpu.memory_space<hbm>> -> memref<18816xf32, #tpu.memory_space<hbm>>
      tpu.wait_dma2 semaphore(%run_scoped3A : memref<!tpu.dma_semaphore, #tpu.memory_space<semaphore_mem>>) src(%dma_wait3A_200 : memref<18816xf32, #tpu.memory_space<hbm>>) dst(%arg12 : memref<18816xf32, #tpu.memory_space<vmem>>)
      tpu.yield
    }) : () -> ()
    %mul3A_187 = arith.constant 9 : i32
    %mul3A_188 = arith.muli %add3A_184, %mul3A_187 : i32
    "tpu.region"() ({
      %run_scoped3A = tpu.sem_alloc : memref<!tpu.dma_semaphore, #tpu.memory_space<semaphore_mem>>
      %dma_start3A = tpu.memref_slice %arg6[%mul3A_188] : memref<451584xf32, #tpu.memory_space<hbm>> -> memref<7056xf32, #tpu.memory_space<hbm>>
      %dma_start3A_199 = tpu.memref_slice %arg6[%mul3A_188] : memref<451584xf32, #tpu.memory_space<hbm>> -> memref<7056xf32, #tpu.memory_space<hbm>>
      tpu.enqueue_dma source(%dma_start3A_199 : memref<7056xf32, #tpu.memory_space<hbm>>) target(%arg13 : memref<7056xf32, #tpu.memory_space<vmem>>) target_semaphore(%run_scoped3A : memref<!tpu.dma_semaphore, #tpu.memory_space<semaphore_mem>>)
      %dma_wait3A = tpu.memref_slice %arg6[%mul3A_188] : memref<451584xf32, #tpu.memory_space<hbm>> -> memref<7056xf32, #tpu.memory_space<hbm>>
      %dma_wait3A_200 = tpu.memref_slice %arg6[%mul3A_188] : memref<451584xf32, #tpu.memory_space<hbm>> -> memref<7056xf32, #tpu.memory_space<hbm>>
      tpu.wait_dma2 semaphore(%run_scoped3A : memref<!tpu.dma_semaphore, #tpu.memory_space<semaphore_mem>>) src(%dma_wait3A_200 : memref<7056xf32, #tpu.memory_space<hbm>>) dst(%arg13 : memref<7056xf32, #tpu.memory_space<vmem>>)
      tpu.yield
    }) : () -> ()
    %mul3A_189 = arith.constant 3 : i32
    %mul3A_190 = arith.muli %add3A_184, %mul3A_189 : i32
    "tpu.region"() ({
      %run_scoped3A = tpu.sem_alloc : memref<!tpu.dma_semaphore, #tpu.memory_space<semaphore_mem>>
      %dma_start3A = tpu.memref_slice %arg7[%mul3A_190] : memref<150528xf32, #tpu.memory_space<hbm>> -> memref<2352xf32, #tpu.memory_space<hbm>>
      %dma_start3A_199 = tpu.memref_slice %arg7[%mul3A_190] : memref<150528xf32, #tpu.memory_space<hbm>> -> memref<2352xf32, #tpu.memory_space<hbm>>
      tpu.enqueue_dma source(%dma_start3A_199 : memref<2352xf32, #tpu.memory_space<hbm>>) target(%arg14 : memref<2352xf32, #tpu.memory_space<vmem>>) target_semaphore(%run_scoped3A : memref<!tpu.dma_semaphore, #tpu.memory_space<semaphore_mem>>)
      %dma_wait3A = tpu.memref_slice %arg7[%mul3A_190] : memref<150528xf32, #tpu.memory_space<hbm>> -> memref<2352xf32, #tpu.memory_space<hbm>>
      %dma_wait3A_200 = tpu.memref_slice %arg7[%mul3A_190] : memref<150528xf32, #tpu.memory_space<hbm>> -> memref<2352xf32, #tpu.memory_space<hbm>>
      tpu.wait_dma2 semaphore(%run_scoped3A : memref<!tpu.dma_semaphore, #tpu.memory_space<semaphore_mem>>) src(%dma_wait3A_200 : memref<2352xf32, #tpu.memory_space<hbm>>) dst(%arg14 : memref<2352xf32, #tpu.memory_space<vmem>>)
      tpu.yield
    }) : () -> ()
    %scan3A_191 = arith.constant 0 : i32
    %scan3A_192 = arith.constant 0 : i32
    %scan3A_193 = arith.constant 49 : i32
    %scan3A_194 = arith.addi %scan3A_192, %scan3A_193 : i32
    %scan3A_195 = arith.constant 1 : i32
    scf.for %scan3A_199 = %scan3A_192 to %scan3A_194 step %scan3A_195  : i32 {
      %mul3A_200 = arith.constant 16 : i32
      %mul3A_201 = arith.muli %scan3A_199, %mul3A_200 : i32
      %iota3A = tpu.iota {dimensions = array<i32: 0>} : vector<16xi32>
      %add3A_202 = vector.broadcast %mul3A_201 : i32 to vector<16xi32>
      %add3A_203 = arith.addi %add3A_202, %iota3A : vector<16xi32>
      %mul3A_204 = arith.constant 24 : i32
      %mul3A_205 = vector.broadcast %mul3A_204 : i32 to vector<16xi32>
      %mul3A_206 = arith.muli %add3A_203, %mul3A_205 : vector<16xi32>
      %add3A_207 = arith.constant 0 : i32
      %add3A_208 = vector.broadcast %add3A_207 : i32 to vector<16xi32>
      %add3A_209 = arith.addi %mul3A_206, %add3A_208 : vector<16xi32>
      %gather3A = tpu.vector_load_idx %arg12[%add3A_209] : memref<18816xf32, #tpu.memory_space<vmem>>[vector<16xi32>], vector<16xf32>,
      %add3A_210 = arith.constant 1 : i32
      %add3A_211 = vector.broadcast %add3A_210 : i32 to vector<16xi32>
      %add3A_212 = arith.addi %mul3A_206, %add3A_211 : vector<16xi32>
      %gather3A_213 = tpu.vector_load_idx %arg12[%add3A_212] : memref<18816xf32, #tpu.memory_space<vmem>>[vector<16xi32>], vector<16xf32>,
      %add3A_214 = arith.constant 2 : i32
      %add3A_215 = vector.broadcast %add3A_214 : i32 to vector<16xi32>
      %add3A_216 = arith.addi %mul3A_206, %add3A_215 : vector<16xi32>
      %gather3A_217 = tpu.vector_load_idx %arg12[%add3A_216] : memref<18816xf32, #tpu.memory_space<vmem>>[vector<16xi32>], vector<16xf32>,
      %add3A_218 = arith.constant 3 : i32
      %add3A_219 = vector.broadcast %add3A_218 : i32 to vector<16xi32>
      %add3A_220 = arith.addi %mul3A_206, %add3A_219 : vector<16xi32>
      %gather3A_221 = tpu.vector_load_idx %arg12[%add3A_220] : memref<18816xf32, #tpu.memory_space<vmem>>[vector<16xi32>], vector<16xf32>,
      %add3A_222 = arith.constant 4 : i32
      %add3A_223 = vector.broadcast %add3A_222 : i32 to vector<16xi32>
      %add3A_224 = arith.addi %mul3A_206, %add3A_223 : vector<16xi32>
      %gather3A_225 = tpu.vector_load_idx %arg12[%add3A_224] : memref<18816xf32, #tpu.memory_space<vmem>>[vector<16xi32>], vector<16xf32>,
      %add3A_226 = arith.constant 5 : i32
      %add3A_227 = vector.broadcast %add3A_226 : i32 to vector<16xi32>
      %add3A_228 = arith.addi %mul3A_206, %add3A_227 : vector<16xi32>
      %gather3A_229 = tpu.vector_load_idx %arg12[%add3A_228] : memref<18816xf32, #tpu.memory_space<vmem>>[vector<16xi32>], vector<16xf32>,
      %add3A_230 = arith.constant 6 : i32
      %add3A_231 = vector.broadcast %add3A_230 : i32 to vector<16xi32>
      %add3A_232 = arith.addi %mul3A_206, %add3A_231 : vector<16xi32>
      %gather3A_233 = tpu.vector_load_idx %arg12[%add3A_232] : memref<18816xf32, #tpu.memory_space<vmem>>[vector<16xi32>], vector<16xf32>,
      %add3A_234 = arith.constant 7 : i32
      %add3A_235 = vector.broadcast %add3A_234 : i32 to vector<16xi32>
      %add3A_236 = arith.addi %mul3A_206, %add3A_235 : vector<16xi32>
      %gather3A_237 = tpu.vector_load_idx %arg12[%add3A_236] : memref<18816xf32, #tpu.memory_space<vmem>>[vector<16xi32>], vector<16xf32>,
      %add3A_238 = arith.constant 8 : i32
      %add3A_239 = vector.broadcast %add3A_238 : i32 to vector<16xi32>
      %add3A_240 = arith.addi %mul3A_206, %add3A_239 : vector<16xi32>
      %gather3A_241 = tpu.vector_load_idx %arg12[%add3A_240] : memref<18816xf32, #tpu.memory_space<vmem>>[vector<16xi32>], vector<16xf32>,
      %add3A_242 = arith.constant 9 : i32
      %add3A_243 = vector.broadcast %add3A_242 : i32 to vector<16xi32>
      %add3A_244 = arith.addi %mul3A_206, %add3A_243 : vector<16xi32>
      %gather3A_245 = tpu.vector_load_idx %arg12[%add3A_244] : memref<18816xf32, #tpu.memory_space<vmem>>[vector<16xi32>], vector<16xf32>,
      %add3A_246 = arith.constant 10 : i32
      %add3A_247 = vector.broadcast %add3A_246 : i32 to vector<16xi32>
      %add3A_248 = arith.addi %mul3A_206, %add3A_247 : vector<16xi32>
      %gather3A_249 = tpu.vector_load_idx %arg12[%add3A_248] : memref<18816xf32, #tpu.memory_space<vmem>>[vector<16xi32>], vector<16xf32>,
      %add3A_250 = arith.constant 11 : i32
      %add3A_251 = vector.broadcast %add3A_250 : i32 to vector<16xi32>
      %add3A_252 = arith.addi %mul3A_206, %add3A_251 : vector<16xi32>
      %gather3A_253 = tpu.vector_load_idx %arg12[%add3A_252] : memref<18816xf32, #tpu.memory_space<vmem>>[vector<16xi32>], vector<16xf32>,
      %add3A_254 = arith.constant 12 : i32
      %add3A_255 = vector.broadcast %add3A_254 : i32 to vector<16xi32>
      %add3A_256 = arith.addi %mul3A_206, %add3A_255 : vector<16xi32>
      %gather3A_257 = tpu.vector_load_idx %arg12[%add3A_256] : memref<18816xf32, #tpu.memory_space<vmem>>[vector<16xi32>], vector<16xf32>,
      %add3A_258 = arith.constant 13 : i32
      %add3A_259 = vector.broadcast %add3A_258 : i32 to vector<16xi32>
      %add3A_260 = arith.addi %mul3A_206, %add3A_259 : vector<16xi32>
      %gather3A_261 = tpu.vector_load_idx %arg12[%add3A_260] : memref<18816xf32, #tpu.memory_space<vmem>>[vector<16xi32>], vector<16xf32>,
      %add3A_262 = arith.constant 14 : i32
      %add3A_263 = vector.broadcast %add3A_262 : i32 to vector<16xi32>
      %add3A_264 = arith.addi %mul3A_206, %add3A_263 : vector<16xi32>
      %gather3A_265 = tpu.vector_load_idx %arg12[%add3A_264] : memref<18816xf32, #tpu.memory_space<vmem>>[vector<16xi32>], vector<16xf32>,
      %add3A_266 = arith.constant 15 : i32
      %add3A_267 = vector.broadcast %add3A_266 : i32 to vector<16xi32>
      %add3A_268 = arith.addi %mul3A_206, %add3A_267 : vector<16xi32>
      %gather3A_269 = tpu.vector_load_idx %arg12[%add3A_268] : memref<18816xf32, #tpu.memory_space<vmem>>[vector<16xi32>], vector<16xf32>,
      %add3A_270 = arith.constant 16 : i32
      %add3A_271 = vector.broadcast %add3A_270 : i32 to vector<16xi32>
      %add3A_272 = arith.addi %mul3A_206, %add3A_271 : vector<16xi32>
      %gather3A_273 = tpu.vector_load_idx %arg12[%add3A_272] : memref<18816xf32, #tpu.memory_space<vmem>>[vector<16xi32>], vector<16xf32>,
      %add3A_274 = arith.constant 17 : i32
      %add3A_275 = vector.broadcast %add3A_274 : i32 to vector<16xi32>
      %add3A_276 = arith.addi %mul3A_206, %add3A_275 : vector<16xi32>
      %gather3A_277 = tpu.vector_load_idx %arg12[%add3A_276] : memref<18816xf32, #tpu.memory_space<vmem>>[vector<16xi32>], vector<16xf32>,
      %add3A_278 = arith.constant 18 : i32
      %add3A_279 = vector.broadcast %add3A_278 : i32 to vector<16xi32>
      %add3A_280 = arith.addi %mul3A_206, %add3A_279 : vector<16xi32>
      %gather3A_281 = tpu.vector_load_idx %arg12[%add3A_280] : memref<18816xf32, #tpu.memory_space<vmem>>[vector<16xi32>], vector<16xf32>,
      %add3A_282 = arith.constant 19 : i32
      %add3A_283 = vector.broadcast %add3A_282 : i32 to vector<16xi32>
      %add3A_284 = arith.addi %mul3A_206, %add3A_283 : vector<16xi32>
      %gather3A_285 = tpu.vector_load_idx %arg12[%add3A_284] : memref<18816xf32, #tpu.memory_space<vmem>>[vector<16xi32>], vector<16xf32>,
      %add3A_286 = arith.constant 20 : i32
      %add3A_287 = vector.broadcast %add3A_286 : i32 to vector<16xi32>
      %add3A_288 = arith.addi %mul3A_206, %add3A_287 : vector<16xi32>
      %gather3A_289 = tpu.vector_load_idx %arg12[%add3A_288] : memref<18816xf32, #tpu.memory_space<vmem>>[vector<16xi32>], vector<16xf32>,
      %add3A_290 = arith.constant 21 : i32
      %add3A_291 = vector.broadcast %add3A_290 : i32 to vector<16xi32>
      %add3A_292 = arith.addi %mul3A_206, %add3A_291 : vector<16xi32>
      %gather3A_293 = tpu.vector_load_idx %arg12[%add3A_292] : memref<18816xf32, #tpu.memory_space<vmem>>[vector<16xi32>], vector<16xf32>,
      %add3A_294 = arith.constant 22 : i32
      %add3A_295 = vector.broadcast %add3A_294 : i32 to vector<16xi32>
      %add3A_296 = arith.addi %mul3A_206, %add3A_295 : vector<16xi32>
      %gather3A_297 = tpu.vector_load_idx %arg12[%add3A_296] : memref<18816xf32, #tpu.memory_space<vmem>>[vector<16xi32>], vector<16xf32>,
      %add3A_298 = arith.constant 23 : i32
      %add3A_299 = vector.broadcast %add3A_298 : i32 to vector<16xi32>
      %add3A_300 = arith.addi %mul3A_206, %add3A_299 : vector<16xi32>
      %gather3A_301 = tpu.vector_load_idx %arg12[%add3A_300] : memref<18816xf32, #tpu.memory_space<vmem>>[vector<16xi32>], vector<16xf32>,
      %broadcast_in_dim3A = arith.constant 0.000000e+00 : f32
      %broadcast_in_dim3A_302 = vector.broadcast %broadcast_in_dim3A : f32 to vector<16xf32>
      %broadcast_in_dim3A_303 = arith.constant 0.000000e+00 : f32
      %broadcast_in_dim3A_304 = vector.broadcast %broadcast_in_dim3A_303 : f32 to vector<16xf32>
      %broadcast_in_dim3A_305 = arith.constant 0.000000e+00 : f32
      %broadcast_in_dim3A_306 = vector.broadcast %broadcast_in_dim3A_305 : f32 to vector<16xf32>
      %broadcast_in_dim3A_307 = arith.constant 0.000000e+00 : f32
      %broadcast_in_dim3A_308 = vector.broadcast %broadcast_in_dim3A_307 : f32 to vector<16xf32>
      %broadcast_in_dim3A_309 = arith.constant 0.000000e+00 : f32
      %broadcast_in_dim3A_310 = vector.broadcast %broadcast_in_dim3A_309 : f32 to vector<16xf32>
      %broadcast_in_dim3A_311 = arith.constant 0.000000e+00 : f32
      %broadcast_in_dim3A_312 = vector.broadcast %broadcast_in_dim3A_311 : f32 to vector<16xf32>
      %broadcast_in_dim3A_313 = arith.constant 0.000000e+00 : f32
      %broadcast_in_dim3A_314 = vector.broadcast %broadcast_in_dim3A_313 : f32 to vector<16xf32>
      %broadcast_in_dim3A_315 = arith.constant 0.000000e+00 : f32
      %broadcast_in_dim3A_316 = vector.broadcast %broadcast_in_dim3A_315 : f32 to vector<16xf32>
      %broadcast_in_dim3A_317 = arith.constant 0.000000e+00 : f32
      %broadcast_in_dim3A_318 = vector.broadcast %broadcast_in_dim3A_317 : f32 to vector<16xf32>
      %broadcast_in_dim3A_319 = arith.constant 0.000000e+00 : f32
      %broadcast_in_dim3A_320 = vector.broadcast %broadcast_in_dim3A_319 : f32 to vector<16xf32>
      %broadcast_in_dim3A_321 = arith.constant 0.000000e+00 : f32
      %broadcast_in_dim3A_322 = vector.broadcast %broadcast_in_dim3A_321 : f32 to vector<16xf32>
      %broadcast_in_dim3A_323 = arith.constant 0.000000e+00 : f32
      %broadcast_in_dim3A_324 = vector.broadcast %broadcast_in_dim3A_323 : f32 to vector<16xf32>
      %mul3A_325 = vector.broadcast %squeeze3A_104 : f32 to vector<16xf32>
      %mul3A_326 = arith.mulf %mul3A_325, %gather3A : vector<16xf32>
      %add3A_327 = arith.addf %broadcast_in_dim3A_302, %mul3A_326 : vector<16xf32>
      %mul3A_328 = vector.broadcast %squeeze3A_104 : f32 to vector<16xf32>
      %mul3A_329 = arith.mulf %mul3A_328, %gather3A_213 : vector<16xf32>
      %add3A_330 = arith.addf %broadcast_in_dim3A_304, %mul3A_329 : vector<16xf32>
      %mul3A_331 = vector.broadcast %squeeze3A_104 : f32 to vector<16xf32>
      %mul3A_332 = arith.mulf %mul3A_331, %gather3A_217 : vector<16xf32>
      %add3A_333 = arith.addf %broadcast_in_dim3A_306, %mul3A_332 : vector<16xf32>
      %mul3A_334 = vector.broadcast %squeeze3A_106 : f32 to vector<16xf32>
      %mul3A_335 = arith.mulf %mul3A_334, %gather3A_221 : vector<16xf32>
      %add3A_336 = arith.addf %add3A_327, %mul3A_335 : vector<16xf32>
      %mul3A_337 = vector.broadcast %squeeze3A_106 : f32 to vector<16xf32>
      %mul3A_338 = arith.mulf %mul3A_337, %gather3A_225 : vector<16xf32>
      %add3A_339 = arith.addf %add3A_330, %mul3A_338 : vector<16xf32>
      %mul3A_340 = vector.broadcast %squeeze3A_106 : f32 to vector<16xf32>
      %mul3A_341 = arith.mulf %mul3A_340, %gather3A_229 : vector<16xf32>
      %add3A_342 = arith.addf %add3A_333, %mul3A_341 : vector<16xf32>
      %mul3A_343 = vector.broadcast %squeeze3A_108 : f32 to vector<16xf32>
      %mul3A_344 = arith.mulf %mul3A_343, %gather3A_233 : vector<16xf32>
      %add3A_345 = arith.addf %add3A_336, %mul3A_344 : vector<16xf32>
      %mul3A_346 = vector.broadcast %squeeze3A_108 : f32 to vector<16xf32>
      %mul3A_347 = arith.mulf %mul3A_346, %gather3A_237 : vector<16xf32>
      %add3A_348 = arith.addf %add3A_339, %mul3A_347 : vector<16xf32>
      %mul3A_349 = vector.broadcast %squeeze3A_108 : f32 to vector<16xf32>
      %mul3A_350 = arith.mulf %mul3A_349, %gather3A_241 : vector<16xf32>
      %add3A_351 = arith.addf %add3A_342, %mul3A_350 : vector<16xf32>
      %mul3A_352 = vector.broadcast %squeeze3A_110 : f32 to vector<16xf32>
      %mul3A_353 = arith.mulf %mul3A_352, %gather3A_245 : vector<16xf32>
      %add3A_354 = arith.addf %add3A_345, %mul3A_353 : vector<16xf32>
      %mul3A_355 = vector.broadcast %squeeze3A_110 : f32 to vector<16xf32>
      %mul3A_356 = arith.mulf %mul3A_355, %gather3A_249 : vector<16xf32>
      %add3A_357 = arith.addf %add3A_348, %mul3A_356 : vector<16xf32>
      %mul3A_358 = vector.broadcast %squeeze3A_110 : f32 to vector<16xf32>
      %mul3A_359 = arith.mulf %mul3A_358, %gather3A_253 : vector<16xf32>
      %add3A_360 = arith.addf %add3A_351, %mul3A_359 : vector<16xf32>
      %mul3A_361 = vector.broadcast %squeeze3A_112 : f32 to vector<16xf32>
      %mul3A_362 = arith.mulf %mul3A_361, %gather3A_257 : vector<16xf32>
      %add3A_363 = arith.addf %add3A_354, %mul3A_362 : vector<16xf32>
      %mul3A_364 = vector.broadcast %squeeze3A_112 : f32 to vector<16xf32>
      %mul3A_365 = arith.mulf %mul3A_364, %gather3A_261 : vector<16xf32>
      %add3A_366 = arith.addf %add3A_357, %mul3A_365 : vector<16xf32>
      %mul3A_367 = vector.broadcast %squeeze3A_112 : f32 to vector<16xf32>
      %mul3A_368 = arith.mulf %mul3A_367, %gather3A_265 : vector<16xf32>
      %add3A_369 = arith.addf %add3A_360, %mul3A_368 : vector<16xf32>
      %mul3A_370 = vector.broadcast %squeeze3A_114 : f32 to vector<16xf32>
      %mul3A_371 = arith.mulf %mul3A_370, %gather3A_269 : vector<16xf32>
      %add3A_372 = arith.addf %add3A_363, %mul3A_371 : vector<16xf32>
      %mul3A_373 = vector.broadcast %squeeze3A_114 : f32 to vector<16xf32>
      %mul3A_374 = arith.mulf %mul3A_373, %gather3A_273 : vector<16xf32>
      %add3A_375 = arith.addf %add3A_366, %mul3A_374 : vector<16xf32>
      %mul3A_376 = vector.broadcast %squeeze3A_114 : f32 to vector<16xf32>
      %mul3A_377 = arith.mulf %mul3A_376, %gather3A_277 : vector<16xf32>
      %add3A_378 = arith.addf %add3A_369, %mul3A_377 : vector<16xf32>
      %mul3A_379 = vector.broadcast %squeeze3A_116 : f32 to vector<16xf32>
      %mul3A_380 = arith.mulf %mul3A_379, %gather3A_281 : vector<16xf32>
      %add3A_381 = arith.addf %add3A_372, %mul3A_380 : vector<16xf32>
      %mul3A_382 = vector.broadcast %squeeze3A_116 : f32 to vector<16xf32>
      %mul3A_383 = arith.mulf %mul3A_382, %gather3A_285 : vector<16xf32>
      %add3A_384 = arith.addf %add3A_375, %mul3A_383 : vector<16xf32>
      %mul3A_385 = vector.broadcast %squeeze3A_116 : f32 to vector<16xf32>
      %mul3A_386 = arith.mulf %mul3A_385, %gather3A_289 : vector<16xf32>
      %add3A_387 = arith.addf %add3A_378, %mul3A_386 : vector<16xf32>
      %mul3A_388 = vector.broadcast %squeeze3A_118 : f32 to vector<16xf32>
      %mul3A_389 = arith.mulf %mul3A_388, %gather3A_293 : vector<16xf32>
      %add3A_390 = arith.addf %add3A_381, %mul3A_389 : vector<16xf32>
      %mul3A_391 = vector.broadcast %squeeze3A_118 : f32 to vector<16xf32>
      %mul3A_392 = arith.mulf %mul3A_391, %gather3A_297 : vector<16xf32>
      %add3A_393 = arith.addf %add3A_384, %mul3A_392 : vector<16xf32>
      %mul3A_394 = vector.broadcast %squeeze3A_118 : f32 to vector<16xf32>
      %mul3A_395 = arith.mulf %mul3A_394, %gather3A_301 : vector<16xf32>
      %add3A_396 = arith.addf %add3A_387, %mul3A_395 : vector<16xf32>
      %mul3A_397 = vector.broadcast %squeeze3A_120 : f32 to vector<16xf32>
      %mul3A_398 = arith.mulf %mul3A_397, %gather3A : vector<16xf32>
      %add3A_399 = arith.addf %broadcast_in_dim3A_308, %mul3A_398 : vector<16xf32>
      %mul3A_400 = vector.broadcast %squeeze3A_120 : f32 to vector<16xf32>
      %mul3A_401 = arith.mulf %mul3A_400, %gather3A_213 : vector<16xf32>
      %add3A_402 = arith.addf %broadcast_in_dim3A_310, %mul3A_401 : vector<16xf32>
      %mul3A_403 = vector.broadcast %squeeze3A_120 : f32 to vector<16xf32>
      %mul3A_404 = arith.mulf %mul3A_403, %gather3A_217 : vector<16xf32>
      %add3A_405 = arith.addf %broadcast_in_dim3A_312, %mul3A_404 : vector<16xf32>
      %mul3A_406 = vector.broadcast %squeeze3A_122 : f32 to vector<16xf32>
      %mul3A_407 = arith.mulf %mul3A_406, %gather3A_221 : vector<16xf32>
      %add3A_408 = arith.addf %add3A_399, %mul3A_407 : vector<16xf32>
      %mul3A_409 = vector.broadcast %squeeze3A_122 : f32 to vector<16xf32>
      %mul3A_410 = arith.mulf %mul3A_409, %gather3A_225 : vector<16xf32>
      %add3A_411 = arith.addf %add3A_402, %mul3A_410 : vector<16xf32>
      %mul3A_412 = vector.broadcast %squeeze3A_122 : f32 to vector<16xf32>
      %mul3A_413 = arith.mulf %mul3A_412, %gather3A_229 : vector<16xf32>
      %add3A_414 = arith.addf %add3A_405, %mul3A_413 : vector<16xf32>
      %mul3A_415 = vector.broadcast %squeeze3A_124 : f32 to vector<16xf32>
      %mul3A_416 = arith.mulf %mul3A_415, %gather3A_233 : vector<16xf32>
      %add3A_417 = arith.addf %add3A_408, %mul3A_416 : vector<16xf32>
      %mul3A_418 = vector.broadcast %squeeze3A_124 : f32 to vector<16xf32>
      %mul3A_419 = arith.mulf %mul3A_418, %gather3A_237 : vector<16xf32>
      %add3A_420 = arith.addf %add3A_411, %mul3A_419 : vector<16xf32>
      %mul3A_421 = vector.broadcast %squeeze3A_124 : f32 to vector<16xf32>
      %mul3A_422 = arith.mulf %mul3A_421, %gather3A_241 : vector<16xf32>
      %add3A_423 = arith.addf %add3A_414, %mul3A_422 : vector<16xf32>
      %mul3A_424 = vector.broadcast %squeeze3A_126 : f32 to vector<16xf32>
      %mul3A_425 = arith.mulf %mul3A_424, %gather3A_245 : vector<16xf32>
      %add3A_426 = arith.addf %add3A_417, %mul3A_425 : vector<16xf32>
      %mul3A_427 = vector.broadcast %squeeze3A_126 : f32 to vector<16xf32>
      %mul3A_428 = arith.mulf %mul3A_427, %gather3A_249 : vector<16xf32>
      %add3A_429 = arith.addf %add3A_420, %mul3A_428 : vector<16xf32>
      %mul3A_430 = vector.broadcast %squeeze3A_126 : f32 to vector<16xf32>
      %mul3A_431 = arith.mulf %mul3A_430, %gather3A_253 : vector<16xf32>
      %add3A_432 = arith.addf %add3A_423, %mul3A_431 : vector<16xf32>
      %mul3A_433 = vector.broadcast %squeeze3A_128 : f32 to vector<16xf32>
      %mul3A_434 = arith.mulf %mul3A_433, %gather3A_257 : vector<16xf32>
      %add3A_435 = arith.addf %add3A_426, %mul3A_434 : vector<16xf32>
      %mul3A_436 = vector.broadcast %squeeze3A_128 : f32 to vector<16xf32>
      %mul3A_437 = arith.mulf %mul3A_436, %gather3A_261 : vector<16xf32>
      %add3A_438 = arith.addf %add3A_429, %mul3A_437 : vector<16xf32>
      %mul3A_439 = vector.broadcast %squeeze3A_128 : f32 to vector<16xf32>
      %mul3A_440 = arith.mulf %mul3A_439, %gather3A_265 : vector<16xf32>
      %add3A_441 = arith.addf %add3A_432, %mul3A_440 : vector<16xf32>
      %mul3A_442 = vector.broadcast %squeeze3A_130 : f32 to vector<16xf32>
      %mul3A_443 = arith.mulf %mul3A_442, %gather3A_269 : vector<16xf32>
      %add3A_444 = arith.addf %add3A_435, %mul3A_443 : vector<16xf32>
      %mul3A_445 = vector.broadcast %squeeze3A_130 : f32 to vector<16xf32>
      %mul3A_446 = arith.mulf %mul3A_445, %gather3A_273 : vector<16xf32>
      %add3A_447 = arith.addf %add3A_438, %mul3A_446 : vector<16xf32>
      %mul3A_448 = vector.broadcast %squeeze3A_130 : f32 to vector<16xf32>
      %mul3A_449 = arith.mulf %mul3A_448, %gather3A_277 : vector<16xf32>
      %add3A_450 = arith.addf %add3A_441, %mul3A_449 : vector<16xf32>
      %mul3A_451 = vector.broadcast %squeeze3A_132 : f32 to vector<16xf32>
      %mul3A_452 = arith.mulf %mul3A_451, %gather3A_281 : vector<16xf32>
      %add3A_453 = arith.addf %add3A_444, %mul3A_452 : vector<16xf32>
      %mul3A_454 = vector.broadcast %squeeze3A_132 : f32 to vector<16xf32>
      %mul3A_455 = arith.mulf %mul3A_454, %gather3A_285 : vector<16xf32>
      %add3A_456 = arith.addf %add3A_447, %mul3A_455 : vector<16xf32>
      %mul3A_457 = vector.broadcast %squeeze3A_132 : f32 to vector<16xf32>
      %mul3A_458 = arith.mulf %mul3A_457, %gather3A_289 : vector<16xf32>
      %add3A_459 = arith.addf %add3A_450, %mul3A_458 : vector<16xf32>
      %mul3A_460 = vector.broadcast %squeeze3A_134 : f32 to vector<16xf32>
      %mul3A_461 = arith.mulf %mul3A_460, %gather3A_293 : vector<16xf32>
      %add3A_462 = arith.addf %add3A_453, %mul3A_461 : vector<16xf32>
      %mul3A_463 = vector.broadcast %squeeze3A_134 : f32 to vector<16xf32>
      %mul3A_464 = arith.mulf %mul3A_463, %gather3A_297 : vector<16xf32>
      %add3A_465 = arith.addf %add3A_456, %mul3A_464 : vector<16xf32>
      %mul3A_466 = vector.broadcast %squeeze3A_134 : f32 to vector<16xf32>
      %mul3A_467 = arith.mulf %mul3A_466, %gather3A_301 : vector<16xf32>
      %add3A_468 = arith.addf %add3A_459, %mul3A_467 : vector<16xf32>
      %mul3A_469 = vector.broadcast %squeeze3A_136 : f32 to vector<16xf32>
      %mul3A_470 = arith.mulf %mul3A_469, %gather3A : vector<16xf32>
      %add3A_471 = arith.addf %broadcast_in_dim3A_314, %mul3A_470 : vector<16xf32>
      %mul3A_472 = vector.broadcast %squeeze3A_136 : f32 to vector<16xf32>
      %mul3A_473 = arith.mulf %mul3A_472, %gather3A_213 : vector<16xf32>
      %add3A_474 = arith.addf %broadcast_in_dim3A_316, %mul3A_473 : vector<16xf32>
      %mul3A_475 = vector.broadcast %squeeze3A_136 : f32 to vector<16xf32>
      %mul3A_476 = arith.mulf %mul3A_475, %gather3A_217 : vector<16xf32>
      %add3A_477 = arith.addf %broadcast_in_dim3A_318, %mul3A_476 : vector<16xf32>
      %mul3A_478 = vector.broadcast %squeeze3A_138 : f32 to vector<16xf32>
      %mul3A_479 = arith.mulf %mul3A_478, %gather3A_221 : vector<16xf32>
      %add3A_480 = arith.addf %add3A_471, %mul3A_479 : vector<16xf32>
      %mul3A_481 = vector.broadcast %squeeze3A_138 : f32 to vector<16xf32>
      %mul3A_482 = arith.mulf %mul3A_481, %gather3A_225 : vector<16xf32>
      %add3A_483 = arith.addf %add3A_474, %mul3A_482 : vector<16xf32>
      %mul3A_484 = vector.broadcast %squeeze3A_138 : f32 to vector<16xf32>
      %mul3A_485 = arith.mulf %mul3A_484, %gather3A_229 : vector<16xf32>
      %add3A_486 = arith.addf %add3A_477, %mul3A_485 : vector<16xf32>
      %mul3A_487 = vector.broadcast %squeeze3A_140 : f32 to vector<16xf32>
      %mul3A_488 = arith.mulf %mul3A_487, %gather3A_233 : vector<16xf32>
      %add3A_489 = arith.addf %add3A_480, %mul3A_488 : vector<16xf32>
      %mul3A_490 = vector.broadcast %squeeze3A_140 : f32 to vector<16xf32>
      %mul3A_491 = arith.mulf %mul3A_490, %gather3A_237 : vector<16xf32>
      %add3A_492 = arith.addf %add3A_483, %mul3A_491 : vector<16xf32>
      %mul3A_493 = vector.broadcast %squeeze3A_140 : f32 to vector<16xf32>
      %mul3A_494 = arith.mulf %mul3A_493, %gather3A_241 : vector<16xf32>
      %add3A_495 = arith.addf %add3A_486, %mul3A_494 : vector<16xf32>
      %mul3A_496 = vector.broadcast %squeeze3A_142 : f32 to vector<16xf32>
      %mul3A_497 = arith.mulf %mul3A_496, %gather3A_245 : vector<16xf32>
      %add3A_498 = arith.addf %add3A_489, %mul3A_497 : vector<16xf32>
      %mul3A_499 = vector.broadcast %squeeze3A_142 : f32 to vector<16xf32>
      %mul3A_500 = arith.mulf %mul3A_499, %gather3A_249 : vector<16xf32>
      %add3A_501 = arith.addf %add3A_492, %mul3A_500 : vector<16xf32>
      %mul3A_502 = vector.broadcast %squeeze3A_142 : f32 to vector<16xf32>
      %mul3A_503 = arith.mulf %mul3A_502, %gather3A_253 : vector<16xf32>
      %add3A_504 = arith.addf %add3A_495, %mul3A_503 : vector<16xf32>
      %mul3A_505 = vector.broadcast %squeeze3A_144 : f32 to vector<16xf32>
      %mul3A_506 = arith.mulf %mul3A_505, %gather3A_257 : vector<16xf32>
      %add3A_507 = arith.addf %add3A_498, %mul3A_506 : vector<16xf32>
      %mul3A_508 = vector.broadcast %squeeze3A_144 : f32 to vector<16xf32>
      %mul3A_509 = arith.mulf %mul3A_508, %gather3A_261 : vector<16xf32>
      %add3A_510 = arith.addf %add3A_501, %mul3A_509 : vector<16xf32>
      %mul3A_511 = vector.broadcast %squeeze3A_144 : f32 to vector<16xf32>
      %mul3A_512 = arith.mulf %mul3A_511, %gather3A_265 : vector<16xf32>
      %add3A_513 = arith.addf %add3A_504, %mul3A_512 : vector<16xf32>
      %mul3A_514 = vector.broadcast %squeeze3A_146 : f32 to vector<16xf32>
      %mul3A_515 = arith.mulf %mul3A_514, %gather3A_269 : vector<16xf32>
      %add3A_516 = arith.addf %add3A_507, %mul3A_515 : vector<16xf32>
      %mul3A_517 = vector.broadcast %squeeze3A_146 : f32 to vector<16xf32>
      %mul3A_518 = arith.mulf %mul3A_517, %gather3A_273 : vector<16xf32>
      %add3A_519 = arith.addf %add3A_510, %mul3A_518 : vector<16xf32>
      %mul3A_520 = vector.broadcast %squeeze3A_146 : f32 to vector<16xf32>
      %mul3A_521 = arith.mulf %mul3A_520, %gather3A_277 : vector<16xf32>
      %add3A_522 = arith.addf %add3A_513, %mul3A_521 : vector<16xf32>
      %mul3A_523 = vector.broadcast %squeeze3A_148 : f32 to vector<16xf32>
      %mul3A_524 = arith.mulf %mul3A_523, %gather3A_281 : vector<16xf32>
      %add3A_525 = arith.addf %add3A_516, %mul3A_524 : vector<16xf32>
      %mul3A_526 = vector.broadcast %squeeze3A_148 : f32 to vector<16xf32>
      %mul3A_527 = arith.mulf %mul3A_526, %gather3A_285 : vector<16xf32>
      %add3A_528 = arith.addf %add3A_519, %mul3A_527 : vector<16xf32>
      %mul3A_529 = vector.broadcast %squeeze3A_148 : f32 to vector<16xf32>
      %mul3A_530 = arith.mulf %mul3A_529, %gather3A_289 : vector<16xf32>
      %add3A_531 = arith.addf %add3A_522, %mul3A_530 : vector<16xf32>
      %mul3A_532 = vector.broadcast %squeeze3A_150 : f32 to vector<16xf32>
      %mul3A_533 = arith.mulf %mul3A_532, %gather3A_293 : vector<16xf32>
      %add3A_534 = arith.addf %add3A_525, %mul3A_533 : vector<16xf32>
      %mul3A_535 = vector.broadcast %squeeze3A_150 : f32 to vector<16xf32>
      %mul3A_536 = arith.mulf %mul3A_535, %gather3A_297 : vector<16xf32>
      %add3A_537 = arith.addf %add3A_528, %mul3A_536 : vector<16xf32>
      %mul3A_538 = vector.broadcast %squeeze3A_150 : f32 to vector<16xf32>
      %mul3A_539 = arith.mulf %mul3A_538, %gather3A_301 : vector<16xf32>
      %add3A_540 = arith.addf %add3A_531, %mul3A_539 : vector<16xf32>
      %mul3A_541 = vector.broadcast %squeeze3A_152 : f32 to vector<16xf32>
      %mul3A_542 = arith.mulf %mul3A_541, %gather3A : vector<16xf32>
      %add3A_543 = arith.addf %broadcast_in_dim3A_320, %mul3A_542 : vector<16xf32>
      %mul3A_544 = vector.broadcast %squeeze3A_152 : f32 to vector<16xf32>
      %mul3A_545 = arith.mulf %mul3A_544, %gather3A_213 : vector<16xf32>
      %add3A_546 = arith.addf %broadcast_in_dim3A_322, %mul3A_545 : vector<16xf32>
      %mul3A_547 = vector.broadcast %squeeze3A_152 : f32 to vector<16xf32>
      %mul3A_548 = arith.mulf %mul3A_547, %gather3A_217 : vector<16xf32>
      %add3A_549 = arith.addf %broadcast_in_dim3A_324, %mul3A_548 : vector<16xf32>
      %mul3A_550 = vector.broadcast %squeeze3A_154 : f32 to vector<16xf32>
      %mul3A_551 = arith.mulf %mul3A_550, %gather3A_221 : vector<16xf32>
      %add3A_552 = arith.addf %add3A_543, %mul3A_551 : vector<16xf32>
      %mul3A_553 = vector.broadcast %squeeze3A_154 : f32 to vector<16xf32>
      %mul3A_554 = arith.mulf %mul3A_553, %gather3A_225 : vector<16xf32>
      %add3A_555 = arith.addf %add3A_546, %mul3A_554 : vector<16xf32>
      %mul3A_556 = vector.broadcast %squeeze3A_154 : f32 to vector<16xf32>
      %mul3A_557 = arith.mulf %mul3A_556, %gather3A_229 : vector<16xf32>
      %add3A_558 = arith.addf %add3A_549, %mul3A_557 : vector<16xf32>
      %mul3A_559 = vector.broadcast %squeeze3A_156 : f32 to vector<16xf32>
      %mul3A_560 = arith.mulf %mul3A_559, %gather3A_233 : vector<16xf32>
      %add3A_561 = arith.addf %add3A_552, %mul3A_560 : vector<16xf32>
      %mul3A_562 = vector.broadcast %squeeze3A_156 : f32 to vector<16xf32>
      %mul3A_563 = arith.mulf %mul3A_562, %gather3A_237 : vector<16xf32>
      %add3A_564 = arith.addf %add3A_555, %mul3A_563 : vector<16xf32>
      %mul3A_565 = vector.broadcast %squeeze3A_156 : f32 to vector<16xf32>
      %mul3A_566 = arith.mulf %mul3A_565, %gather3A_241 : vector<16xf32>
      %add3A_567 = arith.addf %add3A_558, %mul3A_566 : vector<16xf32>
      %mul3A_568 = vector.broadcast %squeeze3A_158 : f32 to vector<16xf32>
      %mul3A_569 = arith.mulf %mul3A_568, %gather3A_245 : vector<16xf32>
      %add3A_570 = arith.addf %add3A_561, %mul3A_569 : vector<16xf32>
      %mul3A_571 = vector.broadcast %squeeze3A_158 : f32 to vector<16xf32>
      %mul3A_572 = arith.mulf %mul3A_571, %gather3A_249 : vector<16xf32>
      %add3A_573 = arith.addf %add3A_564, %mul3A_572 : vector<16xf32>
      %mul3A_574 = vector.broadcast %squeeze3A_158 : f32 to vector<16xf32>
      %mul3A_575 = arith.mulf %mul3A_574, %gather3A_253 : vector<16xf32>
      %add3A_576 = arith.addf %add3A_567, %mul3A_575 : vector<16xf32>
      %mul3A_577 = vector.broadcast %squeeze3A_160 : f32 to vector<16xf32>
      %mul3A_578 = arith.mulf %mul3A_577, %gather3A_257 : vector<16xf32>
      %add3A_579 = arith.addf %add3A_570, %mul3A_578 : vector<16xf32>
      %mul3A_580 = vector.broadcast %squeeze3A_160 : f32 to vector<16xf32>
      %mul3A_581 = arith.mulf %mul3A_580, %gather3A_261 : vector<16xf32>
      %add3A_582 = arith.addf %add3A_573, %mul3A_581 : vector<16xf32>
      %mul3A_583 = vector.broadcast %squeeze3A_160 : f32 to vector<16xf32>
      %mul3A_584 = arith.mulf %mul3A_583, %gather3A_265 : vector<16xf32>
      %add3A_585 = arith.addf %add3A_576, %mul3A_584 : vector<16xf32>
      %mul3A_586 = vector.broadcast %squeeze3A_162 : f32 to vector<16xf32>
      %mul3A_587 = arith.mulf %mul3A_586, %gather3A_269 : vector<16xf32>
      %add3A_588 = arith.addf %add3A_579, %mul3A_587 : vector<16xf32>
      %mul3A_589 = vector.broadcast %squeeze3A_162 : f32 to vector<16xf32>
      %mul3A_590 = arith.mulf %mul3A_589, %gather3A_273 : vector<16xf32>
      %add3A_591 = arith.addf %add3A_582, %mul3A_590 : vector<16xf32>
      %mul3A_592 = vector.broadcast %squeeze3A_162 : f32 to vector<16xf32>
      %mul3A_593 = arith.mulf %mul3A_592, %gather3A_277 : vector<16xf32>
      %add3A_594 = arith.addf %add3A_585, %mul3A_593 : vector<16xf32>
      %mul3A_595 = vector.broadcast %squeeze3A_164 : f32 to vector<16xf32>
      %mul3A_596 = arith.mulf %mul3A_595, %gather3A_281 : vector<16xf32>
      %add3A_597 = arith.addf %add3A_588, %mul3A_596 : vector<16xf32>
      %mul3A_598 = vector.broadcast %squeeze3A_164 : f32 to vector<16xf32>
      %mul3A_599 = arith.mulf %mul3A_598, %gather3A_285 : vector<16xf32>
      %add3A_600 = arith.addf %add3A_591, %mul3A_599 : vector<16xf32>
      %mul3A_601 = vector.broadcast %squeeze3A_164 : f32 to vector<16xf32>
      %mul3A_602 = arith.mulf %mul3A_601, %gather3A_289 : vector<16xf32>
      %add3A_603 = arith.addf %add3A_594, %mul3A_602 : vector<16xf32>
      %mul3A_604 = vector.broadcast %squeeze3A_166 : f32 to vector<16xf32>
      %mul3A_605 = arith.mulf %mul3A_604, %gather3A_293 : vector<16xf32>
      %add3A_606 = arith.addf %add3A_597, %mul3A_605 : vector<16xf32>
      %mul3A_607 = vector.broadcast %squeeze3A_166 : f32 to vector<16xf32>
      %mul3A_608 = arith.mulf %mul3A_607, %gather3A_297 : vector<16xf32>
      %add3A_609 = arith.addf %add3A_600, %mul3A_608 : vector<16xf32>
      %mul3A_610 = vector.broadcast %squeeze3A_166 : f32 to vector<16xf32>
      %mul3A_611 = arith.mulf %mul3A_610, %gather3A_301 : vector<16xf32>
      %add3A_612 = arith.addf %add3A_603, %mul3A_611 : vector<16xf32>
      %mul3A_613 = arith.constant 9 : i32
      %mul3A_614 = vector.broadcast %mul3A_613 : i32 to vector<16xi32>
      %mul3A_615 = arith.muli %add3A_203, %mul3A_614 : vector<16xi32>
      %add3A_616 = arith.constant 0 : i32
      %add3A_617 = vector.broadcast %add3A_616 : i32 to vector<16xi32>
      %add3A_618 = arith.addi %mul3A_615, %add3A_617 : vector<16xi32>
      %gather3A_619 = tpu.vector_load_idx %arg13[%add3A_618] : memref<7056xf32, #tpu.memory_space<vmem>>[vector<16xi32>], vector<16xf32>,
      %add3A_620 = arith.constant 1 : i32
      %add3A_621 = vector.broadcast %add3A_620 : i32 to vector<16xi32>
      %add3A_622 = arith.addi %mul3A_615, %add3A_621 : vector<16xi32>
      %gather3A_623 = tpu.vector_load_idx %arg13[%add3A_622] : memref<7056xf32, #tpu.memory_space<vmem>>[vector<16xi32>], vector<16xf32>,
      %add3A_624 = arith.constant 2 : i32
      %add3A_625 = vector.broadcast %add3A_624 : i32 to vector<16xi32>
      %add3A_626 = arith.addi %mul3A_615, %add3A_625 : vector<16xi32>
      %gather3A_627 = tpu.vector_load_idx %arg13[%add3A_626] : memref<7056xf32, #tpu.memory_space<vmem>>[vector<16xi32>], vector<16xf32>,
      %add3A_628 = arith.constant 3 : i32
      %add3A_629 = vector.broadcast %add3A_628 : i32 to vector<16xi32>
      %add3A_630 = arith.addi %mul3A_615, %add3A_629 : vector<16xi32>
      %gather3A_631 = tpu.vector_load_idx %arg13[%add3A_630] : memref<7056xf32, #tpu.memory_space<vmem>>[vector<16xi32>], vector<16xf32>,
      %add3A_632 = arith.constant 4 : i32
      %add3A_633 = vector.broadcast %add3A_632 : i32 to vector<16xi32>
      %add3A_634 = arith.addi %mul3A_615, %add3A_633 : vector<16xi32>
      %gather3A_635 = tpu.vector_load_idx %arg13[%add3A_634] : memref<7056xf32, #tpu.memory_space<vmem>>[vector<16xi32>], vector<16xf32>,
      %add3A_636 = arith.constant 5 : i32
      %add3A_637 = vector.broadcast %add3A_636 : i32 to vector<16xi32>
      %add3A_638 = arith.addi %mul3A_615, %add3A_637 : vector<16xi32>
      %gather3A_639 = tpu.vector_load_idx %arg13[%add3A_638] : memref<7056xf32, #tpu.memory_space<vmem>>[vector<16xi32>], vector<16xf32>,
      %add3A_640 = arith.constant 6 : i32
      %add3A_641 = vector.broadcast %add3A_640 : i32 to vector<16xi32>
      %add3A_642 = arith.addi %mul3A_615, %add3A_641 : vector<16xi32>
      %gather3A_643 = tpu.vector_load_idx %arg13[%add3A_642] : memref<7056xf32, #tpu.memory_space<vmem>>[vector<16xi32>], vector<16xf32>,
      %add3A_644 = arith.constant 7 : i32
      %add3A_645 = vector.broadcast %add3A_644 : i32 to vector<16xi32>
      %add3A_646 = arith.addi %mul3A_615, %add3A_645 : vector<16xi32>
      %gather3A_647 = tpu.vector_load_idx %arg13[%add3A_646] : memref<7056xf32, #tpu.memory_space<vmem>>[vector<16xi32>], vector<16xf32>,
      %add3A_648 = arith.constant 8 : i32
      %add3A_649 = vector.broadcast %add3A_648 : i32 to vector<16xi32>
      %add3A_650 = arith.addi %mul3A_615, %add3A_649 : vector<16xi32>
      %gather3A_651 = tpu.vector_load_idx %arg13[%add3A_650] : memref<7056xf32, #tpu.memory_space<vmem>>[vector<16xi32>], vector<16xf32>,
      %mul3A_652 = arith.constant 3 : i32
      %mul3A_653 = vector.broadcast %mul3A_652 : i32 to vector<16xi32>
      %mul3A_654 = arith.muli %add3A_203, %mul3A_653 : vector<16xi32>
      %add3A_655 = arith.constant 0 : i32
      %add3A_656 = vector.broadcast %add3A_655 : i32 to vector<16xi32>
      %add3A_657 = arith.addi %mul3A_654, %add3A_656 : vector<16xi32>
      %gather3A_658 = tpu.vector_load_idx %arg14[%add3A_657] : memref<2352xf32, #tpu.memory_space<vmem>>[vector<16xi32>], vector<16xf32>,
      %add3A_659 = arith.constant 1 : i32
      %add3A_660 = vector.broadcast %add3A_659 : i32 to vector<16xi32>
      %add3A_661 = arith.addi %mul3A_654, %add3A_660 : vector<16xi32>
      %gather3A_662 = tpu.vector_load_idx %arg14[%add3A_661] : memref<2352xf32, #tpu.memory_space<vmem>>[vector<16xi32>], vector<16xf32>,
      %add3A_663 = arith.constant 2 : i32
      %add3A_664 = vector.broadcast %add3A_663 : i32 to vector<16xi32>
      %add3A_665 = arith.addi %mul3A_654, %add3A_664 : vector<16xi32>
      %gather3A_666 = tpu.vector_load_idx %arg14[%add3A_665] : memref<2352xf32, #tpu.memory_space<vmem>>[vector<16xi32>], vector<16xf32>,
      %mul3A_667 = arith.constant 32 : i32
      %mul3A_668 = vector.broadcast %mul3A_667 : i32 to vector<16xi32>
      %mul3A_669 = arith.muli %add3A_203, %mul3A_668 : vector<16xi32>
      %mul3A_670 = arith.mulf %add3A_390, %gather3A_619 : vector<16xf32>
      %mul3A_671 = arith.mulf %add3A_393, %gather3A_631 : vector<16xf32>
      %add3A_672 = arith.addf %mul3A_670, %mul3A_671 : vector<16xf32>
      %mul3A_673 = arith.mulf %add3A_396, %gather3A_643 : vector<16xf32>
      %add3A_674 = arith.addf %add3A_672, %mul3A_673 : vector<16xf32>
      %add3A_675 = arith.constant 0 : i32
      %add3A_676 = vector.broadcast %add3A_675 : i32 to vector<16xi32>
      %add3A_677 = arith.addi %mul3A_669, %add3A_676 : vector<16xi32>
      tpu.vector_store_idx %arg16[%add3A_677], %add3A_674 : memref<25088xf32, #tpu.memory_space<vmem>>[vector<16xi32>], vector<16xf32>,
      %mul3A_678 = arith.mulf %add3A_390, %gather3A_623 : vector<16xf32>
      %mul3A_679 = arith.mulf %add3A_393, %gather3A_635 : vector<16xf32>
      %add3A_680 = arith.addf %mul3A_678, %mul3A_679 : vector<16xf32>
      %mul3A_681 = arith.mulf %add3A_396, %gather3A_647 : vector<16xf32>
      %add3A_682 = arith.addf %add3A_680, %mul3A_681 : vector<16xf32>
      %add3A_683 = arith.constant 1 : i32
      %add3A_684 = vector.broadcast %add3A_683 : i32 to vector<16xi32>
      %add3A_685 = arith.addi %mul3A_669, %add3A_684 : vector<16xi32>
      tpu.vector_store_idx %arg16[%add3A_685], %add3A_682 : memref<25088xf32, #tpu.memory_space<vmem>>[vector<16xi32>], vector<16xf32>,
      %mul3A_686 = arith.mulf %add3A_390, %gather3A_627 : vector<16xf32>
      %mul3A_687 = arith.mulf %add3A_393, %gather3A_639 : vector<16xf32>
      %add3A_688 = arith.addf %mul3A_686, %mul3A_687 : vector<16xf32>
      %mul3A_689 = arith.mulf %add3A_396, %gather3A_651 : vector<16xf32>
      %add3A_690 = arith.addf %add3A_688, %mul3A_689 : vector<16xf32>
      %add3A_691 = arith.constant 2 : i32
      %add3A_692 = vector.broadcast %add3A_691 : i32 to vector<16xi32>
      %add3A_693 = arith.addi %mul3A_669, %add3A_692 : vector<16xi32>
      tpu.vector_store_idx %arg16[%add3A_693], %add3A_690 : memref<25088xf32, #tpu.memory_space<vmem>>[vector<16xi32>], vector<16xf32>,
      %mul3A_694 = arith.mulf %add3A_462, %gather3A_619 : vector<16xf32>
      %mul3A_695 = arith.mulf %add3A_465, %gather3A_631 : vector<16xf32>
      %add3A_696 = arith.addf %mul3A_694, %mul3A_695 : vector<16xf32>
      %mul3A_697 = arith.mulf %add3A_468, %gather3A_643 : vector<16xf32>
      %add3A_698 = arith.addf %add3A_696, %mul3A_697 : vector<16xf32>
      %add3A_699 = arith.constant 3 : i32
      %add3A_700 = vector.broadcast %add3A_699 : i32 to vector<16xi32>
      %add3A_701 = arith.addi %mul3A_669, %add3A_700 : vector<16xi32>
      tpu.vector_store_idx %arg16[%add3A_701], %add3A_698 : memref<25088xf32, #tpu.memory_space<vmem>>[vector<16xi32>], vector<16xf32>,
      %mul3A_702 = arith.mulf %add3A_462, %gather3A_623 : vector<16xf32>
      %mul3A_703 = arith.mulf %add3A_465, %gather3A_635 : vector<16xf32>
      %add3A_704 = arith.addf %mul3A_702, %mul3A_703 : vector<16xf32>
      %mul3A_705 = arith.mulf %add3A_468, %gather3A_647 : vector<16xf32>
      %add3A_706 = arith.addf %add3A_704, %mul3A_705 : vector<16xf32>
      %add3A_707 = arith.constant 4 : i32
      %add3A_708 = vector.broadcast %add3A_707 : i32 to vector<16xi32>
      %add3A_709 = arith.addi %mul3A_669, %add3A_708 : vector<16xi32>
      tpu.vector_store_idx %arg16[%add3A_709], %add3A_706 : memref<25088xf32, #tpu.memory_space<vmem>>[vector<16xi32>], vector<16xf32>,
      %mul3A_710 = arith.mulf %add3A_462, %gather3A_627 : vector<16xf32>
      %mul3A_711 = arith.mulf %add3A_465, %gather3A_639 : vector<16xf32>
      %add3A_712 = arith.addf %mul3A_710, %mul3A_711 : vector<16xf32>
      %mul3A_713 = arith.mulf %add3A_468, %gather3A_651 : vector<16xf32>
      %add3A_714 = arith.addf %add3A_712, %mul3A_713 : vector<16xf32>
      %add3A_715 = arith.constant 5 : i32
      %add3A_716 = vector.broadcast %add3A_715 : i32 to vector<16xi32>
      %add3A_717 = arith.addi %mul3A_669, %add3A_716 : vector<16xi32>
      tpu.vector_store_idx %arg16[%add3A_717], %add3A_714 : memref<25088xf32, #tpu.memory_space<vmem>>[vector<16xi32>], vector<16xf32>,
      %mul3A_718 = arith.mulf %add3A_534, %gather3A_619 : vector<16xf32>
      %mul3A_719 = arith.mulf %add3A_537, %gather3A_631 : vector<16xf32>
      %add3A_720 = arith.addf %mul3A_718, %mul3A_719 : vector<16xf32>
      %mul3A_721 = arith.mulf %add3A_540, %gather3A_643 : vector<16xf32>
      %add3A_722 = arith.addf %add3A_720, %mul3A_721 : vector<16xf32>
      %add3A_723 = arith.constant 6 : i32
      %add3A_724 = vector.broadcast %add3A_723 : i32 to vector<16xi32>
      %add3A_725 = arith.addi %mul3A_669, %add3A_724 : vector<16xi32>
      tpu.vector_store_idx %arg16[%add3A_725], %add3A_722 : memref<25088xf32, #tpu.memory_space<vmem>>[vector<16xi32>], vector<16xf32>,
      %mul3A_726 = arith.mulf %add3A_534, %gather3A_623 : vector<16xf32>
      %mul3A_727 = arith.mulf %add3A_537, %gather3A_635 : vector<16xf32>
      %add3A_728 = arith.addf %mul3A_726, %mul3A_727 : vector<16xf32>
      %mul3A_729 = arith.mulf %add3A_540, %gather3A_647 : vector<16xf32>
      %add3A_730 = arith.addf %add3A_728, %mul3A_729 : vector<16xf32>
      %add3A_731 = arith.constant 7 : i32
      %add3A_732 = vector.broadcast %add3A_731 : i32 to vector<16xi32>
      %add3A_733 = arith.addi %mul3A_669, %add3A_732 : vector<16xi32>
      tpu.vector_store_idx %arg16[%add3A_733], %add3A_730 : memref<25088xf32, #tpu.memory_space<vmem>>[vector<16xi32>], vector<16xf32>,
      %mul3A_734 = arith.mulf %add3A_534, %gather3A_627 : vector<16xf32>
      %mul3A_735 = arith.mulf %add3A_537, %gather3A_639 : vector<16xf32>
      %add3A_736 = arith.addf %mul3A_734, %mul3A_735 : vector<16xf32>
      %mul3A_737 = arith.mulf %add3A_540, %gather3A_651 : vector<16xf32>
      %add3A_738 = arith.addf %add3A_736, %mul3A_737 : vector<16xf32>
      %add3A_739 = arith.constant 8 : i32
      %add3A_740 = vector.broadcast %add3A_739 : i32 to vector<16xi32>
      %add3A_741 = arith.addi %mul3A_669, %add3A_740 : vector<16xi32>
      tpu.vector_store_idx %arg16[%add3A_741], %add3A_738 : memref<25088xf32, #tpu.memory_space<vmem>>[vector<16xi32>], vector<16xf32>,
      %mul3A_742 = arith.mulf %add3A_606, %gather3A_619 : vector<16xf32>
      %mul3A_743 = arith.mulf %add3A_609, %gather3A_631 : vector<16xf32>
      %add3A_744 = arith.addf %mul3A_742, %mul3A_743 : vector<16xf32>
      %mul3A_745 = arith.mulf %add3A_612, %gather3A_643 : vector<16xf32>
      %add3A_746 = arith.addf %add3A_744, %mul3A_745 : vector<16xf32>
      %add3A_747 = arith.constant 9 : i32
      %add3A_748 = vector.broadcast %add3A_747 : i32 to vector<16xi32>
      %add3A_749 = arith.addi %mul3A_669, %add3A_748 : vector<16xi32>
      tpu.vector_store_idx %arg16[%add3A_749], %add3A_746 : memref<25088xf32, #tpu.memory_space<vmem>>[vector<16xi32>], vector<16xf32>,
      %mul3A_750 = arith.mulf %add3A_606, %gather3A_623 : vector<16xf32>
      %mul3A_751 = arith.mulf %add3A_609, %gather3A_635 : vector<16xf32>
      %add3A_752 = arith.addf %mul3A_750, %mul3A_751 : vector<16xf32>
      %mul3A_753 = arith.mulf %add3A_612, %gather3A_647 : vector<16xf32>
      %add3A_754 = arith.addf %add3A_752, %mul3A_753 : vector<16xf32>
      %add3A_755 = arith.constant 10 : i32
      %add3A_756 = vector.broadcast %add3A_755 : i32 to vector<16xi32>
      %add3A_757 = arith.addi %mul3A_669, %add3A_756 : vector<16xi32>
      tpu.vector_store_idx %arg16[%add3A_757], %add3A_754 : memref<25088xf32, #tpu.memory_space<vmem>>[vector<16xi32>], vector<16xf32>,
      %mul3A_758 = arith.mulf %add3A_606, %gather3A_627 : vector<16xf32>
      %mul3A_759 = arith.mulf %add3A_609, %gather3A_639 : vector<16xf32>
      %add3A_760 = arith.addf %mul3A_758, %mul3A_759 : vector<16xf32>
      %mul3A_761 = arith.mulf %add3A_612, %gather3A_651 : vector<16xf32>
      %add3A_762 = arith.addf %add3A_760, %mul3A_761 : vector<16xf32>
      %add3A_763 = arith.constant 11 : i32
      %add3A_764 = vector.broadcast %add3A_763 : i32 to vector<16xi32>
      %add3A_765 = arith.addi %mul3A_669, %add3A_764 : vector<16xi32>
      tpu.vector_store_idx %arg16[%add3A_765], %add3A_762 : memref<25088xf32, #tpu.memory_space<vmem>>[vector<16xi32>], vector<16xf32>,
      %mul3A_766 = arith.mulf %gather3A_658, %gather3A_619 : vector<16xf32>
      %mul3A_767 = arith.mulf %gather3A_662, %gather3A_631 : vector<16xf32>
      %add3A_768 = arith.addf %mul3A_766, %mul3A_767 : vector<16xf32>
      %mul3A_769 = arith.mulf %gather3A_666, %gather3A_643 : vector<16xf32>
      %add3A_770 = arith.addf %add3A_768, %mul3A_769 : vector<16xf32>
      %add3A_771 = arith.constant 12 : i32
      %add3A_772 = vector.broadcast %add3A_771 : i32 to vector<16xi32>
      %add3A_773 = arith.addi %mul3A_669, %add3A_772 : vector<16xi32>
      tpu.vector_store_idx %arg16[%add3A_773], %add3A_770 : memref<25088xf32, #tpu.memory_space<vmem>>[vector<16xi32>], vector<16xf32>,
      %mul3A_774 = arith.mulf %gather3A_658, %gather3A_623 : vector<16xf32>
      %mul3A_775 = arith.mulf %gather3A_662, %gather3A_635 : vector<16xf32>
      %add3A_776 = arith.addf %mul3A_774, %mul3A_775 : vector<16xf32>
      %mul3A_777 = arith.mulf %gather3A_666, %gather3A_647 : vector<16xf32>
      %add3A_778 = arith.addf %add3A_776, %mul3A_777 : vector<16xf32>
      %add3A_779 = arith.constant 13 : i32
      %add3A_780 = vector.broadcast %add3A_779 : i32 to vector<16xi32>
      %add3A_781 = arith.addi %mul3A_669, %add3A_780 : vector<16xi32>
      tpu.vector_store_idx %arg16[%add3A_781], %add3A_778 : memref<25088xf32, #tpu.memory_space<vmem>>[vector<16xi32>], vector<16xf32>,
      %mul3A_782 = arith.mulf %gather3A_658, %gather3A_627 : vector<16xf32>
      %mul3A_783 = arith.mulf %gather3A_662, %gather3A_639 : vector<16xf32>
      %add3A_784 = arith.addf %mul3A_782, %mul3A_783 : vector<16xf32>
      %mul3A_785 = arith.mulf %gather3A_666, %gather3A_651 : vector<16xf32>
      %add3A_786 = arith.addf %add3A_784, %mul3A_785 : vector<16xf32>
      %add3A_787 = arith.constant 14 : i32
      %add3A_788 = vector.broadcast %add3A_787 : i32 to vector<16xi32>
      %add3A_789 = arith.addi %mul3A_669, %add3A_788 : vector<16xi32>
      tpu.vector_store_idx %arg16[%add3A_789], %add3A_786 : memref<25088xf32, #tpu.memory_space<vmem>>[vector<16xi32>], vector<16xf32>,
      %add3A_790 = arith.constant 15 : i32
      %add3A_791 = vector.broadcast %add3A_790 : i32 to vector<16xi32>
      %add3A_792 = arith.addi %mul3A_669, %add3A_791 : vector<16xi32>
      tpu.vector_store_idx %arg16[%add3A_792], %gather3A_619 : memref<25088xf32, #tpu.memory_space<vmem>>[vector<16xi32>], vector<16xf32>,
      %add3A_793 = arith.constant 16 : i32
      %add3A_794 = vector.broadcast %add3A_793 : i32 to vector<16xi32>
      %add3A_795 = arith.addi %mul3A_669, %add3A_794 : vector<16xi32>
      tpu.vector_store_idx %arg16[%add3A_795], %gather3A_623 : memref<25088xf32, #tpu.memory_space<vmem>>[vector<16xi32>], vector<16xf32>,
      %add3A_796 = arith.constant 17 : i32
      %add3A_797 = vector.broadcast %add3A_796 : i32 to vector<16xi32>
      %add3A_798 = arith.addi %mul3A_669, %add3A_797 : vector<16xi32>
      tpu.vector_store_idx %arg16[%add3A_798], %gather3A_627 : memref<25088xf32, #tpu.memory_space<vmem>>[vector<16xi32>], vector<16xf32>,
      %add3A_799 = arith.constant 18 : i32
      %add3A_800 = vector.broadcast %add3A_799 : i32 to vector<16xi32>
      %add3A_801 = arith.addi %mul3A_669, %add3A_800 : vector<16xi32>
      tpu.vector_store_idx %arg16[%add3A_801], %gather3A_631 : memref<25088xf32, #tpu.memory_space<vmem>>[vector<16xi32>], vector<16xf32>,
      %add3A_802 = arith.constant 19 : i32
      %add3A_803 = vector.broadcast %add3A_802 : i32 to vector<16xi32>
      %add3A_804 = arith.addi %mul3A_669, %add3A_803 : vector<16xi32>
      tpu.vector_store_idx %arg16[%add3A_804], %gather3A_635 : memref<25088xf32, #tpu.memory_space<vmem>>[vector<16xi32>], vector<16xf32>,
      %add3A_805 = arith.constant 20 : i32
      %add3A_806 = vector.broadcast %add3A_805 : i32 to vector<16xi32>
      %add3A_807 = arith.addi %mul3A_669, %add3A_806 : vector<16xi32>
      tpu.vector_store_idx %arg16[%add3A_807], %gather3A_639 : memref<25088xf32, #tpu.memory_space<vmem>>[vector<16xi32>], vector<16xf32>,
      %add3A_808 = arith.constant 21 : i32
      %add3A_809 = vector.broadcast %add3A_808 : i32 to vector<16xi32>
      %add3A_810 = arith.addi %mul3A_669, %add3A_809 : vector<16xi32>
      tpu.vector_store_idx %arg16[%add3A_810], %gather3A_643 : memref<25088xf32, #tpu.memory_space<vmem>>[vector<16xi32>], vector<16xf32>,
      %add3A_811 = arith.constant 22 : i32
      %add3A_812 = vector.broadcast %add3A_811 : i32 to vector<16xi32>
      %add3A_813 = arith.addi %mul3A_669, %add3A_812 : vector<16xi32>
      tpu.vector_store_idx %arg16[%add3A_813], %gather3A_647 : memref<25088xf32, #tpu.memory_space<vmem>>[vector<16xi32>], vector<16xf32>,
      %add3A_814 = arith.constant 23 : i32
      %add3A_815 = vector.broadcast %add3A_814 : i32 to vector<16xi32>
      %add3A_816 = arith.addi %mul3A_669, %add3A_815 : vector<16xi32>
      tpu.vector_store_idx %arg16[%add3A_816], %gather3A_651 : memref<25088xf32, #tpu.memory_space<vmem>>[vector<16xi32>], vector<16xf32>,
      %add3A_817 = arith.constant 24 : i32
      %add3A_818 = vector.broadcast %add3A_817 : i32 to vector<16xi32>
      %add3A_819 = arith.addi %mul3A_669, %add3A_818 : vector<16xi32>
      tpu.vector_store_idx %arg16[%add3A_819], %gather3A_658 : memref<25088xf32, #tpu.memory_space<vmem>>[vector<16xi32>], vector<16xf32>,
      %add3A_820 = arith.constant 25 : i32
      %add3A_821 = vector.broadcast %add3A_820 : i32 to vector<16xi32>
      %add3A_822 = arith.addi %mul3A_669, %add3A_821 : vector<16xi32>
      tpu.vector_store_idx %arg16[%add3A_822], %gather3A_662 : memref<25088xf32, #tpu.memory_space<vmem>>[vector<16xi32>], vector<16xf32>,
      %add3A_823 = arith.constant 26 : i32
      %add3A_824 = vector.broadcast %add3A_823 : i32 to vector<16xi32>
      %add3A_825 = arith.addi %mul3A_669, %add3A_824 : vector<16xi32>
      tpu.vector_store_idx %arg16[%add3A_825], %gather3A_666 : memref<25088xf32, #tpu.memory_space<vmem>>[vector<16xi32>], vector<16xf32>,
      %broadcast_in_dim3A_826 = arith.constant 0.000000e+00 : f32
      %broadcast_in_dim3A_827 = vector.broadcast %broadcast_in_dim3A_826 : f32 to vector<16xf32>
      %add3A_828 = arith.constant 27 : i32
      %add3A_829 = vector.broadcast %add3A_828 : i32 to vector<16xi32>
      %add3A_830 = arith.addi %mul3A_669, %add3A_829 : vector<16xi32>
      tpu.vector_store_idx %arg16[%add3A_830], %broadcast_in_dim3A_827 : memref<25088xf32, #tpu.memory_space<vmem>>[vector<16xi32>], vector<16xf32>,
      %add3A_831 = arith.constant 28 : i32
      %add3A_832 = vector.broadcast %add3A_831 : i32 to vector<16xi32>
      %add3A_833 = arith.addi %mul3A_669, %add3A_832 : vector<16xi32>
      tpu.vector_store_idx %arg16[%add3A_833], %broadcast_in_dim3A_827 : memref<25088xf32, #tpu.memory_space<vmem>>[vector<16xi32>], vector<16xf32>,
      %add3A_834 = arith.constant 29 : i32
      %add3A_835 = vector.broadcast %add3A_834 : i32 to vector<16xi32>
      %add3A_836 = arith.addi %mul3A_669, %add3A_835 : vector<16xi32>
      tpu.vector_store_idx %arg16[%add3A_836], %broadcast_in_dim3A_827 : memref<25088xf32, #tpu.memory_space<vmem>>[vector<16xi32>], vector<16xf32>,
      %add3A_837 = arith.constant 30 : i32
      %add3A_838 = vector.broadcast %add3A_837 : i32 to vector<16xi32>
      %add3A_839 = arith.addi %mul3A_669, %add3A_838 : vector<16xi32>
      tpu.vector_store_idx %arg16[%add3A_839], %broadcast_in_dim3A_827 : memref<25088xf32, #tpu.memory_space<vmem>>[vector<16xi32>], vector<16xf32>,
      %add3A_840 = arith.constant 31 : i32
      %add3A_841 = vector.broadcast %add3A_840 : i32 to vector<16xi32>
      %add3A_842 = arith.addi %mul3A_669, %add3A_841 : vector<16xi32>
      tpu.vector_store_idx %arg16[%add3A_842], %broadcast_in_dim3A_827 : memref<25088xf32, #tpu.memory_space<vmem>>[vector<16xi32>], vector<16xf32>,
    }
    %scan3A_196 = arith.constant 49 : i32
    %mul3A_197 = arith.constant 32 : i32
    %mul3A_198 = arith.muli %add3A_184, %mul3A_197 : i32
    "tpu.region"() ({
      %run_scoped3A = tpu.sem_alloc : memref<!tpu.dma_semaphore, #tpu.memory_space<semaphore_mem>>
      %dma_start3A = tpu.memref_slice %arg11[%mul3A_198] : memref<1605632xf32, #tpu.memory_space<hbm>> -> memref<25088xf32, #tpu.memory_space<hbm>>
      %dma_start3A_199 = tpu.memref_slice %arg11[%mul3A_198] : memref<1605632xf32, #tpu.memory_space<hbm>> -> memref<25088xf32, #tpu.memory_space<hbm>>
      tpu.enqueue_dma source(%arg16 : memref<25088xf32, #tpu.memory_space<vmem>>) target(%dma_start3A_199 : memref<25088xf32, #tpu.memory_space<hbm>>) target_semaphore(%run_scoped3A : memref<!tpu.dma_semaphore, #tpu.memory_space<semaphore_mem>>)
      %dma_wait3A = tpu.memref_slice %arg11[%mul3A_198] : memref<1605632xf32, #tpu.memory_space<hbm>> -> memref<25088xf32, #tpu.memory_space<hbm>>
      %dma_wait3A_200 = tpu.memref_slice %arg11[%mul3A_198] : memref<1605632xf32, #tpu.memory_space<hbm>> -> memref<25088xf32, #tpu.memory_space<hbm>>
      tpu.wait_dma2 semaphore(%run_scoped3A : memref<!tpu.dma_semaphore, #tpu.memory_space<semaphore_mem>>) src(%arg16 : memref<25088xf32, #tpu.memory_space<vmem>>) dst(%dma_wait3A_200 : memref<25088xf32, #tpu.memory_space<hbm>>)
      tpu.yield
    }) : () -> ()
    return
  }
}

#map = affine_map<(d0, d1) -> (0, 0)>
#map1 = affine_map<(d0, d1) -> (0)>
module attributes {stable_mosaic.version = 14 : i64} {
  func.func @_akern(%arg0: i32, %arg1: i32, %arg2: memref<50176x32xf32, #tpu.memory_space<hbm>>, %arg3: memref<50176x32xf32, #tpu.memory_space<hbm>>, %arg4: memref<819200xi32, #tpu.memory_space<hbm>>, %arg5: memref<819200xi32, #tpu.memory_space<hbm>>, %arg6: memref<32xf32, #tpu.memory_space<hbm>>, %arg7: memref<819200xf32, #tpu.memory_space<hbm>>, %arg8: memref<100352xf32, #tpu.memory_space<hbm>>, %arg9: memref<512x32xf32, #tpu.memory_space<vmem>>, %arg10: memref<512x32xf32, #tpu.memory_space<vmem>>, %arg11: memref<512xi32, #tpu.memory_space<vmem>>, %arg12: memref<512xi32, #tpu.memory_space<vmem>>, %arg13: memref<512xf32, #tpu.memory_space<vmem>>, %arg14: memref<32xf32, #tpu.memory_space<vmem>>, %arg15: memref<3136xf32, #tpu.memory_space<vmem>>, %arg16: memref<50176xf32, #tpu.memory_space<vmem_shared>>, %arg17: memref<!tpu.dma_semaphore, #tpu.memory_space<semaphore_mem>>, %arg18: memref<!tpu.dma_semaphore, #tpu.memory_space<semaphore_mem>>) attributes {dimension_semantics = [#tpu.dimension_semantics<core_parallel>, #tpu.dimension_semantics<subcore_parallel>], iteration_bounds = array<i64: 2, 16>, scalar_prefetch = 0 : i64, scratch_operands = 10 : i64, tpu.core_type = #tpu.core_type<sc_vector_subcore>, window_params = [{transform_indices = #map}, {transform_indices = #map}, {transform_indices = #map1}, {transform_indices = #map1}, {transform_indices = #map1}, {transform_indices = #map1}, {transform_indices = #map1}]} {
    %mul3A = arith.constant 2 : i32
    %mul3A_0 = arith.muli %arg1, %mul3A : i32
    %add3A = arith.addi %mul3A_0, %arg0 : i32
    %scan3A = arith.constant 0 : i32
    %scan3A_1 = arith.constant 0 : i32
    %scan3A_2 = arith.constant 196 : i32
    %scan3A_3 = arith.addi %scan3A_1, %scan3A_2 : i32
    %scan3A_4 = arith.constant 1 : i32
    scf.for %scan3A_85 = %scan3A_1 to %scan3A_3 step %scan3A_4  : i32 {
      %broadcast_in_dim3A = arith.constant 0.000000e+00 : f32
      %broadcast_in_dim3A_86 = vector.broadcast %broadcast_in_dim3A : f32 to vector<16xf32>
      %mul3A_87 = arith.constant 16 : i32
      %mul3A_88 = arith.muli %scan3A_85, %mul3A_87 : i32
      %swap3A = arith.index_cast %mul3A_88 : i32 to index
      %swap3A_89 = tpu.vector_load %arg15[%swap3A] {strides = array<i32>} : memref<3136xf32, #tpu.memory_space<vmem>>, vector<16xf32>,
      tpu.vector_store %arg15[%swap3A], %broadcast_in_dim3A_86 {strides = array<i32>} : memref<3136xf32, #tpu.memory_space<vmem>>, vector<16xf32>,
    }
    %scan3A_5 = arith.constant 196 : i32
    %mul3A_6 = arith.constant 3136 : i32
    %mul3A_7 = arith.muli %arg1, %mul3A_6 : i32
    "tpu.region"() ({
      %run_scoped3A = tpu.sem_alloc : memref<!tpu.dma_semaphore, #tpu.memory_space<semaphore_mem>>
      %dma_start3A = tpu.memref_slice %arg16[%mul3A_7] : memref<50176xf32, #tpu.memory_space<vmem_shared>> -> memref<3136xf32, #tpu.memory_space<vmem_shared>>
      %dma_start3A_85 = tpu.memref_slice %arg16[%mul3A_7] : memref<50176xf32, #tpu.memory_space<vmem_shared>> -> memref<3136xf32, #tpu.memory_space<vmem_shared>>
      tpu.enqueue_dma source(%arg15 : memref<3136xf32, #tpu.memory_space<vmem>>) target(%dma_start3A_85 : memref<3136xf32, #tpu.memory_space<vmem_shared>>) target_semaphore(%run_scoped3A : memref<!tpu.dma_semaphore, #tpu.memory_space<semaphore_mem>>)
      %dma_wait3A = tpu.memref_slice %arg16[%mul3A_7] : memref<50176xf32, #tpu.memory_space<vmem_shared>> -> memref<3136xf32, #tpu.memory_space<vmem_shared>>
      %dma_wait3A_86 = tpu.memref_slice %arg16[%mul3A_7] : memref<50176xf32, #tpu.memory_space<vmem_shared>> -> memref<3136xf32, #tpu.memory_space<vmem_shared>>
      tpu.wait_dma2 semaphore(%run_scoped3A : memref<!tpu.dma_semaphore, #tpu.memory_space<semaphore_mem>>) src(%arg15 : memref<3136xf32, #tpu.memory_space<vmem>>) dst(%dma_wait3A_86 : memref<3136xf32, #tpu.memory_space<vmem_shared>>)
      tpu.yield
    }) : () -> ()
    "tpu.region"() ({
      %run_scoped3A = tpu.sem_alloc : memref<!tpu.dma_semaphore, #tpu.memory_space<semaphore_mem>>
      tpu.enqueue_dma source(%arg6 : memref<32xf32, #tpu.memory_space<hbm>>) target(%arg14 : memref<32xf32, #tpu.memory_space<vmem>>) target_semaphore(%run_scoped3A : memref<!tpu.dma_semaphore, #tpu.memory_space<semaphore_mem>>)
      tpu.wait_dma2 semaphore(%run_scoped3A : memref<!tpu.dma_semaphore, #tpu.memory_space<semaphore_mem>>) src(%arg6 : memref<32xf32, #tpu.memory_space<hbm>>) dst(%arg14 : memref<32xf32, #tpu.memory_space<vmem>>)
      tpu.yield
    }) : () -> ()
    %get3A = arith.constant 0 : index
    %get3A_8 = tpu.vector_load %arg14[%get3A] {strides = array<i32>} : memref<32xf32, #tpu.memory_space<vmem>>, vector<16xf32>,
    %get3A_9 = arith.constant 16 : index
    %get3A_10 = tpu.vector_load %arg14[%get3A_9] {strides = array<i32>} : memref<32xf32, #tpu.memory_space<vmem>>, vector<16xf32>,
    %slice3A = vector.extract_strided_slice %get3A_8 {offsets = [0], sizes = [1], strides = [1]} : vector<16xf32> to vector<1xf32>
    %squeeze3A = vector.extract %slice3A[0] : f32 from vector<1xf32>
    %slice3A_11 = vector.extract_strided_slice %get3A_8 {offsets = [1], sizes = [1], strides = [1]} : vector<16xf32> to vector<1xf32>
    %squeeze3A_12 = vector.extract %slice3A_11[0] : f32 from vector<1xf32>
    %slice3A_13 = vector.extract_strided_slice %get3A_8 {offsets = [2], sizes = [1], strides = [1]} : vector<16xf32> to vector<1xf32>
    %squeeze3A_14 = vector.extract %slice3A_13[0] : f32 from vector<1xf32>
    %slice3A_15 = vector.extract_strided_slice %get3A_8 {offsets = [3], sizes = [1], strides = [1]} : vector<16xf32> to vector<1xf32>
    %squeeze3A_16 = vector.extract %slice3A_15[0] : f32 from vector<1xf32>
    %slice3A_17 = vector.extract_strided_slice %get3A_8 {offsets = [4], sizes = [1], strides = [1]} : vector<16xf32> to vector<1xf32>
    %squeeze3A_18 = vector.extract %slice3A_17[0] : f32 from vector<1xf32>
    %slice3A_19 = vector.extract_strided_slice %get3A_8 {offsets = [5], sizes = [1], strides = [1]} : vector<16xf32> to vector<1xf32>
    %squeeze3A_20 = vector.extract %slice3A_19[0] : f32 from vector<1xf32>
    %slice3A_21 = vector.extract_strided_slice %get3A_8 {offsets = [6], sizes = [1], strides = [1]} : vector<16xf32> to vector<1xf32>
    %squeeze3A_22 = vector.extract %slice3A_21[0] : f32 from vector<1xf32>
    %slice3A_23 = vector.extract_strided_slice %get3A_8 {offsets = [7], sizes = [1], strides = [1]} : vector<16xf32> to vector<1xf32>
    %squeeze3A_24 = vector.extract %slice3A_23[0] : f32 from vector<1xf32>
    %slice3A_25 = vector.extract_strided_slice %get3A_8 {offsets = [8], sizes = [1], strides = [1]} : vector<16xf32> to vector<1xf32>
    %squeeze3A_26 = vector.extract %slice3A_25[0] : f32 from vector<1xf32>
    %slice3A_27 = vector.extract_strided_slice %get3A_8 {offsets = [9], sizes = [1], strides = [1]} : vector<16xf32> to vector<1xf32>
    %squeeze3A_28 = vector.extract %slice3A_27[0] : f32 from vector<1xf32>
    %slice3A_29 = vector.extract_strided_slice %get3A_8 {offsets = [10], sizes = [1], strides = [1]} : vector<16xf32> to vector<1xf32>
    %squeeze3A_30 = vector.extract %slice3A_29[0] : f32 from vector<1xf32>
    %slice3A_31 = vector.extract_strided_slice %get3A_8 {offsets = [11], sizes = [1], strides = [1]} : vector<16xf32> to vector<1xf32>
    %squeeze3A_32 = vector.extract %slice3A_31[0] : f32 from vector<1xf32>
    %slice3A_33 = vector.extract_strided_slice %get3A_8 {offsets = [12], sizes = [1], strides = [1]} : vector<16xf32> to vector<1xf32>
    %squeeze3A_34 = vector.extract %slice3A_33[0] : f32 from vector<1xf32>
    %slice3A_35 = vector.extract_strided_slice %get3A_8 {offsets = [13], sizes = [1], strides = [1]} : vector<16xf32> to vector<1xf32>
    %squeeze3A_36 = vector.extract %slice3A_35[0] : f32 from vector<1xf32>
    %slice3A_37 = vector.extract_strided_slice %get3A_8 {offsets = [14], sizes = [1], strides = [1]} : vector<16xf32> to vector<1xf32>
    %squeeze3A_38 = vector.extract %slice3A_37[0] : f32 from vector<1xf32>
    %slice3A_39 = vector.extract_strided_slice %get3A_8 {offsets = [15], sizes = [1], strides = [1]} : vector<16xf32> to vector<1xf32>
    %squeeze3A_40 = vector.extract %slice3A_39[0] : f32 from vector<1xf32>
    %slice3A_41 = vector.extract_strided_slice %get3A_10 {offsets = [0], sizes = [1], strides = [1]} : vector<16xf32> to vector<1xf32>
    %squeeze3A_42 = vector.extract %slice3A_41[0] : f32 from vector<1xf32>
    %slice3A_43 = vector.extract_strided_slice %get3A_10 {offsets = [1], sizes = [1], strides = [1]} : vector<16xf32> to vector<1xf32>
    %squeeze3A_44 = vector.extract %slice3A_43[0] : f32 from vector<1xf32>
    %slice3A_45 = vector.extract_strided_slice %get3A_10 {offsets = [2], sizes = [1], strides = [1]} : vector<16xf32> to vector<1xf32>
    %squeeze3A_46 = vector.extract %slice3A_45[0] : f32 from vector<1xf32>
    %slice3A_47 = vector.extract_strided_slice %get3A_10 {offsets = [3], sizes = [1], strides = [1]} : vector<16xf32> to vector<1xf32>
    %squeeze3A_48 = vector.extract %slice3A_47[0] : f32 from vector<1xf32>
    %slice3A_49 = vector.extract_strided_slice %get3A_10 {offsets = [4], sizes = [1], strides = [1]} : vector<16xf32> to vector<1xf32>
    %squeeze3A_50 = vector.extract %slice3A_49[0] : f32 from vector<1xf32>
    %slice3A_51 = vector.extract_strided_slice %get3A_10 {offsets = [5], sizes = [1], strides = [1]} : vector<16xf32> to vector<1xf32>
    %squeeze3A_52 = vector.extract %slice3A_51[0] : f32 from vector<1xf32>
    %slice3A_53 = vector.extract_strided_slice %get3A_10 {offsets = [6], sizes = [1], strides = [1]} : vector<16xf32> to vector<1xf32>
    %squeeze3A_54 = vector.extract %slice3A_53[0] : f32 from vector<1xf32>
    %slice3A_55 = vector.extract_strided_slice %get3A_10 {offsets = [7], sizes = [1], strides = [1]} : vector<16xf32> to vector<1xf32>
    %squeeze3A_56 = vector.extract %slice3A_55[0] : f32 from vector<1xf32>
    %slice3A_57 = vector.extract_strided_slice %get3A_10 {offsets = [8], sizes = [1], strides = [1]} : vector<16xf32> to vector<1xf32>
    %squeeze3A_58 = vector.extract %slice3A_57[0] : f32 from vector<1xf32>
    %slice3A_59 = vector.extract_strided_slice %get3A_10 {offsets = [9], sizes = [1], strides = [1]} : vector<16xf32> to vector<1xf32>
    %squeeze3A_60 = vector.extract %slice3A_59[0] : f32 from vector<1xf32>
    %slice3A_61 = vector.extract_strided_slice %get3A_10 {offsets = [10], sizes = [1], strides = [1]} : vector<16xf32> to vector<1xf32>
    %squeeze3A_62 = vector.extract %slice3A_61[0] : f32 from vector<1xf32>
    %slice3A_63 = vector.extract_strided_slice %get3A_10 {offsets = [11], sizes = [1], strides = [1]} : vector<16xf32> to vector<1xf32>
    %squeeze3A_64 = vector.extract %slice3A_63[0] : f32 from vector<1xf32>
    %slice3A_65 = vector.extract_strided_slice %get3A_10 {offsets = [12], sizes = [1], strides = [1]} : vector<16xf32> to vector<1xf32>
    %squeeze3A_66 = vector.extract %slice3A_65[0] : f32 from vector<1xf32>
    %slice3A_67 = vector.extract_strided_slice %get3A_10 {offsets = [13], sizes = [1], strides = [1]} : vector<16xf32> to vector<1xf32>
    %squeeze3A_68 = vector.extract %slice3A_67[0] : f32 from vector<1xf32>
    %barrier3A = arith.constant 0 : index
    tpu.barrier barrier_id(%barrier3A)
    %mul3A_69 = arith.constant 25600 : i32
    %mul3A_70 = arith.muli %add3A, %mul3A_69 : i32
    %scan3A_71 = arith.constant 0 : i32
    %scan3A_72 = arith.constant 0 : i32
    %scan3A_73 = arith.constant 50 : i32
    %scan3A_74 = arith.addi %scan3A_72, %scan3A_73 : i32
    %scan3A_75 = arith.constant 1 : i32
    scf.for %scan3A_85 = %scan3A_72 to %scan3A_74 step %scan3A_75  : i32 {
      %mul3A_86 = arith.constant 512 : i32
      %mul3A_87 = arith.muli %scan3A_85, %mul3A_86 : i32
      %add3A_88 = arith.addi %mul3A_70, %mul3A_87 : i32
      "tpu.region"() ({
        %run_scoped3A = tpu.sem_alloc : memref<!tpu.dma_semaphore, #tpu.memory_space<semaphore_mem>>
        %dma_start3A_105 = tpu.memref_slice %arg4[%add3A_88] : memref<819200xi32, #tpu.memory_space<hbm>> -> memref<512xi32, #tpu.memory_space<hbm>>
        %dma_start3A_106 = tpu.memref_slice %arg4[%add3A_88] : memref<819200xi32, #tpu.memory_space<hbm>> -> memref<512xi32, #tpu.memory_space<hbm>>
        tpu.enqueue_dma source(%dma_start3A_106 : memref<512xi32, #tpu.memory_space<hbm>>) target(%arg11 : memref<512xi32, #tpu.memory_space<vmem>>) target_semaphore(%run_scoped3A : memref<!tpu.dma_semaphore, #tpu.memory_space<semaphore_mem>>)
        %dma_wait3A_107 = tpu.memref_slice %arg4[%add3A_88] : memref<819200xi32, #tpu.memory_space<hbm>> -> memref<512xi32, #tpu.memory_space<hbm>>
        %dma_wait3A_108 = tpu.memref_slice %arg4[%add3A_88] : memref<819200xi32, #tpu.memory_space<hbm>> -> memref<512xi32, #tpu.memory_space<hbm>>
        tpu.wait_dma2 semaphore(%run_scoped3A : memref<!tpu.dma_semaphore, #tpu.memory_space<semaphore_mem>>) src(%dma_wait3A_108 : memref<512xi32, #tpu.memory_space<hbm>>) dst(%arg11 : memref<512xi32, #tpu.memory_space<vmem>>)
        tpu.yield
      }) : () -> ()
      "tpu.region"() ({
        %run_scoped3A = tpu.sem_alloc : memref<!tpu.dma_semaphore, #tpu.memory_space<semaphore_mem>>
        %dma_start3A_105 = tpu.memref_slice %arg5[%add3A_88] : memref<819200xi32, #tpu.memory_space<hbm>> -> memref<512xi32, #tpu.memory_space<hbm>>
        %dma_start3A_106 = tpu.memref_slice %arg5[%add3A_88] : memref<819200xi32, #tpu.memory_space<hbm>> -> memref<512xi32, #tpu.memory_space<hbm>>
        tpu.enqueue_dma source(%dma_start3A_106 : memref<512xi32, #tpu.memory_space<hbm>>) target(%arg12 : memref<512xi32, #tpu.memory_space<vmem>>) target_semaphore(%run_scoped3A : memref<!tpu.dma_semaphore, #tpu.memory_space<semaphore_mem>>)
        %dma_wait3A_107 = tpu.memref_slice %arg5[%add3A_88] : memref<819200xi32, #tpu.memory_space<hbm>> -> memref<512xi32, #tpu.memory_space<hbm>>
        %dma_wait3A_108 = tpu.memref_slice %arg5[%add3A_88] : memref<819200xi32, #tpu.memory_space<hbm>> -> memref<512xi32, #tpu.memory_space<hbm>>
        tpu.wait_dma2 semaphore(%run_scoped3A : memref<!tpu.dma_semaphore, #tpu.memory_space<semaphore_mem>>) src(%dma_wait3A_108 : memref<512xi32, #tpu.memory_space<hbm>>) dst(%arg12 : memref<512xi32, #tpu.memory_space<vmem>>)
        tpu.yield
      }) : () -> ()
      %dma_start3A = arith.constant 0 : i32
      %dma_start3A_89 = arith.constant 0 : i32
      %dma_start3A_90 = tpu.memref_slice %arg2[%dma_start3A, %dma_start3A_89] : memref<50176x32xf32, #tpu.memory_space<hbm>> -> memref<50176x32xf32, #tpu.memory_space<hbm>>
      tpu.enqueue_indirect_dma source(%dma_start3A_90 : memref<50176x32xf32, #tpu.memory_space<hbm>>) target(%arg9 : memref<512x32xf32, #tpu.memory_space<vmem>>) offsets(%arg11 : memref<512xi32, #tpu.memory_space<vmem>>) semaphore(%arg17 : memref<!tpu.dma_semaphore, #tpu.memory_space<semaphore_mem>>)
      %dma_start3A_91 = arith.constant 0 : i32
      %dma_start3A_92 = arith.constant 0 : i32
      %dma_start3A_93 = tpu.memref_slice %arg3[%dma_start3A_91, %dma_start3A_92] : memref<50176x32xf32, #tpu.memory_space<hbm>> -> memref<50176x32xf32, #tpu.memory_space<hbm>>
      tpu.enqueue_indirect_dma source(%dma_start3A_93 : memref<50176x32xf32, #tpu.memory_space<hbm>>) target(%arg10 : memref<512x32xf32, #tpu.memory_space<vmem>>) offsets(%arg12 : memref<512xi32, #tpu.memory_space<vmem>>) semaphore(%arg18 : memref<!tpu.dma_semaphore, #tpu.memory_space<semaphore_mem>>)
      %dma_wait3A = arith.constant 0 : i32
      %dma_wait3A_94 = arith.constant 0 : i32
      %dma_wait3A_95 = tpu.memref_slice %arg2[%dma_wait3A, %dma_wait3A_94] : memref<50176x32xf32, #tpu.memory_space<hbm>> -> memref<50176x32xf32, #tpu.memory_space<hbm>>
      tpu.wait_indirect_dma semaphore(%arg17 : memref<!tpu.dma_semaphore, #tpu.memory_space<semaphore_mem>>) src(%dma_wait3A_95 : memref<50176x32xf32, #tpu.memory_space<hbm>>) dst(%arg9 : memref<512x32xf32, #tpu.memory_space<vmem>>)
      %dma_wait3A_96 = arith.constant 0 : i32
      %dma_wait3A_97 = arith.constant 0 : i32
      %dma_wait3A_98 = tpu.memref_slice %arg3[%dma_wait3A_96, %dma_wait3A_97] : memref<50176x32xf32, #tpu.memory_space<hbm>> -> memref<50176x32xf32, #tpu.memory_space<hbm>>
      tpu.wait_indirect_dma semaphore(%arg18 : memref<!tpu.dma_semaphore, #tpu.memory_space<semaphore_mem>>) src(%dma_wait3A_98 : memref<50176x32xf32, #tpu.memory_space<hbm>>) dst(%arg10 : memref<512x32xf32, #tpu.memory_space<vmem>>)
      %scan3A_99 = arith.constant 0 : i32
      %scan3A_100 = arith.constant 0 : i32
      %scan3A_101 = arith.constant 32 : i32
      %scan3A_102 = arith.addi %scan3A_100, %scan3A_101 : i32
      %scan3A_103 = arith.constant 1 : i32
      scf.for %scan3A_105 = %scan3A_100 to %scan3A_102 step %scan3A_103  : i32 {
        %mul3A_106 = arith.constant 16 : i32
        %mul3A_107 = arith.muli %scan3A_105, %mul3A_106 : i32
        %iota3A = tpu.iota {dimensions = array<i32: 0>} : vector<16xi32>
        %add3A_108 = vector.broadcast %mul3A_107 : i32 to vector<16xi32>
        %add3A_109 = arith.addi %add3A_108, %iota3A : vector<16xi32>
        %broadcast_in_dim3A = arith.constant 0.000000e+00 : f32
        %broadcast_in_dim3A_110 = vector.broadcast %broadcast_in_dim3A : f32 to vector<16xf32>
        %broadcast_in_dim3A_111 = arith.constant 0 : i32
        %broadcast_in_dim3A_112 = vector.broadcast %broadcast_in_dim3A_111 : i32 to vector<16xi32>
        %gather3A = tpu.vector_load_idx %arg9[%add3A_109, %broadcast_in_dim3A_112] : memref<512x32xf32, #tpu.memory_space<vmem>>[vector<16xi32>, vector<16xi32>], vector<16xf32>,
        %neg3A = arith.constant 0.000000e+00 : f32
        %neg3A_113 = vector.broadcast %neg3A : f32 to vector<16xf32>
        %neg3A_114 = arith.subf %neg3A_113, %gather3A : vector<16xf32>
        %exp3A = math.exp %neg3A_114 : vector<16xf32>
        %add3A_115 = arith.constant 1.000000e+00 : f32
        %add3A_116 = vector.broadcast %add3A_115 : f32 to vector<16xf32>
        %add3A_117 = arith.addf %add3A_116, %exp3A : vector<16xf32>
        %div3A = arith.divf %gather3A, %add3A_117 : vector<16xf32>
        %mul3A_118 = vector.broadcast %squeeze3A : f32 to vector<16xf32>
        %mul3A_119 = arith.mulf %mul3A_118, %div3A : vector<16xf32>
        %add3A_120 = arith.addf %broadcast_in_dim3A_110, %mul3A_119 : vector<16xf32>
        %broadcast_in_dim3A_121 = arith.constant 1 : i32
        %broadcast_in_dim3A_122 = vector.broadcast %broadcast_in_dim3A_121 : i32 to vector<16xi32>
        %gather3A_123 = tpu.vector_load_idx %arg9[%add3A_109, %broadcast_in_dim3A_122] : memref<512x32xf32, #tpu.memory_space<vmem>>[vector<16xi32>, vector<16xi32>], vector<16xf32>,
        %neg3A_124 = arith.constant 0.000000e+00 : f32
        %neg3A_125 = vector.broadcast %neg3A_124 : f32 to vector<16xf32>
        %neg3A_126 = arith.subf %neg3A_125, %gather3A_123 : vector<16xf32>
        %exp3A_127 = math.exp %neg3A_126 : vector<16xf32>
        %add3A_128 = arith.constant 1.000000e+00 : f32
        %add3A_129 = vector.broadcast %add3A_128 : f32 to vector<16xf32>
        %add3A_130 = arith.addf %add3A_129, %exp3A_127 : vector<16xf32>
        %div3A_131 = arith.divf %gather3A_123, %add3A_130 : vector<16xf32>
        %mul3A_132 = vector.broadcast %squeeze3A_12 : f32 to vector<16xf32>
        %mul3A_133 = arith.mulf %mul3A_132, %div3A_131 : vector<16xf32>
        %add3A_134 = arith.addf %add3A_120, %mul3A_133 : vector<16xf32>
        %broadcast_in_dim3A_135 = arith.constant 2 : i32
        %broadcast_in_dim3A_136 = vector.broadcast %broadcast_in_dim3A_135 : i32 to vector<16xi32>
        %gather3A_137 = tpu.vector_load_idx %arg9[%add3A_109, %broadcast_in_dim3A_136] : memref<512x32xf32, #tpu.memory_space<vmem>>[vector<16xi32>, vector<16xi32>], vector<16xf32>,
        %neg3A_138 = arith.constant 0.000000e+00 : f32
        %neg3A_139 = vector.broadcast %neg3A_138 : f32 to vector<16xf32>
        %neg3A_140 = arith.subf %neg3A_139, %gather3A_137 : vector<16xf32>
        %exp3A_141 = math.exp %neg3A_140 : vector<16xf32>
        %add3A_142 = arith.constant 1.000000e+00 : f32
        %add3A_143 = vector.broadcast %add3A_142 : f32 to vector<16xf32>
        %add3A_144 = arith.addf %add3A_143, %exp3A_141 : vector<16xf32>
        %div3A_145 = arith.divf %gather3A_137, %add3A_144 : vector<16xf32>
        %mul3A_146 = vector.broadcast %squeeze3A_14 : f32 to vector<16xf32>
        %mul3A_147 = arith.mulf %mul3A_146, %div3A_145 : vector<16xf32>
        %add3A_148 = arith.addf %add3A_134, %mul3A_147 : vector<16xf32>
        %broadcast_in_dim3A_149 = arith.constant 3 : i32
        %broadcast_in_dim3A_150 = vector.broadcast %broadcast_in_dim3A_149 : i32 to vector<16xi32>
        %gather3A_151 = tpu.vector_load_idx %arg9[%add3A_109, %broadcast_in_dim3A_150] : memref<512x32xf32, #tpu.memory_space<vmem>>[vector<16xi32>, vector<16xi32>], vector<16xf32>,
        %neg3A_152 = arith.constant 0.000000e+00 : f32
        %neg3A_153 = vector.broadcast %neg3A_152 : f32 to vector<16xf32>
        %neg3A_154 = arith.subf %neg3A_153, %gather3A_151 : vector<16xf32>
        %exp3A_155 = math.exp %neg3A_154 : vector<16xf32>
        %add3A_156 = arith.constant 1.000000e+00 : f32
        %add3A_157 = vector.broadcast %add3A_156 : f32 to vector<16xf32>
        %add3A_158 = arith.addf %add3A_157, %exp3A_155 : vector<16xf32>
        %div3A_159 = arith.divf %gather3A_151, %add3A_158 : vector<16xf32>
        %mul3A_160 = vector.broadcast %squeeze3A_16 : f32 to vector<16xf32>
        %mul3A_161 = arith.mulf %mul3A_160, %div3A_159 : vector<16xf32>
        %add3A_162 = arith.addf %add3A_148, %mul3A_161 : vector<16xf32>
        %broadcast_in_dim3A_163 = arith.constant 4 : i32
        %broadcast_in_dim3A_164 = vector.broadcast %broadcast_in_dim3A_163 : i32 to vector<16xi32>
        %gather3A_165 = tpu.vector_load_idx %arg9[%add3A_109, %broadcast_in_dim3A_164] : memref<512x32xf32, #tpu.memory_space<vmem>>[vector<16xi32>, vector<16xi32>], vector<16xf32>,
        %neg3A_166 = arith.constant 0.000000e+00 : f32
        %neg3A_167 = vector.broadcast %neg3A_166 : f32 to vector<16xf32>
        %neg3A_168 = arith.subf %neg3A_167, %gather3A_165 : vector<16xf32>
        %exp3A_169 = math.exp %neg3A_168 : vector<16xf32>
        %add3A_170 = arith.constant 1.000000e+00 : f32
        %add3A_171 = vector.broadcast %add3A_170 : f32 to vector<16xf32>
        %add3A_172 = arith.addf %add3A_171, %exp3A_169 : vector<16xf32>
        %div3A_173 = arith.divf %gather3A_165, %add3A_172 : vector<16xf32>
        %mul3A_174 = vector.broadcast %squeeze3A_18 : f32 to vector<16xf32>
        %mul3A_175 = arith.mulf %mul3A_174, %div3A_173 : vector<16xf32>
        %add3A_176 = arith.addf %add3A_162, %mul3A_175 : vector<16xf32>
        %broadcast_in_dim3A_177 = arith.constant 5 : i32
        %broadcast_in_dim3A_178 = vector.broadcast %broadcast_in_dim3A_177 : i32 to vector<16xi32>
        %gather3A_179 = tpu.vector_load_idx %arg9[%add3A_109, %broadcast_in_dim3A_178] : memref<512x32xf32, #tpu.memory_space<vmem>>[vector<16xi32>, vector<16xi32>], vector<16xf32>,
        %neg3A_180 = arith.constant 0.000000e+00 : f32
        %neg3A_181 = vector.broadcast %neg3A_180 : f32 to vector<16xf32>
        %neg3A_182 = arith.subf %neg3A_181, %gather3A_179 : vector<16xf32>
        %exp3A_183 = math.exp %neg3A_182 : vector<16xf32>
        %add3A_184 = arith.constant 1.000000e+00 : f32
        %add3A_185 = vector.broadcast %add3A_184 : f32 to vector<16xf32>
        %add3A_186 = arith.addf %add3A_185, %exp3A_183 : vector<16xf32>
        %div3A_187 = arith.divf %gather3A_179, %add3A_186 : vector<16xf32>
        %mul3A_188 = vector.broadcast %squeeze3A_20 : f32 to vector<16xf32>
        %mul3A_189 = arith.mulf %mul3A_188, %div3A_187 : vector<16xf32>
        %add3A_190 = arith.addf %add3A_176, %mul3A_189 : vector<16xf32>
        %broadcast_in_dim3A_191 = arith.constant 6 : i32
        %broadcast_in_dim3A_192 = vector.broadcast %broadcast_in_dim3A_191 : i32 to vector<16xi32>
        %gather3A_193 = tpu.vector_load_idx %arg9[%add3A_109, %broadcast_in_dim3A_192] : memref<512x32xf32, #tpu.memory_space<vmem>>[vector<16xi32>, vector<16xi32>], vector<16xf32>,
        %neg3A_194 = arith.constant 0.000000e+00 : f32
        %neg3A_195 = vector.broadcast %neg3A_194 : f32 to vector<16xf32>
        %neg3A_196 = arith.subf %neg3A_195, %gather3A_193 : vector<16xf32>
        %exp3A_197 = math.exp %neg3A_196 : vector<16xf32>
        %add3A_198 = arith.constant 1.000000e+00 : f32
        %add3A_199 = vector.broadcast %add3A_198 : f32 to vector<16xf32>
        %add3A_200 = arith.addf %add3A_199, %exp3A_197 : vector<16xf32>
        %div3A_201 = arith.divf %gather3A_193, %add3A_200 : vector<16xf32>
        %mul3A_202 = vector.broadcast %squeeze3A_22 : f32 to vector<16xf32>
        %mul3A_203 = arith.mulf %mul3A_202, %div3A_201 : vector<16xf32>
        %add3A_204 = arith.addf %add3A_190, %mul3A_203 : vector<16xf32>
        %broadcast_in_dim3A_205 = arith.constant 7 : i32
        %broadcast_in_dim3A_206 = vector.broadcast %broadcast_in_dim3A_205 : i32 to vector<16xi32>
        %gather3A_207 = tpu.vector_load_idx %arg9[%add3A_109, %broadcast_in_dim3A_206] : memref<512x32xf32, #tpu.memory_space<vmem>>[vector<16xi32>, vector<16xi32>], vector<16xf32>,
        %neg3A_208 = arith.constant 0.000000e+00 : f32
        %neg3A_209 = vector.broadcast %neg3A_208 : f32 to vector<16xf32>
        %neg3A_210 = arith.subf %neg3A_209, %gather3A_207 : vector<16xf32>
        %exp3A_211 = math.exp %neg3A_210 : vector<16xf32>
        %add3A_212 = arith.constant 1.000000e+00 : f32
        %add3A_213 = vector.broadcast %add3A_212 : f32 to vector<16xf32>
        %add3A_214 = arith.addf %add3A_213, %exp3A_211 : vector<16xf32>
        %div3A_215 = arith.divf %gather3A_207, %add3A_214 : vector<16xf32>
        %mul3A_216 = vector.broadcast %squeeze3A_24 : f32 to vector<16xf32>
        %mul3A_217 = arith.mulf %mul3A_216, %div3A_215 : vector<16xf32>
        %add3A_218 = arith.addf %add3A_204, %mul3A_217 : vector<16xf32>
        %broadcast_in_dim3A_219 = arith.constant 8 : i32
        %broadcast_in_dim3A_220 = vector.broadcast %broadcast_in_dim3A_219 : i32 to vector<16xi32>
        %gather3A_221 = tpu.vector_load_idx %arg9[%add3A_109, %broadcast_in_dim3A_220] : memref<512x32xf32, #tpu.memory_space<vmem>>[vector<16xi32>, vector<16xi32>], vector<16xf32>,
        %neg3A_222 = arith.constant 0.000000e+00 : f32
        %neg3A_223 = vector.broadcast %neg3A_222 : f32 to vector<16xf32>
        %neg3A_224 = arith.subf %neg3A_223, %gather3A_221 : vector<16xf32>
        %exp3A_225 = math.exp %neg3A_224 : vector<16xf32>
        %add3A_226 = arith.constant 1.000000e+00 : f32
        %add3A_227 = vector.broadcast %add3A_226 : f32 to vector<16xf32>
        %add3A_228 = arith.addf %add3A_227, %exp3A_225 : vector<16xf32>
        %div3A_229 = arith.divf %gather3A_221, %add3A_228 : vector<16xf32>
        %mul3A_230 = vector.broadcast %squeeze3A_26 : f32 to vector<16xf32>
        %mul3A_231 = arith.mulf %mul3A_230, %div3A_229 : vector<16xf32>
        %add3A_232 = arith.addf %add3A_218, %mul3A_231 : vector<16xf32>
        %broadcast_in_dim3A_233 = arith.constant 9 : i32
        %broadcast_in_dim3A_234 = vector.broadcast %broadcast_in_dim3A_233 : i32 to vector<16xi32>
        %gather3A_235 = tpu.vector_load_idx %arg9[%add3A_109, %broadcast_in_dim3A_234] : memref<512x32xf32, #tpu.memory_space<vmem>>[vector<16xi32>, vector<16xi32>], vector<16xf32>,
        %neg3A_236 = arith.constant 0.000000e+00 : f32
        %neg3A_237 = vector.broadcast %neg3A_236 : f32 to vector<16xf32>
        %neg3A_238 = arith.subf %neg3A_237, %gather3A_235 : vector<16xf32>
        %exp3A_239 = math.exp %neg3A_238 : vector<16xf32>
        %add3A_240 = arith.constant 1.000000e+00 : f32
        %add3A_241 = vector.broadcast %add3A_240 : f32 to vector<16xf32>
        %add3A_242 = arith.addf %add3A_241, %exp3A_239 : vector<16xf32>
        %div3A_243 = arith.divf %gather3A_235, %add3A_242 : vector<16xf32>
        %mul3A_244 = vector.broadcast %squeeze3A_28 : f32 to vector<16xf32>
        %mul3A_245 = arith.mulf %mul3A_244, %div3A_243 : vector<16xf32>
        %add3A_246 = arith.addf %add3A_232, %mul3A_245 : vector<16xf32>
        %broadcast_in_dim3A_247 = arith.constant 10 : i32
        %broadcast_in_dim3A_248 = vector.broadcast %broadcast_in_dim3A_247 : i32 to vector<16xi32>
        %gather3A_249 = tpu.vector_load_idx %arg9[%add3A_109, %broadcast_in_dim3A_248] : memref<512x32xf32, #tpu.memory_space<vmem>>[vector<16xi32>, vector<16xi32>], vector<16xf32>,
        %neg3A_250 = arith.constant 0.000000e+00 : f32
        %neg3A_251 = vector.broadcast %neg3A_250 : f32 to vector<16xf32>
        %neg3A_252 = arith.subf %neg3A_251, %gather3A_249 : vector<16xf32>
        %exp3A_253 = math.exp %neg3A_252 : vector<16xf32>
        %add3A_254 = arith.constant 1.000000e+00 : f32
        %add3A_255 = vector.broadcast %add3A_254 : f32 to vector<16xf32>
        %add3A_256 = arith.addf %add3A_255, %exp3A_253 : vector<16xf32>
        %div3A_257 = arith.divf %gather3A_249, %add3A_256 : vector<16xf32>
        %mul3A_258 = vector.broadcast %squeeze3A_30 : f32 to vector<16xf32>
        %mul3A_259 = arith.mulf %mul3A_258, %div3A_257 : vector<16xf32>
        %add3A_260 = arith.addf %add3A_246, %mul3A_259 : vector<16xf32>
        %broadcast_in_dim3A_261 = arith.constant 11 : i32
        %broadcast_in_dim3A_262 = vector.broadcast %broadcast_in_dim3A_261 : i32 to vector<16xi32>
        %gather3A_263 = tpu.vector_load_idx %arg9[%add3A_109, %broadcast_in_dim3A_262] : memref<512x32xf32, #tpu.memory_space<vmem>>[vector<16xi32>, vector<16xi32>], vector<16xf32>,
        %neg3A_264 = arith.constant 0.000000e+00 : f32
        %neg3A_265 = vector.broadcast %neg3A_264 : f32 to vector<16xf32>
        %neg3A_266 = arith.subf %neg3A_265, %gather3A_263 : vector<16xf32>
        %exp3A_267 = math.exp %neg3A_266 : vector<16xf32>
        %add3A_268 = arith.constant 1.000000e+00 : f32
        %add3A_269 = vector.broadcast %add3A_268 : f32 to vector<16xf32>
        %add3A_270 = arith.addf %add3A_269, %exp3A_267 : vector<16xf32>
        %div3A_271 = arith.divf %gather3A_263, %add3A_270 : vector<16xf32>
        %mul3A_272 = vector.broadcast %squeeze3A_32 : f32 to vector<16xf32>
        %mul3A_273 = arith.mulf %mul3A_272, %div3A_271 : vector<16xf32>
        %add3A_274 = arith.addf %add3A_260, %mul3A_273 : vector<16xf32>
        %broadcast_in_dim3A_275 = arith.constant 24 : i32
        %broadcast_in_dim3A_276 = vector.broadcast %broadcast_in_dim3A_275 : i32 to vector<16xi32>
        %gather3A_277 = tpu.vector_load_idx %arg10[%add3A_109, %broadcast_in_dim3A_276] : memref<512x32xf32, #tpu.memory_space<vmem>>[vector<16xi32>, vector<16xi32>], vector<16xf32>,
        %broadcast_in_dim3A_278 = arith.constant 25 : i32
        %broadcast_in_dim3A_279 = vector.broadcast %broadcast_in_dim3A_278 : i32 to vector<16xi32>
        %gather3A_280 = tpu.vector_load_idx %arg10[%add3A_109, %broadcast_in_dim3A_279] : memref<512x32xf32, #tpu.memory_space<vmem>>[vector<16xi32>, vector<16xi32>], vector<16xf32>,
        %broadcast_in_dim3A_281 = arith.constant 26 : i32
        %broadcast_in_dim3A_282 = vector.broadcast %broadcast_in_dim3A_281 : i32 to vector<16xi32>
        %gather3A_283 = tpu.vector_load_idx %arg10[%add3A_109, %broadcast_in_dim3A_282] : memref<512x32xf32, #tpu.memory_space<vmem>>[vector<16xi32>, vector<16xi32>], vector<16xf32>,
        %broadcast_in_dim3A_284 = arith.constant 15 : i32
        %broadcast_in_dim3A_285 = vector.broadcast %broadcast_in_dim3A_284 : i32 to vector<16xi32>
        %gather3A_286 = tpu.vector_load_idx %arg9[%add3A_109, %broadcast_in_dim3A_285] : memref<512x32xf32, #tpu.memory_space<vmem>>[vector<16xi32>, vector<16xi32>], vector<16xf32>,
        %mul3A_287 = arith.mulf %gather3A_277, %gather3A_286 : vector<16xf32>
        %broadcast_in_dim3A_288 = arith.constant 18 : i32
        %broadcast_in_dim3A_289 = vector.broadcast %broadcast_in_dim3A_288 : i32 to vector<16xi32>
        %gather3A_290 = tpu.vector_load_idx %arg9[%add3A_109, %broadcast_in_dim3A_289] : memref<512x32xf32, #tpu.memory_space<vmem>>[vector<16xi32>, vector<16xi32>], vector<16xf32>,
        %mul3A_291 = arith.mulf %gather3A_280, %gather3A_290 : vector<16xf32>
        %add3A_292 = arith.addf %mul3A_287, %mul3A_291 : vector<16xf32>
        %broadcast_in_dim3A_293 = arith.constant 21 : i32
        %broadcast_in_dim3A_294 = vector.broadcast %broadcast_in_dim3A_293 : i32 to vector<16xi32>
        %gather3A_295 = tpu.vector_load_idx %arg9[%add3A_109, %broadcast_in_dim3A_294] : memref<512x32xf32, #tpu.memory_space<vmem>>[vector<16xi32>, vector<16xi32>], vector<16xf32>,
        %mul3A_296 = arith.mulf %gather3A_283, %gather3A_295 : vector<16xf32>
        %add3A_297 = arith.addf %add3A_292, %mul3A_296 : vector<16xf32>
        %broadcast_in_dim3A_298 = arith.constant 12 : i32
        %broadcast_in_dim3A_299 = vector.broadcast %broadcast_in_dim3A_298 : i32 to vector<16xi32>
        %gather3A_300 = tpu.vector_load_idx %arg9[%add3A_109, %broadcast_in_dim3A_299] : memref<512x32xf32, #tpu.memory_space<vmem>>[vector<16xi32>, vector<16xi32>], vector<16xf32>,
        %sub3A = arith.subf %add3A_297, %gather3A_300 : vector<16xf32>
        %neg3A_301 = arith.constant 0.000000e+00 : f32
        %neg3A_302 = vector.broadcast %neg3A_301 : f32 to vector<16xf32>
        %neg3A_303 = arith.subf %neg3A_302, %sub3A : vector<16xf32>
        %exp3A_304 = math.exp %neg3A_303 : vector<16xf32>
        %add3A_305 = arith.constant 1.000000e+00 : f32
        %add3A_306 = vector.broadcast %add3A_305 : f32 to vector<16xf32>
        %add3A_307 = arith.addf %add3A_306, %exp3A_304 : vector<16xf32>
        %div3A_308 = arith.divf %sub3A, %add3A_307 : vector<16xf32>
        %mul3A_309 = vector.broadcast %squeeze3A_34 : f32 to vector<16xf32>
        %mul3A_310 = arith.mulf %mul3A_309, %div3A_308 : vector<16xf32>
        %add3A_311 = arith.addf %add3A_274, %mul3A_310 : vector<16xf32>
        %broadcast_in_dim3A_312 = arith.constant 16 : i32
        %broadcast_in_dim3A_313 = vector.broadcast %broadcast_in_dim3A_312 : i32 to vector<16xi32>
        %gather3A_314 = tpu.vector_load_idx %arg9[%add3A_109, %broadcast_in_dim3A_313] : memref<512x32xf32, #tpu.memory_space<vmem>>[vector<16xi32>, vector<16xi32>], vector<16xf32>,
        %mul3A_315 = arith.mulf %gather3A_277, %gather3A_314 : vector<16xf32>
        %broadcast_in_dim3A_316 = arith.constant 19 : i32
        %broadcast_in_dim3A_317 = vector.broadcast %broadcast_in_dim3A_316 : i32 to vector<16xi32>
        %gather3A_318 = tpu.vector_load_idx %arg9[%add3A_109, %broadcast_in_dim3A_317] : memref<512x32xf32, #tpu.memory_space<vmem>>[vector<16xi32>, vector<16xi32>], vector<16xf32>,
        %mul3A_319 = arith.mulf %gather3A_280, %gather3A_318 : vector<16xf32>
        %add3A_320 = arith.addf %mul3A_315, %mul3A_319 : vector<16xf32>
        %broadcast_in_dim3A_321 = arith.constant 22 : i32
        %broadcast_in_dim3A_322 = vector.broadcast %broadcast_in_dim3A_321 : i32 to vector<16xi32>
        %gather3A_323 = tpu.vector_load_idx %arg9[%add3A_109, %broadcast_in_dim3A_322] : memref<512x32xf32, #tpu.memory_space<vmem>>[vector<16xi32>, vector<16xi32>], vector<16xf32>,
        %mul3A_324 = arith.mulf %gather3A_283, %gather3A_323 : vector<16xf32>
        %add3A_325 = arith.addf %add3A_320, %mul3A_324 : vector<16xf32>
        %broadcast_in_dim3A_326 = arith.constant 13 : i32
        %broadcast_in_dim3A_327 = vector.broadcast %broadcast_in_dim3A_326 : i32 to vector<16xi32>
        %gather3A_328 = tpu.vector_load_idx %arg9[%add3A_109, %broadcast_in_dim3A_327] : memref<512x32xf32, #tpu.memory_space<vmem>>[vector<16xi32>, vector<16xi32>], vector<16xf32>,
        %sub3A_329 = arith.subf %add3A_325, %gather3A_328 : vector<16xf32>
        %neg3A_330 = arith.constant 0.000000e+00 : f32
        %neg3A_331 = vector.broadcast %neg3A_330 : f32 to vector<16xf32>
        %neg3A_332 = arith.subf %neg3A_331, %sub3A_329 : vector<16xf32>
        %exp3A_333 = math.exp %neg3A_332 : vector<16xf32>
        %add3A_334 = arith.constant 1.000000e+00 : f32
        %add3A_335 = vector.broadcast %add3A_334 : f32 to vector<16xf32>
        %add3A_336 = arith.addf %add3A_335, %exp3A_333 : vector<16xf32>
        %div3A_337 = arith.divf %sub3A_329, %add3A_336 : vector<16xf32>
        %mul3A_338 = vector.broadcast %squeeze3A_36 : f32 to vector<16xf32>
        %mul3A_339 = arith.mulf %mul3A_338, %div3A_337 : vector<16xf32>
        %add3A_340 = arith.addf %add3A_311, %mul3A_339 : vector<16xf32>
        %broadcast_in_dim3A_341 = arith.constant 17 : i32
        %broadcast_in_dim3A_342 = vector.broadcast %broadcast_in_dim3A_341 : i32 to vector<16xi32>
        %gather3A_343 = tpu.vector_load_idx %arg9[%add3A_109, %broadcast_in_dim3A_342] : memref<512x32xf32, #tpu.memory_space<vmem>>[vector<16xi32>, vector<16xi32>], vector<16xf32>,
        %mul3A_344 = arith.mulf %gather3A_277, %gather3A_343 : vector<16xf32>
        %broadcast_in_dim3A_345 = arith.constant 20 : i32
        %broadcast_in_dim3A_346 = vector.broadcast %broadcast_in_dim3A_345 : i32 to vector<16xi32>
        %gather3A_347 = tpu.vector_load_idx %arg9[%add3A_109, %broadcast_in_dim3A_346] : memref<512x32xf32, #tpu.memory_space<vmem>>[vector<16xi32>, vector<16xi32>], vector<16xf32>,
        %mul3A_348 = arith.mulf %gather3A_280, %gather3A_347 : vector<16xf32>
        %add3A_349 = arith.addf %mul3A_344, %mul3A_348 : vector<16xf32>
        %broadcast_in_dim3A_350 = arith.constant 23 : i32
        %broadcast_in_dim3A_351 = vector.broadcast %broadcast_in_dim3A_350 : i32 to vector<16xi32>
        %gather3A_352 = tpu.vector_load_idx %arg9[%add3A_109, %broadcast_in_dim3A_351] : memref<512x32xf32, #tpu.memory_space<vmem>>[vector<16xi32>, vector<16xi32>], vector<16xf32>,
        %mul3A_353 = arith.mulf %gather3A_283, %gather3A_352 : vector<16xf32>
        %add3A_354 = arith.addf %add3A_349, %mul3A_353 : vector<16xf32>
        %broadcast_in_dim3A_355 = arith.constant 14 : i32
        %broadcast_in_dim3A_356 = vector.broadcast %broadcast_in_dim3A_355 : i32 to vector<16xi32>
        %gather3A_357 = tpu.vector_load_idx %arg9[%add3A_109, %broadcast_in_dim3A_356] : memref<512x32xf32, #tpu.memory_space<vmem>>[vector<16xi32>, vector<16xi32>], vector<16xf32>,
        %sub3A_358 = arith.subf %add3A_354, %gather3A_357 : vector<16xf32>
        %neg3A_359 = arith.constant 0.000000e+00 : f32
        %neg3A_360 = vector.broadcast %neg3A_359 : f32 to vector<16xf32>
        %neg3A_361 = arith.subf %neg3A_360, %sub3A_358 : vector<16xf32>
        %exp3A_362 = math.exp %neg3A_361 : vector<16xf32>
        %add3A_363 = arith.constant 1.000000e+00 : f32
        %add3A_364 = vector.broadcast %add3A_363 : f32 to vector<16xf32>
        %add3A_365 = arith.addf %add3A_364, %exp3A_362 : vector<16xf32>
        %div3A_366 = arith.divf %sub3A_358, %add3A_365 : vector<16xf32>
        %mul3A_367 = vector.broadcast %squeeze3A_38 : f32 to vector<16xf32>
        %mul3A_368 = arith.mulf %mul3A_367, %div3A_366 : vector<16xf32>
        %add3A_369 = arith.addf %add3A_340, %mul3A_368 : vector<16xf32>
        %broadcast_in_dim3A_370 = arith.constant 0 : i32
        %broadcast_in_dim3A_371 = vector.broadcast %broadcast_in_dim3A_370 : i32 to vector<16xi32>
        %gather3A_372 = tpu.vector_load_idx %arg10[%add3A_109, %broadcast_in_dim3A_371] : memref<512x32xf32, #tpu.memory_space<vmem>>[vector<16xi32>, vector<16xi32>], vector<16xf32>,
        %neg3A_373 = arith.constant 0.000000e+00 : f32
        %neg3A_374 = vector.broadcast %neg3A_373 : f32 to vector<16xf32>
        %neg3A_375 = arith.subf %neg3A_374, %gather3A_372 : vector<16xf32>
        %exp3A_376 = math.exp %neg3A_375 : vector<16xf32>
        %add3A_377 = arith.constant 1.000000e+00 : f32
        %add3A_378 = vector.broadcast %add3A_377 : f32 to vector<16xf32>
        %add3A_379 = arith.addf %add3A_378, %exp3A_376 : vector<16xf32>
        %div3A_380 = arith.divf %gather3A_372, %add3A_379 : vector<16xf32>
        %mul3A_381 = vector.broadcast %squeeze3A_40 : f32 to vector<16xf32>
        %mul3A_382 = arith.mulf %mul3A_381, %div3A_380 : vector<16xf32>
        %add3A_383 = arith.addf %add3A_369, %mul3A_382 : vector<16xf32>
        %broadcast_in_dim3A_384 = arith.constant 1 : i32
        %broadcast_in_dim3A_385 = vector.broadcast %broadcast_in_dim3A_384 : i32 to vector<16xi32>
        %gather3A_386 = tpu.vector_load_idx %arg10[%add3A_109, %broadcast_in_dim3A_385] : memref<512x32xf32, #tpu.memory_space<vmem>>[vector<16xi32>, vector<16xi32>], vector<16xf32>,
        %neg3A_387 = arith.constant 0.000000e+00 : f32
        %neg3A_388 = vector.broadcast %neg3A_387 : f32 to vector<16xf32>
        %neg3A_389 = arith.subf %neg3A_388, %gather3A_386 : vector<16xf32>
        %exp3A_390 = math.exp %neg3A_389 : vector<16xf32>
        %add3A_391 = arith.constant 1.000000e+00 : f32
        %add3A_392 = vector.broadcast %add3A_391 : f32 to vector<16xf32>
        %add3A_393 = arith.addf %add3A_392, %exp3A_390 : vector<16xf32>
        %div3A_394 = arith.divf %gather3A_386, %add3A_393 : vector<16xf32>
        %mul3A_395 = vector.broadcast %squeeze3A_42 : f32 to vector<16xf32>
        %mul3A_396 = arith.mulf %mul3A_395, %div3A_394 : vector<16xf32>
        %add3A_397 = arith.addf %add3A_383, %mul3A_396 : vector<16xf32>
        %broadcast_in_dim3A_398 = arith.constant 2 : i32
        %broadcast_in_dim3A_399 = vector.broadcast %broadcast_in_dim3A_398 : i32 to vector<16xi32>
        %gather3A_400 = tpu.vector_load_idx %arg10[%add3A_109, %broadcast_in_dim3A_399] : memref<512x32xf32, #tpu.memory_space<vmem>>[vector<16xi32>, vector<16xi32>], vector<16xf32>,
        %neg3A_401 = arith.constant 0.000000e+00 : f32
        %neg3A_402 = vector.broadcast %neg3A_401 : f32 to vector<16xf32>
        %neg3A_403 = arith.subf %neg3A_402, %gather3A_400 : vector<16xf32>
        %exp3A_404 = math.exp %neg3A_403 : vector<16xf32>
        %add3A_405 = arith.constant 1.000000e+00 : f32
        %add3A_406 = vector.broadcast %add3A_405 : f32 to vector<16xf32>
        %add3A_407 = arith.addf %add3A_406, %exp3A_404 : vector<16xf32>
        %div3A_408 = arith.divf %gather3A_400, %add3A_407 : vector<16xf32>
        %mul3A_409 = vector.broadcast %squeeze3A_44 : f32 to vector<16xf32>
        %mul3A_410 = arith.mulf %mul3A_409, %div3A_408 : vector<16xf32>
        %add3A_411 = arith.addf %add3A_397, %mul3A_410 : vector<16xf32>
        %broadcast_in_dim3A_412 = arith.constant 3 : i32
        %broadcast_in_dim3A_413 = vector.broadcast %broadcast_in_dim3A_412 : i32 to vector<16xi32>
        %gather3A_414 = tpu.vector_load_idx %arg10[%add3A_109, %broadcast_in_dim3A_413] : memref<512x32xf32, #tpu.memory_space<vmem>>[vector<16xi32>, vector<16xi32>], vector<16xf32>,
        %neg3A_415 = arith.constant 0.000000e+00 : f32
        %neg3A_416 = vector.broadcast %neg3A_415 : f32 to vector<16xf32>
        %neg3A_417 = arith.subf %neg3A_416, %gather3A_414 : vector<16xf32>
        %exp3A_418 = math.exp %neg3A_417 : vector<16xf32>
        %add3A_419 = arith.constant 1.000000e+00 : f32
        %add3A_420 = vector.broadcast %add3A_419 : f32 to vector<16xf32>
        %add3A_421 = arith.addf %add3A_420, %exp3A_418 : vector<16xf32>
        %div3A_422 = arith.divf %gather3A_414, %add3A_421 : vector<16xf32>
        %mul3A_423 = vector.broadcast %squeeze3A_46 : f32 to vector<16xf32>
        %mul3A_424 = arith.mulf %mul3A_423, %div3A_422 : vector<16xf32>
        %add3A_425 = arith.addf %add3A_411, %mul3A_424 : vector<16xf32>
        %broadcast_in_dim3A_426 = arith.constant 4 : i32
        %broadcast_in_dim3A_427 = vector.broadcast %broadcast_in_dim3A_426 : i32 to vector<16xi32>
        %gather3A_428 = tpu.vector_load_idx %arg10[%add3A_109, %broadcast_in_dim3A_427] : memref<512x32xf32, #tpu.memory_space<vmem>>[vector<16xi32>, vector<16xi32>], vector<16xf32>,
        %neg3A_429 = arith.constant 0.000000e+00 : f32
        %neg3A_430 = vector.broadcast %neg3A_429 : f32 to vector<16xf32>
        %neg3A_431 = arith.subf %neg3A_430, %gather3A_428 : vector<16xf32>
        %exp3A_432 = math.exp %neg3A_431 : vector<16xf32>
        %add3A_433 = arith.constant 1.000000e+00 : f32
        %add3A_434 = vector.broadcast %add3A_433 : f32 to vector<16xf32>
        %add3A_435 = arith.addf %add3A_434, %exp3A_432 : vector<16xf32>
        %div3A_436 = arith.divf %gather3A_428, %add3A_435 : vector<16xf32>
        %mul3A_437 = vector.broadcast %squeeze3A_48 : f32 to vector<16xf32>
        %mul3A_438 = arith.mulf %mul3A_437, %div3A_436 : vector<16xf32>
        %add3A_439 = arith.addf %add3A_425, %mul3A_438 : vector<16xf32>
        %broadcast_in_dim3A_440 = arith.constant 5 : i32
        %broadcast_in_dim3A_441 = vector.broadcast %broadcast_in_dim3A_440 : i32 to vector<16xi32>
        %gather3A_442 = tpu.vector_load_idx %arg10[%add3A_109, %broadcast_in_dim3A_441] : memref<512x32xf32, #tpu.memory_space<vmem>>[vector<16xi32>, vector<16xi32>], vector<16xf32>,
        %neg3A_443 = arith.constant 0.000000e+00 : f32
        %neg3A_444 = vector.broadcast %neg3A_443 : f32 to vector<16xf32>
        %neg3A_445 = arith.subf %neg3A_444, %gather3A_442 : vector<16xf32>
        %exp3A_446 = math.exp %neg3A_445 : vector<16xf32>
        %add3A_447 = arith.constant 1.000000e+00 : f32
        %add3A_448 = vector.broadcast %add3A_447 : f32 to vector<16xf32>
        %add3A_449 = arith.addf %add3A_448, %exp3A_446 : vector<16xf32>
        %div3A_450 = arith.divf %gather3A_442, %add3A_449 : vector<16xf32>
        %mul3A_451 = vector.broadcast %squeeze3A_50 : f32 to vector<16xf32>
        %mul3A_452 = arith.mulf %mul3A_451, %div3A_450 : vector<16xf32>
        %add3A_453 = arith.addf %add3A_439, %mul3A_452 : vector<16xf32>
        %broadcast_in_dim3A_454 = arith.constant 6 : i32
        %broadcast_in_dim3A_455 = vector.broadcast %broadcast_in_dim3A_454 : i32 to vector<16xi32>
        %gather3A_456 = tpu.vector_load_idx %arg10[%add3A_109, %broadcast_in_dim3A_455] : memref<512x32xf32, #tpu.memory_space<vmem>>[vector<16xi32>, vector<16xi32>], vector<16xf32>,
        %neg3A_457 = arith.constant 0.000000e+00 : f32
        %neg3A_458 = vector.broadcast %neg3A_457 : f32 to vector<16xf32>
        %neg3A_459 = arith.subf %neg3A_458, %gather3A_456 : vector<16xf32>
        %exp3A_460 = math.exp %neg3A_459 : vector<16xf32>
        %add3A_461 = arith.constant 1.000000e+00 : f32
        %add3A_462 = vector.broadcast %add3A_461 : f32 to vector<16xf32>
        %add3A_463 = arith.addf %add3A_462, %exp3A_460 : vector<16xf32>
        %div3A_464 = arith.divf %gather3A_456, %add3A_463 : vector<16xf32>
        %mul3A_465 = vector.broadcast %squeeze3A_52 : f32 to vector<16xf32>
        %mul3A_466 = arith.mulf %mul3A_465, %div3A_464 : vector<16xf32>
        %add3A_467 = arith.addf %add3A_453, %mul3A_466 : vector<16xf32>
        %broadcast_in_dim3A_468 = arith.constant 7 : i32
        %broadcast_in_dim3A_469 = vector.broadcast %broadcast_in_dim3A_468 : i32 to vector<16xi32>
        %gather3A_470 = tpu.vector_load_idx %arg10[%add3A_109, %broadcast_in_dim3A_469] : memref<512x32xf32, #tpu.memory_space<vmem>>[vector<16xi32>, vector<16xi32>], vector<16xf32>,
        %neg3A_471 = arith.constant 0.000000e+00 : f32
        %neg3A_472 = vector.broadcast %neg3A_471 : f32 to vector<16xf32>
        %neg3A_473 = arith.subf %neg3A_472, %gather3A_470 : vector<16xf32>
        %exp3A_474 = math.exp %neg3A_473 : vector<16xf32>
        %add3A_475 = arith.constant 1.000000e+00 : f32
        %add3A_476 = vector.broadcast %add3A_475 : f32 to vector<16xf32>
        %add3A_477 = arith.addf %add3A_476, %exp3A_474 : vector<16xf32>
        %div3A_478 = arith.divf %gather3A_470, %add3A_477 : vector<16xf32>
        %mul3A_479 = vector.broadcast %squeeze3A_54 : f32 to vector<16xf32>
        %mul3A_480 = arith.mulf %mul3A_479, %div3A_478 : vector<16xf32>
        %add3A_481 = arith.addf %add3A_467, %mul3A_480 : vector<16xf32>
        %broadcast_in_dim3A_482 = arith.constant 8 : i32
        %broadcast_in_dim3A_483 = vector.broadcast %broadcast_in_dim3A_482 : i32 to vector<16xi32>
        %gather3A_484 = tpu.vector_load_idx %arg10[%add3A_109, %broadcast_in_dim3A_483] : memref<512x32xf32, #tpu.memory_space<vmem>>[vector<16xi32>, vector<16xi32>], vector<16xf32>,
        %neg3A_485 = arith.constant 0.000000e+00 : f32
        %neg3A_486 = vector.broadcast %neg3A_485 : f32 to vector<16xf32>
        %neg3A_487 = arith.subf %neg3A_486, %gather3A_484 : vector<16xf32>
        %exp3A_488 = math.exp %neg3A_487 : vector<16xf32>
        %add3A_489 = arith.constant 1.000000e+00 : f32
        %add3A_490 = vector.broadcast %add3A_489 : f32 to vector<16xf32>
        %add3A_491 = arith.addf %add3A_490, %exp3A_488 : vector<16xf32>
        %div3A_492 = arith.divf %gather3A_484, %add3A_491 : vector<16xf32>
        %mul3A_493 = vector.broadcast %squeeze3A_56 : f32 to vector<16xf32>
        %mul3A_494 = arith.mulf %mul3A_493, %div3A_492 : vector<16xf32>
        %add3A_495 = arith.addf %add3A_481, %mul3A_494 : vector<16xf32>
        %broadcast_in_dim3A_496 = arith.constant 9 : i32
        %broadcast_in_dim3A_497 = vector.broadcast %broadcast_in_dim3A_496 : i32 to vector<16xi32>
        %gather3A_498 = tpu.vector_load_idx %arg10[%add3A_109, %broadcast_in_dim3A_497] : memref<512x32xf32, #tpu.memory_space<vmem>>[vector<16xi32>, vector<16xi32>], vector<16xf32>,
        %neg3A_499 = arith.constant 0.000000e+00 : f32
        %neg3A_500 = vector.broadcast %neg3A_499 : f32 to vector<16xf32>
        %neg3A_501 = arith.subf %neg3A_500, %gather3A_498 : vector<16xf32>
        %exp3A_502 = math.exp %neg3A_501 : vector<16xf32>
        %add3A_503 = arith.constant 1.000000e+00 : f32
        %add3A_504 = vector.broadcast %add3A_503 : f32 to vector<16xf32>
        %add3A_505 = arith.addf %add3A_504, %exp3A_502 : vector<16xf32>
        %div3A_506 = arith.divf %gather3A_498, %add3A_505 : vector<16xf32>
        %mul3A_507 = vector.broadcast %squeeze3A_58 : f32 to vector<16xf32>
        %mul3A_508 = arith.mulf %mul3A_507, %div3A_506 : vector<16xf32>
        %add3A_509 = arith.addf %add3A_495, %mul3A_508 : vector<16xf32>
        %broadcast_in_dim3A_510 = arith.constant 10 : i32
        %broadcast_in_dim3A_511 = vector.broadcast %broadcast_in_dim3A_510 : i32 to vector<16xi32>
        %gather3A_512 = tpu.vector_load_idx %arg10[%add3A_109, %broadcast_in_dim3A_511] : memref<512x32xf32, #tpu.memory_space<vmem>>[vector<16xi32>, vector<16xi32>], vector<16xf32>,
        %neg3A_513 = arith.constant 0.000000e+00 : f32
        %neg3A_514 = vector.broadcast %neg3A_513 : f32 to vector<16xf32>
        %neg3A_515 = arith.subf %neg3A_514, %gather3A_512 : vector<16xf32>
        %exp3A_516 = math.exp %neg3A_515 : vector<16xf32>
        %add3A_517 = arith.constant 1.000000e+00 : f32
        %add3A_518 = vector.broadcast %add3A_517 : f32 to vector<16xf32>
        %add3A_519 = arith.addf %add3A_518, %exp3A_516 : vector<16xf32>
        %div3A_520 = arith.divf %gather3A_512, %add3A_519 : vector<16xf32>
        %mul3A_521 = vector.broadcast %squeeze3A_60 : f32 to vector<16xf32>
        %mul3A_522 = arith.mulf %mul3A_521, %div3A_520 : vector<16xf32>
        %add3A_523 = arith.addf %add3A_509, %mul3A_522 : vector<16xf32>
        %broadcast_in_dim3A_524 = arith.constant 11 : i32
        %broadcast_in_dim3A_525 = vector.broadcast %broadcast_in_dim3A_524 : i32 to vector<16xi32>
        %gather3A_526 = tpu.vector_load_idx %arg10[%add3A_109, %broadcast_in_dim3A_525] : memref<512x32xf32, #tpu.memory_space<vmem>>[vector<16xi32>, vector<16xi32>], vector<16xf32>,
        %neg3A_527 = arith.constant 0.000000e+00 : f32
        %neg3A_528 = vector.broadcast %neg3A_527 : f32 to vector<16xf32>
        %neg3A_529 = arith.subf %neg3A_528, %gather3A_526 : vector<16xf32>
        %exp3A_530 = math.exp %neg3A_529 : vector<16xf32>
        %add3A_531 = arith.constant 1.000000e+00 : f32
        %add3A_532 = vector.broadcast %add3A_531 : f32 to vector<16xf32>
        %add3A_533 = arith.addf %add3A_532, %exp3A_530 : vector<16xf32>
        %div3A_534 = arith.divf %gather3A_526, %add3A_533 : vector<16xf32>
        %mul3A_535 = vector.broadcast %squeeze3A_62 : f32 to vector<16xf32>
        %mul3A_536 = arith.mulf %mul3A_535, %div3A_534 : vector<16xf32>
        %add3A_537 = arith.addf %add3A_523, %mul3A_536 : vector<16xf32>
        %broadcast_in_dim3A_538 = arith.constant 24 : i32
        %broadcast_in_dim3A_539 = vector.broadcast %broadcast_in_dim3A_538 : i32 to vector<16xi32>
        %gather3A_540 = tpu.vector_load_idx %arg9[%add3A_109, %broadcast_in_dim3A_539] : memref<512x32xf32, #tpu.memory_space<vmem>>[vector<16xi32>, vector<16xi32>], vector<16xf32>,
        %broadcast_in_dim3A_541 = arith.constant 25 : i32
        %broadcast_in_dim3A_542 = vector.broadcast %broadcast_in_dim3A_541 : i32 to vector<16xi32>
        %gather3A_543 = tpu.vector_load_idx %arg9[%add3A_109, %broadcast_in_dim3A_542] : memref<512x32xf32, #tpu.memory_space<vmem>>[vector<16xi32>, vector<16xi32>], vector<16xf32>,
        %broadcast_in_dim3A_544 = arith.constant 26 : i32
        %broadcast_in_dim3A_545 = vector.broadcast %broadcast_in_dim3A_544 : i32 to vector<16xi32>
        %gather3A_546 = tpu.vector_load_idx %arg9[%add3A_109, %broadcast_in_dim3A_545] : memref<512x32xf32, #tpu.memory_space<vmem>>[vector<16xi32>, vector<16xi32>], vector<16xf32>,
        %broadcast_in_dim3A_547 = arith.constant 15 : i32
        %broadcast_in_dim3A_548 = vector.broadcast %broadcast_in_dim3A_547 : i32 to vector<16xi32>
        %gather3A_549 = tpu.vector_load_idx %arg10[%add3A_109, %broadcast_in_dim3A_548] : memref<512x32xf32, #tpu.memory_space<vmem>>[vector<16xi32>, vector<16xi32>], vector<16xf32>,
        %mul3A_550 = arith.mulf %gather3A_540, %gather3A_549 : vector<16xf32>
        %broadcast_in_dim3A_551 = arith.constant 18 : i32
        %broadcast_in_dim3A_552 = vector.broadcast %broadcast_in_dim3A_551 : i32 to vector<16xi32>
        %gather3A_553 = tpu.vector_load_idx %arg10[%add3A_109, %broadcast_in_dim3A_552] : memref<512x32xf32, #tpu.memory_space<vmem>>[vector<16xi32>, vector<16xi32>], vector<16xf32>,
        %mul3A_554 = arith.mulf %gather3A_543, %gather3A_553 : vector<16xf32>
        %add3A_555 = arith.addf %mul3A_550, %mul3A_554 : vector<16xf32>
        %broadcast_in_dim3A_556 = arith.constant 21 : i32
        %broadcast_in_dim3A_557 = vector.broadcast %broadcast_in_dim3A_556 : i32 to vector<16xi32>
        %gather3A_558 = tpu.vector_load_idx %arg10[%add3A_109, %broadcast_in_dim3A_557] : memref<512x32xf32, #tpu.memory_space<vmem>>[vector<16xi32>, vector<16xi32>], vector<16xf32>,
        %mul3A_559 = arith.mulf %gather3A_546, %gather3A_558 : vector<16xf32>
        %add3A_560 = arith.addf %add3A_555, %mul3A_559 : vector<16xf32>
        %broadcast_in_dim3A_561 = arith.constant 12 : i32
        %broadcast_in_dim3A_562 = vector.broadcast %broadcast_in_dim3A_561 : i32 to vector<16xi32>
        %gather3A_563 = tpu.vector_load_idx %arg10[%add3A_109, %broadcast_in_dim3A_562] : memref<512x32xf32, #tpu.memory_space<vmem>>[vector<16xi32>, vector<16xi32>], vector<16xf32>,
        %sub3A_564 = arith.subf %add3A_560, %gather3A_563 : vector<16xf32>
        %neg3A_565 = arith.constant 0.000000e+00 : f32
        %neg3A_566 = vector.broadcast %neg3A_565 : f32 to vector<16xf32>
        %neg3A_567 = arith.subf %neg3A_566, %sub3A_564 : vector<16xf32>
        %exp3A_568 = math.exp %neg3A_567 : vector<16xf32>
        %add3A_569 = arith.constant 1.000000e+00 : f32
        %add3A_570 = vector.broadcast %add3A_569 : f32 to vector<16xf32>
        %add3A_571 = arith.addf %add3A_570, %exp3A_568 : vector<16xf32>
        %div3A_572 = arith.divf %sub3A_564, %add3A_571 : vector<16xf32>
        %mul3A_573 = vector.broadcast %squeeze3A_64 : f32 to vector<16xf32>
        %mul3A_574 = arith.mulf %mul3A_573, %div3A_572 : vector<16xf32>
        %add3A_575 = arith.addf %add3A_537, %mul3A_574 : vector<16xf32>
        %broadcast_in_dim3A_576 = arith.constant 16 : i32
        %broadcast_in_dim3A_577 = vector.broadcast %broadcast_in_dim3A_576 : i32 to vector<16xi32>
        %gather3A_578 = tpu.vector_load_idx %arg10[%add3A_109, %broadcast_in_dim3A_577] : memref<512x32xf32, #tpu.memory_space<vmem>>[vector<16xi32>, vector<16xi32>], vector<16xf32>,
        %mul3A_579 = arith.mulf %gather3A_540, %gather3A_578 : vector<16xf32>
        %broadcast_in_dim3A_580 = arith.constant 19 : i32
        %broadcast_in_dim3A_581 = vector.broadcast %broadcast_in_dim3A_580 : i32 to vector<16xi32>
        %gather3A_582 = tpu.vector_load_idx %arg10[%add3A_109, %broadcast_in_dim3A_581] : memref<512x32xf32, #tpu.memory_space<vmem>>[vector<16xi32>, vector<16xi32>], vector<16xf32>,
        %mul3A_583 = arith.mulf %gather3A_543, %gather3A_582 : vector<16xf32>
        %add3A_584 = arith.addf %mul3A_579, %mul3A_583 : vector<16xf32>
        %broadcast_in_dim3A_585 = arith.constant 22 : i32
        %broadcast_in_dim3A_586 = vector.broadcast %broadcast_in_dim3A_585 : i32 to vector<16xi32>
        %gather3A_587 = tpu.vector_load_idx %arg10[%add3A_109, %broadcast_in_dim3A_586] : memref<512x32xf32, #tpu.memory_space<vmem>>[vector<16xi32>, vector<16xi32>], vector<16xf32>,
        %mul3A_588 = arith.mulf %gather3A_546, %gather3A_587 : vector<16xf32>
        %add3A_589 = arith.addf %add3A_584, %mul3A_588 : vector<16xf32>
        %broadcast_in_dim3A_590 = arith.constant 13 : i32
        %broadcast_in_dim3A_591 = vector.broadcast %broadcast_in_dim3A_590 : i32 to vector<16xi32>
        %gather3A_592 = tpu.vector_load_idx %arg10[%add3A_109, %broadcast_in_dim3A_591] : memref<512x32xf32, #tpu.memory_space<vmem>>[vector<16xi32>, vector<16xi32>], vector<16xf32>,
        %sub3A_593 = arith.subf %add3A_589, %gather3A_592 : vector<16xf32>
        %neg3A_594 = arith.constant 0.000000e+00 : f32
        %neg3A_595 = vector.broadcast %neg3A_594 : f32 to vector<16xf32>
        %neg3A_596 = arith.subf %neg3A_595, %sub3A_593 : vector<16xf32>
        %exp3A_597 = math.exp %neg3A_596 : vector<16xf32>
        %add3A_598 = arith.constant 1.000000e+00 : f32
        %add3A_599 = vector.broadcast %add3A_598 : f32 to vector<16xf32>
        %add3A_600 = arith.addf %add3A_599, %exp3A_597 : vector<16xf32>
        %div3A_601 = arith.divf %sub3A_593, %add3A_600 : vector<16xf32>
        %mul3A_602 = vector.broadcast %squeeze3A_66 : f32 to vector<16xf32>
        %mul3A_603 = arith.mulf %mul3A_602, %div3A_601 : vector<16xf32>
        %add3A_604 = arith.addf %add3A_575, %mul3A_603 : vector<16xf32>
        %broadcast_in_dim3A_605 = arith.constant 17 : i32
        %broadcast_in_dim3A_606 = vector.broadcast %broadcast_in_dim3A_605 : i32 to vector<16xi32>
        %gather3A_607 = tpu.vector_load_idx %arg10[%add3A_109, %broadcast_in_dim3A_606] : memref<512x32xf32, #tpu.memory_space<vmem>>[vector<16xi32>, vector<16xi32>], vector<16xf32>,
        %mul3A_608 = arith.mulf %gather3A_540, %gather3A_607 : vector<16xf32>
        %broadcast_in_dim3A_609 = arith.constant 20 : i32
        %broadcast_in_dim3A_610 = vector.broadcast %broadcast_in_dim3A_609 : i32 to vector<16xi32>
        %gather3A_611 = tpu.vector_load_idx %arg10[%add3A_109, %broadcast_in_dim3A_610] : memref<512x32xf32, #tpu.memory_space<vmem>>[vector<16xi32>, vector<16xi32>], vector<16xf32>,
        %mul3A_612 = arith.mulf %gather3A_543, %gather3A_611 : vector<16xf32>
        %add3A_613 = arith.addf %mul3A_608, %mul3A_612 : vector<16xf32>
        %broadcast_in_dim3A_614 = arith.constant 23 : i32
        %broadcast_in_dim3A_615 = vector.broadcast %broadcast_in_dim3A_614 : i32 to vector<16xi32>
        %gather3A_616 = tpu.vector_load_idx %arg10[%add3A_109, %broadcast_in_dim3A_615] : memref<512x32xf32, #tpu.memory_space<vmem>>[vector<16xi32>, vector<16xi32>], vector<16xf32>,
        %mul3A_617 = arith.mulf %gather3A_546, %gather3A_616 : vector<16xf32>
        %add3A_618 = arith.addf %add3A_613, %mul3A_617 : vector<16xf32>
        %broadcast_in_dim3A_619 = arith.constant 14 : i32
        %broadcast_in_dim3A_620 = vector.broadcast %broadcast_in_dim3A_619 : i32 to vector<16xi32>
        %gather3A_621 = tpu.vector_load_idx %arg10[%add3A_109, %broadcast_in_dim3A_620] : memref<512x32xf32, #tpu.memory_space<vmem>>[vector<16xi32>, vector<16xi32>], vector<16xf32>,
        %sub3A_622 = arith.subf %add3A_618, %gather3A_621 : vector<16xf32>
        %neg3A_623 = arith.constant 0.000000e+00 : f32
        %neg3A_624 = vector.broadcast %neg3A_623 : f32 to vector<16xf32>
        %neg3A_625 = arith.subf %neg3A_624, %sub3A_622 : vector<16xf32>
        %exp3A_626 = math.exp %neg3A_625 : vector<16xf32>
        %add3A_627 = arith.constant 1.000000e+00 : f32
        %add3A_628 = vector.broadcast %add3A_627 : f32 to vector<16xf32>
        %add3A_629 = arith.addf %add3A_628, %exp3A_626 : vector<16xf32>
        %div3A_630 = arith.divf %sub3A_622, %add3A_629 : vector<16xf32>
        %mul3A_631 = vector.broadcast %squeeze3A_68 : f32 to vector<16xf32>
        %mul3A_632 = arith.mulf %mul3A_631, %div3A_630 : vector<16xf32>
        %add3A_633 = arith.addf %add3A_604, %mul3A_632 : vector<16xf32>
        %exp3A_634 = math.exp %add3A_633 : vector<16xf32>
        %mul3A_635 = arith.constant 16 : i32
        %mul3A_636 = arith.muli %scan3A_105, %mul3A_635 : i32
        %swap3A = arith.index_cast %mul3A_636 : i32 to index
        %swap3A_637 = tpu.vector_load %arg13[%swap3A] {strides = array<i32>} : memref<512xf32, #tpu.memory_space<vmem>>, vector<16xf32>,
        tpu.vector_store %arg13[%swap3A], %exp3A_634 {strides = array<i32>} : memref<512xf32, #tpu.memory_space<vmem>>, vector<16xf32>,
      }
      %scan3A_104 = arith.constant 32 : i32
      "tpu.region"() ({
        %run_scoped3A = tpu.sem_alloc : memref<!tpu.dma_semaphore, #tpu.memory_space<semaphore_mem>>
        %dma_start3A_105 = tpu.memref_slice %arg7[%add3A_88] : memref<819200xf32, #tpu.memory_space<hbm>> -> memref<512xf32, #tpu.memory_space<hbm>>
        %dma_start3A_106 = tpu.memref_slice %arg7[%add3A_88] : memref<819200xf32, #tpu.memory_space<hbm>> -> memref<512xf32, #tpu.memory_space<hbm>>
        tpu.enqueue_dma source(%arg13 : memref<512xf32, #tpu.memory_space<vmem>>) target(%dma_start3A_106 : memref<512xf32, #tpu.memory_space<hbm>>) target_semaphore(%run_scoped3A : memref<!tpu.dma_semaphore, #tpu.memory_space<semaphore_mem>>)
        %dma_wait3A_107 = tpu.memref_slice %arg7[%add3A_88] : memref<819200xf32, #tpu.memory_space<hbm>> -> memref<512xf32, #tpu.memory_space<hbm>>
        %dma_wait3A_108 = tpu.memref_slice %arg7[%add3A_88] : memref<819200xf32, #tpu.memory_space<hbm>> -> memref<512xf32, #tpu.memory_space<hbm>>
        tpu.wait_dma2 semaphore(%run_scoped3A : memref<!tpu.dma_semaphore, #tpu.memory_space<semaphore_mem>>) src(%arg13 : memref<512xf32, #tpu.memory_space<vmem>>) dst(%dma_wait3A_108 : memref<512xf32, #tpu.memory_space<hbm>>)
        tpu.yield
      }) : () -> ()
      "tpu.region"() ({
        %run_scoped3A = tpu.sem_alloc : memref<!tpu.dma_semaphore, #tpu.memory_space<semaphore_mem>>
        %dma_start3A_105 = arith.constant 0 : i32
        %dma_start3A_106 = tpu.memref_slice %arg16[%dma_start3A_105] : memref<50176xf32, #tpu.memory_space<vmem_shared>> -> memref<50176xf32, #tpu.memory_space<vmem_shared>>
        tpu.enqueue_indirect_dma source(%arg13 : memref<512xf32, #tpu.memory_space<vmem>>) target(%dma_start3A_106 : memref<50176xf32, #tpu.memory_space<vmem_shared>>) offsets(%arg11 : memref<512xi32, #tpu.memory_space<vmem>>) semaphore(%run_scoped3A : memref<!tpu.dma_semaphore, #tpu.memory_space<semaphore_mem>>) {add = true}
        %dma_wait3A_107 = arith.constant 0 : i32
        %dma_wait3A_108 = tpu.memref_slice %arg16[%dma_wait3A_107] : memref<50176xf32, #tpu.memory_space<vmem_shared>> -> memref<50176xf32, #tpu.memory_space<vmem_shared>>
        tpu.wait_indirect_dma semaphore(%run_scoped3A : memref<!tpu.dma_semaphore, #tpu.memory_space<semaphore_mem>>) src(%arg13 : memref<512xf32, #tpu.memory_space<vmem>>) dst(%dma_wait3A_108 : memref<50176xf32, #tpu.memory_space<vmem_shared>>)
        tpu.yield
      }) : () -> ()
    }
    %scan3A_76 = arith.constant 50 : i32
    %barrier3A_77 = arith.constant 0 : index
    tpu.barrier barrier_id(%barrier3A_77)
    %mul3A_78 = arith.constant 3136 : i32
    %mul3A_79 = arith.muli %arg1, %mul3A_78 : i32
    "tpu.region"() ({
      %run_scoped3A = tpu.sem_alloc : memref<!tpu.dma_semaphore, #tpu.memory_space<semaphore_mem>>
      %dma_start3A = tpu.memref_slice %arg16[%mul3A_79] : memref<50176xf32, #tpu.memory_space<vmem_shared>> -> memref<3136xf32, #tpu.memory_space<vmem_shared>>
      %dma_start3A_85 = tpu.memref_slice %arg16[%mul3A_79] : memref<50176xf32, #tpu.memory_space<vmem_shared>> -> memref<3136xf32, #tpu.memory_space<vmem_shared>>
      tpu.enqueue_dma source(%dma_start3A_85 : memref<3136xf32, #tpu.memory_space<vmem_shared>>) target(%arg15 : memref<3136xf32, #tpu.memory_space<vmem>>) target_semaphore(%run_scoped3A : memref<!tpu.dma_semaphore, #tpu.memory_space<semaphore_mem>>)
      %dma_wait3A = tpu.memref_slice %arg16[%mul3A_79] : memref<50176xf32, #tpu.memory_space<vmem_shared>> -> memref<3136xf32, #tpu.memory_space<vmem_shared>>
      %dma_wait3A_86 = tpu.memref_slice %arg16[%mul3A_79] : memref<50176xf32, #tpu.memory_space<vmem_shared>> -> memref<3136xf32, #tpu.memory_space<vmem_shared>>
      tpu.wait_dma2 semaphore(%run_scoped3A : memref<!tpu.dma_semaphore, #tpu.memory_space<semaphore_mem>>) src(%dma_wait3A_86 : memref<3136xf32, #tpu.memory_space<vmem_shared>>) dst(%arg15 : memref<3136xf32, #tpu.memory_space<vmem>>)
      tpu.yield
    }) : () -> ()
    %mul3A_80 = arith.constant 50176 : i32
    %mul3A_81 = arith.muli %arg0, %mul3A_80 : i32
    %mul3A_82 = arith.constant 3136 : i32
    %mul3A_83 = arith.muli %arg1, %mul3A_82 : i32
    %add3A_84 = arith.addi %mul3A_81, %mul3A_83 : i32
    "tpu.region"() ({
      %run_scoped3A = tpu.sem_alloc : memref<!tpu.dma_semaphore, #tpu.memory_space<semaphore_mem>>
      %dma_start3A = tpu.memref_slice %arg8[%add3A_84] : memref<100352xf32, #tpu.memory_space<hbm>> -> memref<3136xf32, #tpu.memory_space<hbm>>
      %dma_start3A_85 = tpu.memref_slice %arg8[%add3A_84] : memref<100352xf32, #tpu.memory_space<hbm>> -> memref<3136xf32, #tpu.memory_space<hbm>>
      tpu.enqueue_dma source(%arg15 : memref<3136xf32, #tpu.memory_space<vmem>>) target(%dma_start3A_85 : memref<3136xf32, #tpu.memory_space<hbm>>) target_semaphore(%run_scoped3A : memref<!tpu.dma_semaphore, #tpu.memory_space<semaphore_mem>>)
      %dma_wait3A = tpu.memref_slice %arg8[%add3A_84] : memref<100352xf32, #tpu.memory_space<hbm>> -> memref<3136xf32, #tpu.memory_space<hbm>>
      %dma_wait3A_86 = tpu.memref_slice %arg8[%add3A_84] : memref<100352xf32, #tpu.memory_space<hbm>> -> memref<3136xf32, #tpu.memory_space<hbm>>
      tpu.wait_dma2 semaphore(%run_scoped3A : memref<!tpu.dma_semaphore, #tpu.memory_space<semaphore_mem>>) src(%arg15 : memref<3136xf32, #tpu.memory_space<vmem>>) dst(%dma_wait3A_86 : memref<3136xf32, #tpu.memory_space<hbm>>)
      tpu.yield
    }) : () -> ()
    return
  }
}

#map = affine_map<(d0, d1) -> (0)>
module attributes {stable_mosaic.version = 14 : i64} {
  func.func @_bkern(%arg0: i32, %arg1: i32, %arg2: memref<100352xf32, #tpu.memory_space<hbm>>, %arg3: memref<819200xf32, #tpu.memory_space<hbm>>, %arg4: memref<819200xi32, #tpu.memory_space<hbm>>, %arg5: memref<819200xf32, #tpu.memory_space<hbm>>, %arg6: memref<3136xf32, #tpu.memory_space<vmem>>, %arg7: memref<3136xf32, #tpu.memory_space<vmem>>, %arg8: memref<512xi32, #tpu.memory_space<vmem>>, %arg9: memref<512xf32, #tpu.memory_space<vmem>>, %arg10: memref<512xf32, #tpu.memory_space<vmem>>, %arg11: memref<512xf32, #tpu.memory_space<vmem>>, %arg12: memref<50176xf32, #tpu.memory_space<vmem_shared>>) attributes {dimension_semantics = [#tpu.dimension_semantics<core_parallel>, #tpu.dimension_semantics<subcore_parallel>], iteration_bounds = array<i64: 2, 16>, scalar_prefetch = 0 : i64, scratch_operands = 7 : i64, tpu.core_type = #tpu.core_type<sc_vector_subcore>, window_params = [{transform_indices = #map}, {transform_indices = #map}, {transform_indices = #map}, {transform_indices = #map}]} {
    %mul3A = arith.constant 2 : i32
    %mul3A_0 = arith.muli %arg1, %mul3A : i32
    %add3A = arith.addi %mul3A_0, %arg0 : i32
    %mul3A_1 = arith.constant 3136 : i32
    %mul3A_2 = arith.muli %arg1, %mul3A_1 : i32
    "tpu.region"() ({
      %run_scoped3A = tpu.sem_alloc : memref<!tpu.dma_semaphore, #tpu.memory_space<semaphore_mem>>
      %dma_start3A = tpu.memref_slice %arg2[%mul3A_2] : memref<100352xf32, #tpu.memory_space<hbm>> -> memref<3136xf32, #tpu.memory_space<hbm>>
      %dma_start3A_22 = tpu.memref_slice %arg2[%mul3A_2] : memref<100352xf32, #tpu.memory_space<hbm>> -> memref<3136xf32, #tpu.memory_space<hbm>>
      tpu.enqueue_dma source(%dma_start3A_22 : memref<3136xf32, #tpu.memory_space<hbm>>) target(%arg6 : memref<3136xf32, #tpu.memory_space<vmem>>) target_semaphore(%run_scoped3A : memref<!tpu.dma_semaphore, #tpu.memory_space<semaphore_mem>>)
      %dma_wait3A = tpu.memref_slice %arg2[%mul3A_2] : memref<100352xf32, #tpu.memory_space<hbm>> -> memref<3136xf32, #tpu.memory_space<hbm>>
      %dma_wait3A_23 = tpu.memref_slice %arg2[%mul3A_2] : memref<100352xf32, #tpu.memory_space<hbm>> -> memref<3136xf32, #tpu.memory_space<hbm>>
      tpu.wait_dma2 semaphore(%run_scoped3A : memref<!tpu.dma_semaphore, #tpu.memory_space<semaphore_mem>>) src(%dma_wait3A_23 : memref<3136xf32, #tpu.memory_space<hbm>>) dst(%arg6 : memref<3136xf32, #tpu.memory_space<vmem>>)
      tpu.yield
    }) : () -> ()
    %mul3A_3 = arith.constant 3136 : i32
    %mul3A_4 = arith.muli %arg1, %mul3A_3 : i32
    %add3A_5 = arith.constant 50176 : i32
    %add3A_6 = arith.addi %add3A_5, %mul3A_4 : i32
    "tpu.region"() ({
      %run_scoped3A = tpu.sem_alloc : memref<!tpu.dma_semaphore, #tpu.memory_space<semaphore_mem>>
      %dma_start3A = tpu.memref_slice %arg2[%add3A_6] : memref<100352xf32, #tpu.memory_space<hbm>> -> memref<3136xf32, #tpu.memory_space<hbm>>
      %dma_start3A_22 = tpu.memref_slice %arg2[%add3A_6] : memref<100352xf32, #tpu.memory_space<hbm>> -> memref<3136xf32, #tpu.memory_space<hbm>>
      tpu.enqueue_dma source(%dma_start3A_22 : memref<3136xf32, #tpu.memory_space<hbm>>) target(%arg7 : memref<3136xf32, #tpu.memory_space<vmem>>) target_semaphore(%run_scoped3A : memref<!tpu.dma_semaphore, #tpu.memory_space<semaphore_mem>>)
      %dma_wait3A = tpu.memref_slice %arg2[%add3A_6] : memref<100352xf32, #tpu.memory_space<hbm>> -> memref<3136xf32, #tpu.memory_space<hbm>>
      %dma_wait3A_23 = tpu.memref_slice %arg2[%add3A_6] : memref<100352xf32, #tpu.memory_space<hbm>> -> memref<3136xf32, #tpu.memory_space<hbm>>
      tpu.wait_dma2 semaphore(%run_scoped3A : memref<!tpu.dma_semaphore, #tpu.memory_space<semaphore_mem>>) src(%dma_wait3A_23 : memref<3136xf32, #tpu.memory_space<hbm>>) dst(%arg7 : memref<3136xf32, #tpu.memory_space<vmem>>)
      tpu.yield
    }) : () -> ()
    %scan3A = arith.constant 0 : i32
    %scan3A_7 = arith.constant 0 : i32
    %scan3A_8 = arith.constant 196 : i32
    %scan3A_9 = arith.addi %scan3A_7, %scan3A_8 : i32
    %scan3A_10 = arith.constant 1 : i32
    scf.for %scan3A_22 = %scan3A_7 to %scan3A_9 step %scan3A_10  : i32 {
      %mul3A_23 = arith.constant 16 : i32
      %mul3A_24 = arith.muli %scan3A_22, %mul3A_23 : i32
      %get3A = arith.index_cast %mul3A_24 : i32 to index
      %get3A_25 = tpu.vector_load %arg6[%get3A] {strides = array<i32>} : memref<3136xf32, #tpu.memory_space<vmem>>, vector<16xf32>,
      %get3A_26 = arith.index_cast %mul3A_24 : i32 to index
      %get3A_27 = tpu.vector_load %arg7[%get3A_26] {strides = array<i32>} : memref<3136xf32, #tpu.memory_space<vmem>>, vector<16xf32>,
      %add3A_28 = arith.addf %get3A_25, %get3A_27 : vector<16xf32>
      %swap3A = arith.index_cast %mul3A_24 : i32 to index
      %swap3A_29 = tpu.vector_load %arg6[%swap3A] {strides = array<i32>} : memref<3136xf32, #tpu.memory_space<vmem>>, vector<16xf32>,
      tpu.vector_store %arg6[%swap3A], %add3A_28 {strides = array<i32>} : memref<3136xf32, #tpu.memory_space<vmem>>, vector<16xf32>,
    }
    %scan3A_11 = arith.constant 196 : i32
    %mul3A_12 = arith.constant 3136 : i32
    %mul3A_13 = arith.muli %arg1, %mul3A_12 : i32
    "tpu.region"() ({
      %run_scoped3A = tpu.sem_alloc : memref<!tpu.dma_semaphore, #tpu.memory_space<semaphore_mem>>
      %dma_start3A = tpu.memref_slice %arg12[%mul3A_13] : memref<50176xf32, #tpu.memory_space<vmem_shared>> -> memref<3136xf32, #tpu.memory_space<vmem_shared>>
      %dma_start3A_22 = tpu.memref_slice %arg12[%mul3A_13] : memref<50176xf32, #tpu.memory_space<vmem_shared>> -> memref<3136xf32, #tpu.memory_space<vmem_shared>>
      tpu.enqueue_dma source(%arg6 : memref<3136xf32, #tpu.memory_space<vmem>>) target(%dma_start3A_22 : memref<3136xf32, #tpu.memory_space<vmem_shared>>) target_semaphore(%run_scoped3A : memref<!tpu.dma_semaphore, #tpu.memory_space<semaphore_mem>>)
      %dma_wait3A = tpu.memref_slice %arg12[%mul3A_13] : memref<50176xf32, #tpu.memory_space<vmem_shared>> -> memref<3136xf32, #tpu.memory_space<vmem_shared>>
      %dma_wait3A_23 = tpu.memref_slice %arg12[%mul3A_13] : memref<50176xf32, #tpu.memory_space<vmem_shared>> -> memref<3136xf32, #tpu.memory_space<vmem_shared>>
      tpu.wait_dma2 semaphore(%run_scoped3A : memref<!tpu.dma_semaphore, #tpu.memory_space<semaphore_mem>>) src(%arg6 : memref<3136xf32, #tpu.memory_space<vmem>>) dst(%dma_wait3A_23 : memref<3136xf32, #tpu.memory_space<vmem_shared>>)
      tpu.yield
    }) : () -> ()
    %barrier3A = arith.constant 0 : index
    tpu.barrier barrier_id(%barrier3A)
    %mul3A_14 = arith.constant 25600 : i32
    %mul3A_15 = arith.muli %add3A, %mul3A_14 : i32
    %scan3A_16 = arith.constant 0 : i32
    %scan3A_17 = arith.constant 0 : i32
    %scan3A_18 = arith.constant 50 : i32
    %scan3A_19 = arith.addi %scan3A_17, %scan3A_18 : i32
    %scan3A_20 = arith.constant 1 : i32
    scf.for %scan3A_22 = %scan3A_17 to %scan3A_19 step %scan3A_20  : i32 {
      %mul3A_23 = arith.constant 512 : i32
      %mul3A_24 = arith.muli %scan3A_22, %mul3A_23 : i32
      %add3A_25 = arith.addi %mul3A_15, %mul3A_24 : i32
      "tpu.region"() ({
        %run_scoped3A = tpu.sem_alloc : memref<!tpu.dma_semaphore, #tpu.memory_space<semaphore_mem>>
        %dma_start3A = tpu.memref_slice %arg4[%add3A_25] : memref<819200xi32, #tpu.memory_space<hbm>> -> memref<512xi32, #tpu.memory_space<hbm>>
        %dma_start3A_32 = tpu.memref_slice %arg4[%add3A_25] : memref<819200xi32, #tpu.memory_space<hbm>> -> memref<512xi32, #tpu.memory_space<hbm>>
        tpu.enqueue_dma source(%dma_start3A_32 : memref<512xi32, #tpu.memory_space<hbm>>) target(%arg8 : memref<512xi32, #tpu.memory_space<vmem>>) target_semaphore(%run_scoped3A : memref<!tpu.dma_semaphore, #tpu.memory_space<semaphore_mem>>)
        %dma_wait3A = tpu.memref_slice %arg4[%add3A_25] : memref<819200xi32, #tpu.memory_space<hbm>> -> memref<512xi32, #tpu.memory_space<hbm>>
        %dma_wait3A_33 = tpu.memref_slice %arg4[%add3A_25] : memref<819200xi32, #tpu.memory_space<hbm>> -> memref<512xi32, #tpu.memory_space<hbm>>
        tpu.wait_dma2 semaphore(%run_scoped3A : memref<!tpu.dma_semaphore, #tpu.memory_space<semaphore_mem>>) src(%dma_wait3A_33 : memref<512xi32, #tpu.memory_space<hbm>>) dst(%arg8 : memref<512xi32, #tpu.memory_space<vmem>>)
        tpu.yield
      }) : () -> ()
      "tpu.region"() ({
        %run_scoped3A = tpu.sem_alloc : memref<!tpu.dma_semaphore, #tpu.memory_space<semaphore_mem>>
        %dma_start3A = tpu.memref_slice %arg3[%add3A_25] : memref<819200xf32, #tpu.memory_space<hbm>> -> memref<512xf32, #tpu.memory_space<hbm>>
        %dma_start3A_32 = tpu.memref_slice %arg3[%add3A_25] : memref<819200xf32, #tpu.memory_space<hbm>> -> memref<512xf32, #tpu.memory_space<hbm>>
        tpu.enqueue_dma source(%dma_start3A_32 : memref<512xf32, #tpu.memory_space<hbm>>) target(%arg9 : memref<512xf32, #tpu.memory_space<vmem>>) target_semaphore(%run_scoped3A : memref<!tpu.dma_semaphore, #tpu.memory_space<semaphore_mem>>)
        %dma_wait3A = tpu.memref_slice %arg3[%add3A_25] : memref<819200xf32, #tpu.memory_space<hbm>> -> memref<512xf32, #tpu.memory_space<hbm>>
        %dma_wait3A_33 = tpu.memref_slice %arg3[%add3A_25] : memref<819200xf32, #tpu.memory_space<hbm>> -> memref<512xf32, #tpu.memory_space<hbm>>
        tpu.wait_dma2 semaphore(%run_scoped3A : memref<!tpu.dma_semaphore, #tpu.memory_space<semaphore_mem>>) src(%dma_wait3A_33 : memref<512xf32, #tpu.memory_space<hbm>>) dst(%arg9 : memref<512xf32, #tpu.memory_space<vmem>>)
        tpu.yield
      }) : () -> ()
      "tpu.region"() ({
        %run_scoped3A = tpu.sem_alloc : memref<!tpu.dma_semaphore, #tpu.memory_space<semaphore_mem>>
        %dma_start3A = arith.constant 0 : i32
        %dma_start3A_32 = tpu.memref_slice %arg12[%dma_start3A] : memref<50176xf32, #tpu.memory_space<vmem_shared>> -> memref<50176xf32, #tpu.memory_space<vmem_shared>>
        tpu.enqueue_indirect_dma source(%dma_start3A_32 : memref<50176xf32, #tpu.memory_space<vmem_shared>>) target(%arg10 : memref<512xf32, #tpu.memory_space<vmem>>) offsets(%arg8 : memref<512xi32, #tpu.memory_space<vmem>>) semaphore(%run_scoped3A : memref<!tpu.dma_semaphore, #tpu.memory_space<semaphore_mem>>)
        %dma_wait3A = arith.constant 0 : i32
        %dma_wait3A_33 = tpu.memref_slice %arg12[%dma_wait3A] : memref<50176xf32, #tpu.memory_space<vmem_shared>> -> memref<50176xf32, #tpu.memory_space<vmem_shared>>
        tpu.wait_indirect_dma semaphore(%run_scoped3A : memref<!tpu.dma_semaphore, #tpu.memory_space<semaphore_mem>>) src(%dma_wait3A_33 : memref<50176xf32, #tpu.memory_space<vmem_shared>>) dst(%arg10 : memref<512xf32, #tpu.memory_space<vmem>>)
        tpu.yield
      }) : () -> ()
      %scan3A_26 = arith.constant 0 : i32
      %scan3A_27 = arith.constant 0 : i32
      %scan3A_28 = arith.constant 32 : i32
      %scan3A_29 = arith.addi %scan3A_27, %scan3A_28 : i32
      %scan3A_30 = arith.constant 1 : i32
      scf.for %scan3A_32 = %scan3A_27 to %scan3A_29 step %scan3A_30  : i32 {
        %mul3A_33 = arith.constant 16 : i32
        %mul3A_34 = arith.muli %scan3A_32, %mul3A_33 : i32
        %get3A = arith.index_cast %mul3A_34 : i32 to index
        %get3A_35 = tpu.vector_load %arg9[%get3A] {strides = array<i32>} : memref<512xf32, #tpu.memory_space<vmem>>, vector<16xf32>,
        %get3A_36 = arith.index_cast %mul3A_34 : i32 to index
        %get3A_37 = tpu.vector_load %arg10[%get3A_36] {strides = array<i32>} : memref<512xf32, #tpu.memory_space<vmem>>, vector<16xf32>,
        %div3A = arith.divf %get3A_35, %get3A_37 : vector<16xf32>
        %swap3A = arith.index_cast %mul3A_34 : i32 to index
        %swap3A_38 = tpu.vector_load %arg11[%swap3A] {strides = array<i32>} : memref<512xf32, #tpu.memory_space<vmem>>, vector<16xf32>,
        tpu.vector_store %arg11[%swap3A], %div3A {strides = array<i32>} : memref<512xf32, #tpu.memory_space<vmem>>, vector<16xf32>,
      }
      %scan3A_31 = arith.constant 32 : i32
      "tpu.region"() ({
        %run_scoped3A = tpu.sem_alloc : memref<!tpu.dma_semaphore, #tpu.memory_space<semaphore_mem>>
        %dma_start3A = tpu.memref_slice %arg5[%add3A_25] : memref<819200xf32, #tpu.memory_space<hbm>> -> memref<512xf32, #tpu.memory_space<hbm>>
        %dma_start3A_32 = tpu.memref_slice %arg5[%add3A_25] : memref<819200xf32, #tpu.memory_space<hbm>> -> memref<512xf32, #tpu.memory_space<hbm>>
        tpu.enqueue_dma source(%arg11 : memref<512xf32, #tpu.memory_space<vmem>>) target(%dma_start3A_32 : memref<512xf32, #tpu.memory_space<hbm>>) target_semaphore(%run_scoped3A : memref<!tpu.dma_semaphore, #tpu.memory_space<semaphore_mem>>)
        %dma_wait3A = tpu.memref_slice %arg5[%add3A_25] : memref<819200xf32, #tpu.memory_space<hbm>> -> memref<512xf32, #tpu.memory_space<hbm>>
        %dma_wait3A_33 = tpu.memref_slice %arg5[%add3A_25] : memref<819200xf32, #tpu.memory_space<hbm>> -> memref<512xf32, #tpu.memory_space<hbm>>
        tpu.wait_dma2 semaphore(%run_scoped3A : memref<!tpu.dma_semaphore, #tpu.memory_space<semaphore_mem>>) src(%arg11 : memref<512xf32, #tpu.memory_space<vmem>>) dst(%dma_wait3A_33 : memref<512xf32, #tpu.memory_space<hbm>>)
        tpu.yield
      }) : () -> ()
    }
    %scan3A_21 = arith.constant 50 : i32
    return
  }
}

</mosaic_0001>

<sc_bundles>
// kernel: kernel.11.cloned.1.call-start
scs
__scs_entry_jumppad:
0x0: {  	(pc) =	sbr.rel $0x88, $3  }
0x1: {  	(tag) =	ssettag $0x0;
	lr =	simm.s32 $0x1  }
0x2: {  	[smem:$0x3F97] =	sst lr;
	_ =	strace $0xD0000000  }
0x3: {  	_ = 	snop  }
0x4: {  	_ = 	snop  }
0x5: {  	_ = 	snop  }
0x6: {  	_ = 	snop  }
0x7: {  	_ = 	snop  }
__scs_overlays_trampoline_lowered:
0x8: {  	[smem:$0x3FA6] =	sst s0  }
0x9: {  	[smem:$0x3FA7] =	sst s1  }
0xa: {  	[smem:$0x3FA8] =	sst s2  }
0xb: {  	[smem:$0x3FA9] =	sst s3  }
0xc: {  	[smem:$0x3FAA] =	sst s4  }
0xd: {  	[smem:$0x3FAB] =	sst s5  }
0xe: {  	[smem:$0x3FAC] =	sst s6  }
0xf: {  	[smem:$0x3FAD] =	sst s7  }
0x10: {  	[smem:$0x3FAE] =	sst s8  }
0x11: {  	[smem:$0x3FAF] =	sst s9;
	s0 =	simm.s32 @!p0 $0x0  }
0x12: {  	s1 =	sld [smem:$0x3F95];
	s0 =	simm.s32 @p0 $0x1  }
0x13: {  	[smem:$0x3FB0] =	sst s0;
	s0 =	simm.s32 @!p1 $0x0  }
0x14: {  	s2 =	sld [smem:$0x3F94];
	s0 =	simm.s32 @p1 $0x1  }
0x15: {  	[smem:$0x3FB1] =	sst s0;
	s0 =	simm.s32 @!p2 $0x0  }
0x16: {  	s3 =	sld [smem:$0x3FDB];
	s0 =	simm.s32 @p2 $0x1  }
0x17: {  	s4 =	simm.s32 $0x1BF5;
	[smem:$0x3FB3] =	sst s0  }
0x18: {  	s0 =	sld [smem:$0x3F96];
	_ =	swait.ge [sflag:s4], $0x0  }
0x19: {  	s7 =	sld [smem:$0x3F97]  }
0x1a: {  	s8 =	sadd.s32 $0xFFFFE003, lr  }
0x1b: {  	s9 =	sadd.s32 $0xFFFFFEF7, lr;
	s5 =	simm.s32 $0xFFFFFFFF;
	p2 =	slt.u32 s8, $0xFFFFF086  }
0x1c: {  	p1 =	slt.u32 s9, $0xF7A;
	s5 =	simm.s32 @!p2 $0x0  }
0x1d: {  	s5 =	simm.s32 @p1 $0x1;
	p0 =	seq.s32 s7, s2  }
0x1e: {  	s7 =	smul.u32 @!p0 $0xF7A, s2;
	p2 =	seq.s32 @!p0 s5, $0x0  }
0x1f: {  	s9 =	smul.u32 $0xF7A, s1;
	s8 =	simm.s32 @!p0 $0x1BF5;
	p2 =	por !p2, p0  }
0x20: {  	[sflag:s8] =	ssyncset.s32 @!p0 $0xFFFFF086;
	s6 =	sadd.s32 @!p0 s3, s7;
	s7 =	simm.s32 @!p0 $0x108  }
0x21: {  	s3 =	sadd.s32 s3, s9;
	s6 =	sadd.s32 @!p0 $0x88, s6;
	s7 =	simm.s32 @p2 $0x1082  }
0x22: {  	[simem:s7], [sflag:s8] =	dma.local @!p0 [hbm:s6], $0xF7A  }
0x23: {  	s9 =	sor.u32 $0xD0000000, s2;
	s6 =	simm.s32 $0x108;
	_ =	swait.ge @!p0 [sflag:s8], $0x0  }
0x24: {  	s3 =	sadd.s32 $0x88, s3;
	s6 =	simm.s32 @!p1 $0x1082;
	[sflag:s4] =	ssyncset.s32 $0xFFFFF086  }
0x25: {  	[simem:s6], [sflag:s4] =	dma.local [hbm:s3], $0xF7A  }
0x26: {  	[smem:$0x3F97] =	sst s1;
	(tag) =	ssettag s2;
	_ =	strace s9  }
0x27: {  	s1 =	sld [smem:$0x3FA7]  }
0x28: {  	s2 =	sld [smem:$0x3FA8]  }
0x29: {  	s4 =	sld [smem:$0x3FAA]  }
0x2a: {  	p0 =	seq.s32 s5, $0x0;
	s5 =	sld [smem:$0x3FAB]  }
0x2b: {  	s6 =	sld [smem:$0x3FAC]  }
0x2c: {  	s7 =	sld [smem:$0x3FAD]  }
0x2d: {  	s3 =	simm.s32 $0x108;
	s8 =	sld [smem:$0x3FAE]  }
0x2e: {  	s3 =	simm.s32 @!p0 $0x1082;
	s9 =	sld [smem:$0x3FAF]  }
0x2f: {  	lr =	sadd.s32 s0, s3;
	s0 =	sld [smem:$0x3FA6]  }
0x30: {  	s3 =	sld [smem:$0x3FA9]  }
0x31: {  	[smem:$0x3FB2] =	sst s10  }
0x32: {  	s10 =	sld [smem:$0x3FB0];
	_ =	sdelay $0x3  }
0x33: {  	p0 =	seq.s32 s10, $0x1;
	s10 =	sld [smem:$0x3FB2];
	_ =	sdelay $0x3  }
0x34: {  	[smem:$0x3FB2] =	sst s10  }
0x35: {  	s10 =	sld [smem:$0x3FB1];
	_ =	sdelay $0x3  }
0x36: {  	p1 =	seq.s32 s10, $0x1;
	s10 =	sld [smem:$0x3FB2];
	_ =	sdelay $0x3  }
0x37: {  	[smem:$0x3FB2] =	sst s10  }
0x38: {  	s10 =	sld [smem:$0x3FB3]  }
0x39: {  	_ = 	snop;
	(pc) =	sbr.ind lr, $3  }
0x3a: {  	_ = 	snop  }
0x3b: {  	_ = 	snop  }
0x3c: {  	p2 =	seq.s32 s10, $0x1;
	s10 =	sld [smem:$0x3FB2]  }
0x3d: {  	_ =	shalt  }
0x3e: {  	_ =	shalt  }
0x3f: {  	_ =	shalt  }
0x40: {  	_ =	shalt  }
0x41: {  	_ =	shalt  }
0x42: {  	_ =	shalt  }
0x43: {  	_ =	shalt  }
0x44: {  	_ =	shalt  }
0x45: {  	_ =	shalt  }
0x46: {  	_ =	shalt  }
0x47: {  	_ =	shalt  }
0x48: {  	_ =	shalt  }
0x49: {  	_ =	shalt  }
0x4a: {  	_ =	shalt  }
0x4b: {  	_ =	shalt  }
0x4c: {  	_ =	shalt  }
0x4d: {  	_ =	shalt  }
0x4e: {  	_ =	shalt  }
0x4f: {  	_ =	shalt  }
0x50: {  	_ =	shalt  }
0x51: {  	_ =	shalt  }
0x52: {  	_ =	shalt  }
0x53: {  	_ =	shalt  }
0x54: {  	_ =	shalt  }
0x55: {  	_ =	shalt  }
0x56: {  	_ =	shalt  }
0x57: {  	_ =	shalt  }
0x58: {  	_ =	shalt  }
0x59: {  	_ =	shalt  }
0x5a: {  	_ =	shalt  }
0x5b: {  	_ =	shalt  }
0x5c: {  	_ =	shalt  }
0x5d: {  	_ =	shalt  }
0x5e: {  	_ =	shalt  }
0x5f: {  	_ =	shalt  }
0x60: {  	_ =	shalt  }
0x61: {  	_ =	shalt  }
0x62: {  	_ =	shalt  }
0x63: {  	_ =	shalt  }
0x64: {  	_ =	shalt  }
0x65: {  	_ =	shalt  }
0x66: {  	_ =	shalt  }
0x67: {  	_ =	shalt  }
0x68: {  	_ =	shalt  }
0x69: {  	_ =	shalt  }
0x6a: {  	_ =	shalt  }
0x6b: {  	_ =	shalt  }
0x6c: {  	_ =	shalt  }
0x6d: {  	_ =	shalt  }
0x6e: {  	_ =	shalt  }
0x6f: {  	_ =	shalt  }
0x70: {  	_ =	shalt  }
0x71: {  	_ =	shalt  }
0x72: {  	_ =	shalt  }
0x73: {  	_ =	shalt  }
0x74: {  	_ =	shalt  }
0x75: {  	_ =	shalt  }
0x76: {  	_ =	shalt  }
0x77: {  	_ =	shalt  }
0x78: {  	_ =	shalt  }
0x79: {  	_ =	shalt  }
0x7a: {  	_ =	shalt  }
0x7b: {  	_ =	shalt  }
0x7c: {  	_ =	shalt  }
0x7d: {  	_ =	shalt  }
0x7e: {  	_ =	shalt  }
0x7f: {  	_ =	shalt  }
0x80: {  	_ =	shalt  }
0x81: {  	_ =	shalt  }
0x82: {  	_ =	shalt  }
0x83: {  	_ =	shalt  }
0x84: {  	_ =	shalt  }
0x85: {  	_ =	shalt  }
0x86: {  	_ =	shalt  }
0x87: {  	_ =	shalt  }
.Lfunc_end0:
.L_simem_size_0:
called_computation.2_lowered:
.L_overlay_start_0:
0x88: {  	s2 =	sld [smem:$0x3FD9]  }
0x89: {  	s3 =	sld [smem:$0x3FFE];
	_ =	sdelay $0x1  }
0x8a: {  	s1 =	srdreg.scid  }
0x8b: {  	s0 =	sand.u32 $0x1, s1  }
0x8c: {  	s17 =	sshll.u32 s0, $0xA;
	s2 =	sadd.s32 s3, s2  }
0x8d: {  	s2 =	sadd.s32 s2, s17  }
0x8e: {  	[smem:$0x3FBE] =	sst s2  }
0x8f: {  	_ = 	snop  }
0x90: {  	s2 =	sld [smem:$0x3FD0];
	(tm) =	ssettm $0x1  }
0x91: {  	s18 =	sld [smem:$0x3FFB];
	_ =	sdelay $0x3  }
0x92: {  	_ =	strace s18  }
0x93: {  	s3 =	sld [smem:$0x3FFC];
	_ =	sdelay $0x3  }
0x94: {  	_ =	strace s3  }
0x95: {  	s3 =	sld [smem:$0x3FFD];
	_ =	sdelay $0x3  }
0x96: {  	_ =	strace s3  }
0x97: {  	_ =	strace $0x8FFFFFFF  }
0x98: {  	s19 =	sld [smem:$0x3FDB];
	_ =	sdelay $0x1  }
0x99: {  	s4 =	simm.s32 $_scs_section_size  }
0x9a: {  	s5 =	simm.s32 $_size__tile_overlayer_lowered;
	s6 =	simm.s32 $_tile_overlayer_lowered  }
0x9b: {  	s22 =	simm.s32 $0x1BFF;
	s21 =	sshll.u32 s6, $0x1;
	s3 =	sadd.s32 s4, s19  }
0x9c: {  	s7 =	simm.s32 $0x0;
	s20 =	sshll.u32 s5, $0x1;
	s5 =	sadd.s32 s21, s3  }
0x9d: {  	[timem:s7], [sflag:s22] =	dma.local [hbm:s5], s20  }
0x9e: {  	_ =	swait.ge [sflag:s22], s20  }
0x9f: {  	s4 =	ssub.s32 $0x0, s20;
	[sflag:s22] =	ssyncset.done $0x0  }
0xa0: {  	[sflag:s22] =	ssyncadd.s32 s4;
	_ =	sdelay $0x1  }
0xa1: {  	s23 =	simm.s32 $0x1B8B  }
0xa2: {  	_ =	swait.ge [sflag:s23], $0x1  }
0xa3: {  	[sflag:s23] =	ssyncset.done $0x0  }
0xa4: {  	s25 =	simm.s32 $0x1B8E;
	s24 =	sld [smem:$0x3FFE];
	[sflag:s23] =	ssyncadd.s32 $0xFFFFFFFF  }
0xa5: {  	s26 =	simm.s32 $execute0_lowered;
	[smem:$0x3FD2] =	sst s25  }
0xa6: {  	s5 =	sshll.u32 s26, $0x1;
	_ =	strace $0x8000004C;
	[dreg:$0x1] =	wrdreg $0xFFFFFFFF  }
0xa7: {  	s28 =	simm.s32 $_size_execute0_lowered;
	s3 =	sadd.s32 s3, s5;
	[dreg:$0x0] =	wrdreg $0x0  }
0xa8: {  	s5 =	sshll.u32 s28, $0x1;
	[dreg:$0x2] =	wrdreg s3  }
0xa9: {  	[dreg:$0x3] =	wrdreg s5  }
0xaa: {  	[dreg:$0x4] =	wrdreg $0xC0  }
0xab: {  	_ =	task [dreg:s7], $0x5FFFF  }
0xac: {  	[dreg:$0x1] =	wrdreg $0xFFFFFFFF  }
0xad: {  	[dreg:$0x0] =	wrdreg $0x60  }
0xae: {  	[dreg:$0x2] =	wrdreg s2  }
0xaf: {  	[dreg:$0x3] =	wrdreg s24  }
0xb0: {  	[dreg:$0x4] =	wrdreg $0x20800  }
0xb1: {  	[dreg:$0x5] =	wrdreg $0x9  }
0xb2: {  	_ =	task.clear_ibuf [dreg:s7], $0x6FFFF;
	_ =	strace $0x9000004C  }
0xb3: {  	s29 =	simm.s32 $0x9;
	_ =	strace $0x8000004E  }
0xb4: {  	_ =	swait.ge [sflag:s29], $0x1  }
0xb5: {  	[sflag:s29] =	ssyncadd.s32 $0xFFFFFFFF  }
0xb6: {  	_ =	strace $0x9000004E  }
0xb7: {  	_ =	sfence  }
0xb8: {  	s30 =	sld [smem:$0x0];
	_ =	sdelay $0x2  }
0xb9: {  	s31 =	sshll.u32 s1, $0xD;
	s1 =	sshrl.u32 s1, $0x2  }
0xba: {  	s3 =	sand.u32 $0x4000, s31;
	s1 =	sadd.s32 s1, s30  }
0xbb: {  	s0 =	sor.u32 s3, s0;
	s1 =	sshll.u32 s1, $0x11  }
0xbc: {  	s0 =	sor.u32 s1, s0  }
0xbd: {  	s0 =	sadd.s32 $0x8F2B, s0  }
0xbe: {  	[sflag:s0] =	ssyncadd.remote.s32 $0x1  }
0xbf: {  	_ =	sfence.sel $0xFFFF  }
0xc0: {  	[dreg:$0x0] =	wrdreg $0xFFFFFFFF;
	(pc) =	sbr.abs _section_cstart, $3  }
0xc1: {  	[dreg:$0x1] =	wrdreg $0xFFFFFFFF  }
0xc2: {  	_ =	task.clear_ibuf [dreg:s7], $0x2FFFF;
	_ =	strace $0x9FFFFFFF  }
0xc3: {  	(tm) =	ssettm $0x7FFFFFFF  }
tec
execute0_lowered:
.L_overlay_start_1:
0x0: {  	(tag) =	ssettag $0x1  }
0x1: {  	s7 =	rddreg [dreg:$0x0]  }
0x2: {  	s6 =	rddreg [dreg:$0x1]  }
0x3: {  	s1 =	rddreg [dreg:$0x2]  }
0x4: {  	s0 =	rddreg [dreg:$0x3];
	s3 =	simm.s32 $0x0;
	s5 =	srdreg.scid  }
0x5: {  	s2 =	stileid.u32;
	s14 =	simm.s32 $0x1880;
	s15 =	simm.s32 $0x1A80  }
0x6: {  	s16 =	simm.s32 $0x200;
	s17 =	simm.s32 $0x1C80;
	s18 =	simm.s32 $0x1E80  }
0x7: {  	s19 =	simm.s32 $0x0;
	[smem:$0x7FF] =	sst s3;
	s4 =	sadd.s32 $0x2A00, s6  }
0x8: {  	s8 =	sand.u32 $0x1, s5;
	s9 =	smul.u32 $0xC40, s2;
	s5 =	sadd.s32 $0xC5800, s6  }
0x9: {  	s6 =	sadd.s32 $0x1BA00, s6;
	s12 =	sshll.u32 s2, $0x1;
	_ =	strace $0x8000004D  }
0xa: {  	s10 =	ssub.s32 $0x2, s8;
	s31 =	sor.u32 s8, s12;
	s12 =	simm.s32 $0x1  }
0xb: {  	s11 =	sshrl.u32 s10, $0x1;
	s13 =	sshrl.u32 s9, $0x3;
	s9 =	sadd.s32 s9, s1  }
0xc: {  	s11 =	ssub.s32 s10, s11;
	s7 =	sadd.s32 s7, s13;
	s10 =	smul.u32 $0x6400, s31  }
0xd: {  	s13 =	simm.s32 $0xC40;
	s8 =	sadd.s32 $0x1880, s7;
	s11 =	smax.u32 s11, $0x1  }
.LBB2_1:
0xe: {  	[tilespmem:s3], [sflag:$0x1] =	stream.linear.gather [hbm4b:s7+s3], $0xC40, $0x38;
	[tilespmem:$0x2CC0] =	vst v63  }
0xf: {  	_ =	swait.ge [sflag:s12], $0xC40  }
0x10: {  	[sflag:s12] =	ssyncset.done $0x0  }
0x11: {  	[sflag:s12] =	ssyncadd.s32 $0xFFFFF3C0  }
0x12: {  	[tilespmem:s13], [sflag:$0x1] =	stream.linear.gather [hbm4b:s8+s3], $0xC40, $0x38;
	[tilespmem:$0x2CC0] =	vst v63  }
0x13: {  	_ =	swait.ge [sflag:s12], $0xC40  }
0x14: {  	[sflag:s12] =	ssyncset.done $0x0  }
0x15: {  	s20 =	simm.s32 $0x0;
	[sflag:s12] =	ssyncadd.s32 $0xFFFFF3C0  }
0x16: {  	s21 =	simm.s32 $0x40;
	v0 =	vld [tilespmem:s20+$0xC40]  }
.LBB2_2:
0x17: {  	p0 =	sne.s32 s21, $0x30C0;
	v1 =	vld [tilespmem:s20+$0x0];
	_ =	sdelay $0x2  }
.Ltmp0:
0x18: {  	(pc) =	sbr.rel @p0 .LBB2_2-.Ltmp0, $4  }
0x19: {  	_ = 	snop  }
0x1a: {  	v1 =	vadd.f32 v0, v1  }
0x1b: {  	s22 =	sshra.s32 s21, $0x2  }
0x1c: {  	s21 =	sadd.s32 $0x40, s21;
	v0 =	vld [tilespmem:s22+$0xC40];
	[tilespmem:s20+$0x0] =	vst v1;
	s20 =	smov.u32 s22  }
0x1d: {  	v1 =	vld [tilespmem:s20+$0x0];
	_ =	sdelay $0x4  }
0x1e: {  	v0 =	vadd.f32 v0, v1;
	_ =	sdelay $0x1  }
0x1f: {  	[tilespmem:s20+$0x0] =	vst v0;
	s20 =	simm.s32 $0x0  }
0x20: {  	[spmem:s9] =	stream.linear.scatter [tilespmem:s20], [sflag:$0x1], $0xC40, $0x38;
	[tilespmem:$0x2CC0] =	vst v63  }
0x21: {  	_ =	swait.ge [sflag:s12], $0xC40  }
0x22: {  	[sflag:s12] =	ssyncset.done $0x0  }
0x23: {  	[sflag:s12] =	ssyncadd.s32 $0xFFFFF3C0  }
0x24: {  	s21 =	simm.s32 $0x0;
	[bflag:$0x0] =	sbarrier.arrive $0xFFFF  }
.LBB2_4:
0x25: {  	s22 =	sshll.u32 s21, $0x9  }
0x26: {  	s22 =	sadd.s32 s10, s22  }
0x27: {  	s22 =	sshrl.u32 s22, $0x3  }
0x28: {  	s23 =	sadd.s32 s5, s22  }
0x29: {  	[tilespmem:s14], [sflag:$0x1] =	stream.linear.gather [hbm4b:s23+s20], $0x200, $0x38;
	[tilespmem:$0x2CC0] =	vst v63  }
0x2a: {  	_ =	swait.ge [sflag:s12], $0x200  }
0x2b: {  	[sflag:s12] =	ssyncset.done $0x0  }
0x2c: {  	s31 =	sadd.s32 s4, s22;
	[sflag:s12] =	ssyncadd.s32 $0xFFFFFE00  }
0x2d: {  	[tilespmem:s15], [sflag:$0x1] =	stream.linear.gather [hbm4b:s31+s20], $0x200, $0x38;
	[tilespmem:$0x2CC0] =	vst v63  }
0x2e: {  	_ =	swait.ge [sflag:s12], $0x200  }
0x2f: {  	[sflag:s12] =	ssyncset.done $0x0  }
0x30: {  	[sflag:s12] =	ssyncadd.s32 $0xFFFFFE00  }
0x31: {  	[tilespmem:s17], [sflag:$0x1] =	stream.indirect.gather [spmem:s1], $0x1, s14, s16, $0xb8;
	[tilespmem:$0x2CC0] =	vst v63  }
0x32: {  	_ =	swait.ge [sflag:s12], $0x200  }
0x33: {  	[sflag:s12] =	ssyncset.done $0x0  }
0x34: {  	s25 =	simm.s32 $0x0;
	[sflag:s12] =	ssyncadd.s32 $0xFFFFFE00  }
0x35: {  	v0 =	vld [tilespmem:s25+$0x1C80];
	_ =	sdelay $0x4  }
0x36: {  	(erf) = vrcp.f32 v0;
	_ =	sdelay $0x2  }
0x37: {  	s23 =	simm.s32 $0x10  }
0x38: {  	v1 =	vld [tilespmem:s23+$0x1C80];
	_ =	sdelay $0x3  }
0x39: {  	v2 =	vld [tilespmem:s25+$0x1A80]  }
0x3a: {  	s24 =	simm.s32 $0x20;
	v3 =	vpop (erf);
	(erf) = vrcp.f32 v1  }
0x3b: {  	v0 =	vld [tilespmem:s24+$0x1C80];
	_ =	sdelay $0x2  }
0x3c: {  	v2 =	vmul.f32 v3, v2  }
0x3d: {  	s26 =	simm.s32 $0xC0;
	v1 =	vld [tilespmem:s23+$0x1A80]  }
.LBB2_5:
0x3e: {  	s28 =	sshra.s32 s26, $0x2;
	p0 =	sne.s32 s26, $0x7C0;
	s26 =	sadd.s32 $0x40, s26;
	(erf) = vrcp.f32 v0;
	[tilespmem:s25+$0x1E80] =	vst v2  }
.Ltmp1:
0x3f: {  	s25 =	smov.u32 s23;
	s23 =	smov.u32 s24;
	v0 =	vld [tilespmem:s28+$0x1C80];
	(pc) =	sbr.rel @p0 .LBB2_5-.Ltmp1, $4  }
0x40: {  	s24 =	smov.u32 s28  }
0x41: {  	v2 =	vpop (erf)  }
0x42: {  	v2 =	vmul.f32 v2, v1  }
0x43: {  	v1 =	vld [tilespmem:s23+$0x1A80]  }
0x44: {  	(erf) = vrcp.f32 v0;
	_ =	sdelay $0x3  }
0x45: {  	[tilespmem:s25+$0x1E80] =	vst v2  }
0x46: {  	v61 =	vld [tilespmem:s24+$0x1A80];
	_ =	sdelay $0x2  }
0x47: {  	v62 =	vpop (erf)  }
0x48: {  	v1 =	vmul.f32 v62, v1;
	v63 =	vpop (erf)  }
0x49: {  	s21 =	sadd.s32 $0x1, s21;
	v0 =	vmul.f32 v63, v61  }
0x4a: {  	p0 =	sne.s32 s21, $0x32;
	[tilespmem:s23+$0x1E80] =	vst v1  }
.Ltmp2:
0x4b: {  	s22 =	sadd.s32 s6, s22;
	[tilespmem:s24+$0x1E80] =	vst v0;
	(pc) =	sbr.rel @p0 .LBB2_4-.Ltmp2, $4  }
0x4c: {  	[hbm4b:s22+s3] =	stream.linear.scatter [tilespmem:s18], [sflag:$0x1], $0x200, $0x38;
	[tilespmem:$0x2CC0] =	vst v63  }
0x4d: {  	_ =	swait.ge [sflag:s12], $0x200  }
0x4e: {  	[sflag:s12] =	ssyncset.done $0x0  }
0x4f: {  	[sflag:s12] =	ssyncadd.s32 $0xFFFFFE00  }
0x50: {  	s19 =	sadd.s32 $0x1, s19  }
0x51: {  	p0 =	sne.s32 s19, s11  }
.Ltmp3:
0x52: {  	_ = 	snop;
	(pc) =	sbr.rel @p0 .LBB2_1-.Ltmp3, $1  }
0x53: {  	_ =	sdelay $0x3  }
0x54: {  	_ =	sfence.sel $0x180000  }
0x55: {  	[bflag:$0x0] =	sbarrier.arrive $0xFFFF  }
0x56: {  	p0 =	sne.s32 s2, $0x0;
	_ =	strace $0x9000004D  }
0x57: {  	s0 =	sadd.s32 @!p0 $0x100000, s0;
	[bflag:$0x2] =	sbarrier.arrive $0xFFFF  }
0x58: {  	[sflag:s0] =	ssyncadd.tile.s32 @!p0 $0x1;
	_ =	shalt  }
.Lfunc_end2:
_tile_overlayer_lowered:
.L_overlay_start_2:
0x59: {  	(tag) =	ssettag $0x2  }
0x5a: {  	s0 =	rddreg [dreg:$0x0];
	s2 =	stileid.u32  }
0x5b: {  	s1 =	rddreg [dreg:$0x1];
	p0 =	sne.s32 s2, $0x0  }
0x5c: {  	s3 =	rddreg [dreg:$0x2];
	[bflag:$0x3] =	sbarrier.arrive $0xFFFF;
	s2 =	simm.s32 @!p0 $0x1C01  }
0x5d: {  	[timem:s3], [sflag:s2] =	dma.local @!p0 [hbm:s0], s1  }
0x5e: {  	s0 =	simm.s32 @!p0 $0x1  }
0x5f: {  	_ =	swait.ge @!p0 [sflag:s0], s1  }
0x60: {  	s1 =	ssub.s32 @!p0 $0x0, s1;
	[sflag:s0] =	ssyncset.done @!p0 $0x0  }
0x61: {  	[sflag:s0] =	ssyncadd.s32 @!p0 s1  }
0x62: {  	[bflag:$0x3] =	sbarrier.arrive $0xFFFF  }
0x63: {  	_ =	shalt  }

// kernel: kernel.5.cloned.1.call-start
scs
__scs_entry_jumppad:
0x0: {  	(pc) =	sbr.rel $0x88, $3  }
0x1: {  	(tag) =	ssettag $0x0;
	lr =	simm.s32 $0x1  }
0x2: {  	[smem:$0x3F97] =	sst lr;
	_ =	strace $0xD0000000  }
0x3: {  	_ = 	snop  }
0x4: {  	_ = 	snop  }
0x5: {  	_ = 	snop  }
0x6: {  	_ = 	snop  }
0x7: {  	_ = 	snop  }
__scs_overlays_trampoline_lowered:
0x8: {  	[smem:$0x3FA6] =	sst s0  }
0x9: {  	[smem:$0x3FA7] =	sst s1  }
0xa: {  	[smem:$0x3FA8] =	sst s2  }
0xb: {  	[smem:$0x3FA9] =	sst s3  }
0xc: {  	[smem:$0x3FAA] =	sst s4  }
0xd: {  	[smem:$0x3FAB] =	sst s5  }
0xe: {  	[smem:$0x3FAC] =	sst s6  }
0xf: {  	[smem:$0x3FAD] =	sst s7  }
0x10: {  	[smem:$0x3FAE] =	sst s8  }
0x11: {  	[smem:$0x3FAF] =	sst s9;
	s0 =	simm.s32 @!p0 $0x0  }
0x12: {  	s1 =	sld [smem:$0x3F95];
	s0 =	simm.s32 @p0 $0x1  }
0x13: {  	[smem:$0x3FB0] =	sst s0;
	s0 =	simm.s32 @!p1 $0x0  }
0x14: {  	s2 =	sld [smem:$0x3F94];
	s0 =	simm.s32 @p1 $0x1  }
0x15: {  	[smem:$0x3FB1] =	sst s0;
	s0 =	simm.s32 @!p2 $0x0  }
0x16: {  	s3 =	sld [smem:$0x3FDB];
	s0 =	simm.s32 @p2 $0x1  }
0x17: {  	s4 =	simm.s32 $0x1BF5;
	[smem:$0x3FB3] =	sst s0  }
0x18: {  	s0 =	sld [smem:$0x3F96];
	_ =	swait.ge [sflag:s4], $0x0  }
0x19: {  	s7 =	sld [smem:$0x3F97]  }
0x1a: {  	s8 =	sadd.s32 $0xFFFFE003, lr  }
0x1b: {  	s9 =	sadd.s32 $0xFFFFFEF7, lr;
	s5 =	simm.s32 $0xFFFFFFFF;
	p2 =	slt.u32 s8, $0xFFFFF086  }
0x1c: {  	p1 =	slt.u32 s9, $0xF7A;
	s5 =	simm.s32 @!p2 $0x0  }
0x1d: {  	s5 =	simm.s32 @p1 $0x1;
	p0 =	seq.s32 s7, s2  }
0x1e: {  	s7 =	smul.u32 @!p0 $0xF7A, s2;
	p2 =	seq.s32 @!p0 s5, $0x0  }
0x1f: {  	s9 =	smul.u32 $0xF7A, s1;
	s8 =	simm.s32 @!p0 $0x1BF5;
	p2 =	por !p2, p0  }
0x20: {  	[sflag:s8] =	ssyncset.s32 @!p0 $0xFFFFF086;
	s6 =	sadd.s32 @!p0 s3, s7;
	s7 =	simm.s32 @!p0 $0x108  }
0x21: {  	s3 =	sadd.s32 s3, s9;
	s6 =	sadd.s32 @!p0 $0x88, s6;
	s7 =	simm.s32 @p2 $0x1082  }
0x22: {  	[simem:s7], [sflag:s8] =	dma.local @!p0 [hbm:s6], $0xF7A  }
0x23: {  	s9 =	sor.u32 $0xD0000000, s2;
	s6 =	simm.s32 $0x108;
	_ =	swait.ge @!p0 [sflag:s8], $0x0  }
0x24: {  	s3 =	sadd.s32 $0x88, s3;
	s6 =	simm.s32 @!p1 $0x1082;
	[sflag:s4] =	ssyncset.s32 $0xFFFFF086  }
0x25: {  	[simem:s6], [sflag:s4] =	dma.local [hbm:s3], $0xF7A  }
0x26: {  	[smem:$0x3F97] =	sst s1;
	(tag) =	ssettag s2;
	_ =	strace s9  }
0x27: {  	s1 =	sld [smem:$0x3FA7]  }
0x28: {  	s2 =	sld [smem:$0x3FA8]  }
0x29: {  	s4 =	sld [smem:$0x3FAA]  }
0x2a: {  	p0 =	seq.s32 s5, $0x0;
	s5 =	sld [smem:$0x3FAB]  }
0x2b: {  	s6 =	sld [smem:$0x3FAC]  }
0x2c: {  	s7 =	sld [smem:$0x3FAD]  }
0x2d: {  	s3 =	simm.s32 $0x108;
	s8 =	sld [smem:$0x3FAE]  }
0x2e: {  	s3 =	simm.s32 @!p0 $0x1082;
	s9 =	sld [smem:$0x3FAF]  }
0x2f: {  	lr =	sadd.s32 s0, s3;
	s0 =	sld [smem:$0x3FA6]  }
0x30: {  	s3 =	sld [smem:$0x3FA9]  }
0x31: {  	[smem:$0x3FB2] =	sst s10  }
0x32: {  	s10 =	sld [smem:$0x3FB0];
	_ =	sdelay $0x3  }
0x33: {  	p0 =	seq.s32 s10, $0x1;
	s10 =	sld [smem:$0x3FB2];
	_ =	sdelay $0x3  }
0x34: {  	[smem:$0x3FB2] =	sst s10  }
0x35: {  	s10 =	sld [smem:$0x3FB1];
	_ =	sdelay $0x3  }
0x36: {  	p1 =	seq.s32 s10, $0x1;
	s10 =	sld [smem:$0x3FB2];
	_ =	sdelay $0x3  }
0x37: {  	[smem:$0x3FB2] =	sst s10  }
0x38: {  	s10 =	sld [smem:$0x3FB3]  }
0x39: {  	_ = 	snop;
	(pc) =	sbr.ind lr, $3  }
0x3a: {  	_ = 	snop  }
0x3b: {  	_ = 	snop  }
0x3c: {  	p2 =	seq.s32 s10, $0x1;
	s10 =	sld [smem:$0x3FB2]  }
0x3d: {  	_ =	shalt  }
0x3e: {  	_ =	shalt  }
0x3f: {  	_ =	shalt  }
0x40: {  	_ =	shalt  }
0x41: {  	_ =	shalt  }
0x42: {  	_ =	shalt  }
0x43: {  	_ =	shalt  }
0x44: {  	_ =	shalt  }
0x45: {  	_ =	shalt  }
0x46: {  	_ =	shalt  }
0x47: {  	_ =	shalt  }
0x48: {  	_ =	shalt  }
0x49: {  	_ =	shalt  }
0x4a: {  	_ =	shalt  }
0x4b: {  	_ =	shalt  }
0x4c: {  	_ =	shalt  }
0x4d: {  	_ =	shalt  }
0x4e: {  	_ =	shalt  }
0x4f: {  	_ =	shalt  }
0x50: {  	_ =	shalt  }
0x51: {  	_ =	shalt  }
0x52: {  	_ =	shalt  }
0x53: {  	_ =	shalt  }
0x54: {  	_ =	shalt  }
0x55: {  	_ =	shalt  }
0x56: {  	_ =	shalt  }
0x57: {  	_ =	shalt  }
0x58: {  	_ =	shalt  }
0x59: {  	_ =	shalt  }
0x5a: {  	_ =	shalt  }
0x5b: {  	_ =	shalt  }
0x5c: {  	_ =	shalt  }
0x5d: {  	_ =	shalt  }
0x5e: {  	_ =	shalt  }
0x5f: {  	_ =	shalt  }
0x60: {  	_ =	shalt  }
0x61: {  	_ =	shalt  }
0x62: {  	_ =	shalt  }
0x63: {  	_ =	shalt  }
0x64: {  	_ =	shalt  }
0x65: {  	_ =	shalt  }
0x66: {  	_ =	shalt  }
0x67: {  	_ =	shalt  }
0x68: {  	_ =	shalt  }
0x69: {  	_ =	shalt  }
0x6a: {  	_ =	shalt  }
0x6b: {  	_ =	shalt  }
0x6c: {  	_ =	shalt  }
0x6d: {  	_ =	shalt  }
0x6e: {  	_ =	shalt  }
0x6f: {  	_ =	shalt  }
0x70: {  	_ =	shalt  }
0x71: {  	_ =	shalt  }
0x72: {  	_ =	shalt  }
0x73: {  	_ =	shalt  }
0x74: {  	_ =	shalt  }
0x75: {  	_ =	shalt  }
0x76: {  	_ =	shalt  }
0x77: {  	_ =	shalt  }
0x78: {  	_ =	shalt  }
0x79: {  	_ =	shalt  }
0x7a: {  	_ =	shalt  }
0x7b: {  	_ =	shalt  }
0x7c: {  	_ =	shalt  }
0x7d: {  	_ =	shalt  }
0x7e: {  	_ =	shalt  }
0x7f: {  	_ =	shalt  }
0x80: {  	_ =	shalt  }
0x81: {  	_ =	shalt  }
0x82: {  	_ =	shalt  }
0x83: {  	_ =	shalt  }
0x84: {  	_ =	shalt  }
0x85: {  	_ =	shalt  }
0x86: {  	_ =	shalt  }
0x87: {  	_ =	shalt  }
.Lfunc_end0:
.L_simem_size_0:
called_computation_lowered:
.L_overlay_start_0:
0x88: {  	s2 =	sld [smem:$0x3FD9]  }
0x89: {  	s3 =	sld [smem:$0x3FFE];
	_ =	sdelay $0x1  }
0x8a: {  	s1 =	srdreg.scid  }
0x8b: {  	s0 =	sand.u32 $0x1, s1  }
0x8c: {  	s17 =	sshll.u32 s0, $0xA;
	s2 =	sadd.s32 s3, s2  }
0x8d: {  	s2 =	sadd.s32 s2, s17  }
0x8e: {  	[smem:$0x3FBE] =	sst s2  }
0x8f: {  	_ = 	snop  }
0x90: {  	s2 =	sld [smem:$0x3FD0];
	(tm) =	ssettm $0x1  }
0x91: {  	s18 =	sld [smem:$0x3FFB];
	_ =	sdelay $0x3  }
0x92: {  	_ =	strace s18  }
0x93: {  	s3 =	sld [smem:$0x3FFC];
	_ =	sdelay $0x3  }
0x94: {  	_ =	strace s3  }
0x95: {  	s3 =	sld [smem:$0x3FFD];
	_ =	sdelay $0x3  }
0x96: {  	_ =	strace s3  }
0x97: {  	_ =	strace $0x8FFFFFFF  }
0x98: {  	s19 =	sld [smem:$0x3FDB];
	_ =	sdelay $0x1  }
0x99: {  	s4 =	simm.s32 $_scs_section_size  }
0x9a: {  	s5 =	simm.s32 $_size__tile_overlayer_lowered;
	s6 =	simm.s32 $_tile_overlayer_lowered  }
0x9b: {  	s22 =	simm.s32 $0x1BFF;
	s21 =	sshll.u32 s6, $0x1;
	s3 =	sadd.s32 s4, s19  }
0x9c: {  	s7 =	simm.s32 $0x0;
	s20 =	sshll.u32 s5, $0x1;
	s5 =	sadd.s32 s21, s3  }
0x9d: {  	[timem:s7], [sflag:s22] =	dma.local [hbm:s5], s20  }
0x9e: {  	_ =	swait.ge [sflag:s22], s20  }
0x9f: {  	s4 =	ssub.s32 $0x0, s20;
	[sflag:s22] =	ssyncset.done $0x0  }
0xa0: {  	[sflag:s22] =	ssyncadd.s32 s4;
	_ =	sdelay $0x1  }
0xa1: {  	s23 =	simm.s32 $0x1B8B  }
0xa2: {  	_ =	swait.ge [sflag:s23], $0x1  }
0xa3: {  	[sflag:s23] =	ssyncset.done $0x0  }
0xa4: {  	s25 =	simm.s32 $0x1B8E;
	s24 =	sld [smem:$0x3FFE];
	[sflag:s23] =	ssyncadd.s32 $0xFFFFFFFF  }
0xa5: {  	s26 =	simm.s32 $execute0_lowered;
	[smem:$0x3FD2] =	sst s25  }
0xa6: {  	s5 =	sshll.u32 s26, $0x1;
	_ =	strace $0x80000046;
	[dreg:$0x1] =	wrdreg $0xFFFFFFFF  }
0xa7: {  	s28 =	simm.s32 $_size_execute0_lowered;
	s3 =	sadd.s32 s3, s5;
	[dreg:$0x0] =	wrdreg $0x0  }
0xa8: {  	s5 =	sshll.u32 s28, $0x1;
	[dreg:$0x2] =	wrdreg s3  }
0xa9: {  	[dreg:$0x3] =	wrdreg s5  }
0xaa: {  	[dreg:$0x4] =	wrdreg $0xC0  }
0xab: {  	_ =	task [dreg:s7], $0x5FFFF  }
0xac: {  	[dreg:$0x1] =	wrdreg $0xFFFFFFFF  }
0xad: {  	[dreg:$0x0] =	wrdreg $0x60  }
0xae: {  	[dreg:$0x2] =	wrdreg s24  }
0xaf: {  	[dreg:$0x3] =	wrdreg s2  }
0xb0: {  	[dreg:$0x4] =	wrdreg $0x9  }
0xb1: {  	_ =	task.clear_ibuf [dreg:s7], $0x5FFFF;
	_ =	strace $0x90000046  }
0xb2: {  	s29 =	simm.s32 $0x9;
	_ =	strace $0x80000048  }
0xb3: {  	_ =	swait.ge [sflag:s29], $0x1  }
0xb4: {  	[sflag:s29] =	ssyncadd.s32 $0xFFFFFFFF  }
0xb5: {  	_ =	strace $0x90000048  }
0xb6: {  	_ =	sfence  }
0xb7: {  	s30 =	sld [smem:$0x0];
	_ =	sdelay $0x2  }
0xb8: {  	s31 =	sshll.u32 s1, $0xD;
	s1 =	sshrl.u32 s1, $0x2  }
0xb9: {  	s3 =	sand.u32 $0x4000, s31;
	s1 =	sadd.s32 s1, s30  }
0xba: {  	s0 =	sor.u32 s3, s0;
	s1 =	sshll.u32 s1, $0x11  }
0xbb: {  	s0 =	sor.u32 s1, s0  }
0xbc: {  	s0 =	sadd.s32 $0x8F2B, s0  }
0xbd: {  	[sflag:s0] =	ssyncadd.remote.s32 $0x1  }
0xbe: {  	_ =	sfence.sel $0xFFFF  }
0xbf: {  	[dreg:$0x0] =	wrdreg $0xFFFFFFFF;
	(pc) =	sbr.abs _section_cstart, $3  }
0xc0: {  	[dreg:$0x1] =	wrdreg $0xFFFFFFFF  }
0xc1: {  	_ =	task.clear_ibuf [dreg:s7], $0x2FFFF;
	_ =	strace $0x9FFFFFFF  }
0xc2: {  	(tm) =	ssettm $0x7FFFFFFF  }
0xc3: {  	_ =	shalt  }
tec
execute0_lowered:
.L_overlay_start_1:
0x0: {  	(tag) =	ssettag $0x1  }
0x1: {  	s5 =	rddreg [dreg:$0x0]  }
0x2: {  	s10 =	rddreg [dreg:$0x1]  }
0x3: {  	s0 =	rddreg [dreg:$0x2]  }
0x4: {  	s2 =	simm.s32 $0x0;
	s3 =	srdreg.scid;
	s1 =	stileid.u32  }
0x5: {  	s28 =	simm.s32 $0x0;
	[smem:$0x7FF] =	sst s2;
	s6 =	sand.u32 $0x1, s3  }
0x6: {  	s30 =	sshll.u32 s1, $0x1;
	s9 =	sadd.s32 $0x2A00, s5;
	s11 =	sadd.s32 $0x27600, s5  }
0x7: {  	s17 =	sadd.s32 $0x2C000, s5;
	s18 =	sadd.s32 $0x50C00, s5;
	s7 =	sor.u32 s6, s30  }
0x8: {  	s19 =	sadd.s32 $0x5EA00, s5;
	s3 =	sadd.s32 $0x63400, s5;
	s8 =	smul.u32 $0x620, s7  }
0x9: {  	s4 =	sadd.s32 $0x63600, s5;
	s12 =	sadd.s32 $0x63800, s5;
	s13 =	smul.u32 $0x1260, s7  }
0xa: {  	s22 =	sadd.s32 $0x94800, s5;
	s6 =	ssub.s32 $0x2, s6;
	s14 =	smul.u32 $0x6E4, s7  }
0xb: {  	_ =	strace $0x80000047;
	s15 =	smul.u32 $0x24C, s7;
	s16 =	sshrl.u32 s6, $0x1  }
0xc: {  	s20 =	smul.u32 $0x1880, s7;
	s23 =	ssub.s32 s6, s16;
	s21 =	sadd.s32 $0x310, s8  }
0xd: {  	s5 =	sadd.s32 s9, s13;
	s6 =	sadd.s32 s10, s14;
	s7 =	sadd.s32 s11, s15  }
0xe: {  	s8 =	sadd.s32 s12, s20;
	s13 =	sadd.s32 s17, s13;
	s14 =	sadd.s32 s18, s14  }
0xf: {  	s15 =	sadd.s32 s19, s15;
	s24 =	smul.u32 $0x3, s21;
	s31 =	sshrl.u32 s21, $0x3  }
0x10: {  	s16 =	sadd.s32 s22, s20;
	s25 =	sadd.s32 s21, s31;
	s21 =	sshll.u32 s21, $0x2  }
0x11: {  	s9 =	sadd.s32 s9, s24;
	s26 =	sshrl.u32 s24, $0x3;
	s10 =	sadd.s32 s10, s25  }
0x12: {  	s12 =	sadd.s32 s12, s21;
	s17 =	sadd.s32 s17, s24;
	s18 =	sadd.s32 s18, s25  }
0x13: {  	s20 =	sadd.s32 s22, s21;
	s21 =	smax.u32 s23, $0x1;
	s22 =	simm.s32 $0x6E40  }
0x14: {  	s23 =	simm.s32 $0x1;
	s24 =	simm.s32 $0x4980;
	s25 =	simm.s32 $0x6510  }
0x15: {  	v2 =	vlaneseq.u32;
	s11 =	sadd.s32 s11, s26;
	s19 =	sadd.s32 s19, s26;
	s26 =	simm.s32 $0x6E60  }
.LBB2_1:
0x16: {  	[tilespmem:s22], [sflag:$0x1] =	stream.linear.gather [hbm4b:s3+s2], $0x20, $0x38;
	[tilespmem:$0xD060] =	vst v63  }
0x17: {  	_ =	swait.ge [sflag:s23], $0x20  }
0x18: {  	[sflag:s23] =	ssyncset.done $0x0  }
0x19: {  	[sflag:s23] =	ssyncadd.s32 $0xFFFFFFE0  }
0x1a: {  	v17 =	vld [tilespmem:$0x6E40];
	_ =	sdelay $0x4  }
0x1b: {  	v0 =	vbroadcast v17, $0x2;
	_ =	sdelay $0x1  }
0x1c: {  	[tilespmem:$0x1FFA0] =	vst v0;
	v0 =	vbroadcast v17, $0x3;
	_ =	sdelay $0x1  }
0x1d: {  	[tilespmem:$0x1FFB0] =	vst v0;
	v0 =	vbroadcast v17, $0x4;
	_ =	sdelay $0x1  }
0x1e: {  	[tilespmem:$0x1FFC0] =	vst v0;
	v0 =	vbroadcast v17, $0x5;
	_ =	sdelay $0x1  }
0x1f: {  	[tilespmem:$0x1FFD0] =	vst v0;
	v0 =	vbroadcast v17, $0x6;
	_ =	sdelay $0x1  }
0x20: {  	v33 =	vld [tilespmem:$0x6E50];
	[tilespmem:$0x1FFE0] =	vst v0;
	v0 =	vbroadcast v17, $0x7  }
0x21: {  	[tilespmem:s2], [sflag:$0x1] =	stream.linear.gather [hbm4b:s5+s2], $0x4980, $0x38;
	v59 =	vbroadcast v17, $0x0;
	v60 =	vbroadcast v17, $0x1;
	[tilespmem:$0xD060] =	vst v63  }
0x22: {  	v10 =	vbroadcast v17, $0x8;
	v11 =	vbroadcast v17, $0x9;
	[tilespmem:$0x1FFF0] =	vst v0  }
0x23: {  	v12 =	vbroadcast v17, $0xA;
	v13 =	vbroadcast v17, $0xB;
	_ =	swait.ge [sflag:s23], $0x4980  }
0x24: {  	v14 =	vbroadcast v17, $0xC;
	v15 =	vbroadcast v17, $0xD;
	[sflag:s23] =	ssyncset.done $0x0  }
0x25: {  	v16 =	vbroadcast v17, $0xE;
	v18 =	vbroadcast v33, $0x0;
	[sflag:s23] =	ssyncadd.s32 $0xFFFFB680  }
0x26: {  	v19 =	vbroadcast v33, $0x1;
	v20 =	vbroadcast v33, $0x2;
	[tilespmem:s24], [sflag:$0x1] =	stream.linear.gather [hbm4b:s6+s2], $0x1B90, $0x38;
	[tilespmem:$0xD060] =	vst v63  }
0x27: {  	v21 =	vbroadcast v33, $0x3;
	v22 =	vbroadcast v33, $0x4;
	_ =	swait.ge [sflag:s23], $0x1B90  }
0x28: {  	v23 =	vbroadcast v33, $0x5;
	v24 =	vbroadcast v33, $0x6;
	[sflag:s23] =	ssyncset.done $0x0  }
0x29: {  	v25 =	vbroadcast v33, $0x7;
	v26 =	vbroadcast v33, $0x8;
	[sflag:s23] =	ssyncadd.s32 $0xFFFFE470  }
0x2a: {  	v27 =	vbroadcast v33, $0x9;
	v28 =	vbroadcast v33, $0xA;
	[tilespmem:s25], [sflag:$0x1] =	stream.linear.gather [hbm4b:s7+s2], $0x930, $0x38;
	[tilespmem:$0xD060] =	vst v63  }
0x2b: {  	v29 =	vbroadcast v33, $0xB;
	v30 =	vbroadcast v33, $0xC;
	_ =	swait.ge [sflag:s23], $0x930  }
0x2c: {  	v31 =	vbroadcast v33, $0xD;
	v32 =	vbroadcast v33, $0xE;
	[sflag:s23] =	ssyncset.done $0x0  }
0x2d: {  	s29 =	simm.s32 $0x0;
	v33 =	vbroadcast v33, $0xF;
	v17 =	vbroadcast v17, $0xF;
	[sflag:s23] =	ssyncadd.s32 $0xFFFFF6D0  }
.LBB2_2:
0x2e: {  	v34 =	vor.u32 s29, v2  }
0x2f: {  	v57 =	vmul.u32 $0x18, v34;
	_ =	sdelay $0x1  }
0x30: {  	v35 =	vor.u32 $0x1, v57  }
0x31: {  	v36 =	vor.u32 $0x2, v57  }
0x32: {  	v37 =	vor.u32 $0x3, v57  }
0x33: {  	v1 =	vld [tilespmem:$0x1FFA0];
	v38 =	vor.u32 $0x4, v57  }
0x34: {  	v39 =	vor.u32 $0x5, v57;
	v45 =	vld.idx.msk [tilespmem:v57+s2+$0x0], $0xffff  }
0x35: {  	v63 =	vor.u32 $0x6, v57;
	v40 =	vld.idx.msk [tilespmem:v35+s2+$0x0], $0xffff  }
0x36: {  	v47 =	vadd.s32 $0x9, v57;
	v41 =	vld.idx.msk [tilespmem:v36+s2+$0x0], $0xffff  }
0x37: {  	v43 =	vor.u32 $0x7, v57;
	v46 =	vld.idx.msk [tilespmem:v37+s2+$0x0], $0xffff  }
0x38: {  	v44 =	vadd.s32 $0x8, v57;
	v42 =	vld.idx.msk [tilespmem:v38+s2+$0x0], $0xffff  }
0x39: {  	v4 =	vadd.s32 $0xA, v57;
	v36 =	vld.idx.msk [tilespmem:v39+s2+$0x0], $0xffff  }
0x3a: {  	v50 =	vadd.s32 $0xD, v57;
	v37 =	vld.idx.msk [tilespmem:v63+s2+$0x0], $0xffff  }
0x3b: {  	v35 =	vld.idx.msk [tilespmem:v47+s2+$0x0], $0xffff;
	v47 =	vadd.s32 $0xE, v57  }
0x3c: {  	v51 =	vadd.s32 $0xF, v57;
	v43 =	vld.idx.msk [tilespmem:v43+s2+$0x0], $0xffff  }
0x3d: {  	v54 =	vadd.s32 $0x10, v57;
	v38 =	vld.idx.msk [tilespmem:v44+s2+$0x0], $0xffff;
	v52 =	vmul.f32 v45, v59  }
0x3e: {  	v48 =	vadd.s32 $0xB, v57;
	v39 =	vld.idx.msk [tilespmem:v4+s2+$0x0], $0xffff;
	v53 =	vmul.f32 v40, v59  }
0x3f: {  	v9 =	vmovc v60;
	v49 =	vadd.s32 $0xC, v57;
	v5 =	vmul.f32 v41, v59;
	v56 =	vadd.f32 $0.0e+00, v52;
	v52 =	vld.idx.msk [tilespmem:v50+s2+$0x0], $0xffff  }
0x40: {  	v4 =	vmul.f32 v46, v60;
	v63 =	vmul.f32 v42, v9;
	v50 =	vld.idx.msk [tilespmem:v47+s2+$0x0], $0xffff;
	v62 =	vadd.f32 $0.0e+00, v53  }
0x41: {  	v8 =	vmovc v59;
	v55 =	vadd.s32 $0x11, v57;
	v47 =	vadd.f32 $0.0e+00, v5;
	v5 =	vmul.f32 v36, v9;
	v53 =	vld.idx.msk [tilespmem:v51+s2+$0x0], $0xffff  }
0x42: {  	v59 =	vadd.f32 v4, v56;
	v4 =	vmul.f32 v43, v1;
	v56 =	vld.idx.msk [tilespmem:v54+s2+$0x0], $0xffff;
	v51 =	vadd.f32 v63, v62  }
0x43: {  	v62 =	vmul.f32 v37, v1;
	v54 =	vadd.f32 v5, v47;
	v5 =	vmul.f32 v38, v1;
	v1 =	vld [tilespmem:$0x1FFB0]  }
0x44: {  	v44 =	vld.idx.msk [tilespmem:v48+s2+$0x0], $0xffff;
	_ =	sdelay $0x2  }
0x45: {  	v49 =	vld.idx.msk [tilespmem:v49+s2+$0x0], $0xffff  }
0x46: {  	v47 =	vld.idx.msk [tilespmem:v55+s2+$0x0], $0xffff;
	v55 =	vadd.f32 v62, v59;
	v59 =	vadd.f32 v4, v51;
	v4 =	vmul.f32 v35, v1  }
0x47: {  	v60 =	vadd.f32 v5, v54;
	v62 =	vmul.f32 v39, v1;
	v5 =	vmul.f32 v44, v1;
	v1 =	vld [tilespmem:$0x1FFC0];
	_ =	sdelay $0x2  }
0x48: {  	v48 =	vadd.s32 $0x12, v57  }
0x49: {  	v58 =	vadd.s32 $0x13, v57;
	v61 =	vadd.s32 $0x14, v57;
	v0 =	vadd.s32 $0x15, v57  }
0x4a: {  	v2 =	vld [tilespmem:$0x1FFE0];
	v55 =	vadd.f32 v4, v55;
	v59 =	vadd.f32 v62, v59;
	v4 =	vmul.f32 v49, v1  }
0x4b: {  	v60 =	vadd.f32 v5, v60;
	v5 =	vmul.f32 v52, v1;
	v62 =	vmul.f32 v50, v1;
	v1 =	vld [tilespmem:$0x1FFD0]  }
0x4c: {  	v6 =	vld [tilespmem:$0x1FFF0]  }
0x4d: {  	v48 =	vld.idx.msk [tilespmem:v48+s2+$0x0], $0xffff  }
0x4e: {  	v54 =	vld.idx.msk [tilespmem:v58+s2+$0x0], $0xffff  }
0x4f: {  	v51 =	vld.idx.msk [tilespmem:v61+s2+$0x0], $0xffff;
	v58 =	vadd.f32 v4, v55  }
0x50: {  	v55 =	vld.idx.msk [tilespmem:v0+s2+$0x0], $0xffff;
	v0 =	vadd.s32 $0x16, v57;
	v59 =	vadd.f32 v5, v59;
	v4 =	vmul.f32 v53, v1  }
0x51: {  	v60 =	vadd.f32 v62, v60;
	v62 =	vmul.f32 v45, v10;
	v5 =	vmul.f32 v56, v1  }
0x52: {  	v61 =	vmul.f32 v48, v2;
	v58 =	vadd.f32 v4, v58;
	v4 =	vmul.f32 v47, v1  }
0x53: {  	v63 =	vmul.f32 v54, v2;
	v62 =	vadd.f32 $0.0e+00, v62;
	v59 =	vadd.f32 v5, v59  }
0x54: {  	v1 =	vadd.s32 $0x17, v57;
	v5 =	vadd.f32 v4, v60;
	v4 =	vmul.f32 v51, v2  }
0x55: {  	v57 =	vmul.f32 v55, v6;
	v61 =	vadd.f32 v61, v58;
	v2 =	vmul.f32 v46, v11  }
0x56: {  	v58 =	vld.idx.msk [tilespmem:v0+s2+$0x0], $0xffff;
	v0 =	vadd.f32 v4, v5;
	v5 =	vmul.f32 v40, v10;
	v4 =	vmul.f32 v41, v10  }
0x57: {  	v59 =	vadd.f32 v63, v59;
	v2 =	vadd.f32 v2, v62;
	v62 =	vmul.f32 v36, v11  }
0x58: {  	v60 =	vadd.f32 $0.0e+00, v5;
	v5 =	vmul.f32 v42, v11;
	v63 =	vadd.f32 $0.0e+00, v4  }
0x59: {  	v3 =	vmul.f32 v37, v12;
	v57 =	vadd.f32 v57, v61;
	v4 =	vmul.f32 v43, v12  }
0x5a: {  	v61 =	vadd.f32 v5, v60;
	v62 =	vadd.f32 v62, v63;
	v63 =	vmul.f32 v38, v12  }
0x5b: {  	v7 =	vmul.f32 v58, v17;
	v5 =	vmul.f32 v58, v6;
	v60 =	vld.idx.msk [tilespmem:v1+s2+$0x0], $0xffff;
	v1 =	vadd.f32 v3, v2  }
0x5c: {  	v3 =	vmul.f32 v35, v13;
	v2 =	vadd.f32 v4, v61;
	v4 =	vadd.f32 v63, v62  }
0x5d: {  	v61 =	vmul.f32 v39, v13;
	v62 =	vmul.f32 v44, v13;
	v59 =	vadd.f32 v5, v59  }
0x5e: {  	v1 =	vadd.f32 v3, v1;
	v3 =	vmul.f32 v49, v14;
	v5 =	vmul.f32 v52, v14  }
0x5f: {  	v63 =	vmul.f32 v56, v15;
	v2 =	vadd.f32 v61, v2;
	v4 =	vadd.f32 v62, v4  }
0x60: {  	v1 =	vadd.f32 v3, v1;
	v3 =	vmul.f32 v50, v14;
	v61 =	vmul.f32 v53, v15  }
0x61: {  	v62 =	vmul.f32 v60, v6;
	v6 =	vmul.f32 v46, v19;
	v2 =	vadd.f32 v5, v2  }
0x62: {  	v3 =	vadd.f32 v3, v4;
	v1 =	vadd.f32 v61, v1;
	v4 =	vmul.f32 v47, v15  }
0x63: {  	v5 =	vmul.f32 v48, v16;
	v61 =	vadd.f32 v62, v0;
	v62 =	vmul.f32 v45, v18  }
0x64: {  	v2 =	vadd.f32 v63, v2;
	v0 =	vadd.f32 v4, v3;
	v3 =	vmul.f32 v51, v16  }
0x65: {  	v63 =	vmul.f32 v54, v16;
	v1 =	vadd.f32 v5, v1;
	v4 =	vadd.f32 $0.0e+00, v62  }
0x66: {  	v5 =	vmul.f32 v40, v18;
	v0 =	vadd.f32 v3, v0;
	v3 =	vmul.f32 v55, v17  }
0x67: {  	v2 =	vadd.f32 v63, v2;
	v63 =	vmul.f32 v41, v18;
	v4 =	vadd.f32 v6, v4  }
0x68: {  	v62 =	vadd.f32 v3, v1;
	v1 =	vadd.f32 $0.0e+00, v5;
	v3 =	vmul.f32 v42, v19  }
0x69: {  	v6 =	vmul.f32 v36, v19;
	v36 =	vmul.f32 v36, v27;
	v5 =	vadd.f32 $0.0e+00, v63  }
0x6a: {  	v63 =	vmul.f32 v43, v20;
	v1 =	vadd.f32 v3, v1;
	v3 =	vmul.f32 v37, v20  }
0x6b: {  	v2 =	vadd.f32 v7, v2;
	v5 =	vadd.f32 v6, v5;
	v6 =	vmul.f32 v38, v20  }
0x6c: {  	v3 =	vadd.f32 v3, v4;
	v1 =	vadd.f32 v63, v1;
	v4 =	vmul.f32 v35, v21  }
0x6d: {  	v5 =	vadd.f32 v6, v5;
	v6 =	vmul.f32 v39, v21;
	v63 =	vmul.f32 v44, v21  }
0x6e: {  	v7 =	vmul.f32 v53, v23;
	v3 =	vadd.f32 v4, v3;
	v4 =	vmul.f32 v49, v22  }
0x6f: {  	v1 =	vadd.f32 v6, v1;
	v5 =	vadd.f32 v63, v5;
	v6 =	vmul.f32 v52, v22  }
0x70: {  	v63 =	vmul.f32 v60, v17;
	v3 =	vadd.f32 v4, v3;
	v4 =	vmul.f32 v50, v22  }
0x71: {  	v53 =	vmul.f32 v53, v31;
	v1 =	vadd.f32 v6, v1;
	v6 =	vmul.f32 v56, v23  }
0x72: {  	v0 =	vadd.f32 v63, v0;
	v4 =	vadd.f32 v4, v5;
	v5 =	vmul.f32 v47, v23  }
0x73: {  	v3 =	vadd.f32 v7, v3;
	v1 =	vadd.f32 v6, v1;
	v6 =	vmul.f32 v48, v24  }
0x74: {  	v63 =	vmul.f32 v51, v24;
	v7 =	vmul.f32 v54, v24;
	v4 =	vadd.f32 v5, v4  }
0x75: {  	v3 =	vadd.f32 v6, v3;
	v6 =	vmul.f32 v45, v26;
	v45 =	vmul.f32 v55, v25  }
0x76: {  	v1 =	vadd.f32 v7, v1;
	v7 =	vmul.f32 v40, v26;
	v40 =	vmul.f32 v41, v26  }
0x77: {  	v4 =	vadd.f32 v63, v4;
	v6 =	vadd.f32 $0.0e+00, v6;
	v63 =	vmul.f32 v46, v27  }
0x78: {  	v3 =	vadd.f32 v45, v3;
	v45 =	vadd.f32 $0.0e+00, v7;
	v7 =	vmul.f32 v42, v27  }
0x79: {  	v38 =	vmul.f32 v38, v28;
	v56 =	vmul.f32 v56, v31;
	v40 =	vadd.f32 $0.0e+00, v40  }
0x7a: {  	v6 =	vadd.f32 v63, v6;
	v5 =	vadd.f32 v7, v45;
	v7 =	vmul.f32 v37, v28  }
0x7b: {  	v54 =	vmul.f32 v54, v32;
	v46 =	vmul.f32 v43, v28;
	v36 =	vadd.f32 v36, v40  }
0x7c: {  	v43 =	vmul.f32 v39, v29;
	v63 =	vmul.f32 v58, v25;
	v6 =	vadd.f32 v7, v6  }
0x7d: {  	v7 =	vmul.f32 v35, v29;
	v42 =	vadd.f32 v38, v36;
	v38 =	vmul.u32 $0x9, v34  }
0x7e: {  	v45 =	vmul.f32 v52, v30;
	v52 =	vmul.f32 v47, v31  }
0x7f: {  	v5 =	vadd.f32 v46, v5;
	v6 =	vadd.f32 v7, v6;
	v46 =	vadd.s32 $0x1, v38  }
0x80: {  	v7 =	vmul.f32 v44, v29;
	v44 =	vmul.f32 v49, v30;
	v37 =	vadd.s32 $0x2, v38  }
0x81: {  	v5 =	vadd.f32 v43, v5;
	v49 =	vmul.f32 v50, v30;
	v50 =	vadd.s32 $0x3, v38  }
0x82: {  	v1 =	vadd.f32 v63, v1;
	v43 =	vadd.s32 $0x6, v38;
	v7 =	vadd.f32 v7, v42  }
0x83: {  	v63 =	vadd.s32 $0x4, v38;
	v6 =	vadd.f32 v44, v6;
	v5 =	vadd.f32 v45, v5;
	v35 =	vld.idx.msk [tilespmem:v38+s24+$0x0], $0xffff  }
0x84: {  	v42 =	vadd.s32 $0x5, v38;
	v45 =	vadd.s32 $0x7, v38;
	v7 =	vadd.f32 v49, v7;
	v36 =	vld.idx.msk [tilespmem:v46+s24+$0x0], $0xffff  }
0x85: {  	v6 =	vadd.f32 v53, v6;
	v38 =	vand.u32 $0x3FFF, v38;
	v53 =	vmul.f32 v48, v32;
	v37 =	vld.idx.msk [tilespmem:v37+s24+$0x0], $0xffff  }
0x86: {  	v5 =	vadd.f32 v56, v5;
	v39 =	vld.idx.msk [tilespmem:v50+s24+$0x0], $0xffff;
	v56 =	vadd.s32 $0x8, v38;
	v50 =	vmul.f32 v60, v25  }
0x87: {  	v38 =	vld.idx.msk [tilespmem:v43+s24+$0x0], $0xffff;
	v7 =	vadd.f32 v52, v7;
	v52 =	vmul.f32 v51, v32;
	v6 =	vadd.f32 v53, v6  }
0x88: {  	v40 =	vld.idx.msk [tilespmem:v63+s24+$0x0], $0xffff;
	v5 =	vadd.f32 v54, v5;
	v53 =	vmul.f32 v55, v33;
	v54 =	vmul.f32 v58, v33  }
0x89: {  	v55 =	vmul.f32 v60, v33;
	v4 =	vadd.f32 v50, v4;
	v41 =	vld.idx.msk [tilespmem:v45+s24+$0x0], $0xffff;
	v45 =	vmul.u32 $0x3, v34  }
0x8a: {  	v42 =	vld.idx.msk [tilespmem:v42+s24+$0x0], $0xffff;
	v34 =	vshll.u32 v34, $0x5;
	v7 =	vadd.f32 v52, v7;
	v6 =	vadd.f32 v53, v6  }
0x8b: {  	v5 =	vadd.f32 v54, v5;
	v54 =	vor.u32 $0x2, v34;
	v52 =	vmul.f32 v35, v62  }
0x8c: {  	v46 =	vadd.s32 $0x1, v45;
	v43 =	vld.idx.msk [tilespmem:v56+s24+$0x0], $0xffff;
	v56 =	vmul.f32 v35, v57;
	v58 =	vmul.f32 v39, v59  }
0x8d: {  	v49 =	vadd.s32 $0x2, v45;
	v48 =	vmul.f32 v38, v61;
	v50 =	vmul.f32 v36, v57  }
0x8e: {  	v7 =	vadd.f32 v55, v7;
	v51 =	vmul.f32 v40, v59;
	v47 =	vmul.f32 v37, v57  }
0x8f: {  	v53 =	vmul.f32 v38, v0;
	v57 =	vor.u32 $0x3, v34;
	v63 =	vmul.f32 v42, v59  }
0x90: {  	v44 =	vadd.f32 v58, v56;
	v50 =	vadd.f32 v51, v50;
	v58 =	vmul.f32 v41, v61  }
0x91: {  	v51 =	vor.u32 $0x1, v34;
	v47 =	vadd.f32 v63, v47;
	v61 =	vmul.f32 v43, v61  }
0x92: {  	v44 =	vadd.f32 v48, v44;
	v50 =	vadd.f32 v58, v50;
	v48 =	vmul.f32 v39, v2  }
0x93: {  	v63 =	vmul.f32 v36, v62;
	v47 =	vadd.f32 v61, v47;
	v61 =	vmul.f32 v40, v2  }
0x94: {  	v62 =	vmul.f32 v37, v62;
	v48 =	vadd.f32 v48, v52;
	v2 =	vmul.f32 v42, v2  }
0x95: {  	v55 =	vadd.f32 v61, v63;
	v63 =	vmul.f32 v35, v3;
	v61 =	vmul.f32 v39, v1  }
0x96: {  	v2 =	vadd.f32 v2, v62;
	v62 =	vmul.f32 v41, v0;
	v0 =	vmul.f32 v43, v0  }
0x97: {  	v56 =	vor.u32 $0x4, v34;
	v45 =	vld.idx.msk [tilespmem:v45+s25+$0x0], $0xffff;
	v48 =	vadd.f32 v53, v48;
	v63 =	vadd.f32 v61, v63  }
0x98: {  	v49 =	vld.idx.msk [tilespmem:v49+s25+$0x0], $0xffff;
	v61 =	vmul.f32 v38, v4;
	v52 =	vadd.f32 v62, v55;
	v0 =	vadd.f32 v0, v2  }
0x99: {  	v2 =	vld.idx.msk [tilespmem:v46+s25+$0x0], $0xffff;
	v62 =	vmul.f32 v36, v3;
	v3 =	vmul.f32 v37, v3;
	[tilespmem:v34+s26+$0x0] =	vst.idx.msk $0xffff, v44  }
0x9a: {  	v44 =	vor.u32 $0x5, v34;
	[tilespmem:v51+s26+$0x0] =	vst.idx.msk $0xffff, v50;
	v46 =	vadd.f32 v61, v63;
	v63 =	vmul.f32 v40, v1  }
0x9b: {  	v50 =	vor.u32 $0x6, v34;
	v1 =	vmul.f32 v42, v1;
	v61 =	vmul.f32 v41, v4;
	[tilespmem:v54+s26+$0x0] =	vst.idx.msk $0xffff, v47  }
0x9c: {  	v47 =	vor.u32 $0x7, v34;
	[tilespmem:v57+s26+$0x0] =	vst.idx.msk $0xffff, v48;
	v57 =	vmul.f32 v40, v5;
	v53 =	vadd.f32 v63, v62  }
0x9d: {  	v1 =	vadd.f32 v1, v3;
	v3 =	vmul.f32 v43, v4;
	v62 =	vmul.f32 v35, v6  }
0x9e: {  	v48 =	vor.u32 $0x8, v34;
	v63 =	vmul.f32 v36, v6;
	v6 =	vmul.f32 v37, v6  }
0x9f: {  	[tilespmem:v56+s26+$0x0] =	vst.idx.msk $0xffff, v52;
	v52 =	vor.u32 $0x9, v34;
	v1 =	vadd.f32 v3, v1;
	v3 =	vmul.f32 v39, v5  }
0xa0: {  	v4 =	vadd.f32 v61, v53;
	v53 =	vmul.f32 v38, v7;
	v5 =	vmul.f32 v42, v5  }
0xa1: {  	v58 =	vadd.f32 v57, v63;
	v61 =	vmul.f32 v45, v35;
	v63 =	vmul.f32 v49, v38  }
0xa2: {  	v3 =	vadd.f32 v3, v62;
	v5 =	vadd.f32 v5, v6;
	v6 =	vmul.f32 v41, v7  }
0xa3: {  	v56 =	vor.u32 $0xC, v34;
	[tilespmem:v44+s26+$0x0] =	vst.idx.msk $0xffff, v0;
	v62 =	vmul.f32 v2, v39;
	v7 =	vmul.f32 v43, v7  }
0xa4: {  	[tilespmem:v50+s26+$0x0] =	vst.idx.msk $0xffff, v46;
	v0 =	vadd.f32 v53, v3;
	v3 =	vadd.f32 v6, v58;
	v6 =	vor.u32 $0xA, v34  }
0xa5: {  	[tilespmem:v47+s26+$0x0] =	vst.idx.msk $0xffff, v4;
	v54 =	vadd.f32 v62, v61;
	v5 =	vadd.f32 v7, v5;
	v7 =	vor.u32 $0xB, v34  }
0xa6: {  	v57 =	vmul.f32 v45, v36;
	[tilespmem:v48+s26+$0x0] =	vst.idx.msk $0xffff, v1;
	v1 =	vor.u32 $0xD, v34;
	v58 =	vmul.f32 v2, v40  }
0xa7: {  	v61 =	vmul.f32 v45, v37;
	v62 =	vmul.f32 v2, v42;
	v55 =	vadd.f32 v63, v54  }
0xa8: {  	[tilespmem:v52+s26+$0x0] =	vst.idx.msk $0xffff, v0;
	v0 =	vadd.f32 v58, v57;
	v63 =	vmul.f32 v49, v41;
	v52 =	vor.u32 $0xE, v34  }
0xa9: {  	v53 =	vor.u32 $0xF, v34;
	[tilespmem:v6+s26+$0x0] =	vst.idx.msk $0xffff, v3;
	v3 =	vadd.f32 v62, v61;
	v6 =	vmul.f32 v49, v43  }
0xaa: {  	v54 =	vor.u32 $0x10, v34;
	v0 =	vadd.f32 v63, v0;
	[tilespmem:v7+s26+$0x0] =	vst.idx.msk $0xffff, v5  }
0xab: {  	[tilespmem:v56+s26+$0x0] =	vst.idx.msk $0xffff, v55;
	v3 =	vadd.f32 v6, v3;
	v55 =	vor.u32 $0x11, v34  }
0xac: {  	[tilespmem:v1+s26+$0x0] =	vst.idx.msk $0xffff, v0;
	v0 =	vor.u32 $0x12, v34  }
0xad: {  	v1 =	vor.u32 $0x13, v34;
	[tilespmem:v52+s26+$0x0] =	vst.idx.msk $0xffff, v3  }
0xae: {  	v3 =	vor.u32 $0x14, v34;
	[tilespmem:v53+s26+$0x0] =	vst.idx.msk $0xffff, v35  }
0xaf: {  	v56 =	vor.u32 $0x15, v34;
	[tilespmem:v54+s26+$0x0] =	vst.idx.msk $0xffff, v36  }
0xb0: {  	v57 =	vor.u32 $0x16, v34;
	[tilespmem:v55+s26+$0x0] =	vst.idx.msk $0xffff, v37  }
0xb1: {  	[tilespmem:v0+s26+$0x0] =	vst.idx.msk $0xffff, v39;
	v0 =	vor.u32 $0x17, v34  }
0xb2: {  	[tilespmem:v1+s26+$0x0] =	vst.idx.msk $0xffff, v40;
	v1 =	vor.u32 $0x18, v34  }
0xb3: {  	[tilespmem:v3+s26+$0x0] =	vst.idx.msk $0xffff, v42;
	v3 =	vor.u32 $0x19, v34  }
0xb4: {  	v58 =	vor.u32 $0x1A, v34;
	[tilespmem:v56+s26+$0x0] =	vst.idx.msk $0xffff, v38  }
0xb5: {  	v61 =	vor.u32 $0x1B, v34;
	[tilespmem:v57+s26+$0x0] =	vst.idx.msk $0xffff, v41  }
0xb6: {  	[tilespmem:v0+s26+$0x0] =	vst.idx.msk $0xffff, v43;
	v0 =	vor.u32 $0x1C, v34  }
0xb7: {  	[tilespmem:v1+s26+$0x0] =	vst.idx.msk $0xffff, v45;
	v1 =	vor.u32 $0x1D, v34  }
0xb8: {  	[tilespmem:v3+s26+$0x0] =	vst.idx.msk $0xffff, v2;
	v2 =	vor.u32 $0x1E, v34  }
0xb9: {  	p0 =	sne.s32 s29, $0x300;
	v62 =	vimm.f32 $0.0e+00;
	v3 =	vor.u32 $0x1F, v34;
	[tilespmem:v58+s26+$0x0] =	vst.idx.msk $0xffff, v49  }
.Ltmp0:
0xba: {  	v63 =	vimm.f32 $0.0e+00;
	[tilespmem:v61+s26+$0x0] =	vst.idx.msk $0xffff, v62;
	(pc) =	sbr.rel @p0 .LBB2_2-.Ltmp0, $4  }
0xbb: {  	[tilespmem:v0+s26+$0x0] =	vst.idx.msk $0xffff, v63  }
0xbc: {  	[tilespmem:v1+s26+$0x0] =	vst.idx.msk $0xffff, v63  }
0xbd: {  	[tilespmem:v2+s26+$0x0] =	vst.idx.msk $0xffff, v63  }
0xbe: {  	s29 =	sadd.s32 $0x10, s29;
	v60 =	vmov v9;
	v59 =	vmov v8;
	v2 =	vlaneseq.u32;
	[tilespmem:v3+s26+$0x0] =	vst.idx.msk $0xffff, v63  }
0xbf: {  	s29 =	simm.s32 $0x0  }
0xc0: {  	[hbm4b:s8+s29] =	stream.linear.scatter [tilespmem:s26], [sflag:$0x1], $0x6200, $0x38;
	[tilespmem:$0xD060] =	vst v63  }
0xc1: {  	_ =	swait.ge [sflag:s23], $0x6200  }
0xc2: {  	[sflag:s23] =	ssyncset.done $0x0  }
0xc3: {  	[sflag:s23] =	ssyncadd.s32 $0xFFFF9E00  }
0xc4: {  	[tilespmem:s29], [sflag:$0x1] =	stream.linear.gather [hbm4b:s9+s29], $0x4980, $0x38;
	[tilespmem:$0xD060] =	vst v63  }
0xc5: {  	_ =	swait.ge [sflag:s23], $0x4980  }
0xc6: {  	[sflag:s23] =	ssyncset.done $0x0  }
0xc7: {  	[sflag:s23] =	ssyncadd.s32 $0xFFFFB680  }
0xc8: {  	[tilespmem:s24], [sflag:$0x1] =	stream.linear.gather [hbm4b:s10+s29], $0x1B90, $0x38;
	[tilespmem:$0xD060] =	vst v63  }
0xc9: {  	_ =	swait.ge [sflag:s23], $0x1B90  }
0xca: {  	[sflag:s23] =	ssyncset.done $0x0  }
0xcb: {  	[sflag:s23] =	ssyncadd.s32 $0xFFFFE470  }
0xcc: {  	[tilespmem:s25], [sflag:$0x1] =	stream.linear.gather [hbm4b:s11+s29], $0x930, $0x38;
	[tilespmem:$0xD060] =	vst v63  }
0xcd: {  	_ =	swait.ge [sflag:s23], $0x930  }
0xce: {  	[sflag:s23] =	ssyncset.done $0x0  }
0xcf: {  	[sflag:s23] =	ssyncadd.s32 $0xFFFFF6D0  }
.LBB2_4:
0xd0: {  	v34 =	vor.u32 s29, v2  }
0xd1: {  	v0 =	vmul.u32 $0x18, v34;
	_ =	sdelay $0x1  }
0xd2: {  	v1 =	vor.u32 $0x1, v0  }
0xd3: {  	v2 =	vor.u32 $0x2, v0  }
0xd4: {  	v3 =	vor.u32 $0x3, v0  }
0xd5: {  	v4 =	vor.u32 $0x4, v0  }
0xd6: {  	v5 =	vor.u32 $0x5, v0;
	v45 =	vld.idx.msk [tilespmem:v0+s2+$0x0], $0xffff  }
0xd7: {  	v55 =	vadd.s32 $0x9, v0;
	v40 =	vld.idx.msk [tilespmem:v1+s2+$0x0], $0xffff  }
0xd8: {  	v56 =	vadd.s32 $0xA, v0;
	v41 =	vld.idx.msk [tilespmem:v2+s2+$0x0], $0xffff  }
0xd9: {  	v57 =	vadd.s32 $0xE, v0;
	v46 =	vld.idx.msk [tilespmem:v3+s2+$0x0], $0xffff  }
0xda: {  	v42 =	vld.idx.msk [tilespmem:v4+s2+$0x0], $0xffff  }
0xdb: {  	v58 =	vadd.s32 $0x10, v0;
	v36 =	vld.idx.msk [tilespmem:v5+s2+$0x0], $0xffff  }
0xdc: {  	v2 =	vor.u32 $0x7, v0;
	v35 =	vld.idx.msk [tilespmem:v55+s2+$0x0], $0xffff  }
0xdd: {  	v3 =	vadd.s32 $0x8, v0;
	v39 =	vld.idx.msk [tilespmem:v56+s2+$0x0], $0xffff  }
0xde: {  	v1 =	vor.u32 $0x6, v0;
	v50 =	vld.idx.msk [tilespmem:v57+s2+$0x0], $0xffff  }
0xdf: {  	v55 =	vld [tilespmem:$0x1FFA0]  }
0xe0: {  	v56 =	vld.idx.msk [tilespmem:v58+s2+$0x0], $0xffff  }
0xe1: {  	v43 =	vld.idx.msk [tilespmem:v2+s2+$0x0], $0xffff;
	v2 =	vadd.s32 $0xC, v0;
	v61 =	vmul.f32 v41, v59  }
0xe2: {  	v38 =	vld.idx.msk [tilespmem:v3+s2+$0x0], $0xffff;
	v3 =	vadd.s32 $0xD, v0  }
0xe3: {  	v37 =	vld.idx.msk [tilespmem:v1+s2+$0x0], $0xffff;
	v1 =	vadd.s32 $0xB, v0;
	v63 =	vmul.f32 v36, v60;
	v62 =	vadd.f32 $0.0e+00, v61  }
0xe4: {  	v6 =	vadd.s32 $0xF, v0;
	v7 =	vadd.s32 $0x11, v0;
	v57 =	vld [tilespmem:$0x1FFC0]  }
0xe5: {  	v47 =	vmul.f32 v45, v59;
	v48 =	vmul.f32 v40, v59;
	v4 =	vadd.f32 v63, v62;
	v62 =	vld [tilespmem:$0x1FFB0]  }
0xe6: {  	v51 =	vadd.s32 $0x13, v0;
	v53 =	vmul.f32 v46, v60;
	v54 =	vmul.f32 v42, v60;
	v49 =	vld.idx.msk [tilespmem:v2+s2+$0x0], $0xffff  }
0xe7: {  	v48 =	vadd.f32 $0.0e+00, v48;
	v2 =	vadd.f32 $0.0e+00, v47;
	v52 =	vld.idx.msk [tilespmem:v3+s2+$0x0], $0xffff;
	v3 =	vadd.s32 $0x14, v0  }
0xe8: {  	v44 =	vld.idx.msk [tilespmem:v1+s2+$0x0], $0xffff;
	v1 =	vadd.s32 $0x12, v0  }
0xe9: {  	v61 =	vmul.f32 v43, v55;
	v2 =	vadd.f32 v53, v2;
	v53 =	vld.idx.msk [tilespmem:v6+s2+$0x0], $0xffff;
	v6 =	vadd.f32 v54, v48  }
0xea: {  	v60 =	vmul.f32 v37, v55;
	v47 =	vld.idx.msk [tilespmem:v7+s2+$0x0], $0xffff  }
0xeb: {  	v54 =	vld.idx.msk [tilespmem:v51+s2+$0x0], $0xffff;
	v6 =	vadd.f32 v61, v6;
	v63 =	vmul.f32 v39, v62  }
0xec: {  	v55 =	vmul.f32 v38, v55;
	v2 =	vadd.f32 v60, v2;
	v7 =	vmul.f32 v35, v62;
	v51 =	vld.idx.msk [tilespmem:v3+s2+$0x0], $0xffff  }
0xed: {  	v60 =	vmul.f32 v44, v62;
	v61 =	vmul.f32 v52, v57;
	v62 =	vld [tilespmem:$0x1FFD0];
	v3 =	vadd.f32 v63, v6  }
0xee: {  	v48 =	vld.idx.msk [tilespmem:v1+s2+$0x0], $0xffff  }
0xef: {  	v1 =	vadd.f32 v55, v4;
	v3 =	vadd.f32 v61, v3;
	v61 =	vld [tilespmem:$0x1FFE0]  }
0xf0: {  	v5 =	vadd.s32 $0x15, v0;
	v2 =	vadd.f32 v7, v2;
	v7 =	vmul.f32 v49, v57  }
0xf1: {  	v6 =	vmul.f32 v50, v57;
	v1 =	vadd.f32 v60, v1  }
0xf2: {  	v2 =	vadd.f32 v7, v2;
	v7 =	vmul.f32 v53, v62  }
0xf3: {  	v1 =	vadd.f32 v6, v1;
	v60 =	vmul.f32 v56, v62  }
0xf4: {  	v6 =	vmul.f32 v47, v62;
	v2 =	vadd.f32 v7, v2;
	v62 =	vmul.f32 v48, v61  }
0xf5: {  	v55 =	vld.idx.msk [tilespmem:v5+s2+$0x0], $0xffff  }
0xf6: {  	v63 =	vadd.s32 $0x16, v0;
	v2 =	vadd.f32 v62, v2;
	v62 =	vld [tilespmem:$0x1FFF0]  }
0xf7: {  	v4 =	vmul.f32 v45, v10  }
0xf8: {  	v5 =	vmul.f32 v37, v12;
	v0 =	vadd.s32 $0x17, v0  }
0xf9: {  	v4 =	vadd.f32 $0.0e+00, v4;
	v1 =	vadd.f32 v6, v1;
	v6 =	vmul.f32 v51, v61  }
0xfa: {  	v3 =	vadd.f32 v60, v3;
	v60 =	vmul.f32 v46, v11;
	v7 =	vmul.f32 v54, v61  }
0xfb: {  	v58 =	vld.idx.msk [tilespmem:v63+s2+$0x0], $0xffff;
	v1 =	vadd.f32 v6, v1;
	v6 =	vmul.f32 v40, v10;
	v63 =	vmul.f32 v55, v62  }
0xfc: {  	v4 =	vadd.f32 v60, v4;
	v3 =	vadd.f32 v7, v3;
	v7 =	vmul.f32 v41, v10  }
0xfd: {  	v61 =	vmul.f32 v42, v11;
	v57 =	vadd.f32 v63, v2;
	v2 =	vadd.f32 $0.0e+00, v6  }
0xfe: {  	v59 =	vmul.f32 v43, v12;
	v6 =	vadd.f32 $0.0e+00, v7;
	v7 =	vmul.f32 v36, v11  }
0xff: {  	v60 =	vld.idx.msk [tilespmem:v0+s2+$0x0], $0xffff;
	v0 =	vadd.f32 v5, v4;
	v4 =	vmul.f32 v35, v13;
	v2 =	vadd.f32 v61, v2  }
0x100: {  	v5 =	vmul.f32 v48, v16;
	v6 =	vadd.f32 v7, v6;
	v7 =	vmul.f32 v38, v12  }
0x101: {  	v0 =	vadd.f32 v4, v0;
	v61 =	vmul.f32 v58, v62;
	v2 =	vadd.f32 v59, v2  }
0x102: {  	v63 =	vadd.f32 v7, v6;
	v6 =	vmul.f32 v39, v13;
	v7 =	vmul.f32 v44, v13  }
0x103: {  	v59 =	vadd.f32 v61, v3;
	v3 =	vmul.f32 v49, v14;
	v61 =	vmul.f32 v56, v15  }
0x104: {  	v2 =	vadd.f32 v6, v2;
	v4 =	vadd.f32 v7, v63;
	v63 =	vmul.f32 v52, v14  }
0x105: {  	v0 =	vadd.f32 v3, v0;
	v3 =	vmul.f32 v50, v14;
	v6 =	vmul.f32 v53, v15  }
0x106: {  	v7 =	vmul.f32 v60, v62;
	v62 =	vmul.f32 v45, v18;
	v2 =	vadd.f32 v63, v2  }
0x107: {  	v3 =	vadd.f32 v3, v4;
	v0 =	vadd.f32 v6, v0;
	v4 =	vmul.f32 v47, v15  }
0x108: {  	v6 =	vmul.f32 v54, v16;
	v63 =	vmul.f32 v58, v17;
	v2 =	vadd.f32 v61, v2  }
0x109: {  	v61 =	vadd.f32 v7, v1;
	v1 =	vadd.f32 v4, v3;
	v3 =	vmul.f32 v51, v16  }
0x10a: {  	v0 =	vadd.f32 v5, v0;
	v4 =	vadd.f32 $0.0e+00, v62;
	v7 =	vmul.f32 v46, v19  }
0x10b: {  	v5 =	vmul.f32 v40, v18;
	v1 =	vadd.f32 v3, v1;
	v3 =	vmul.f32 v55, v17  }
0x10c: {  	v2 =	vadd.f32 v6, v2;
	v6 =	vmul.f32 v41, v18;
	v4 =	vadd.f32 v7, v4  }
0x10d: {  	v62 =	vadd.f32 v3, v0;
	v0 =	vadd.f32 $0.0e+00, v5;
	v3 =	vmul.f32 v42, v19  }
0x10e: {  	v7 =	vmul.f32 v43, v20;
	v5 =	vadd.f32 $0.0e+00, v6;
	v6 =	vmul.f32 v36, v19  }
0x10f: {  	v2 =	vadd.f32 v63, v2;
	v0 =	vadd.f32 v3, v0;
	v3 =	vmul.f32 v37, v20  }
0x110: {  	v63 =	vmul.f32 v49, v22;
	v5 =	vadd.f32 v6, v5;
	v6 =	vmul.f32 v38, v20  }
0x111: {  	v3 =	vadd.f32 v3, v4;
	v0 =	vadd.f32 v7, v0;
	v4 =	vmul.f32 v35, v21  }
0x112: {  	v5 =	vadd.f32 v6, v5;
	v6 =	vmul.f32 v39, v21;
	v7 =	vmul.f32 v44, v21  }
0x113: {  	v36 =	vmul.f32 v36, v27;
	v38 =	vmul.f32 v38, v28;
	v3 =	vadd.f32 v4, v3  }
0x114: {  	v0 =	vadd.f32 v6, v0;
	v5 =	vadd.f32 v7, v5;
	v6 =	vmul.f32 v52, v22  }
0x115: {  	v4 =	vmul.f32 v50, v22;
	v7 =	vmul.f32 v53, v23;
	v3 =	vadd.f32 v63, v3  }
0x116: {  	v63 =	vmul.f32 v60, v17;
	v0 =	vadd.f32 v6, v0;
	v6 =	vmul.f32 v56, v23  }
0x117: {  	v4 =	vadd.f32 v4, v5;
	v5 =	vmul.f32 v47, v23;
	v3 =	vadd.f32 v7, v3  }
0x118: {  	v0 =	vadd.f32 v6, v0;
	v6 =	vmul.f32 v48, v24;
	v7 =	vmul.f32 v54, v24  }
0x119: {  	v1 =	vadd.f32 v63, v1;
	v4 =	vadd.f32 v5, v4;
	v63 =	vmul.f32 v51, v24  }
0x11a: {  	v3 =	vadd.f32 v6, v3;
	v0 =	vadd.f32 v7, v0;
	v6 =	vmul.f32 v45, v26  }
0x11b: {  	v4 =	vadd.f32 v63, v4;
	v45 =	vmul.f32 v55, v25;
	v7 =	vmul.f32 v40, v26  }
0x11c: {  	v40 =	vmul.f32 v41, v26;
	v63 =	vmul.f32 v46, v27;
	v6 =	vadd.f32 $0.0e+00, v6  }
0x11d: {  	v3 =	vadd.f32 v45, v3;
	v45 =	vadd.f32 $0.0e+00, v7;
	v7 =	vmul.f32 v42, v27  }
0x11e: {  	v53 =	vmul.f32 v53, v31;
	v56 =	vmul.f32 v56, v31;
	v40 =	vadd.f32 $0.0e+00, v40  }
0x11f: {  	v6 =	vadd.f32 v63, v6;
	v5 =	vadd.f32 v7, v45;
	v7 =	vmul.f32 v37, v28  }
0x120: {  	v54 =	vmul.f32 v54, v32;
	v46 =	vmul.f32 v43, v28;
	v36 =	vadd.f32 v36, v40  }
0x121: {  	v43 =	vmul.f32 v39, v29;
	v63 =	vmul.f32 v58, v25;
	v6 =	vadd.f32 v7, v6  }
0x122: {  	v7 =	vmul.f32 v35, v29;
	v42 =	vadd.f32 v38, v36;
	v38 =	vmul.u32 $0x9, v34  }
0x123: {  	v45 =	vmul.f32 v52, v30;
	v52 =	vmul.f32 v47, v31  }
0x124: {  	v5 =	vadd.f32 v46, v5;
	v6 =	vadd.f32 v7, v6;
	v46 =	vadd.s32 $0x1, v38  }
0x125: {  	v7 =	vmul.f32 v44, v29;
	v44 =	vmul.f32 v49, v30;
	v37 =	vadd.s32 $0x2, v38  }
0x126: {  	v5 =	vadd.f32 v43, v5;
	v49 =	vmul.f32 v50, v30;
	v50 =	vadd.s32 $0x3, v38  }
0x127: {  	v0 =	vadd.f32 v63, v0;
	v43 =	vadd.s32 $0x6, v38;
	v7 =	vadd.f32 v7, v42  }
0x128: {  	v63 =	vadd.s32 $0x4, v38;
	v6 =	vadd.f32 v44, v6;
	v5 =	vadd.f32 v45, v5;
	v35 =	vld.idx.msk [tilespmem:v38+s24+$0x0], $0xffff  }
0x129: {  	v42 =	vadd.s32 $0x5, v38;
	v45 =	vadd.s32 $0x7, v38;
	v7 =	vadd.f32 v49, v7;
	v36 =	vld.idx.msk [tilespmem:v46+s24+$0x0], $0xffff  }
0x12a: {  	v6 =	vadd.f32 v53, v6;
	v38 =	vand.u32 $0x3FFF, v38;
	v53 =	vmul.f32 v48, v32;
	v37 =	vld.idx.msk [tilespmem:v37+s24+$0x0], $0xffff  }
0x12b: {  	v5 =	vadd.f32 v56, v5;
	v39 =	vld.idx.msk [tilespmem:v50+s24+$0x0], $0xffff;
	v56 =	vadd.s32 $0x8, v38;
	v50 =	vmul.f32 v60, v25  }
0x12c: {  	v38 =	vld.idx.msk [tilespmem:v43+s24+$0x0], $0xffff;
	v7 =	vadd.f32 v52, v7;
	v52 =	vmul.f32 v51, v32;
	v6 =	vadd.f32 v53, v6  }
0x12d: {  	v40 =	vld.idx.msk [tilespmem:v63+s24+$0x0], $0xffff;
	v5 =	vadd.f32 v54, v5;
	v53 =	vmul.f32 v55, v33;
	v54 =	vmul.f32 v58, v33  }
0x12e: {  	v55 =	vmul.f32 v60, v33;
	v4 =	vadd.f32 v50, v4;
	v41 =	vld.idx.msk [tilespmem:v45+s24+$0x0], $0xffff;
	v45 =	vmul.u32 $0x3, v34  }
0x12f: {  	v42 =	vld.idx.msk [tilespmem:v42+s24+$0x0], $0xffff;
	v34 =	vshll.u32 v34, $0x5;
	v7 =	vadd.f32 v52, v7;
	v6 =	vadd.f32 v53, v6  }
0x130: {  	v5 =	vadd.f32 v54, v5;
	v54 =	vor.u32 $0x2, v34;
	v52 =	vmul.f32 v35, v62  }
0x131: {  	v46 =	vadd.s32 $0x1, v45;
	v43 =	vld.idx.msk [tilespmem:v56+s24+$0x0], $0xffff;
	v56 =	vmul.f32 v35, v57;
	v58 =	vmul.f32 v39, v59  }
0x132: {  	v49 =	vadd.s32 $0x2, v45;
	v48 =	vmul.f32 v38, v61;
	v50 =	vmul.f32 v36, v57  }
0x133: {  	v7 =	vadd.f32 v55, v7;
	v51 =	vmul.f32 v40, v59;
	v47 =	vmul.f32 v37, v57  }
0x134: {  	v53 =	vmul.f32 v38, v1;
	v57 =	vor.u32 $0x3, v34;
	v63 =	vmul.f32 v42, v59  }
0x135: {  	v44 =	vadd.f32 v58, v56;
	v50 =	vadd.f32 v51, v50;
	v58 =	vmul.f32 v41, v61  }
0x136: {  	v51 =	vor.u32 $0x1, v34;
	v47 =	vadd.f32 v63, v47;
	v61 =	vmul.f32 v43, v61  }
0x137: {  	v44 =	vadd.f32 v48, v44;
	v50 =	vadd.f32 v58, v50;
	v48 =	vmul.f32 v39, v2  }
0x138: {  	v63 =	vmul.f32 v36, v62;
	v47 =	vadd.f32 v61, v47;
	v61 =	vmul.f32 v40, v2  }
0x139: {  	v62 =	vmul.f32 v37, v62;
	v48 =	vadd.f32 v48, v52;
	v2 =	vmul.f32 v42, v2  }
0x13a: {  	v55 =	vadd.f32 v61, v63;
	v63 =	vmul.f32 v35, v3;
	v61 =	vmul.f32 v39, v0  }
0x13b: {  	v2 =	vadd.f32 v2, v62;
	v62 =	vmul.f32 v41, v1;
	v1 =	vmul.f32 v43, v1  }
0x13c: {  	v56 =	vor.u32 $0x4, v34;
	v45 =	vld.idx.msk [tilespmem:v45+s25+$0x0], $0xffff;
	v48 =	vadd.f32 v53, v48;
	v63 =	vadd.f32 v61, v63  }
0x13d: {  	v49 =	vld.idx.msk [tilespmem:v49+s25+$0x0], $0xffff;
	v61 =	vmul.f32 v38, v4;
	v52 =	vadd.f32 v62, v55;
	v1 =	vadd.f32 v1, v2  }
0x13e: {  	v2 =	vld.idx.msk [tilespmem:v46+s25+$0x0], $0xffff;
	v62 =	vmul.f32 v36, v3;
	v3 =	vmul.f32 v37, v3;
	[tilespmem:v34+s26+$0x0] =	vst.idx.msk $0xffff, v44  }
0x13f: {  	v44 =	vor.u32 $0x5, v34;
	[tilespmem:v51+s26+$0x0] =	vst.idx.msk $0xffff, v50;
	v46 =	vadd.f32 v61, v63;
	v63 =	vmul.f32 v40, v0  }
0x140: {  	v50 =	vor.u32 $0x6, v34;
	v0 =	vmul.f32 v42, v0;
	v61 =	vmul.f32 v41, v4;
	[tilespmem:v54+s26+$0x0] =	vst.idx.msk $0xffff, v47  }
0x141: {  	v47 =	vor.u32 $0x7, v34;
	[tilespmem:v57+s26+$0x0] =	vst.idx.msk $0xffff, v48;
	v57 =	vmul.f32 v40, v5;
	v53 =	vadd.f32 v63, v62  }
0x142: {  	v0 =	vadd.f32 v0, v3;
	v3 =	vmul.f32 v43, v4;
	v62 =	vmul.f32 v35, v6  }
0x143: {  	v48 =	vor.u32 $0x8, v34;
	v63 =	vmul.f32 v36, v6;
	v6 =	vmul.f32 v37, v6  }
0x144: {  	[tilespmem:v56+s26+$0x0] =	vst.idx.msk $0xffff, v52;
	v52 =	vor.u32 $0x9, v34;
	v0 =	vadd.f32 v3, v0;
	v3 =	vmul.f32 v39, v5  }
0x145: {  	v4 =	vadd.f32 v61, v53;
	v53 =	vmul.f32 v38, v7;
	v5 =	vmul.f32 v42, v5  }
0x146: {  	v58 =	vadd.f32 v57, v63;
	v61 =	vmul.f32 v45, v35;
	v63 =	vmul.f32 v49, v38  }
0x147: {  	v3 =	vadd.f32 v3, v62;
	v5 =	vadd.f32 v5, v6;
	v6 =	vmul.f32 v41, v7  }
0x148: {  	v56 =	vor.u32 $0xC, v34;
	[tilespmem:v44+s26+$0x0] =	vst.idx.msk $0xffff, v1;
	v62 =	vmul.f32 v2, v39;
	v7 =	vmul.f32 v43, v7  }
0x149: {  	[tilespmem:v50+s26+$0x0] =	vst.idx.msk $0xffff, v46;
	v1 =	vadd.f32 v53, v3;
	v3 =	vadd.f32 v6, v58;
	v6 =	vor.u32 $0xA, v34  }
0x14a: {  	[tilespmem:v47+s26+$0x0] =	vst.idx.msk $0xffff, v4;
	v54 =	vadd.f32 v62, v61;
	v5 =	vadd.f32 v7, v5;
	v7 =	vor.u32 $0xB, v34  }
0x14b: {  	v57 =	vmul.f32 v45, v36;
	[tilespmem:v48+s26+$0x0] =	vst.idx.msk $0xffff, v0;
	v0 =	vor.u32 $0xD, v34;
	v58 =	vmul.f32 v2, v40  }
0x14c: {  	v61 =	vmul.f32 v45, v37;
	v62 =	vmul.f32 v2, v42;
	v55 =	vadd.f32 v63, v54  }
0x14d: {  	[tilespmem:v52+s26+$0x0] =	vst.idx.msk $0xffff, v1;
	v1 =	vadd.f32 v58, v57;
	v63 =	vmul.f32 v49, v41;
	v52 =	vor.u32 $0xE, v34  }
0x14e: {  	v53 =	vor.u32 $0xF, v34;
	[tilespmem:v6+s26+$0x0] =	vst.idx.msk $0xffff, v3;
	v3 =	vadd.f32 v62, v61;
	v6 =	vmul.f32 v49, v43  }
0x14f: {  	v54 =	vor.u32 $0x10, v34;
	v1 =	vadd.f32 v63, v1;
	[tilespmem:v7+s26+$0x0] =	vst.idx.msk $0xffff, v5  }
0x150: {  	[tilespmem:v56+s26+$0x0] =	vst.idx.msk $0xffff, v55;
	v3 =	vadd.f32 v6, v3;
	v55 =	vor.u32 $0x11, v34  }
0x151: {  	[tilespmem:v0+s26+$0x0] =	vst.idx.msk $0xffff, v1;
	v0 =	vor.u32 $0x12, v34  }
0x152: {  	v1 =	vor.u32 $0x13, v34;
	[tilespmem:v52+s26+$0x0] =	vst.idx.msk $0xffff, v3  }
0x153: {  	v3 =	vor.u32 $0x14, v34;
	[tilespmem:v53+s26+$0x0] =	vst.idx.msk $0xffff, v35  }
0x154: {  	v56 =	vor.u32 $0x15, v34;
	[tilespmem:v54+s26+$0x0] =	vst.idx.msk $0xffff, v36  }
0x155: {  	v57 =	vor.u32 $0x16, v34;
	[tilespmem:v55+s26+$0x0] =	vst.idx.msk $0xffff, v37  }
0x156: {  	[tilespmem:v0+s26+$0x0] =	vst.idx.msk $0xffff, v39;
	v0 =	vor.u32 $0x17, v34  }
0x157: {  	[tilespmem:v1+s26+$0x0] =	vst.idx.msk $0xffff, v40;
	v1 =	vor.u32 $0x18, v34  }
0x158: {  	[tilespmem:v3+s26+$0x0] =	vst.idx.msk $0xffff, v42;
	v3 =	vor.u32 $0x19, v34  }
0x159: {  	v58 =	vor.u32 $0x1A, v34;
	[tilespmem:v56+s26+$0x0] =	vst.idx.msk $0xffff, v38  }
0x15a: {  	v61 =	vor.u32 $0x1B, v34;
	[tilespmem:v57+s26+$0x0] =	vst.idx.msk $0xffff, v41  }
0x15b: {  	[tilespmem:v0+s26+$0x0] =	vst.idx.msk $0xffff, v43;
	v0 =	vor.u32 $0x1C, v34  }
0x15c: {  	[tilespmem:v1+s26+$0x0] =	vst.idx.msk $0xffff, v45;
	v1 =	vor.u32 $0x1D, v34  }
0x15d: {  	[tilespmem:v3+s26+$0x0] =	vst.idx.msk $0xffff, v2;
	v2 =	vor.u32 $0x1E, v34  }
0x15e: {  	p0 =	sne.s32 s29, $0x300;
	v62 =	vimm.f32 $0.0e+00;
	v3 =	vor.u32 $0x1F, v34;
	[tilespmem:v58+s26+$0x0] =	vst.idx.msk $0xffff, v49  }
.Ltmp1:
0x15f: {  	v63 =	vimm.f32 $0.0e+00;
	[tilespmem:v61+s26+$0x0] =	vst.idx.msk $0xffff, v62;
	(pc) =	sbr.rel @p0 .LBB2_4-.Ltmp1, $4  }
0x160: {  	[tilespmem:v0+s26+$0x0] =	vst.idx.msk $0xffff, v63  }
0x161: {  	[tilespmem:v1+s26+$0x0] =	vst.idx.msk $0xffff, v63  }
0x162: {  	[tilespmem:v2+s26+$0x0] =	vst.idx.msk $0xffff, v63  }
0x163: {  	s29 =	sadd.s32 $0x10, s29;
	v60 =	vmov v9;
	v59 =	vmov v8;
	v2 =	vlaneseq.u32;
	[tilespmem:v3+s26+$0x0] =	vst.idx.msk $0xffff, v63  }
0x164: {  	s29 =	simm.s32 $0x0  }
0x165: {  	[hbm4b:s12+s29] =	stream.linear.scatter [tilespmem:s26], [sflag:$0x1], $0x6200, $0x38;
	[tilespmem:$0xD060] =	vst v63  }
0x166: {  	_ =	swait.ge [sflag:s23], $0x6200  }
0x167: {  	[sflag:s23] =	ssyncset.done $0x0  }
0x168: {  	[sflag:s23] =	ssyncadd.s32 $0xFFFF9E00  }
0x169: {  	[tilespmem:s22], [sflag:$0x1] =	stream.linear.gather [hbm4b:s4+s29], $0x20, $0x38;
	[tilespmem:$0xD060] =	vst v63  }
0x16a: {  	_ =	swait.ge [sflag:s23], $0x20  }
0x16b: {  	[sflag:s23] =	ssyncset.done $0x0  }
0x16c: {  	[sflag:s23] =	ssyncadd.s32 $0xFFFFFFE0  }
0x16d: {  	v0 =	vld [tilespmem:$0x6E40];
	_ =	sdelay $0x4  }
0x16e: {  	v1 =	vbroadcast v0, $0x3;
	_ =	sdelay $0x1  }
0x16f: {  	[tilespmem:$0x1FF40] =	vst v1;
	v1 =	vbroadcast v0, $0x4  }
0x170: {  	v3 =	vbroadcast v0, $0x6  }
0x171: {  	[tilespmem:$0x1FF50] =	vst v1;
	v1 =	vbroadcast v0, $0x5  }
0x172: {  	v57 =	vbroadcast v0, $0x0;
	v61 =	vbroadcast v0, $0x1;
	[tilespmem:$0x1FF70] =	vst v3  }
0x173: {  	v63 =	vbroadcast v0, $0x2;
	v9 =	vbroadcast v0, $0x7;
	[tilespmem:$0x1FF60] =	vst v1;
	v1 =	vld [tilespmem:$0x6E50]  }
0x174: {  	v10 =	vbroadcast v0, $0x8;
	v11 =	vbroadcast v0, $0x9;
	[tilespmem:s29], [sflag:$0x1] =	stream.linear.gather [hbm4b:s13+s29], $0x4980, $0x38;
	[tilespmem:$0xD060] =	vst v63  }
0x175: {  	v12 =	vbroadcast v0, $0xA;
	v13 =	vbroadcast v0, $0xB;
	_ =	swait.ge [sflag:s23], $0x4980  }
0x176: {  	v14 =	vbroadcast v0, $0xC;
	v15 =	vbroadcast v0, $0xD;
	[sflag:s23] =	ssyncset.done $0x0  }
0x177: {  	v16 =	vbroadcast v0, $0xE;
	v17 =	vbroadcast v0, $0xF;
	[sflag:s23] =	ssyncadd.s32 $0xFFFFB680  }
0x178: {  	[tilespmem:s24], [sflag:$0x1] =	stream.linear.gather [hbm4b:s14+s29], $0x1B90, $0x38;
	v18 =	vbroadcast v1, $0x0;
	v19 =	vbroadcast v1, $0x1;
	[tilespmem:$0xD060] =	vst v63  }
0x179: {  	_ =	swait.ge [sflag:s23], $0x1B90;
	v20 =	vbroadcast v1, $0x2;
	v21 =	vbroadcast v1, $0x3  }
0x17a: {  	v22 =	vbroadcast v1, $0x4;
	v23 =	vbroadcast v1, $0x5;
	[sflag:s23] =	ssyncset.done $0x0  }
0x17b: {  	v24 =	vbroadcast v1, $0x6;
	v25 =	vbroadcast v1, $0x7;
	[sflag:s23] =	ssyncadd.s32 $0xFFFFE470  }
0x17c: {  	v26 =	vbroadcast v1, $0x8;
	v27 =	vbroadcast v1, $0x9;
	[tilespmem:s25], [sflag:$0x1] =	stream.linear.gather [hbm4b:s15+s29], $0x930, $0x38;
	[tilespmem:$0xD060] =	vst v63  }
0x17d: {  	v28 =	vbroadcast v1, $0xA;
	v29 =	vbroadcast v1, $0xB;
	_ =	swait.ge [sflag:s23], $0x930  }
0x17e: {  	v30 =	vbroadcast v1, $0xC;
	v31 =	vbroadcast v1, $0xD;
	[sflag:s23] =	ssyncset.done $0x0;
	[tilespmem:$0x1FF80] =	vst v61  }
0x17f: {  	v32 =	vbroadcast v1, $0xE;
	v33 =	vbroadcast v1, $0xF;
	[tilespmem:$0x1FF90] =	vst v63;
	[sflag:s23] =	ssyncadd.s32 $0xFFFFF6D0  }
.LBB2_6:
0x180: {  	v34 =	vor.u32 s29, v2  }
0x181: {  	v0 =	vmul.u32 $0x18, v34;
	_ =	sdelay $0x1  }
0x182: {  	v1 =	vor.u32 $0x1, v0  }
0x183: {  	v35 =	vor.u32 $0x2, v0  }
0x184: {  	v36 =	vor.u32 $0x3, v0  }
0x185: {  	v2 =	vld [tilespmem:$0x1FF40];
	v37 =	vor.u32 $0x4, v0  }
0x186: {  	v38 =	vor.u32 $0x5, v0;
	v45 =	vld.idx.msk [tilespmem:v0+s2+$0x0], $0xffff  }
0x187: {  	v4 =	vor.u32 $0x7, v0;
	v40 =	vld.idx.msk [tilespmem:v1+s2+$0x0], $0xffff  }
0x188: {  	v1 =	vor.u32 $0x6, v0;
	v41 =	vld.idx.msk [tilespmem:v35+s2+$0x0], $0xffff  }
0x189: {  	v39 =	vadd.s32 $0x8, v0;
	v46 =	vld.idx.msk [tilespmem:v36+s2+$0x0], $0xffff  }
0x18a: {  	v44 =	vadd.s32 $0x9, v0;
	v42 =	vld.idx.msk [tilespmem:v37+s2+$0x0], $0xffff  }
0x18b: {  	v47 =	vadd.s32 $0xA, v0;
	v36 =	vld.idx.msk [tilespmem:v38+s2+$0x0], $0xffff  }
0x18c: {  	v48 =	vadd.s32 $0xC, v0;
	v43 =	vld.idx.msk [tilespmem:v4+s2+$0x0], $0xffff  }
0x18d: {  	v37 =	vld.idx.msk [tilespmem:v1+s2+$0x0], $0xffff;
	v1 =	vadd.s32 $0xB, v0  }
0x18e: {  	v50 =	vadd.s32 $0xD, v0;
	v38 =	vld.idx.msk [tilespmem:v39+s2+$0x0], $0xffff  }
0x18f: {  	v51 =	vadd.s32 $0xE, v0;
	v35 =	vld.idx.msk [tilespmem:v44+s2+$0x0], $0xffff  }
0x190: {  	v53 =	vadd.s32 $0xF, v0;
	v39 =	vld.idx.msk [tilespmem:v47+s2+$0x0], $0xffff;
	v52 =	vmul.f32 v45, v57  }
0x191: {  	v54 =	vadd.s32 $0x11, v0;
	v49 =	vld.idx.msk [tilespmem:v48+s2+$0x0], $0xffff;
	v56 =	vmul.f32 v40, v57;
	v4 =	vmul.f32 v41, v57  }
0x192: {  	v58 =	vmul.f32 v46, v61;
	v5 =	vadd.f32 $0.0e+00, v52;
	v44 =	vld.idx.msk [tilespmem:v1+s2+$0x0], $0xffff;
	v1 =	vadd.s32 $0x12, v0  }
0x193: {  	v55 =	vadd.s32 $0x13, v0;
	v60 =	vmul.f32 v42, v61;
	v52 =	vld.idx.msk [tilespmem:v50+s2+$0x0], $0xffff;
	v56 =	vadd.f32 $0.0e+00, v56  }
0x194: {  	v50 =	vld.idx.msk [tilespmem:v51+s2+$0x0], $0xffff;
	v51 =	vadd.f32 $0.0e+00, v4;
	v48 =	vadd.f32 v58, v5;
	v5 =	vmul.f32 v36, v61  }
0x195: {  	v4 =	vmul.f32 v43, v63;
	v58 =	vadd.f32 v60, v56;
	v60 =	vmul.f32 v37, v63  }
0x196: {  	v8 =	vmovc v57;
	v47 =	vadd.s32 $0x10, v0;
	v51 =	vadd.f32 v5, v51;
	v5 =	vmul.f32 v38, v63  }
0x197: {  	v57 =	vmul.f32 v39, v2;
	v58 =	vadd.f32 v4, v58;
	v60 =	vadd.f32 v60, v48;
	v48 =	vld.idx.msk [tilespmem:v1+s2+$0x0], $0xffff  }
0x198: {  	v4 =	vmul.f32 v35, v2;
	v1 =	vadd.f32 v5, v51;
	v5 =	vmul.f32 v44, v2;
	v2 =	vld [tilespmem:$0x1FF50];
	_ =	sdelay $0x1  }
0x199: {  	v53 =	vld.idx.msk [tilespmem:v53+s2+$0x0], $0xffff  }
0x19a: {  	v56 =	vld.idx.msk [tilespmem:v47+s2+$0x0], $0xffff  }
0x19b: {  	v47 =	vld.idx.msk [tilespmem:v54+s2+$0x0], $0xffff  }
0x19c: {  	v59 =	vadd.s32 $0x14, v0;
	v54 =	vld.idx.msk [tilespmem:v55+s2+$0x0], $0xffff;
	v55 =	vadd.f32 v4, v60;
	v4 =	vmul.f32 v49, v2  }
0x19d: {  	v1 =	vadd.f32 v5, v1;
	v5 =	vmul.f32 v52, v2;
	v60 =	vmul.f32 v50, v2;
	v2 =	vld [tilespmem:$0x1FF60];
	_ =	sdelay $0x3  }
0x19e: {  	v57 =	vadd.f32 v57, v58  }
0x19f: {  	v62 =	vadd.s32 $0x15, v0;
	v51 =	vld.idx.msk [tilespmem:v59+s2+$0x0], $0xffff;
	v59 =	vadd.f32 v4, v55;
	v4 =	vmul.f32 v53, v2  }
0x1a0: {  	v57 =	vadd.f32 v5, v57  }
0x1a1: {  	v5 =	vmul.f32 v56, v2;
	v59 =	vadd.f32 v4, v59;
	v4 =	vmul.f32 v47, v2;
	v2 =	vld [tilespmem:$0x1FF70];
	_ =	sdelay $0x2  }
0x1a2: {  	v55 =	vld.idx.msk [tilespmem:v62+s2+$0x0], $0xffff;
	v62 =	vadd.s32 $0x16, v0  }
0x1a3: {  	v3 =	vmul.f32 v46, v11;
	v1 =	vadd.f32 v60, v1  }
0x1a4: {  	v6 =	vmul.f32 v46, v19;
	v57 =	vadd.f32 v5, v57;
	v5 =	vmul.f32 v54, v2  }
0x1a5: {  	v0 =	vadd.s32 $0x17, v0;
	v1 =	vadd.f32 v4, v1;
	v58 =	vmul.f32 v48, v2  }
0x1a6: {  	v4 =	vmul.f32 v51, v2;
	v61 =	vadd.f32 v5, v57;
	v5 =	vmul.f32 v45, v10  }
0x1a7: {  	v60 =	vmul.f32 v55, v9;
	v59 =	vadd.f32 v58, v59;
	v58 =	vld.idx.msk [tilespmem:v62+s2+$0x0], $0xffff;
	v62 =	vmul.f32 v40, v10  }
0x1a8: {  	v2 =	vmul.f32 v41, v10;
	v1 =	vadd.f32 v4, v1;
	v63 =	vadd.f32 $0.0e+00, v5  }
0x1a9: {  	v57 =	vadd.f32 v60, v59;
	v59 =	vadd.f32 $0.0e+00, v62;
	v60 =	vmul.f32 v42, v11  }
0x1aa: {  	v2 =	vadd.f32 $0.0e+00, v2;
	v4 =	vmul.f32 v43, v12;
	v62 =	vmul.f32 v36, v11  }
0x1ab: {  	v3 =	vadd.f32 v3, v63;
	v59 =	vadd.f32 v60, v59;
	v63 =	vmul.f32 v37, v12  }
0x1ac: {  	v2 =	vadd.f32 v62, v2;
	v62 =	vmul.f32 v38, v12;
	v60 =	vld.idx.msk [tilespmem:v0+s2+$0x0], $0xffff;
	v5 =	vmul.f32 v58, v9  }
0x1ad: {  	v0 =	vadd.f32 v63, v3;
	v3 =	vadd.f32 v4, v59;
	v4 =	vmul.f32 v35, v13  }
0x1ae: {  	v2 =	vadd.f32 v62, v2;
	v62 =	vmul.f32 v39, v13;
	v63 =	vmul.f32 v44, v13  }
0x1af: {  	v59 =	vadd.f32 v5, v61;
	v61 =	vmul.f32 v49, v14;
	v5 =	vmul.f32 v52, v14  }
0x1b0: {  	v0 =	vadd.f32 v4, v0;
	v3 =	vadd.f32 v62, v3;
	v4 =	vmul.f32 v50, v14  }
0x1b1: {  	v2 =	vadd.f32 v63, v2;
	v63 =	vmul.f32 v56, v15;
	v62 =	vmul.f32 v60, v9  }
0x1b2: {  	v0 =	vadd.f32 v61, v0;
	v61 =	vmul.f32 v53, v15;
	v3 =	vadd.f32 v5, v3  }
0x1b3: {  	v2 =	vadd.f32 v4, v2;
	v4 =	vmul.f32 v47, v15;
	v5 =	vmul.f32 v48, v16  }
0x1b4: {  	v0 =	vadd.f32 v61, v0;
	v3 =	vadd.f32 v63, v3;
	v63 =	vmul.f32 v54, v16  }
0x1b5: {  	v61 =	vadd.f32 v62, v1;
	v1 =	vadd.f32 v4, v2;
	v2 =	vmul.f32 v51, v16  }
0x1b6: {  	v0 =	vadd.f32 v5, v0;
	v3 =	vadd.f32 v63, v3;
	v63 =	vmul.f32 v45, v18  }
0x1b7: {  	v1 =	vadd.f32 v2, v1;
	v2 =	vmul.f32 v55, v17;
	v5 =	vmul.f32 v40, v18  }
0x1b8: {  	v7 =	vmul.f32 v58, v17;
	v4 =	vadd.f32 $0.0e+00, v63;
	v63 =	vmul.f32 v41, v18  }
0x1b9: {  	v62 =	vadd.f32 v2, v0;
	v0 =	vadd.f32 $0.0e+00, v5;
	v2 =	vmul.f32 v42, v19  }
0x1ba: {  	v5 =	vadd.f32 $0.0e+00, v63;
	v4 =	vadd.f32 v6, v4;
	v6 =	vmul.f32 v36, v19  }
0x1bb: {  	v3 =	vadd.f32 v7, v3;
	v0 =	vadd.f32 v2, v0;
	v2 =	vmul.f32 v37, v20  }
0x1bc: {  	v63 =	vmul.f32 v43, v20;
	v5 =	vadd.f32 v6, v5;
	v6 =	vmul.f32 v38, v20  }
0x1bd: {  	v7 =	vmul.f32 v53, v23;
	v2 =	vadd.f32 v2, v4;
	v4 =	vmul.f32 v35, v21  }
0x1be: {  	v0 =	vadd.f32 v63, v0;
	v5 =	vadd.f32 v6, v5;
	v6 =	vmul.f32 v39, v21  }
0x1bf: {  	v63 =	vmul.f32 v44, v21;
	v2 =	vadd.f32 v4, v2;
	v4 =	vmul.f32 v49, v22  }
0x1c0: {  	v36 =	vmul.f32 v36, v27;
	v0 =	vadd.f32 v6, v0;
	v6 =	vmul.f32 v52, v22  }
0x1c1: {  	v5 =	vadd.f32 v63, v5;
	v2 =	vadd.f32 v4, v2;
	v4 =	vmul.f32 v50, v22  }
0x1c2: {  	v38 =	vmul.f32 v38, v28;
	v63 =	vmul.f32 v60, v17;
	v0 =	vadd.f32 v6, v0  }
0x1c3: {  	v6 =	vmul.f32 v56, v23;
	v4 =	vadd.f32 v4, v5;
	v2 =	vadd.f32 v7, v2  }
0x1c4: {  	v5 =	vmul.f32 v47, v23;
	v7 =	vmul.f32 v54, v24;
	v1 =	vadd.f32 v63, v1  }
0x1c5: {  	v54 =	vmul.f32 v54, v32;
	v0 =	vadd.f32 v6, v0;
	v6 =	vmul.f32 v48, v24  }
0x1c6: {  	v4 =	vadd.f32 v5, v4;
	v5 =	vmul.f32 v51, v24;
	v51 =	vmul.f32 v51, v32  }
0x1c7: {  	v2 =	vadd.f32 v6, v2;
	v0 =	vadd.f32 v7, v0;
	v6 =	vmul.f32 v45, v26  }
0x1c8: {  	v4 =	vadd.f32 v5, v4;
	v5 =	vmul.f32 v55, v25;
	v7 =	vmul.f32 v40, v26  }
0x1c9: {  	v40 =	vmul.f32 v41, v26;
	v45 =	vmul.f32 v46, v27;
	v6 =	vadd.f32 $0.0e+00, v6  }
0x1ca: {  	v2 =	vadd.f32 v5, v2;
	v46 =	vadd.f32 $0.0e+00, v7;
	v7 =	vmul.f32 v42, v27  }
0x1cb: {  	v40 =	vadd.f32 $0.0e+00, v40;
	v42 =	vmul.f32 v39, v29;
	v6 =	vadd.f32 v45, v6  }
0x1cc: {  	v5 =	vadd.f32 v7, v46;
	v7 =	vmul.f32 v37, v28;
	v45 =	vmul.f32 v43, v28  }
0x1cd: {  	v36 =	vadd.f32 v36, v40;
	v40 =	vmul.f32 v58, v25;
	v43 =	vmul.f32 v49, v30  }
0x1ce: {  	v49 =	vmul.f32 v53, v31;
	v6 =	vadd.f32 v7, v6;
	v7 =	vmul.f32 v35, v29  }
0x1cf: {  	v5 =	vadd.f32 v45, v5;
	v46 =	vadd.f32 v38, v36;
	v38 =	vmul.u32 $0x9, v34  }
0x1d0: {  	v53 =	vmul.f32 v48, v32;
	v0 =	vadd.f32 v40, v0;
	v6 =	vadd.f32 v7, v6  }
0x1d1: {  	v7 =	vmul.f32 v44, v29;
	v5 =	vadd.f32 v42, v5;
	v45 =	vadd.s32 $0x1, v38  }
0x1d2: {  	v44 =	vmul.f32 v52, v30;
	v37 =	vadd.s32 $0x2, v38;
	v41 =	vadd.s32 $0x3, v38  }
0x1d3: {  	v40 =	vadd.s32 $0x4, v38;
	v7 =	vadd.f32 v7, v46;
	v46 =	vmul.f32 v50, v30  }
0x1d4: {  	v6 =	vadd.f32 v43, v6;
	v5 =	vadd.f32 v44, v5;
	v50 =	vmul.f32 v56, v31  }
0x1d5: {  	v42 =	vadd.s32 $0x5, v38;
	v43 =	vadd.s32 $0x6, v38;
	v7 =	vadd.f32 v46, v7;
	v35 =	vld.idx.msk [tilespmem:v38+s24+$0x0], $0xffff  }
0x1d6: {  	v52 =	vmul.f32 v47, v31;
	v6 =	vadd.f32 v49, v6;
	v5 =	vadd.f32 v50, v5;
	v36 =	vld.idx.msk [tilespmem:v45+s24+$0x0], $0xffff  }
0x1d7: {  	v50 =	vmul.f32 v60, v25;
	v37 =	vld.idx.msk [tilespmem:v37+s24+$0x0], $0xffff;
	v45 =	vadd.s32 $0x7, v38;
	v38 =	vand.u32 $0x3FFF, v38  }
0x1d8: {  	v39 =	vld.idx.msk [tilespmem:v41+s24+$0x0], $0xffff;
	v56 =	vadd.s32 $0x8, v38;
	v7 =	vadd.f32 v52, v7;
	v6 =	vadd.f32 v53, v6  }
0x1d9: {  	v40 =	vld.idx.msk [tilespmem:v40+s24+$0x0], $0xffff;
	v5 =	vadd.f32 v54, v5;
	v52 =	vmul.f32 v55, v33;
	v53 =	vmul.f32 v58, v33  }
0x1da: {  	v4 =	vadd.f32 v50, v4;
	v38 =	vld.idx.msk [tilespmem:v43+s24+$0x0], $0xffff;
	v7 =	vadd.f32 v51, v7  }
0x1db: {  	v42 =	vld.idx.msk [tilespmem:v42+s24+$0x0], $0xffff;
	v54 =	vmul.f32 v60, v33;
	v6 =	vadd.f32 v52, v6;
	v5 =	vadd.f32 v53, v5  }
0x1dc: {  	v55 =	vmul.f32 v35, v57;
	v52 =	vmul.f32 v35, v62;
	v41 =	vld.idx.msk [tilespmem:v45+s24+$0x0], $0xffff;
	v45 =	vmul.u32 $0x3, v34  }
0x1dd: {  	v7 =	vadd.f32 v54, v7;
	v58 =	vmul.f32 v36, v57;
	v34 =	vshll.u32 v34, $0x5  }
0x1de: {  	v60 =	vmul.f32 v40, v59;
	v43 =	vld.idx.msk [tilespmem:v56+s24+$0x0], $0xffff;
	v56 =	vmul.f32 v39, v59;
	v51 =	vor.u32 $0x1, v34  }
0x1df: {  	v54 =	vor.u32 $0x2, v34;
	v46 =	vadd.s32 $0x1, v45;
	v48 =	vmul.f32 v38, v61  }
0x1e0: {  	v50 =	vadd.f32 v60, v58;
	v53 =	vmul.f32 v38, v1;
	v60 =	vmul.f32 v40, v3  }
0x1e1: {  	v44 =	vadd.f32 v56, v55;
	v56 =	vmul.f32 v37, v57;
	v57 =	vmul.f32 v42, v59  }
0x1e2: {  	v49 =	vadd.s32 $0x2, v45;
	v55 =	vmul.f32 v36, v62;
	v58 =	vmul.f32 v41, v61  }
0x1e3: {  	v44 =	vadd.f32 v48, v44;
	v47 =	vadd.f32 v57, v56;
	v48 =	vmul.f32 v39, v3  }
0x1e4: {  	v3 =	vmul.f32 v42, v3;
	v55 =	vadd.f32 v60, v55;
	v60 =	vmul.f32 v35, v2  }
0x1e5: {  	v57 =	vor.u32 $0x3, v34;
	v48 =	vadd.f32 v48, v52;
	v52 =	vmul.f32 v37, v62  }
0x1e6: {  	v56 =	vor.u32 $0x4, v34;
	v59 =	vmul.f32 v43, v61;
	v62 =	vmul.f32 v39, v0  }
0x1e7: {  	v45 =	vld.idx.msk [tilespmem:v45+s25+$0x0], $0xffff;
	v50 =	vadd.f32 v58, v50;
	v3 =	vadd.f32 v3, v52;
	v52 =	vmul.f32 v41, v1  }
0x1e8: {  	v1 =	vmul.f32 v43, v1;
	v60 =	vadd.f32 v62, v60;
	v62 =	vmul.f32 v38, v4  }
0x1e9: {  	v47 =	vadd.f32 v59, v47;
	v59 =	vmul.f32 v41, v4;
	v48 =	vadd.f32 v53, v48  }
0x1ea: {  	v1 =	vadd.f32 v1, v3;
	v3 =	vld.idx.msk [tilespmem:v46+s25+$0x0], $0xffff;
	v46 =	vadd.f32 v62, v60;
	v60 =	vmul.f32 v36, v2  }
0x1eb: {  	v49 =	vld.idx.msk [tilespmem:v49+s25+$0x0], $0xffff;
	v52 =	vadd.f32 v52, v55;
	v62 =	vmul.f32 v40, v0;
	v2 =	vmul.f32 v37, v2  }
0x1ec: {  	v0 =	vmul.f32 v42, v0;
	[tilespmem:v34+s26+$0x0] =	vst.idx.msk $0xffff, v44;
	v44 =	vor.u32 $0x5, v34;
	v58 =	vmul.f32 v45, v35  }
0x1ed: {  	[tilespmem:v51+s26+$0x0] =	vst.idx.msk $0xffff, v50;
	v50 =	vor.u32 $0x6, v34;
	v51 =	vmul.f32 v35, v6;
	v53 =	vadd.f32 v62, v60  }
0x1ee: {  	v0 =	vadd.f32 v0, v2;
	v2 =	vmul.f32 v43, v4;
	v60 =	vmul.f32 v36, v6  }
0x1ef: {  	[tilespmem:v54+s26+$0x0] =	vst.idx.msk $0xffff, v47;
	v47 =	vor.u32 $0x7, v34;
	v62 =	vmul.f32 v40, v5;
	v6 =	vmul.f32 v37, v6  }
0x1f0: {  	[tilespmem:v57+s26+$0x0] =	vst.idx.msk $0xffff, v48;
	v48 =	vor.u32 $0x8, v34;
	v0 =	vadd.f32 v2, v0;
	v2 =	vmul.f32 v39, v5  }
0x1f1: {  	v4 =	vadd.f32 v59, v53;
	v53 =	vmul.f32 v38, v7;
	v5 =	vmul.f32 v42, v5  }
0x1f2: {  	v59 =	vmul.f32 v3, v39;
	v2 =	vadd.f32 v2, v51;
	v51 =	vadd.f32 v62, v60  }
0x1f3: {  	[tilespmem:v56+s26+$0x0] =	vst.idx.msk $0xffff, v52;
	v60 =	vor.u32 $0x9, v34;
	v5 =	vadd.f32 v5, v6;
	v6 =	vmul.f32 v41, v7  }
0x1f4: {  	v7 =	vmul.f32 v43, v7;
	v62 =	vmul.f32 v49, v38;
	v54 =	vadd.f32 v59, v58  }
0x1f5: {  	[tilespmem:v44+s26+$0x0] =	vst.idx.msk $0xffff, v1;
	v1 =	vadd.f32 v53, v2;
	v2 =	vadd.f32 v6, v51;
	v6 =	vor.u32 $0xA, v34  }
0x1f6: {  	v55 =	vmul.f32 v45, v36;
	[tilespmem:v50+s26+$0x0] =	vst.idx.msk $0xffff, v46;
	v5 =	vadd.f32 v7, v5;
	v7 =	vor.u32 $0xB, v34  }
0x1f7: {  	v56 =	vmul.f32 v3, v40;
	[tilespmem:v47+s26+$0x0] =	vst.idx.msk $0xffff, v4;
	v44 =	vadd.f32 v62, v54;
	v54 =	vor.u32 $0xC, v34  }
0x1f8: {  	v58 =	vmul.f32 v45, v37;
	v59 =	vmul.f32 v3, v42;
	[tilespmem:v48+s26+$0x0] =	vst.idx.msk $0xffff, v0;
	v0 =	vor.u32 $0xD, v34  }
0x1f9: {  	v62 =	vor.u32 $0xE, v34;
	[tilespmem:v60+s26+$0x0] =	vst.idx.msk $0xffff, v1;
	v1 =	vadd.f32 v56, v55;
	v60 =	vmul.f32 v49, v41  }
0x1fa: {  	v52 =	vor.u32 $0xF, v34;
	[tilespmem:v6+s26+$0x0] =	vst.idx.msk $0xffff, v2;
	v2 =	vadd.f32 v59, v58;
	v6 =	vmul.f32 v49, v43  }
0x1fb: {  	v53 =	vor.u32 $0x10, v34;
	v1 =	vadd.f32 v60, v1;
	[tilespmem:v7+s26+$0x0] =	vst.idx.msk $0xffff, v5  }
0x1fc: {  	[tilespmem:v54+s26+$0x0] =	vst.idx.msk $0xffff, v44;
	v2 =	vadd.f32 v6, v2;
	v54 =	vor.u32 $0x11, v34  }
0x1fd: {  	[tilespmem:v0+s26+$0x0] =	vst.idx.msk $0xffff, v1;
	v0 =	vor.u32 $0x12, v34  }
0x1fe: {  	v1 =	vor.u32 $0x13, v34;
	[tilespmem:v62+s26+$0x0] =	vst.idx.msk $0xffff, v2  }
0x1ff: {  	v2 =	vor.u32 $0x14, v34;
	[tilespmem:v52+s26+$0x0] =	vst.idx.msk $0xffff, v35  }
0x200: {  	v55 =	vor.u32 $0x15, v34;
	[tilespmem:v53+s26+$0x0] =	vst.idx.msk $0xffff, v36  }
0x201: {  	v56 =	vor.u32 $0x16, v34;
	[tilespmem:v54+s26+$0x0] =	vst.idx.msk $0xffff, v37  }
0x202: {  	[tilespmem:v0+s26+$0x0] =	vst.idx.msk $0xffff, v39;
	v0 =	vor.u32 $0x17, v34  }
0x203: {  	[tilespmem:v1+s26+$0x0] =	vst.idx.msk $0xffff, v40;
	v1 =	vor.u32 $0x18, v34  }
0x204: {  	[tilespmem:v2+s26+$0x0] =	vst.idx.msk $0xffff, v42;
	v2 =	vor.u32 $0x19, v34  }
0x205: {  	v58 =	vor.u32 $0x1A, v34;
	[tilespmem:v55+s26+$0x0] =	vst.idx.msk $0xffff, v38  }
0x206: {  	v59 =	vor.u32 $0x1B, v34;
	[tilespmem:v56+s26+$0x0] =	vst.idx.msk $0xffff, v41  }
0x207: {  	[tilespmem:v0+s26+$0x0] =	vst.idx.msk $0xffff, v43;
	v0 =	vor.u32 $0x1C, v34  }
0x208: {  	[tilespmem:v1+s26+$0x0] =	vst.idx.msk $0xffff, v45;
	v1 =	vor.u32 $0x1D, v34  }
0x209: {  	[tilespmem:v2+s26+$0x0] =	vst.idx.msk $0xffff, v3;
	v2 =	vor.u32 $0x1E, v34  }
0x20a: {  	p0 =	sne.s32 s29, $0x300;
	v60 =	vimm.f32 $0.0e+00;
	v3 =	vor.u32 $0x1F, v34;
	[tilespmem:v58+s26+$0x0] =	vst.idx.msk $0xffff, v49  }
.Ltmp2:
0x20b: {  	v62 =	vimm.f32 $0.0e+00;
	[tilespmem:v59+s26+$0x0] =	vst.idx.msk $0xffff, v60;
	(pc) =	sbr.rel @p0 .LBB2_6-.Ltmp2, $4  }
0x20c: {  	[tilespmem:v0+s26+$0x0] =	vst.idx.msk $0xffff, v62  }
0x20d: {  	[tilespmem:v1+s26+$0x0] =	vst.idx.msk $0xffff, v62  }
0x20e: {  	v63 =	vld [tilespmem:$0x1FF90];
	[tilespmem:v2+s26+$0x0] =	vst.idx.msk $0xffff, v62  }
0x20f: {  	s29 =	sadd.s32 $0x10, s29;
	v61 =	vld [tilespmem:$0x1FF80];
	v57 =	vmov v8;
	v2 =	vlaneseq.u32;
	[tilespmem:v3+s26+$0x0] =	vst.idx.msk $0xffff, v62  }
0x210: {  	s29 =	simm.s32 $0x0  }
0x211: {  	[hbm4b:s16+s29] =	stream.linear.scatter [tilespmem:s26], [sflag:$0x1], $0x6200, $0x38;
	[tilespmem:$0xD060] =	vst v63  }
0x212: {  	_ =	swait.ge [sflag:s23], $0x6200  }
0x213: {  	[sflag:s23] =	ssyncset.done $0x0  }
0x214: {  	[sflag:s23] =	ssyncadd.s32 $0xFFFF9E00  }
0x215: {  	[tilespmem:s29], [sflag:$0x1] =	stream.linear.gather [hbm4b:s17+s29], $0x4980, $0x38;
	[tilespmem:$0xD060] =	vst v63  }
0x216: {  	_ =	swait.ge [sflag:s23], $0x4980  }
0x217: {  	[sflag:s23] =	ssyncset.done $0x0  }
0x218: {  	[sflag:s23] =	ssyncadd.s32 $0xFFFFB680  }
0x219: {  	[tilespmem:s24], [sflag:$0x1] =	stream.linear.gather [hbm4b:s18+s29], $0x1B90, $0x38;
	[tilespmem:$0xD060] =	vst v63  }
0x21a: {  	_ =	swait.ge [sflag:s23], $0x1B90  }
0x21b: {  	[sflag:s23] =	ssyncset.done $0x0  }
0x21c: {  	[sflag:s23] =	ssyncadd.s32 $0xFFFFE470  }
0x21d: {  	[tilespmem:s25], [sflag:$0x1] =	stream.linear.gather [hbm4b:s19+s29], $0x930, $0x38;
	[tilespmem:$0xD060] =	vst v63  }
0x21e: {  	_ =	swait.ge [sflag:s23], $0x930  }
0x21f: {  	[sflag:s23] =	ssyncset.done $0x0  }
0x220: {  	[sflag:s23] =	ssyncadd.s32 $0xFFFFF6D0  }
.LBB2_8:
0x221: {  	v34 =	vor.u32 s29, v2  }
0x222: {  	v0 =	vmul.u32 $0x18, v34;
	_ =	sdelay $0x1  }
0x223: {  	v1 =	vor.u32 $0x1, v0  }
0x224: {  	v2 =	vor.u32 $0x2, v0  }
0x225: {  	v3 =	vor.u32 $0x3, v0  }
0x226: {  	v4 =	vor.u32 $0x4, v0  }
0x227: {  	v5 =	vor.u32 $0x5, v0;
	v45 =	vld.idx.msk [tilespmem:v0+s2+$0x0], $0xffff  }
0x228: {  	v55 =	vadd.s32 $0x9, v0;
	v40 =	vld.idx.msk [tilespmem:v1+s2+$0x0], $0xffff  }
0x229: {  	v56 =	vadd.s32 $0xA, v0;
	v41 =	vld.idx.msk [tilespmem:v2+s2+$0x0], $0xffff  }
0x22a: {  	v58 =	vadd.s32 $0xE, v0;
	v46 =	vld.idx.msk [tilespmem:v3+s2+$0x0], $0xffff  }
0x22b: {  	v1 =	vor.u32 $0x6, v0;
	v42 =	vld.idx.msk [tilespmem:v4+s2+$0x0], $0xffff  }
0x22c: {  	v2 =	vor.u32 $0x7, v0;
	v36 =	vld.idx.msk [tilespmem:v5+s2+$0x0], $0xffff  }
0x22d: {  	v3 =	vadd.s32 $0x8, v0;
	v35 =	vld.idx.msk [tilespmem:v55+s2+$0x0], $0xffff  }
0x22e: {  	v59 =	vadd.s32 $0x10, v0;
	v39 =	vld.idx.msk [tilespmem:v56+s2+$0x0], $0xffff  }
0x22f: {  	v50 =	vld.idx.msk [tilespmem:v58+s2+$0x0], $0xffff  }
0x230: {  	v37 =	vld.idx.msk [tilespmem:v1+s2+$0x0], $0xffff;
	v1 =	vadd.s32 $0xB, v0;
	v60 =	vmul.f32 v41, v57  }
0x231: {  	v43 =	vld.idx.msk [tilespmem:v2+s2+$0x0], $0xffff;
	v2 =	vadd.s32 $0xC, v0  }
0x232: {  	v38 =	vld.idx.msk [tilespmem:v3+s2+$0x0], $0xffff;
	v3 =	vadd.s32 $0xD, v0;
	v62 =	vmul.f32 v36, v61;
	v4 =	vadd.f32 $0.0e+00, v60  }
0x233: {  	v7 =	vadd.s32 $0x11, v0;
	v56 =	vld.idx.msk [tilespmem:v59+s2+$0x0], $0xffff  }
0x234: {  	v6 =	vadd.s32 $0xF, v0;
	v4 =	vadd.f32 v62, v4;
	v62 =	vld [tilespmem:$0x1FF40]  }
0x235: {  	v51 =	vadd.s32 $0x13, v0;
	v47 =	vmul.f32 v45, v57;
	v48 =	vmul.f32 v40, v57;
	v44 =	vld.idx.msk [tilespmem:v1+s2+$0x0], $0xffff  }
0x236: {  	v53 =	vmul.f32 v46, v61;
	v54 =	vmul.f32 v42, v61;
	v49 =	vld.idx.msk [tilespmem:v2+s2+$0x0], $0xffff  }
0x237: {  	v48 =	vadd.f32 $0.0e+00, v48;
	v1 =	vadd.s32 $0x12, v0;
	v2 =	vadd.f32 $0.0e+00, v47;
	v52 =	vld.idx.msk [tilespmem:v3+s2+$0x0], $0xffff  }
0x238: {  	v3 =	vadd.s32 $0x14, v0;
	v47 =	vld.idx.msk [tilespmem:v7+s2+$0x0], $0xffff  }
0x239: {  	v61 =	vmul.f32 v43, v63;
	v2 =	vadd.f32 v53, v2;
	v53 =	vld.idx.msk [tilespmem:v6+s2+$0x0], $0xffff;
	v6 =	vadd.f32 v54, v48  }
0x23a: {  	v5 =	vadd.s32 $0x15, v0;
	v54 =	vld.idx.msk [tilespmem:v51+s2+$0x0], $0xffff  }
0x23b: {  	v60 =	vmul.f32 v37, v63;
	v6 =	vadd.f32 v61, v6;
	v61 =	vld [tilespmem:$0x1FF50]  }
0x23c: {  	v55 =	vmul.f32 v38, v63;
	v63 =	vmul.f32 v39, v62;
	v48 =	vld.idx.msk [tilespmem:v1+s2+$0x0], $0xffff  }
0x23d: {  	v51 =	vld.idx.msk [tilespmem:v3+s2+$0x0], $0xffff  }
0x23e: {  	v2 =	vadd.f32 v60, v2;
	v7 =	vmul.f32 v35, v62;
	v3 =	vadd.f32 v63, v6;
	v63 =	vld [tilespmem:$0x1FF60]  }
0x23f: {  	v59 =	vmul.f32 v46, v11;
	v1 =	vadd.f32 v55, v4;
	v55 =	vld.idx.msk [tilespmem:v5+s2+$0x0], $0xffff;
	v5 =	vadd.s32 $0x16, v0  }
0x240: {  	v60 =	vmul.f32 v44, v62;
	v2 =	vadd.f32 v7, v2;
	v7 =	vmul.f32 v49, v61  }
0x241: {  	v62 =	vmul.f32 v52, v61;
	v6 =	vmul.f32 v50, v61;
	v61 =	vld [tilespmem:$0x1FF70]  }
0x242: {  	v0 =	vadd.s32 $0x17, v0;
	v1 =	vadd.f32 v60, v1;
	v2 =	vadd.f32 v7, v2  }
0x243: {  	v7 =	vmul.f32 v53, v63;
	v3 =	vadd.f32 v62, v3;
	v60 =	vmul.f32 v56, v63  }
0x244: {  	v58 =	vld.idx.msk [tilespmem:v5+s2+$0x0], $0xffff;
	v5 =	vmul.f32 v37, v12;
	v1 =	vadd.f32 v6, v1;
	v6 =	vmul.f32 v47, v63  }
0x245: {  	v63 =	vmul.f32 v45, v10;
	v2 =	vadd.f32 v7, v2;
	v3 =	vadd.f32 v60, v3  }
0x246: {  	v1 =	vadd.f32 v6, v1;
	v62 =	vmul.f32 v48, v61;
	v6 =	vmul.f32 v51, v61  }
0x247: {  	v60 =	vmul.f32 v55, v9;
	v4 =	vadd.f32 $0.0e+00, v63;
	v7 =	vmul.f32 v54, v61  }
0x248: {  	v2 =	vadd.f32 v62, v2;
	v1 =	vadd.f32 v6, v1;
	v6 =	vmul.f32 v40, v10  }
0x249: {  	v4 =	vadd.f32 v59, v4;
	v3 =	vadd.f32 v7, v3;
	v7 =	vmul.f32 v41, v10  }
0x24a: {  	v61 =	vmul.f32 v42, v11;
	v57 =	vadd.f32 v60, v2;
	v2 =	vadd.f32 $0.0e+00, v6  }
0x24b: {  	v59 =	vmul.f32 v43, v12;
	v6 =	vadd.f32 $0.0e+00, v7;
	v7 =	vmul.f32 v36, v11  }
0x24c: {  	v62 =	vmul.f32 v35, v13;
	v60 =	vld.idx.msk [tilespmem:v0+s2+$0x0], $0xffff;
	v0 =	vadd.f32 v5, v4;
	v2 =	vadd.f32 v61, v2  }
0x24d: {  	v4 =	vmul.f32 v47, v15;
	v6 =	vadd.f32 v7, v6;
	v7 =	vmul.f32 v38, v12  }
0x24e: {  	v5 =	vmul.f32 v48, v16;
	v61 =	vmul.f32 v58, v9;
	v2 =	vadd.f32 v59, v2  }
0x24f: {  	v63 =	vadd.f32 v7, v6;
	v6 =	vmul.f32 v39, v13;
	v7 =	vmul.f32 v44, v13  }
0x250: {  	v0 =	vadd.f32 v62, v0;
	v59 =	vadd.f32 v61, v3;
	v3 =	vmul.f32 v49, v14  }
0x251: {  	v2 =	vadd.f32 v6, v2;
	v62 =	vadd.f32 v7, v63;
	v63 =	vmul.f32 v52, v14  }
0x252: {  	v0 =	vadd.f32 v3, v0;
	v3 =	vmul.f32 v50, v14;
	v6 =	vmul.f32 v53, v15  }
0x253: {  	v61 =	vmul.f32 v56, v15;
	v7 =	vmul.f32 v60, v9;
	v2 =	vadd.f32 v63, v2  }
0x254: {  	v3 =	vadd.f32 v3, v62;
	v0 =	vadd.f32 v6, v0;
	v6 =	vmul.f32 v54, v16  }
0x255: {  	v62 =	vmul.f32 v45, v18;
	v63 =	vmul.f32 v58, v17;
	v2 =	vadd.f32 v61, v2  }
0x256: {  	v61 =	vadd.f32 v7, v1;
	v1 =	vadd.f32 v4, v3;
	v3 =	vmul.f32 v51, v16  }
0x257: {  	v0 =	vadd.f32 v5, v0;
	v4 =	vadd.f32 $0.0e+00, v62;
	v7 =	vmul.f32 v46, v19  }
0x258: {  	v5 =	vmul.f32 v40, v18;
	v1 =	vadd.f32 v3, v1;
	v3 =	vmul.f32 v55, v17  }
0x259: {  	v2 =	vadd.f32 v6, v2;
	v6 =	vmul.f32 v41, v18;
	v4 =	vadd.f32 v7, v4  }
0x25a: {  	v62 =	vadd.f32 v3, v0;
	v0 =	vadd.f32 $0.0e+00, v5;
	v3 =	vmul.f32 v42, v19  }
0x25b: {  	v7 =	vmul.f32 v43, v20;
	v5 =	vadd.f32 $0.0e+00, v6;
	v6 =	vmul.f32 v36, v19  }
0x25c: {  	v2 =	vadd.f32 v63, v2;
	v0 =	vadd.f32 v3, v0;
	v3 =	vmul.f32 v37, v20  }
0x25d: {  	v63 =	vmul.f32 v49, v22;
	v5 =	vadd.f32 v6, v5;
	v6 =	vmul.f32 v38, v20  }
0x25e: {  	v36 =	vmul.f32 v36, v27;
	v3 =	vadd.f32 v3, v4;
	v0 =	vadd.f32 v7, v0  }
0x25f: {  	v4 =	vmul.f32 v35, v21;
	v5 =	vadd.f32 v6, v5;
	v6 =	vmul.f32 v39, v21  }
0x260: {  	v38 =	vmul.f32 v38, v28;
	v7 =	vmul.f32 v44, v21  }
0x261: {  	v3 =	vadd.f32 v4, v3;
	v0 =	vadd.f32 v6, v0;
	v6 =	vmul.f32 v52, v22  }
0x262: {  	v5 =	vadd.f32 v7, v5;
	v4 =	vmul.f32 v50, v22;
	v7 =	vmul.f32 v53, v23  }
0x263: {  	v3 =	vadd.f32 v63, v3;
	v0 =	vadd.f32 v6, v0;
	v6 =	vmul.f32 v56, v23  }
0x264: {  	v63 =	vmul.f32 v60, v17;
	v4 =	vadd.f32 v4, v5;
	v5 =	vmul.f32 v47, v23  }
0x265: {  	v3 =	vadd.f32 v7, v3;
	v0 =	vadd.f32 v6, v0;
	v6 =	vmul.f32 v48, v24  }
0x266: {  	v7 =	vmul.f32 v54, v24;
	v4 =	vadd.f32 v5, v4;
	v5 =	vmul.f32 v51, v24  }
0x267: {  	v1 =	vadd.f32 v63, v1;
	v54 =	vmul.f32 v54, v32;
	v51 =	vmul.f32 v51, v32  }
0x268: {  	v3 =	vadd.f32 v6, v3;
	v0 =	vadd.f32 v7, v0;
	v6 =	vmul.f32 v45, v26  }
0x269: {  	v4 =	vadd.f32 v5, v4;
	v5 =	vmul.f32 v55, v25;
	v7 =	vmul.f32 v40, v26  }
0x26a: {  	v40 =	vmul.f32 v41, v26;
	v45 =	vmul.f32 v46, v27;
	v6 =	vadd.f32 $0.0e+00, v6  }
0x26b: {  	v3 =	vadd.f32 v5, v3;
	v46 =	vadd.f32 $0.0e+00, v7;
	v7 =	vmul.f32 v42, v27  }
0x26c: {  	v40 =	vadd.f32 $0.0e+00, v40;
	v42 =	vmul.f32 v39, v29;
	v6 =	vadd.f32 v45, v6  }
0x26d: {  	v5 =	vadd.f32 v7, v46;
	v7 =	vmul.f32 v37, v28;
	v45 =	vmul.f32 v43, v28  }
0x26e: {  	v36 =	vadd.f32 v36, v40;
	v40 =	vmul.f32 v58, v25;
	v43 =	vmul.f32 v49, v30  }
0x26f: {  	v49 =	vmul.f32 v53, v31;
	v6 =	vadd.f32 v7, v6;
	v7 =	vmul.f32 v35, v29  }
0x270: {  	v5 =	vadd.f32 v45, v5;
	v46 =	vadd.f32 v38, v36;
	v38 =	vmul.u32 $0x9, v34  }
0x271: {  	v53 =	vmul.f32 v48, v32;
	v0 =	vadd.f32 v40, v0;
	v6 =	vadd.f32 v7, v6  }
0x272: {  	v7 =	vmul.f32 v44, v29;
	v5 =	vadd.f32 v42, v5;
	v45 =	vadd.s32 $0x1, v38  }
0x273: {  	v44 =	vmul.f32 v52, v30;
	v37 =	vadd.s32 $0x2, v38;
	v41 =	vadd.s32 $0x3, v38  }
0x274: {  	v40 =	vadd.s32 $0x4, v38;
	v7 =	vadd.f32 v7, v46;
	v46 =	vmul.f32 v50, v30  }
0x275: {  	v6 =	vadd.f32 v43, v6;
	v5 =	vadd.f32 v44, v5;
	v50 =	vmul.f32 v56, v31  }
0x276: {  	v42 =	vadd.s32 $0x5, v38;
	v43 =	vadd.s32 $0x6, v38;
	v7 =	vadd.f32 v46, v7;
	v35 =	vld.idx.msk [tilespmem:v38+s24+$0x0], $0xffff  }
0x277: {  	v52 =	vmul.f32 v47, v31;
	v6 =	vadd.f32 v49, v6;
	v5 =	vadd.f32 v50, v5;
	v36 =	vld.idx.msk [tilespmem:v45+s24+$0x0], $0xffff  }
0x278: {  	v50 =	vmul.f32 v60, v25;
	v37 =	vld.idx.msk [tilespmem:v37+s24+$0x0], $0xffff;
	v45 =	vadd.s32 $0x7, v38;
	v38 =	vand.u32 $0x3FFF, v38  }
0x279: {  	v39 =	vld.idx.msk [tilespmem:v41+s24+$0x0], $0xffff;
	v56 =	vadd.s32 $0x8, v38;
	v7 =	vadd.f32 v52, v7;
	v6 =	vadd.f32 v53, v6  }
0x27a: {  	v40 =	vld.idx.msk [tilespmem:v40+s24+$0x0], $0xffff;
	v5 =	vadd.f32 v54, v5;
	v52 =	vmul.f32 v55, v33;
	v53 =	vmul.f32 v58, v33  }
0x27b: {  	v4 =	vadd.f32 v50, v4;
	v38 =	vld.idx.msk [tilespmem:v43+s24+$0x0], $0xffff;
	v7 =	vadd.f32 v51, v7  }
0x27c: {  	v42 =	vld.idx.msk [tilespmem:v42+s24+$0x0], $0xffff;
	v54 =	vmul.f32 v60, v33;
	v6 =	vadd.f32 v52, v6;
	v5 =	vadd.f32 v53, v5  }
0x27d: {  	v55 =	vmul.f32 v35, v57;
	v52 =	vmul.f32 v35, v62;
	v41 =	vld.idx.msk [tilespmem:v45+s24+$0x0], $0xffff;
	v45 =	vmul.u32 $0x3, v34  }
0x27e: {  	v7 =	vadd.f32 v54, v7;
	v58 =	vmul.f32 v36, v57;
	v34 =	vshll.u32 v34, $0x5  }
0x27f: {  	v60 =	vmul.f32 v40, v59;
	v43 =	vld.idx.msk [tilespmem:v56+s24+$0x0], $0xffff;
	v56 =	vmul.f32 v39, v59;
	v51 =	vor.u32 $0x1, v34  }
0x280: {  	v54 =	vor.u32 $0x2, v34;
	v46 =	vadd.s32 $0x1, v45;
	v48 =	vmul.f32 v38, v61  }
0x281: {  	v50 =	vadd.f32 v60, v58;
	v53 =	vmul.f32 v38, v1;
	v60 =	vmul.f32 v40, v2  }
0x282: {  	v44 =	vadd.f32 v56, v55;
	v56 =	vmul.f32 v37, v57;
	v57 =	vmul.f32 v42, v59  }
0x283: {  	v49 =	vadd.s32 $0x2, v45;
	v55 =	vmul.f32 v36, v62;
	v58 =	vmul.f32 v41, v61  }
0x284: {  	v44 =	vadd.f32 v48, v44;
	v47 =	vadd.f32 v57, v56;
	v48 =	vmul.f32 v39, v2  }
0x285: {  	v2 =	vmul.f32 v42, v2;
	v55 =	vadd.f32 v60, v55;
	v60 =	vmul.f32 v35, v3  }
0x286: {  	v57 =	vor.u32 $0x3, v34;
	v48 =	vadd.f32 v48, v52;
	v52 =	vmul.f32 v37, v62  }
0x287: {  	v56 =	vor.u32 $0x4, v34;
	v59 =	vmul.f32 v43, v61;
	v62 =	vmul.f32 v39, v0  }
0x288: {  	v45 =	vld.idx.msk [tilespmem:v45+s25+$0x0], $0xffff;
	v50 =	vadd.f32 v58, v50;
	v2 =	vadd.f32 v2, v52;
	v52 =	vmul.f32 v41, v1  }
0x289: {  	v1 =	vmul.f32 v43, v1;
	v60 =	vadd.f32 v62, v60;
	v62 =	vmul.f32 v38, v4  }
0x28a: {  	v47 =	vadd.f32 v59, v47;
	v59 =	vmul.f32 v41, v4;
	v48 =	vadd.f32 v53, v48  }
0x28b: {  	v1 =	vadd.f32 v1, v2;
	v2 =	vld.idx.msk [tilespmem:v46+s25+$0x0], $0xffff;
	v46 =	vadd.f32 v62, v60;
	v60 =	vmul.f32 v36, v3  }
0x28c: {  	v49 =	vld.idx.msk [tilespmem:v49+s25+$0x0], $0xffff;
	v52 =	vadd.f32 v52, v55;
	v62 =	vmul.f32 v40, v0;
	v3 =	vmul.f32 v37, v3  }
0x28d: {  	v0 =	vmul.f32 v42, v0;
	[tilespmem:v34+s26+$0x0] =	vst.idx.msk $0xffff, v44;
	v44 =	vor.u32 $0x5, v34;
	v58 =	vmul.f32 v45, v35  }
0x28e: {  	[tilespmem:v51+s26+$0x0] =	vst.idx.msk $0xffff, v50;
	v50 =	vor.u32 $0x6, v34;
	v51 =	vmul.f32 v35, v6;
	v53 =	vadd.f32 v62, v60  }
0x28f: {  	v0 =	vadd.f32 v0, v3;
	v3 =	vmul.f32 v43, v4;
	v60 =	vmul.f32 v36, v6  }
0x290: {  	[tilespmem:v54+s26+$0x0] =	vst.idx.msk $0xffff, v47;
	v47 =	vor.u32 $0x7, v34;
	v62 =	vmul.f32 v40, v5;
	v6 =	vmul.f32 v37, v6  }
0x291: {  	[tilespmem:v57+s26+$0x0] =	vst.idx.msk $0xffff, v48;
	v48 =	vor.u32 $0x8, v34;
	v0 =	vadd.f32 v3, v0;
	v3 =	vmul.f32 v39, v5  }
0x292: {  	v4 =	vadd.f32 v59, v53;
	v53 =	vmul.f32 v38, v7;
	v5 =	vmul.f32 v42, v5  }
0x293: {  	v59 =	vmul.f32 v2, v39;
	v3 =	vadd.f32 v3, v51;
	v51 =	vadd.f32 v62, v60  }
0x294: {  	[tilespmem:v56+s26+$0x0] =	vst.idx.msk $0xffff, v52;
	v60 =	vor.u32 $0x9, v34;
	v5 =	vadd.f32 v5, v6;
	v6 =	vmul.f32 v41, v7  }
0x295: {  	v7 =	vmul.f32 v43, v7;
	v62 =	vmul.f32 v49, v38;
	v54 =	vadd.f32 v59, v58  }
0x296: {  	[tilespmem:v44+s26+$0x0] =	vst.idx.msk $0xffff, v1;
	v1 =	vadd.f32 v53, v3;
	v3 =	vadd.f32 v6, v51;
	v6 =	vor.u32 $0xA, v34  }
0x297: {  	v55 =	vmul.f32 v45, v36;
	[tilespmem:v50+s26+$0x0] =	vst.idx.msk $0xffff, v46;
	v5 =	vadd.f32 v7, v5;
	v7 =	vor.u32 $0xB, v34  }
0x298: {  	v56 =	vmul.f32 v2, v40;
	[tilespmem:v47+s26+$0x0] =	vst.idx.msk $0xffff, v4;
	v44 =	vadd.f32 v62, v54;
	v54 =	vor.u32 $0xC, v34  }
0x299: {  	v58 =	vmul.f32 v45, v37;
	v59 =	vmul.f32 v2, v42;
	[tilespmem:v48+s26+$0x0] =	vst.idx.msk $0xffff, v0;
	v0 =	vor.u32 $0xD, v34  }
0x29a: {  	v62 =	vor.u32 $0xE, v34;
	[tilespmem:v60+s26+$0x0] =	vst.idx.msk $0xffff, v1;
	v1 =	vadd.f32 v56, v55;
	v60 =	vmul.f32 v49, v41  }
0x29b: {  	v52 =	vor.u32 $0xF, v34;
	[tilespmem:v6+s26+$0x0] =	vst.idx.msk $0xffff, v3;
	v3 =	vadd.f32 v59, v58;
	v6 =	vmul.f32 v49, v43  }
0x29c: {  	v53 =	vor.u32 $0x10, v34;
	v1 =	vadd.f32 v60, v1;
	[tilespmem:v7+s26+$0x0] =	vst.idx.msk $0xffff, v5  }
0x29d: {  	[tilespmem:v54+s26+$0x0] =	vst.idx.msk $0xffff, v44;
	v3 =	vadd.f32 v6, v3;
	v54 =	vor.u32 $0x11, v34  }
0x29e: {  	[tilespmem:v0+s26+$0x0] =	vst.idx.msk $0xffff, v1;
	v0 =	vor.u32 $0x12, v34  }
0x29f: {  	v1 =	vor.u32 $0x13, v34;
	[tilespmem:v62+s26+$0x0] =	vst.idx.msk $0xffff, v3  }
0x2a0: {  	v3 =	vor.u32 $0x14, v34;
	[tilespmem:v52+s26+$0x0] =	vst.idx.msk $0xffff, v35  }
0x2a1: {  	v55 =	vor.u32 $0x15, v34;
	[tilespmem:v53+s26+$0x0] =	vst.idx.msk $0xffff, v36  }
0x2a2: {  	v56 =	vor.u32 $0x16, v34;
	[tilespmem:v54+s26+$0x0] =	vst.idx.msk $0xffff, v37  }
0x2a3: {  	[tilespmem:v0+s26+$0x0] =	vst.idx.msk $0xffff, v39;
	v0 =	vor.u32 $0x17, v34  }
0x2a4: {  	[tilespmem:v1+s26+$0x0] =	vst.idx.msk $0xffff, v40;
	v1 =	vor.u32 $0x18, v34  }
0x2a5: {  	[tilespmem:v3+s26+$0x0] =	vst.idx.msk $0xffff, v42;
	v3 =	vor.u32 $0x19, v34  }
0x2a6: {  	v58 =	vor.u32 $0x1A, v34;
	[tilespmem:v55+s26+$0x0] =	vst.idx.msk $0xffff, v38  }
0x2a7: {  	v59 =	vor.u32 $0x1B, v34;
	[tilespmem:v56+s26+$0x0] =	vst.idx.msk $0xffff, v41  }
0x2a8: {  	[tilespmem:v0+s26+$0x0] =	vst.idx.msk $0xffff, v43;
	v0 =	vor.u32 $0x1C, v34  }
0x2a9: {  	[tilespmem:v1+s26+$0x0] =	vst.idx.msk $0xffff, v45;
	v1 =	vor.u32 $0x1D, v34  }
0x2aa: {  	[tilespmem:v3+s26+$0x0] =	vst.idx.msk $0xffff, v2;
	v2 =	vor.u32 $0x1E, v34  }
0x2ab: {  	p0 =	sne.s32 s29, $0x300;
	v60 =	vimm.f32 $0.0e+00;
	v3 =	vor.u32 $0x1F, v34;
	[tilespmem:v58+s26+$0x0] =	vst.idx.msk $0xffff, v49  }
.Ltmp3:
0x2ac: {  	v62 =	vimm.f32 $0.0e+00;
	[tilespmem:v59+s26+$0x0] =	vst.idx.msk $0xffff, v60;
	(pc) =	sbr.rel @p0 .LBB2_8-.Ltmp3, $4  }
0x2ad: {  	[tilespmem:v0+s26+$0x0] =	vst.idx.msk $0xffff, v62  }
0x2ae: {  	[tilespmem:v1+s26+$0x0] =	vst.idx.msk $0xffff, v62  }
0x2af: {  	v63 =	vld [tilespmem:$0x1FF90];
	[tilespmem:v2+s26+$0x0] =	vst.idx.msk $0xffff, v62  }
0x2b0: {  	s29 =	sadd.s32 $0x10, s29;
	v61 =	vld [tilespmem:$0x1FF80];
	v57 =	vmov v8;
	v2 =	vlaneseq.u32;
	[tilespmem:v3+s26+$0x0] =	vst.idx.msk $0xffff, v62  }
0x2b1: {  	s28 =	sadd.s32 $0x1, s28  }
0x2b2: {  	p0 =	sne.s32 s28, s21  }
.Ltmp4:
0x2b3: {  	_ = 	snop;
	(pc) =	sbr.rel @p0 .LBB2_1-.Ltmp4, $4  }
0x2b4: {  	[hbm4b:s20+s2] =	stream.linear.scatter [tilespmem:s26], [sflag:$0x1], $0x6200, $0x38;
	[tilespmem:$0xD060] =	vst v63  }
0x2b5: {  	_ =	swait.ge [sflag:s23], $0x6200  }
0x2b6: {  	[sflag:s23] =	ssyncset.done $0x0  }
0x2b7: {  	[sflag:s23] =	ssyncadd.s32 $0xFFFF9E00  }
0x2b8: {  	_ =	sfence.sel $0x180000  }
0x2b9: {  	[bflag:$0x0] =	sbarrier.arrive $0xFFFF  }
0x2ba: {  	p0 =	sne.s32 s1, $0x0;
	_ =	strace $0x90000047  }
0x2bb: {  	s0 =	sadd.s32 @!p0 $0x100000, s0;
	[bflag:$0x2] =	sbarrier.arrive $0xFFFF  }
0x2bc: {  	[sflag:s0] =	ssyncadd.tile.s32 @!p0 $0x1;
	_ =	shalt  }
.Lfunc_end2:
_tile_overlayer_lowered:
.L_overlay_start_2:
0x2bd: {  	(tag) =	ssettag $0x2  }
0x2be: {  	s0 =	rddreg [dreg:$0x0];
	s2 =	stileid.u32  }
0x2bf: {  	s1 =	rddreg [dreg:$0x1];
	p0 =	sne.s32 s2, $0x0  }
0x2c0: {  	s3 =	rddreg [dreg:$0x2];
	[bflag:$0x3] =	sbarrier.arrive $0xFFFF;
	s2 =	simm.s32 @!p0 $0x1C01  }
0x2c1: {  	[timem:s3], [sflag:s2] =	dma.local @!p0 [hbm:s0], s1  }
0x2c2: {  	s0 =	simm.s32 @!p0 $0x1  }
0x2c3: {  	_ =	swait.ge @!p0 [sflag:s0], s1  }
0x2c4: {  	s1 =	ssub.s32 @!p0 $0x0, s1;
	[sflag:s0] =	ssyncset.done @!p0 $0x0  }
0x2c5: {  	[sflag:s0] =	ssyncadd.s32 @!p0 s1  }
0x2c6: {  	[bflag:$0x3] =	sbarrier.arrive $0xFFFF  }
0x2c7: {  	_ =	shalt  }

// kernel: kernel.8.cloned.1.call-start
scs
__scs_entry_jumppad:
0x0: {  	(pc) =	sbr.rel $0x88, $3  }
0x1: {  	(tag) =	ssettag $0x0;
	lr =	simm.s32 $0x1  }
0x2: {  	[smem:$0x3F97] =	sst lr;
	_ =	strace $0xD0000000  }
0x3: {  	_ = 	snop  }
0x4: {  	_ = 	snop  }
0x5: {  	_ = 	snop  }
0x6: {  	_ = 	snop  }
0x7: {  	_ = 	snop  }
__scs_overlays_trampoline_lowered:
0x8: {  	[smem:$0x3FA6] =	sst s0  }
0x9: {  	[smem:$0x3FA7] =	sst s1  }
0xa: {  	[smem:$0x3FA8] =	sst s2  }
0xb: {  	[smem:$0x3FA9] =	sst s3  }
0xc: {  	[smem:$0x3FAA] =	sst s4  }
0xd: {  	[smem:$0x3FAB] =	sst s5  }
0xe: {  	[smem:$0x3FAC] =	sst s6  }
0xf: {  	[smem:$0x3FAD] =	sst s7  }
0x10: {  	[smem:$0x3FAE] =	sst s8  }
0x11: {  	[smem:$0x3FAF] =	sst s9;
	s0 =	simm.s32 @!p0 $0x0  }
0x12: {  	s1 =	sld [smem:$0x3F95];
	s0 =	simm.s32 @p0 $0x1  }
0x13: {  	[smem:$0x3FB0] =	sst s0;
	s0 =	simm.s32 @!p1 $0x0  }
0x14: {  	s2 =	sld [smem:$0x3F94];
	s0 =	simm.s32 @p1 $0x1  }
0x15: {  	[smem:$0x3FB1] =	sst s0;
	s0 =	simm.s32 @!p2 $0x0  }
0x16: {  	s3 =	sld [smem:$0x3FDB];
	s0 =	simm.s32 @p2 $0x1  }
0x17: {  	s4 =	simm.s32 $0x1BF5;
	[smem:$0x3FB3] =	sst s0  }
0x18: {  	s0 =	sld [smem:$0x3F96];
	_ =	swait.ge [sflag:s4], $0x0  }
0x19: {  	s7 =	sld [smem:$0x3F97]  }
0x1a: {  	s8 =	sadd.s32 $0xFFFFE003, lr  }
0x1b: {  	s9 =	sadd.s32 $0xFFFFFEF7, lr;
	s5 =	simm.s32 $0xFFFFFFFF;
	p2 =	slt.u32 s8, $0xFFFFF086  }
0x1c: {  	p1 =	slt.u32 s9, $0xF7A;
	s5 =	simm.s32 @!p2 $0x0  }
0x1d: {  	s5 =	simm.s32 @p1 $0x1;
	p0 =	seq.s32 s7, s2  }
0x1e: {  	s7 =	smul.u32 @!p0 $0xF7A, s2;
	p2 =	seq.s32 @!p0 s5, $0x0  }
0x1f: {  	s9 =	smul.u32 $0xF7A, s1;
	s8 =	simm.s32 @!p0 $0x1BF5;
	p2 =	por !p2, p0  }
0x20: {  	[sflag:s8] =	ssyncset.s32 @!p0 $0xFFFFF086;
	s6 =	sadd.s32 @!p0 s3, s7;
	s7 =	simm.s32 @!p0 $0x108  }
0x21: {  	s3 =	sadd.s32 s3, s9;
	s6 =	sadd.s32 @!p0 $0x88, s6;
	s7 =	simm.s32 @p2 $0x1082  }
0x22: {  	[simem:s7], [sflag:s8] =	dma.local @!p0 [hbm:s6], $0xF7A  }
0x23: {  	s9 =	sor.u32 $0xD0000000, s2;
	s6 =	simm.s32 $0x108;
	_ =	swait.ge @!p0 [sflag:s8], $0x0  }
0x24: {  	s3 =	sadd.s32 $0x88, s3;
	s6 =	simm.s32 @!p1 $0x1082;
	[sflag:s4] =	ssyncset.s32 $0xFFFFF086  }
0x25: {  	[simem:s6], [sflag:s4] =	dma.local [hbm:s3], $0xF7A  }
0x26: {  	[smem:$0x3F97] =	sst s1;
	(tag) =	ssettag s2;
	_ =	strace s9  }
0x27: {  	s1 =	sld [smem:$0x3FA7]  }
0x28: {  	s2 =	sld [smem:$0x3FA8]  }
0x29: {  	s4 =	sld [smem:$0x3FAA]  }
0x2a: {  	p0 =	seq.s32 s5, $0x0;
	s5 =	sld [smem:$0x3FAB]  }
0x2b: {  	s6 =	sld [smem:$0x3FAC]  }
0x2c: {  	s7 =	sld [smem:$0x3FAD]  }
0x2d: {  	s3 =	simm.s32 $0x108;
	s8 =	sld [smem:$0x3FAE]  }
0x2e: {  	s3 =	simm.s32 @!p0 $0x1082;
	s9 =	sld [smem:$0x3FAF]  }
0x2f: {  	lr =	sadd.s32 s0, s3;
	s0 =	sld [smem:$0x3FA6]  }
0x30: {  	s3 =	sld [smem:$0x3FA9]  }
0x31: {  	[smem:$0x3FB2] =	sst s10  }
0x32: {  	s10 =	sld [smem:$0x3FB0];
	_ =	sdelay $0x3  }
0x33: {  	p0 =	seq.s32 s10, $0x1;
	s10 =	sld [smem:$0x3FB2];
	_ =	sdelay $0x3  }
0x34: {  	[smem:$0x3FB2] =	sst s10  }
0x35: {  	s10 =	sld [smem:$0x3FB1];
	_ =	sdelay $0x3  }
0x36: {  	p1 =	seq.s32 s10, $0x1;
	s10 =	sld [smem:$0x3FB2];
	_ =	sdelay $0x3  }
0x37: {  	[smem:$0x3FB2] =	sst s10  }
0x38: {  	s10 =	sld [smem:$0x3FB3]  }
0x39: {  	_ = 	snop;
	(pc) =	sbr.ind lr, $3  }
0x3a: {  	_ = 	snop  }
0x3b: {  	_ = 	snop  }
0x3c: {  	p2 =	seq.s32 s10, $0x1;
	s10 =	sld [smem:$0x3FB2]  }
0x3d: {  	_ =	shalt  }
0x3e: {  	_ =	shalt  }
0x3f: {  	_ =	shalt  }
0x40: {  	_ =	shalt  }
0x41: {  	_ =	shalt  }
0x42: {  	_ =	shalt  }
0x43: {  	_ =	shalt  }
0x44: {  	_ =	shalt  }
0x45: {  	_ =	shalt  }
0x46: {  	_ =	shalt  }
0x47: {  	_ =	shalt  }
0x48: {  	_ =	shalt  }
0x49: {  	_ =	shalt  }
0x4a: {  	_ =	shalt  }
0x4b: {  	_ =	shalt  }
0x4c: {  	_ =	shalt  }
0x4d: {  	_ =	shalt  }
0x4e: {  	_ =	shalt  }
0x4f: {  	_ =	shalt  }
0x50: {  	_ =	shalt  }
0x51: {  	_ =	shalt  }
0x52: {  	_ =	shalt  }
0x53: {  	_ =	shalt  }
0x54: {  	_ =	shalt  }
0x55: {  	_ =	shalt  }
0x56: {  	_ =	shalt  }
0x57: {  	_ =	shalt  }
0x58: {  	_ =	shalt  }
0x59: {  	_ =	shalt  }
0x5a: {  	_ =	shalt  }
0x5b: {  	_ =	shalt  }
0x5c: {  	_ =	shalt  }
0x5d: {  	_ =	shalt  }
0x5e: {  	_ =	shalt  }
0x5f: {  	_ =	shalt  }
0x60: {  	_ =	shalt  }
0x61: {  	_ =	shalt  }
0x62: {  	_ =	shalt  }
0x63: {  	_ =	shalt  }
0x64: {  	_ =	shalt  }
0x65: {  	_ =	shalt  }
0x66: {  	_ =	shalt  }
0x67: {  	_ =	shalt  }
0x68: {  	_ =	shalt  }
0x69: {  	_ =	shalt  }
0x6a: {  	_ =	shalt  }
0x6b: {  	_ =	shalt  }
0x6c: {  	_ =	shalt  }
0x6d: {  	_ =	shalt  }
0x6e: {  	_ =	shalt  }
0x6f: {  	_ =	shalt  }
0x70: {  	_ =	shalt  }
0x71: {  	_ =	shalt  }
0x72: {  	_ =	shalt  }
0x73: {  	_ =	shalt  }
0x74: {  	_ =	shalt  }
0x75: {  	_ =	shalt  }
0x76: {  	_ =	shalt  }
0x77: {  	_ =	shalt  }
0x78: {  	_ =	shalt  }
0x79: {  	_ =	shalt  }
0x7a: {  	_ =	shalt  }
0x7b: {  	_ =	shalt  }
0x7c: {  	_ =	shalt  }
0x7d: {  	_ =	shalt  }
0x7e: {  	_ =	shalt  }
0x7f: {  	_ =	shalt  }
0x80: {  	_ =	shalt  }
0x81: {  	_ =	shalt  }
0x82: {  	_ =	shalt  }
0x83: {  	_ =	shalt  }
0x84: {  	_ =	shalt  }
0x85: {  	_ =	shalt  }
0x86: {  	_ =	shalt  }
0x87: {  	_ =	shalt  }
.Lfunc_end0:
.L_simem_size_0:
called_computation.1_lowered:
.L_overlay_start_0:
0x88: {  	s2 =	sld [smem:$0x3FD9]  }
0x89: {  	s3 =	sld [smem:$0x3FFE];
	_ =	sdelay $0x1  }
0x8a: {  	s1 =	srdreg.scid  }
0x8b: {  	s0 =	sand.u32 $0x1, s1  }
0x8c: {  	s17 =	sshll.u32 s0, $0xA;
	s2 =	sadd.s32 s3, s2  }
0x8d: {  	s2 =	sadd.s32 s2, s17  }
0x8e: {  	[smem:$0x3FBE] =	sst s2  }
0x8f: {  	_ = 	snop  }
0x90: {  	s2 =	sld [smem:$0x3FD0];
	(tm) =	ssettm $0x1  }
0x91: {  	s18 =	sld [smem:$0x3FFB];
	_ =	sdelay $0x3  }
0x92: {  	_ =	strace s18  }
0x93: {  	s3 =	sld [smem:$0x3FFC];
	_ =	sdelay $0x3  }
0x94: {  	_ =	strace s3  }
0x95: {  	s3 =	sld [smem:$0x3FFD];
	_ =	sdelay $0x3  }
0x96: {  	_ =	strace s3  }
0x97: {  	_ =	strace $0x8FFFFFFF  }
0x98: {  	s19 =	sld [smem:$0x3FDB];
	_ =	sdelay $0x1  }
0x99: {  	s4 =	simm.s32 $_scs_section_size  }
0x9a: {  	s5 =	simm.s32 $_size__tile_overlayer_lowered;
	s6 =	simm.s32 $_tile_overlayer_lowered  }
0x9b: {  	s22 =	simm.s32 $0x1BFF;
	s21 =	sshll.u32 s6, $0x1;
	s3 =	sadd.s32 s4, s19  }
0x9c: {  	s7 =	simm.s32 $0x0;
	s20 =	sshll.u32 s5, $0x1;
	s5 =	sadd.s32 s21, s3  }
0x9d: {  	[timem:s7], [sflag:s22] =	dma.local [hbm:s5], s20  }
0x9e: {  	_ =	swait.ge [sflag:s22], s20  }
0x9f: {  	s4 =	ssub.s32 $0x0, s20;
	[sflag:s22] =	ssyncset.done $0x0  }
0xa0: {  	[sflag:s22] =	ssyncadd.s32 s4;
	_ =	sdelay $0x1  }
0xa1: {  	s23 =	simm.s32 $0x1B8B  }
0xa2: {  	_ =	swait.ge [sflag:s23], $0x1  }
0xa3: {  	[sflag:s23] =	ssyncset.done $0x0  }
0xa4: {  	s25 =	simm.s32 $0x1B8E;
	s24 =	sld [smem:$0x3FFE];
	[sflag:s23] =	ssyncadd.s32 $0xFFFFFFFF  }
0xa5: {  	s26 =	simm.s32 $execute0_lowered;
	[smem:$0x3FD2] =	sst s25  }
0xa6: {  	s5 =	sshll.u32 s26, $0x1;
	_ =	strace $0x80000049;
	[dreg:$0x1] =	wrdreg $0xFFFFFFFF  }
0xa7: {  	s28 =	simm.s32 $_size_execute0_lowered;
	s3 =	sadd.s32 s3, s5;
	[dreg:$0x0] =	wrdreg $0x0  }
0xa8: {  	s5 =	sshll.u32 s28, $0x1;
	[dreg:$0x2] =	wrdreg s3  }
0xa9: {  	[dreg:$0x3] =	wrdreg s5  }
0xaa: {  	[dreg:$0x4] =	wrdreg $0xC0  }
0xab: {  	_ =	task [dreg:s7], $0x5FFFF  }
0xac: {  	[dreg:$0x1] =	wrdreg $0xFFFFFFFF  }
0xad: {  	[dreg:$0x0] =	wrdreg $0x60  }
0xae: {  	[dreg:$0x2] =	wrdreg s24  }
0xaf: {  	[dreg:$0x3] =	wrdreg s2  }
0xb0: {  	[dreg:$0x4] =	wrdreg $0x92600  }
0xb1: {  	[dreg:$0x5] =	wrdreg $0x9  }
0xb2: {  	_ =	task.clear_ibuf [dreg:s7], $0x6FFFF;
	_ =	strace $0x90000049  }
0xb3: {  	s29 =	simm.s32 $0x9;
	_ =	strace $0x8000004B  }
0xb4: {  	_ =	swait.ge [sflag:s29], $0x1  }
0xb5: {  	[sflag:s29] =	ssyncadd.s32 $0xFFFFFFFF  }
0xb6: {  	_ =	strace $0x9000004B  }
0xb7: {  	_ =	sfence  }
0xb8: {  	s30 =	sld [smem:$0x0];
	_ =	sdelay $0x2  }
0xb9: {  	s31 =	sshll.u32 s1, $0xD;
	s1 =	sshrl.u32 s1, $0x2  }
0xba: {  	s3 =	sand.u32 $0x4000, s31;
	s1 =	sadd.s32 s1, s30  }
0xbb: {  	s0 =	sor.u32 s3, s0;
	s1 =	sshll.u32 s1, $0x11  }
0xbc: {  	s0 =	sor.u32 s1, s0  }
0xbd: {  	s0 =	sadd.s32 $0x8F2B, s0  }
0xbe: {  	[sflag:s0] =	ssyncadd.remote.s32 $0x1  }
0xbf: {  	_ =	sfence.sel $0xFFFF  }
0xc0: {  	[dreg:$0x0] =	wrdreg $0xFFFFFFFF;
	(pc) =	sbr.abs _section_cstart, $3  }
0xc1: {  	[dreg:$0x1] =	wrdreg $0xFFFFFFFF  }
0xc2: {  	_ =	task.clear_ibuf [dreg:s7], $0x2FFFF;
	_ =	strace $0x9FFFFFFF  }
0xc3: {  	(tm) =	ssettm $0x7FFFFFFF  }
tec
execute0_lowered:
.L_overlay_start_1:
0x0: {  	(tag) =	ssettag $0x1  }
0x1: {  	s9 =	rddreg [dreg:$0x0]  }
0x2: {  	s12 =	rddreg [dreg:$0x1]  }
0x3: {  	s1 =	rddreg [dreg:$0x2]  }
0x4: {  	s0 =	rddreg [dreg:$0x3]  }
0x5: {  	s2 =	simm.s32 $0x0;
	s6 =	srdreg.scid;
	s3 =	stileid.u32  }
0x6: {  	s17 =	simm.s32 $0x8000;
	s18 =	simm.s32 $0x8200;
	s19 =	simm.s32 $0x200  }
0x7: {  	s20 =	simm.s32 $0x4000;
	s21 =	simm.s32 $0x1;
	s22 =	simm.s32 $0x2  }
0x8: {  	s23 =	simm.s32 $0x8400;
	s24 =	simm.s32 $0x0;
	[smem:$0x7FF] =	sst s2  }
0x9: {  	s4 =	sadd.s32 $0x63800, s9;
	s5 =	sadd.s32 $0x94800, s9;
	s10 =	sand.u32 $0x1, s6  }
0xa: {  	s11 =	smul.u32 $0xC40, s3;
	s6 =	sadd.s32 $0xC5800, s9;
	s7 =	sadd.s32 $0xDE800, s9  }
0xb: {  	s8 =	sadd.s32 $0xF7800, s9;
	s9 =	sadd.s32 $0x2A00, s9;
	s16 =	sshll.u32 s3, $0x1  }
0xc: {  	_ =	strace $0x8000004A;
	s13 =	smul.u32 $0xC400, s10;
	s14 =	ssub.s32 $0x2, s10  }
0xd: {  	v0 =	vlaneseq.u32;
	s31 =	sor.u32 s10, s16;
	s16 =	simm.s32 $0x8600;
	s15 =	sshrl.u32 s14, $0x1  }
0xe: {  	v21 =	vmul.u32 $0x20, v0;
	s10 =	sadd.s32 s11, s1;
	s13 =	sadd.s32 s11, s13;
	s14 =	ssub.s32 s14, s15  }
0xf: {  	s11 =	smul.u32 $0x6400, s31;
	s15 =	simm.s32 $0x3;
	s13 =	sshrl.u32 s13, $0x3  }
0x10: {  	v1 =	vimm.f32 $0.0e+00;
	[tilespmem:$0x1FFF0] =	vst v21;
	s12 =	sadd.s32 s12, s13;
	s13 =	smax.u32 s14, $0x1;
	s14 =	simm.s32 $0x8620  }
.LBB2_1:
0x11: {  	s25 =	simm.s32 $0x40;
	s26 =	simm.s32 $0x0  }
.LBB2_2:
0x12: {  	p0 =	sne.s32 s25, $0x30C0;
	[tilespmem:s26+$0x8620] =	vst v1;
	s26 =	smov.u32 s25;
	s25 =	sadd.s32 $0x40, s25  }
.Ltmp0:
0x13: {  	(pc) =	sbr.rel @p0 .LBB2_2-.Ltmp0, $2  }
0x14: {  	_ =	sdelay $0x2  }
0x15: {  	s26 =	sshra.s32 s26, $0x2  }
0x16: {  	[tilespmem:s26+$0x8620] =	vst v1  }
0x17: {  	[spmem:s10] =	stream.linear.scatter [tilespmem:s14], [sflag:$0x3], $0xC40, $0x38;
	[tilespmem:$0x9EA0] =	vst v63  }
0x18: {  	_ =	swait.ge [sflag:s15], $0xC40  }
0x19: {  	[sflag:s15] =	ssyncset.done $0x0  }
0x1a: {  	s25 =	simm.s32 $0x0;
	[sflag:s15] =	ssyncadd.s32 $0xFFFFF3C0  }
0x1b: {  	[tilespmem:s16], [sflag:$0x3] =	stream.linear.gather [hbm4b:s8+s25], $0x20, $0x38;
	[tilespmem:$0x9EA0] =	vst v63  }
0x1c: {  	_ =	swait.ge [sflag:s15], $0x20  }
0x1d: {  	[sflag:s15] =	ssyncset.done $0x0  }
0x1e: {  	[sflag:s15] =	ssyncadd.s32 $0xFFFFFFE0  }
0x1f: {  	v0 =	vld [tilespmem:$0x8600];
	_ =	sdelay $0x4  }
0x20: {  	v35 =	vbroadcast v0, $0x0  }
0x21: {  	v36 =	vbroadcast v0, $0x1  }
0x22: {  	v37 =	vbroadcast v0, $0x2;
	[tilespmem:$0x1FE10] =	vst v35  }
0x23: {  	v38 =	vbroadcast v0, $0x3;
	[tilespmem:$0x1FE20] =	vst v36  }
0x24: {  	v39 =	vbroadcast v0, $0x4;
	[tilespmem:$0x1FE30] =	vst v37  }
0x25: {  	v40 =	vbroadcast v0, $0x5;
	[tilespmem:$0x1FE40] =	vst v38  }
0x26: {  	v2 =	vbroadcast v0, $0x6;
	[tilespmem:$0x1FE50] =	vst v39  }
0x27: {  	v42 =	vbroadcast v0, $0x7;
	[tilespmem:$0x1FE60] =	vst v40  }
0x28: {  	v43 =	vbroadcast v0, $0x8;
	[tilespmem:$0x1FE70] =	vst v2  }
0x29: {  	v44 =	vbroadcast v0, $0x9;
	[tilespmem:$0x1FE80] =	vst v42  }
0x2a: {  	v45 =	vbroadcast v0, $0xA;
	[tilespmem:$0x1FE90] =	vst v43  }
0x2b: {  	v41 =	vld [tilespmem:$0x8610];
	v46 =	vbroadcast v0, $0xB;
	[tilespmem:$0x1FEA0] =	vst v44  }
0x2c: {  	v47 =	vbroadcast v0, $0xC;
	[tilespmem:$0x1FEB0] =	vst v45  }
0x2d: {  	v48 =	vbroadcast v0, $0xD;
	[tilespmem:$0x1FEC0] =	vst v46  }
0x2e: {  	v49 =	vbroadcast v0, $0xE;
	[tilespmem:$0x1FED0] =	vst v47  }
0x2f: {  	v0 =	vbroadcast v0, $0xF;
	[tilespmem:$0x1FEE0] =	vst v48  }
0x30: {  	v50 =	vbroadcast v41, $0x0;
	[tilespmem:$0x1FEF0] =	vst v49  }
0x31: {  	v51 =	vbroadcast v41, $0x1;
	[tilespmem:$0x1FF00] =	vst v0  }
0x32: {  	v52 =	vbroadcast v41, $0x2;
	[tilespmem:$0x1FF10] =	vst v50  }
0x33: {  	v53 =	vbroadcast v41, $0x3;
	[tilespmem:$0x1FF20] =	vst v51  }
0x34: {  	v54 =	vbroadcast v41, $0x4;
	[tilespmem:$0x1FF30] =	vst v52  }
0x35: {  	v55 =	vbroadcast v41, $0x5;
	[tilespmem:$0x1FF40] =	vst v53  }
0x36: {  	v56 =	vbroadcast v41, $0x6;
	[tilespmem:$0x1FF50] =	vst v54  }
0x37: {  	v57 =	vbroadcast v41, $0x7;
	[tilespmem:$0x1FF60] =	vst v55  }
0x38: {  	v58 =	vbroadcast v41, $0x8;
	[tilespmem:$0x1FF70] =	vst v56  }
0x39: {  	v59 =	vbroadcast v41, $0x9;
	[tilespmem:$0x1FF80] =	vst v57  }
0x3a: {  	v60 =	vbroadcast v41, $0xA;
	[tilespmem:$0x1FF90] =	vst v58  }
0x3b: {  	v61 =	vbroadcast v41, $0xB;
	[tilespmem:$0x1FFA0] =	vst v59  }
0x3c: {  	[tilespmem:$0x1FFB0] =	vst v60  }
0x3d: {  	v62 =	vbroadcast v41, $0xC;
	[tilespmem:$0x1FFC0] =	vst v61  }
0x3e: {  	v63 =	vbroadcast v41, $0xD;
	[bflag:$0x0] =	sbarrier.arrive $0xFFFF  }
0x3f: {  	[tilespmem:$0x1FFD0] =	vst v62  }
0x40: {  	s26 =	simm.s32 $0x0;
	[tilespmem:$0x1FFE0] =	vst v63  }
.LBB2_4:
0x41: {  	s28 =	sshll.u32 s26, $0x9  }
0x42: {  	s28 =	sadd.s32 s11, s28  }
0x43: {  	s28 =	sshrl.u32 s28, $0x3  }
0x44: {  	s29 =	sadd.s32 s6, s28  }
0x45: {  	[tilespmem:s17], [sflag:$0x3] =	stream.linear.gather [hbm4b:s29+s25], $0x200, $0x38;
	[tilespmem:$0x9EA0] =	vst v63  }
0x46: {  	_ =	swait.ge [sflag:s15], $0x200  }
0x47: {  	[sflag:s15] =	ssyncset.done $0x0  }
0x48: {  	s29 =	sadd.s32 s7, s28;
	[sflag:s15] =	ssyncadd.s32 $0xFFFFFE00  }
0x49: {  	[tilespmem:s18], [sflag:$0x3] =	stream.linear.gather [hbm4b:s29+s25], $0x200, $0x38;
	[tilespmem:$0x9EA0] =	vst v63  }
0x4a: {  	_ =	swait.ge [sflag:s15], $0x200  }
0x4b: {  	[sflag:s15] =	ssyncset.done $0x0  }
0x4c: {  	[sflag:s15] =	ssyncadd.s32 $0xFFFFFE00  }
0x4d: {  	[tilespmem:s25], [sflag:$0x1] =	stream.indirect.gather [hbm4b:s4+s19], $0x20, s17, s19, $0xb8;
	[tilespmem:$0x9EA0] =	vst v63  }
0x4e: {  	v0 =	vmov s25  }
0x4f: {  	v0 =	vshll.u32 v0, $0x5;
	[tilespmem:s20], [sflag:$0x2] =	stream.indirect.gather [hbm4b:s5+s19], $0x20, s18, s19, $0xb8;
	[tilespmem:$0x9EA0] =	vst v63  }
0x50: {  	v7 =	vor.u32 v21, v0;
	_ =	swait.ge [sflag:s21], $0x4000  }
0x51: {  	v1 =	vor.u32 $0x7, v7;
	[sflag:s21] =	ssyncset.done $0x0  }
0x52: {  	v5 =	vor.u32 $0x6, v7;
	[sflag:s21] =	ssyncadd.s32 $0xFFFFC000  }
0x53: {  	v9 =	vor.u32 $0x5, v7;
	_ =	swait.ge [sflag:s22], $0x4000  }
0x54: {  	[sflag:s22] =	ssyncset.done $0x0  }
0x55: {  	[sflag:s22] =	ssyncadd.s32 $0xFFFFC000  }
0x56: {  	v2 =	vor.u32 $0xB, v7;
	v25 =	vld.idx.msk [tilespmem:v1+s20+$0x0], $0xffff  }
0x57: {  	v6 =	vor.u32 $0x2, v7;
	v27 =	vld.idx.msk [tilespmem:v5+s20+$0x0], $0xffff  }
0x58: {  	v4 =	vor.u32 $0xA, v7;
	v28 =	vld.idx.msk [tilespmem:v9+s20+$0x0], $0xffff  }
0x59: {  	v8 =	vor.u32 $0x9, v7  }
0x5a: {  	v10 =	vor.u32 $0x1, v7  }
0x5b: {  	v23 =	vld.idx.msk [tilespmem:v2+s20+$0x0], $0xffff;
	v0 =	vsub.f32 $0.0e+00, v25  }
0x5c: {  	v15 =	vor.u32 $0x8, v7;
	v51 =	vld.idx.msk [tilespmem:v6+s20+$0x0], $0xffff;
	v3 =	vsub.f32 $0.0e+00, v27  }
0x5d: {  	v24 =	vld.idx.msk [tilespmem:v4+s20+$0x0], $0xffff;
	v11 =	vsub.f32 $0.0e+00, v28;
	v0 =	vmul.f32 $1.442695020e+00, v0  }
0x5e: {  	v16 =	vor.u32 $0x4, v7;
	v26 =	vld.idx.msk [tilespmem:v8+s20+$0x0], $0xffff;
	v3 =	vmul.f32 $1.442695020e+00, v3  }
0x5f: {  	v47 =	vld.idx.msk [tilespmem:v10+s20+$0x0], $0xffff;
	v11 =	vmul.f32 $1.442695020e+00, v11;
	(erf) = vpow2.f32 v0  }
0x60: {  	v46 =	vld.idx.msk [tilespmem:v7+s20+$0x0], $0xffff;
	v0 =	vsub.f32 $0.0e+00, v23;
	(erf) = vpow2.f32 v3  }
0x61: {  	v17 =	vor.u32 $0x3, v7;
	v29 =	vld.idx.msk [tilespmem:v15+s20+$0x0], $0xffff;
	v3 =	vsub.f32 $0.0e+00, v51;
	(erf) = vpow2.f32 v11  }
0x62: {  	v11 =	vsub.f32 $0.0e+00, v24;
	v12 =	vmul.f32 $1.442695020e+00, v0  }
0x63: {  	v48 =	vld.idx.msk [tilespmem:v16+s20+$0x0], $0xffff;
	v13 =	vsub.f32 $0.0e+00, v26;
	v3 =	vmul.f32 $1.442695020e+00, v3  }
0x64: {  	v52 =	vld.idx.msk [tilespmem:v4+s2+$0x0], $0xffff;
	v14 =	vsub.f32 $0.0e+00, v47;
	v11 =	vmul.f32 $1.442695020e+00, v11;
	(erf) = vpow2.f32 v12  }
0x65: {  	v59 =	vsub.f32 $0.0e+00, v46;
	v13 =	vmul.f32 $1.442695020e+00, v13;
	(erf) = vpow2.f32 v3  }
0x66: {  	v45 =	vld.idx.msk [tilespmem:v17+s20+$0x0], $0xffff;
	v18 =	vsub.f32 $0.0e+00, v29;
	v14 =	vmul.f32 $1.442695020e+00, v14;
	(erf) = vpow2.f32 v11  }
0x67: {  	v49 =	vld.idx.msk [tilespmem:v2+s2+$0x0], $0xffff;
	v2 =	vmul.f32 $1.442695020e+00, v59;
	(erf) = vpow2.f32 v13  }
0x68: {  	v40 =	vld.idx.msk [tilespmem:v8+s2+$0x0], $0xffff;
	v8 =	vsub.f32 $0.0e+00, v48;
	v11 =	vmul.f32 $1.442695020e+00, v18;
	(erf) = vpow2.f32 v14;
	v60 =	vpop (erf)  }
0x69: {  	v35 =	vsub.f32 $0.0e+00, v52;
	(erf) = vpow2.f32 v2;
	v12 =	vadd.f32 $1.000000000e+00, v60;
	v61 =	vpop (erf)  }
0x6a: {  	v8 =	vmul.f32 $1.442695020e+00, v8;
	(erf) = vpow2.f32 v11;
	v13 =	vadd.f32 $1.000000000e+00, v61;
	v62 =	vpop (erf)  }
0x6b: {  	v11 =	vsub.f32 $0.0e+00, v45;
	v63 =	vadd.f32 $1.000000000e+00, v62;
	(erf) = vrcp.f32 v12  }
0x6c: {  	v56 =	vld.idx.msk [tilespmem:v10+s2+$0x0], $0xffff;
	v22 =	vsub.f32 $0.0e+00, v49;
	v10 =	vmul.f32 $1.442695020e+00, v35;
	(erf) = vrcp.f32 v13  }
0x6d: {  	v32 =	vld.idx.msk [tilespmem:v6+s2+$0x0], $0xffff;
	v11 =	vmul.f32 $1.442695020e+00, v11;
	v30 =	vpop (erf);
	(erf) = vrcp.f32 v63  }
0x6e: {  	v18 =	vld.idx.msk [tilespmem:v7+s2+$0x0], $0xffff;
	v12 =	vmul.f32 $1.442695020e+00, v22;
	v19 =	vpop (erf);
	(erf) = vpow2.f32 v8  }
0x6f: {  	v36 =	vld.idx.msk [tilespmem:v1+s2+$0x0], $0xffff;
	v1 =	vsub.f32 $0.0e+00, v40;
	v19 =	vadd.f32 $1.000000000e+00, v19;
	v31 =	vpop (erf);
	(erf) = vpow2.f32 v11  }
0x70: {  	v41 =	vor.u32 $0x11, v7;
	v53 =	vor.u32 $0x10, v7;
	v34 =	vld.idx.msk [tilespmem:v5+s2+$0x0], $0xffff;
	v0 =	vpop (erf);
	(erf) = vpow2.f32 v12  }
0x71: {  	v38 =	vor.u32 $0x15, v7;
	v16 =	vld.idx.msk [tilespmem:v16+s2+$0x0], $0xffff;
	v1 =	vmul.f32 $1.442695020e+00, v1;
	v5 =	vpop (erf);
	(erf) = vrcp.f32 v19  }
0x72: {  	v42 =	vsub.f32 $0.0e+00, v32;
	v5 =	vadd.f32 $1.000000000e+00, v5;
	(erf) = vpow2.f32 v10;
	v10 =	vpop (erf)  }
0x73: {  	v59 =	vld.idx.msk [tilespmem:v17+s2+$0x0], $0xffff;
	v20 =	vsub.f32 $0.0e+00, v18;
	v10 =	vadd.f32 $1.000000000e+00, v10;
	(erf) = vpow2.f32 v1  }
0x74: {  	v44 =	vsub.f32 $0.0e+00, v56;
	[tilespmem:$0x1FDA0] =	vst v0;
	v0 =	vpop (erf);
	v1 =	vmul.f32 $1.442695020e+00, v42;
	(erf) = vrcp.f32 v5  }
0x75: {  	v43 =	vsub.f32 $0.0e+00, v36;
	[tilespmem:$0x1FD90] =	vst v0;
	v0 =	vpop (erf);
	v5 =	vmul.f32 $1.442695020e+00, v20;
	(erf) = vrcp.f32 v10  }
0x76: {  	v50 =	vsub.f32 $0.0e+00, v16;
	v19 =	vld.idx.msk [tilespmem:v9+s2+$0x0], $0xffff;
	[tilespmem:$0x1FDD0] =	vst v0;
	v0 =	vpop (erf);
	(erf) = vpow2.f32 v1;
	v1 =	vmul.f32 $1.442695020e+00, v44  }
0x77: {  	v35 =	vor.u32 $0xF, v7;
	v17 =	vmul.f32 $1.442695020e+00, v43;
	v10 =	vsub.f32 $0.0e+00, v34;
	[tilespmem:$0x1FDC0] =	vst v0;
	v0 =	vpop (erf)  }
0x78: {  	v37 =	vor.u32 $0x18, v7;
	v54 =	vsub.f32 $0.0e+00, v59;
	(erf) = vpow2.f32 v5;
	v44 =	vpop (erf)  }
0x79: {  	v33 =	vor.u32 $0x12, v7;
	v15 =	vld.idx.msk [tilespmem:v15+s2+$0x0], $0xffff;
	v10 =	vmul.f32 $1.442695020e+00, v10;
	(erf) = vpow2.f32 v17;
	v43 =	vpop (erf)  }
0x7a: {  	v55 =	vor.u32 $0x19, v7;
	v61 =	vld.idx.msk [tilespmem:v41+s2+$0x0], $0xffff;
	v20 =	vmul.f32 $1.442695020e+00, v50;
	(erf) = vpow2.f32 v1;
	v1 =	vpop (erf)  }
0x7b: {  	v62 =	vld.idx.msk [tilespmem:v38+s2+$0x0], $0xffff;
	[tilespmem:$0x1FDB0] =	vst v0;
	v0 =	vsub.f32 $0.0e+00, v19;
	(erf) = vpow2.f32 v10;
	v58 =	vadd.f32 $1.000000000e+00, v1;
	v50 =	vpop (erf)  }
0x7c: {  	v9 =	vld.idx.msk [tilespmem:v35+s2+$0x0], $0xffff;
	v17 =	vor.u32 $0x1A, v7;
	v10 =	vmul.f32 $1.442695020e+00, v54;
	(erf) = vpow2.f32 v20;
	v54 =	vpop (erf)  }
0x7d: {  	v57 =	vor.u32 $0x13, v7;
	v1 =	vld.idx.msk [tilespmem:v37+s20+$0x0], $0xffff;
	v20 =	vadd.f32 $1.000000000e+00, v54;
	v60 =	vpop (erf);
	(erf) = vrcp.f32 v58  }
0x7e: {  	v39 =	vor.u32 $0x14, v7;
	v2 =	vsub.f32 $0.0e+00, v15;
	v58 =	vld.idx.msk [tilespmem:v33+s2+$0x0], $0xffff;
	(erf) = vpow2.f32 v10;
	v54 =	vpop (erf)  }
0x7f: {  	v8 =	vadd.f32 $1.000000000e+00, v60;
	v60 =	vor.u32 $0x16, v7;
	(erf) = vrcp.f32 v20;
	v42 =	vpop (erf);
	v20 =	vld.idx.msk [tilespmem:v55+s20+$0x0], $0xffff  }
0x80: {  	v63 =	vld.idx.msk [tilespmem:v53+s2+$0x0], $0xffff;
	v11 =	vor.u32 $0x17, v7;
	v5 =	vmul.f32 $1.442695020e+00, v2;
	v4 =	vmul.f32 $1.442695020e+00, v0;
	v0 =	vpop (erf)  }
0x81: {  	v3 =	vld.idx.msk [tilespmem:v17+s20+$0x0], $0xffff;
	(erf) = vrcp.f32 v8;
	v8 =	vadd.f32 $1.000000000e+00, v0;
	v0 =	vpop (erf)  }
0x82: {  	v14 =	vor.u32 $0xC, v7;
	v12 =	vor.u32 $0xD, v7;
	(erf) = vpow2.f32 v5;
	v5 =	vld.idx.msk [tilespmem:v57+s2+$0x0], $0xffff;
	v10 =	vpop (erf)  }
0x83: {  	v9 =	vmul.f32 v9, v1;
	v2 =	vadd.f32 $1.000000000e+00, v0;
	(erf) = vpow2.f32 v4;
	v4 =	vld.idx.msk [tilespmem:v39+s2+$0x0], $0xffff;
	v0 =	vpop (erf)  }
0x84: {  	(erf) = vrcp.f32 v8;
	v6 =	vld.idx.msk [tilespmem:v60+s2+$0x0], $0xffff;
	v0 =	vadd.f32 $1.000000000e+00, v0;
	v58 =	vmul.f32 v58, v20  }
0x85: {  	(erf) = vrcp.f32 v2;
	v2 =	vld.idx.msk [tilespmem:v11+s2+$0x0], $0xffff  }
0x86: {  	v8 =	vpop (erf);
	(erf) = vrcp.f32 v0;
	v9 =	vadd.f32 v58, v9;
	v58 =	vmul.f32 v63, v1  }
0x87: {  	v13 =	vor.u32 $0xE, v7;
	v0 =	vmul.f32 v62, v3;
	v7 =	vpop (erf);
	v5 =	vmul.f32 v5, v20  }
0x88: {  	v62 =	vld.idx.msk [tilespmem:v14+s2+$0x0], $0xffff;
	v1 =	vmul.f32 v61, v1;
	v63 =	vpop (erf);
	v4 =	vmul.f32 v4, v20  }
0x89: {  	v61 =	vpop (erf);
	v0 =	vadd.f32 v0, v9;
	v5 =	vadd.f32 v5, v58;
	v9 =	vld.idx.msk [tilespmem:v12+s2+$0x0], $0xffff;
	v6 =	vmul.f32 v6, v3  }
0x8a: {  	v1 =	vadd.f32 v4, v1;
	v4 =	vadd.f32 $1.000000000e+00, v61;
	v2 =	vmul.f32 v2, v3;
	v58 =	vpop (erf)  }
0x8b: {  	v3 =	vadd.f32 $1.000000000e+00, v10;
	v20 =	vpop (erf)  }
0x8c: {  	(erf) = vrcp.f32 v4;
	v4 =	vadd.f32 v6, v5;
	v5 =	vadd.f32 $1.000000000e+00, v8;
	v22 =	vpop (erf)  }
0x8d: {  	v0 =	vsub.f32 v0, v62;
	(erf) = vrcp.f32 v3;
	v3 =	vadd.f32 $1.000000000e+00, v7;
	v6 =	vpop (erf)  }
0x8e: {  	v1 =	vadd.f32 v2, v1;
	(erf) = vrcp.f32 v5;
	v4 =	vsub.f32 v4, v9;
	v2 =	vpop (erf)  }
0x8f: {  	v5 =	vsub.f32 $0.0e+00, v0;
	(erf) = vrcp.f32 v3;
	v3 =	vadd.f32 $1.000000000e+00, v6;
	v7 =	vpop (erf)  }
0x90: {  	v6 =	vmul.f32 v7, v18;
	v7 =	vsub.f32 $0.0e+00, v4  }
0x91: {  	v10 =	vld.idx.msk [tilespmem:v13+s2+$0x0], $0xffff;
	v5 =	vmul.f32 $1.442695020e+00, v5;
	v8 =	vpop (erf);
	(erf) = vrcp.f32 v3  }
0x92: {  	v3 =	vmul.f32 v8, v56;
	v8 =	vld [tilespmem:$0x1FE10];
	v7 =	vmul.f32 $1.442695020e+00, v7  }
0x93: {  	(erf) = vpow2.f32 v5  }
0x94: {  	(erf) = vpow2.f32 v7;
	v7 =	vld [tilespmem:$0x1FE20];
	_ =	sdelay $0x2  }
0x95: {  	v1 =	vsub.f32 v1, v10;
	v6 =	vmul.f32 v6, v8;
	_ =	sdelay $0x1  }
0x96: {  	v5 =	vsub.f32 $0.0e+00, v1;
	v6 =	vadd.f32 $0.0e+00, v6;
	v3 =	vmul.f32 v3, v7;
	_ =	sdelay $0x1  }
0x97: {  	v5 =	vmul.f32 $1.442695020e+00, v5;
	v3 =	vadd.f32 v3, v6;
	v6 =	vld [tilespmem:$0x1FE30]  }
0x98: {  	v8 =	vadd.f32 $1.000000000e+00, v22  }
0x99: {  	v9 =	vld [tilespmem:$0x1FE40]  }
0x9a: {  	v2 =	vmul.f32 v2, v32;
	(erf) = vrcp.f32 v8;
	v7 =	vpop (erf)  }
0x9b: {  	v61 =	vld [tilespmem:$0x1FE50];
	(erf) = vpow2.f32 v5;
	v5 =	vpop (erf)  }
0x9c: {  	v7 =	vmul.f32 v7, v59;
	v2 =	vmul.f32 v2, v6;
	v6 =	vpop (erf)  }
0x9d: {  	v8 =	vpop (erf)  }
0x9e: {  	v7 =	vmul.f32 v7, v9;
	v2 =	vadd.f32 v2, v3;
	v8 =	vmul.f32 v8, v16;
	_ =	sdelay $0x1  }
0x9f: {  	v2 =	vadd.f32 v7, v2;
	v8 =	vmul.f32 v8, v61;
	_ =	sdelay $0x1  }
0xa0: {  	v2 =	vadd.f32 v8, v2;
	v8 =	vld [tilespmem:$0x1FE60];
	_ =	sdelay $0x1  }
0xa1: {  	v22 =	vld [tilespmem:$0x1FE70];
	v10 =	vpop (erf)  }
0xa2: {  	v10 =	vmul.f32 v10, v19;
	_ =	sdelay $0x1  }
0xa3: {  	v6 =	vmul.f32 v6, v34;
	v8 =	vmul.f32 v10, v8;
	_ =	sdelay $0x1  }
0xa4: {  	v6 =	vmul.f32 v6, v22;
	v2 =	vadd.f32 v8, v2;
	_ =	sdelay $0x1  }
0xa5: {  	v2 =	vadd.f32 v6, v2;
	v6 =	vld [tilespmem:$0x1FE80];
	_ =	sdelay $0x1  }
0xa6: {  	v9 =	vld.idx.msk [tilespmem:v39+s20+$0x0], $0xffff  }
0xa7: {  	v5 =	vmul.f32 v5, v36;
	v39 =	vld.idx.msk [tilespmem:v37+s2+$0x0], $0xffff  }
0xa8: {  	v3 =	vld.idx.msk [tilespmem:v41+s20+$0x0], $0xffff  }
0xa9: {  	v41 =	vld.idx.msk [tilespmem:v55+s2+$0x0], $0xffff;
	v5 =	vmul.f32 v5, v6  }
0xaa: {  	v62 =	vld.idx.msk [tilespmem:v35+s20+$0x0], $0xffff  }
0xab: {  	v2 =	vadd.f32 v5, v2;
	v5 =	vld.idx.msk [tilespmem:v11+s20+$0x0], $0xffff  }
0xac: {  	v35 =	vpop (erf);
	v11 =	vld [tilespmem:$0x1FE90]  }
0xad: {  	v20 =	vmul.f32 v20, v40;
	v10 =	vpop (erf)  }
0xae: {  	v56 =	vld [tilespmem:$0x1FEA0];
	v3 =	vmul.f32 v3, v39;
	v9 =	vmul.f32 v9, v41;
	v40 =	vpop (erf)  }
0xaf: {  	v18 =	vadd.f32 $1.000000000e+00, v35;
	v15 =	vmul.f32 v40, v15  }
0xb0: {  	v3 =	vadd.f32 v9, v3;
	v9 =	vld [tilespmem:$0x1FEB0];
	v8 =	vadd.f32 $1.000000000e+00, v10  }
0xb1: {  	(erf) = vrcp.f32 v18;
	v10 =	vpop (erf);
	v11 =	vmul.f32 v15, v11  }
0xb2: {  	v7 =	vld.idx.msk [tilespmem:v38+s20+$0x0], $0xffff;
	v10 =	vadd.f32 $1.000000000e+00, v10;
	(erf) = vrcp.f32 v8  }
0xb3: {  	v38 =	vld.idx.msk [tilespmem:v33+s20+$0x0], $0xffff;
	v8 =	vmul.f32 v58, v52;
	v15 =	vmul.f32 v20, v56;
	v2 =	vadd.f32 v11, v2;
	_ =	sdelay $0x1  }
0xb4: {  	(erf) = vrcp.f32 v10;
	v10 =	vld.idx.msk [tilespmem:v17+s2+$0x0], $0xffff;
	v8 =	vmul.f32 v8, v9;
	v2 =	vadd.f32 v15, v2;
	_ =	sdelay $0x1  }
0xb5: {  	v2 =	vadd.f32 v8, v2;
	v8 =	vld [tilespmem:$0x1FEC0]  }
0xb6: {  	v16 =	vmul.f32 v62, v39;
	v19 =	vmul.f32 v38, v41  }
0xb7: {  	v9 =	vld.idx.msk [tilespmem:v14+s20+$0x0], $0xffff  }
0xb8: {  	v59 =	vmul.f32 v63, v49;
	v7 =	vmul.f32 v7, v10;
	v11 =	vadd.f32 v19, v16;
	_ =	sdelay $0x1  }
0xb9: {  	v62 =	vld [tilespmem:$0x1FED0];
	v5 =	vmul.f32 v5, v10;
	v7 =	vadd.f32 v7, v11;
	v8 =	vmul.f32 v59, v8;
	_ =	sdelay $0x1  }
0xba: {  	v61 =	vpop (erf);
	v3 =	vadd.f32 v5, v3;
	v5 =	vsub.f32 v7, v9;
	v7 =	vld [tilespmem:$0x1FEE0]  }
0xbb: {  	v0 =	vmul.f32 v61, v0  }
0xbc: {  	v2 =	vadd.f32 v8, v2;
	v8 =	vpop (erf)  }
0xbd: {  	v0 =	vmul.f32 v0, v62;
	v4 =	vmul.f32 v8, v4;
	_ =	sdelay $0x1  }
0xbe: {  	v0 =	vadd.f32 v0, v2;
	v4 =	vmul.f32 v4, v7  }
0xbf: {  	v55 =	vld.idx.msk [tilespmem:v53+s20+$0x0], $0xffff  }
0xc0: {  	v0 =	vadd.f32 v4, v0;
	v4 =	vld [tilespmem:$0x1FEF0]  }
0xc1: {  	v6 =	vld.idx.msk [tilespmem:v57+s20+$0x0], $0xffff  }
0xc2: {  	v57 =	vld.idx.msk [tilespmem:v60+s20+$0x0], $0xffff;
	v60 =	vadd.f32 $1.000000000e+00, v43;
	v2 =	vpop (erf)  }
0xc3: {  	v1 =	vmul.f32 v2, v1;
	v2 =	vsub.f32 $0.0e+00, v5  }
0xc4: {  	(erf) = vrcp.f32 v60;
	v11 =	vadd.f32 $1.000000000e+00, v44  }
0xc5: {  	v2 =	vmul.f32 $1.442695020e+00, v2;
	v1 =	vmul.f32 v1, v4;
	v4 =	vld [tilespmem:$0x1FF00]  }
0xc6: {  	v58 =	vmul.f32 v55, v39;
	(erf) = vrcp.f32 v11  }
0xc7: {  	v6 =	vmul.f32 v6, v41;
	(erf) = vpow2.f32 v2;
	v2 =	vld [tilespmem:$0x1FF10]  }
0xc8: {  	v7 =	vmul.f32 v42, v46  }
0xc9: {  	v6 =	vadd.f32 v6, v58;
	v10 =	vmul.f32 v57, v10  }
0xca: {  	v0 =	vadd.f32 v1, v0;
	v4 =	vmul.f32 v7, v4;
	v7 =	vmul.f32 v54, v47;
	_ =	sdelay $0x1  }
0xcb: {  	v6 =	vadd.f32 v10, v6;
	v10 =	vld.idx.msk [tilespmem:v13+s20+$0x0], $0xffff;
	v2 =	vmul.f32 v7, v2;
	v0 =	vadd.f32 v0, v4  }
0xcc: {  	v12 =	vld.idx.msk [tilespmem:v12+s20+$0x0], $0xffff  }
0xcd: {  	v0 =	vadd.f32 v0, v2;
	v2 =	vld [tilespmem:$0x1FF20];
	_ =	sdelay $0x2  }
0xce: {  	v3 =	vsub.f32 v3, v10;
	v7 =	vmul.f32 v50, v51  }
0xcf: {  	v6 =	vsub.f32 v6, v12  }
0xd0: {  	v9 =	vsub.f32 $0.0e+00, v3;
	v2 =	vmul.f32 v7, v2  }
0xd1: {  	v8 =	vsub.f32 $0.0e+00, v6  }
0xd2: {  	v0 =	vadd.f32 v0, v2;
	v2 =	vld [tilespmem:$0x1FF30]  }
0xd3: {  	v1 =	vmul.f32 $1.442695020e+00, v8;
	v8 =	vld [tilespmem:$0x1FD90]  }
0xd4: {  	v4 =	vmul.f32 $1.442695020e+00, v9;
	v9 =	vpop (erf)  }
0xd5: {  	(erf) = vpow2.f32 v1;
	v1 =	vmul.f32 v9, v45;
	_ =	sdelay $0x1  }
0xd6: {  	v1 =	vmul.f32 v1, v2  }
0xd7: {  	v8 =	vadd.f32 $1.000000000e+00, v8  }
0xd8: {  	v0 =	vadd.f32 v0, v1;
	v1 =	vld [tilespmem:$0x1FF40]  }
0xd9: {  	v9 =	vld [tilespmem:$0x1FDA0];
	(erf) = vrcp.f32 v8  }
0xda: {  	(erf) = vpow2.f32 v4;
	v4 =	vpop (erf)  }
0xdb: {  	v2 =	vmul.f32 v4, v48;
	_ =	sdelay $0x1  }
0xdc: {  	v1 =	vmul.f32 v2, v1;
	v2 =	vld [tilespmem:$0x1FDB0]  }
0xdd: {  	v9 =	vadd.f32 $1.000000000e+00, v9  }
0xde: {  	v4 =	vadd.f32 $1.000000000e+00, v30;
	v0 =	vadd.f32 v0, v1;
	v1 =	vld [tilespmem:$0x1FF50]  }
0xdf: {  	v7 =	vadd.f32 $1.000000000e+00, v31  }
0xe0: {  	(erf) = vrcp.f32 v9  }
0xe1: {  	(erf) = vrcp.f32 v7;
	v7 =	vld [tilespmem:$0x1FDC0];
	v2 =	vmul.f32 v2, v28  }
0xe2: {  	(erf) = vrcp.f32 v4;
	v4 =	vpop (erf)  }
0xe3: {  	v1 =	vmul.f32 v2, v1;
	v2 =	vadd.f32 $1.000000000e+00, v4;
	v4 =	vld [tilespmem:$0x1FF60];
	_ =	sdelay $0x2  }
0xe4: {  	v7 =	vmul.f32 v7, v27;
	_ =	sdelay $0x1  }
0xe5: {  	v4 =	vmul.f32 v7, v4;
	v7 =	vld [tilespmem:$0x1FDD0];
	_ =	sdelay $0x1  }
0xe6: {  	(erf) = vrcp.f32 v2;
	v2 =	vld [tilespmem:$0x1FF70];
	_ =	sdelay $0x2  }
0xe7: {  	v0 =	vadd.f32 v0, v1;
	v7 =	vmul.f32 v7, v25;
	_ =	sdelay $0x1  }
0xe8: {  	v0 =	vadd.f32 v0, v4;
	v2 =	vmul.f32 v7, v2;
	_ =	sdelay $0x1  }
0xe9: {  	v0 =	vadd.f32 v0, v2;
	v2 =	vld [tilespmem:$0x1FF80]  }
0xea: {  	v8 =	vpop (erf)  }
0xeb: {  	v1 =	vadd.f32 $1.000000000e+00, v8;
	v8 =	vpop (erf)  }
0xec: {  	v7 =	vmul.f32 v8, v29;
	_ =	sdelay $0x1  }
0xed: {  	v2 =	vmul.f32 v7, v2;
	_ =	sdelay $0x1  }
0xee: {  	v0 =	vadd.f32 v0, v2;
	v2 =	vld [tilespmem:$0x1FF90]  }
0xef: {  	v8 =	vpop (erf)  }
0xf0: {  	v4 =	vadd.f32 $1.000000000e+00, v8;
	v8 =	vpop (erf)  }
0xf1: {  	(erf) = vrcp.f32 v1;
	v1 =	vmul.f32 v8, v26;
	_ =	sdelay $0x1  }
0xf2: {  	v1 =	vmul.f32 v1, v2;
	_ =	sdelay $0x1  }
0xf3: {  	v0 =	vadd.f32 v0, v1;
	v1 =	vld [tilespmem:$0x1FFA0];
	_ =	sdelay $0x1  }
0xf4: {  	(erf) = vrcp.f32 v4;
	v4 =	vpop (erf)  }
0xf5: {  	v2 =	vmul.f32 v4, v24;
	_ =	sdelay $0x1  }
0xf6: {  	v1 =	vmul.f32 v2, v1;
	_ =	sdelay $0x1  }
0xf7: {  	v0 =	vadd.f32 v0, v1;
	v1 =	vld [tilespmem:$0x1FFB0];
	_ =	sdelay $0x1  }
0xf8: {  	v4 =	vpop (erf)  }
0xf9: {  	v2 =	vmul.f32 v4, v23;
	_ =	sdelay $0x1  }
0xfa: {  	v1 =	vmul.f32 v2, v1;
	_ =	sdelay $0x1  }
0xfb: {  	v0 =	vadd.f32 v0, v1;
	v1 =	vld [tilespmem:$0x1FFC0];
	_ =	sdelay $0x1  }
0xfc: {  	v4 =	vpop (erf)  }
0xfd: {  	v2 =	vmul.f32 v4, v5;
	_ =	sdelay $0x1  }
0xfe: {  	v1 =	vmul.f32 v2, v1;
	_ =	sdelay $0x1  }
0xff: {  	v0 =	vadd.f32 v1, v0;
	v1 =	vld [tilespmem:$0x1FFD0];
	_ =	sdelay $0x1  }
0x100: {  	v4 =	vpop (erf)  }
0x101: {  	v2 =	vmul.f32 v4, v6;
	_ =	sdelay $0x1  }
0x102: {  	v1 =	vmul.f32 v2, v1;
	_ =	sdelay $0x1  }
0x103: {  	v0 =	vadd.f32 v1, v0;
	v1 =	vld [tilespmem:$0x1FFE0];
	_ =	sdelay $0x1  }
0x104: {  	v4 =	vpop (erf)  }
0x105: {  	v2 =	vmul.f32 v4, v3;
	_ =	sdelay $0x1  }
0x106: {  	v1 =	vmul.f32 v2, v1;
	_ =	sdelay $0x1  }
0x107: {  	v0 =	vadd.f32 v1, v0;
	_ =	sdelay $0x1  }
0x108: {  	v0 =	vmul.f32 $1.442695020e+00, v0;
	_ =	sdelay $0x1  }
0x109: {  	(erf) = vpow2.f32 v0;
	_ =	sdelay $0x1  }
0x10a: {  	s29 =	simm.s32 $0x10  }
0x10b: {  	v0 =	vmov s29  }
0x10c: {  	v0 =	vshll.u32 v0, $0x5  }
0x10d: {  	v48 =	vor.u32 v21, v0  }
0x10e: {  	v1 =	vor.u32 $0x7, v48  }
0x10f: {  	v51 =	vor.u32 $0x6, v48  }
0x110: {  	v56 =	vor.u32 $0x5, v48  }
0x111: {  	s29 =	simm.s32 $0x8400;
	v6 =	vor.u32 $0xB, v48;
	v0 =	vpop (erf)  }
0x112: {  	[tilespmem:s29+$0x0] =	vst v0  }
0x113: {  	v5 =	vor.u32 $0x2, v48;
	v3 =	vld.idx.msk [tilespmem:v1+s20+$0x0], $0xffff  }
0x114: {  	v2 =	vor.u32 $0xA, v48;
	v36 =	vld.idx.msk [tilespmem:v51+s20+$0x0], $0xffff  }
0x115: {  	v0 =	vor.u32 $0x9, v48;
	v37 =	vld.idx.msk [tilespmem:v56+s20+$0x0], $0xffff  }
0x116: {  	v8 =	vor.u32 $0x1, v48;
	v10 =	vld.idx.msk [tilespmem:v6+s20+$0x0], $0xffff;
	_ =	sdelay $0x1  }
0x117: {  	v39 =	vld.idx.msk [tilespmem:v5+s20+$0x0], $0xffff;
	[tilespmem:$0x1FDE0] =	vst v3;
	v3 =	vsub.f32 $0.0e+00, v3  }
0x118: {  	v54 =	vor.u32 $0x8, v48;
	v11 =	vld.idx.msk [tilespmem:v2+s20+$0x0], $0xffff;
	v4 =	vsub.f32 $0.0e+00, v36  }
0x119: {  	v35 =	vld.idx.msk [tilespmem:v0+s20+$0x0], $0xffff;
	v7 =	vsub.f32 $0.0e+00, v37;
	v3 =	vmul.f32 $1.442695020e+00, v3  }
0x11a: {  	v9 =	vor.u32 $0x4, v48;
	v41 =	vld.idx.msk [tilespmem:v8+s20+$0x0], $0xffff;
	[tilespmem:$0x1FDF0] =	vst v10;
	v10 =	vsub.f32 $0.0e+00, v10;
	v4 =	vmul.f32 $1.442695020e+00, v4  }
0x11b: {  	v44 =	vor.u32 $0x16, v48;
	v42 =	vld.idx.msk [tilespmem:v48+s20+$0x0], $0xffff;
	v7 =	vmul.f32 $1.442695020e+00, v7;
	(erf) = vpow2.f32 v3  }
0x11c: {  	v10 =	vmul.f32 $1.442695020e+00, v10;
	(erf) = vpow2.f32 v4;
	v4 =	vsub.f32 $0.0e+00, v39  }
0x11d: {  	v38 =	vld.idx.msk [tilespmem:v54+s20+$0x0], $0xffff;
	v3 =	vor.u32 $0x3, v48;
	(erf) = vpow2.f32 v7;
	v7 =	vsub.f32 $0.0e+00, v11  }
0x11e: {  	v46 =	vor.u32 $0x11, v48;
	[tilespmem:$0x1FE00] =	vst v11;
	v11 =	vsub.f32 $0.0e+00, v35;
	v4 =	vmul.f32 $1.442695020e+00, v4  }
0x11f: {  	v63 =	vsub.f32 $0.0e+00, v41;
	(erf) = vpow2.f32 v10;
	v7 =	vmul.f32 $1.442695020e+00, v7  }
0x120: {  	v40 =	vld.idx.msk [tilespmem:v9+s20+$0x0], $0xffff;
	v10 =	vsub.f32 $0.0e+00, v42;
	v11 =	vmul.f32 $1.442695020e+00, v11;
	(erf) = vpow2.f32 v4  }
0x121: {  	v47 =	vor.u32 $0x14, v48;
	v45 =	vld.idx.msk [tilespmem:v6+s2+$0x0], $0xffff;
	v4 =	vmul.f32 $1.442695020e+00, v63;
	(erf) = vpow2.f32 v7  }
0x122: {  	s30 =	simm.s32 $0x20;
	v43 =	vld.idx.msk [tilespmem:v3+s20+$0x0], $0xffff;
	v6 =	vmul.f32 $1.442695020e+00, v10;
	v7 =	vsub.f32 $0.0e+00, v38;
	(erf) = vpow2.f32 v11  }
.LBB2_5:
0x123: {  	_ = 	snop  }
0x124: {  	v61 =	vld.idx.msk [tilespmem:v2+s2+$0x0], $0xffff;
	v2 =	vmul.f32 $1.442695020e+00, v7;
	(erf) = vpow2.f32 v4;
	v4 =	vpop (erf)  }
0x125: {  	v58 =	vld.idx.msk [tilespmem:v0+s2+$0x0], $0xffff;
	v0 =	vadd.f32 $1.000000000e+00, v4;
	(erf) = vpow2.f32 v6;
	v4 =	vpop (erf)  }
0x126: {  	v12 =	vadd.f32 $1.000000000e+00, v4;
	v7 =	vpop (erf);
	(erf) = vpow2.f32 v2;
	v6 =	vsub.f32 $0.0e+00, v40  }
0x127: {  	v2 =	vsub.f32 $0.0e+00, v43;
	v11 =	vadd.f32 $1.000000000e+00, v7;
	(erf) = vrcp.f32 v0  }
0x128: {  	v7 =	vld.idx.msk [tilespmem:v5+s2+$0x0], $0xffff;
	v0 =	vsub.f32 $0.0e+00, v45;
	(erf) = vrcp.f32 v12;
	v5 =	vmul.f32 $1.442695020e+00, v6  }
0x129: {  	v10 =	vld.idx.msk [tilespmem:v48+s2+$0x0], $0xffff;
	v4 =	vpop (erf);
	v2 =	vmul.f32 $1.442695020e+00, v2;
	(erf) = vrcp.f32 v11  }
0x12a: {  	v62 =	vld.idx.msk [tilespmem:v1+s2+$0x0], $0xffff;
	[tilespmem:$0x1FD80] =	vst v4;
	v4 =	vsub.f32 $0.0e+00, v61;
	v0 =	vmul.f32 $1.442695020e+00, v0;
	v1 =	vpop (erf);
	(erf) = vpow2.f32 v5  }
0x12b: {  	v13 =	vsub.f32 $0.0e+00, v58;
	v6 =	vadd.f32 $1.000000000e+00, v1;
	v1 =	vpop (erf);
	(erf) = vpow2.f32 v2  }
0x12c: {  	v57 =	vor.u32 $0x10, v48;
	v11 =	vld.idx.msk [tilespmem:v8+s2+$0x0], $0xffff;
	v27 =	vmul.f32 $1.442695020e+00, v4;
	v52 =	vpop (erf);
	(erf) = vpow2.f32 v0  }
0x12d: {  	v60 =	vor.u32 $0x15, v48;
	v8 =	vld.idx.msk [tilespmem:v9+s2+$0x0], $0xffff;
	v0 =	vmul.f32 $1.442695020e+00, v13;
	v5 =	vpop (erf);
	(erf) = vrcp.f32 v6  }
0x12e: {  	[tilespmem:$0x1FD70] =	vst v1;
	v1 =	vld.idx.msk [tilespmem:v51+s2+$0x0], $0xffff;
	v6 =	vsub.f32 $0.0e+00, v7;
	v5 =	vadd.f32 $1.000000000e+00, v5;
	v9 =	vpop (erf);
	(erf) = vpow2.f32 v27  }
0x12f: {  	v16 =	vld.idx.msk [tilespmem:v3+s2+$0x0], $0xffff;
	v28 =	vsub.f32 $0.0e+00, v10;
	v3 =	vadd.f32 $1.000000000e+00, v9;
	v55 =	vpop (erf);
	(erf) = vpow2.f32 v0  }
0x130: {  	v0 =	vmul.f32 $1.442695020e+00, v6;
	v6 =	vsub.f32 $0.0e+00, v62;
	v51 =	vpop (erf);
	(erf) = vrcp.f32 v5  }
0x131: {  	v15 =	vmul.f32 $1.442695020e+00, v28;
	v9 =	vsub.f32 $0.0e+00, v11;
	v53 =	vpop (erf);
	(erf) = vrcp.f32 v3  }
0x132: {  	v59 =	vor.u32 $0x18, v48;
	v29 =	vmul.f32 $1.442695020e+00, v6;
	v6 =	vld.idx.msk [tilespmem:v54+s2+$0x0], $0xffff;
	v54 =	vpop (erf);
	(erf) = vpow2.f32 v0  }
0x133: {  	v13 =	vld.idx.msk [tilespmem:v56+s2+$0x0], $0xffff;
	v17 =	vsub.f32 $0.0e+00, v1;
	v18 =	vmul.f32 $1.442695020e+00, v9;
	(erf) = vpow2.f32 v15;
	v5 =	vpop (erf)  }
0x134: {  	v31 =	vsub.f32 $0.0e+00, v16;
	v14 =	vsub.f32 $0.0e+00, v8;
	(erf) = vpow2.f32 v29;
	v3 =	vpop (erf)  }
0x135: {  	v4 =	vor.u32 $0x12, v48;
	v30 =	vmul.f32 $1.442695020e+00, v17;
	(erf) = vpow2.f32 v18;
	v0 =	vpop (erf)  }
0x136: {  	v2 =	vor.u32 $0xF, v48;
	v32 =	vmul.f32 $1.442695020e+00, v14;
	v0 =	vadd.f32 $1.000000000e+00, v0;
	v56 =	vpop (erf)  }
0x137: {  	v19 =	vld.idx.msk [tilespmem:v46+s2+$0x0], $0xffff;
	v33 =	vmul.f32 $1.442695020e+00, v31;
	v9 =	vor.u32 $0x19, v48;
	(erf) = vpow2.f32 v30;
	v34 =	vpop (erf)  }
0x138: {  	v20 =	vld.idx.msk [tilespmem:v60+s2+$0x0], $0xffff;
	v24 =	vsub.f32 $0.0e+00, v13;
	v18 =	vor.u32 $0x1A, v48;
	(erf) = vpow2.f32 v32;
	v63 =	vpop (erf)  }
0x139: {  	v26 =	vld.idx.msk [tilespmem:v59+s20+$0x0], $0xffff;
	v14 =	vadd.f32 $1.000000000e+00, v34;
	(erf) = vrcp.f32 v0;
	v25 =	vadd.f32 $1.000000000e+00, v63;
	v63 =	vpop (erf)  }
0x13a: {  	v12 =	vor.u32 $0x13, v48;
	v23 =	vld.idx.msk [tilespmem:v4+s2+$0x0], $0xffff;
	v49 =	vsub.f32 $0.0e+00, v6;
	(erf) = vpow2.f32 v33;
	v0 =	vpop (erf)  }
0x13b: {  	v22 =	vld.idx.msk [tilespmem:v2+s2+$0x0], $0xffff;
	(erf) = vrcp.f32 v14;
	v29 =	vpop (erf)  }
0x13c: {  	v27 =	vld.idx.msk [tilespmem:v9+s20+$0x0], $0xffff;
	v50 =	vmul.f32 $1.442695020e+00, v49;
	(erf) = vrcp.f32 v25;
	v25 =	vadd.f32 $1.000000000e+00, v29;
	v30 =	vpop (erf)  }
0x13d: {  	v21 =	vld.idx.msk [tilespmem:v57+s2+$0x0], $0xffff;
	v17 =	vor.u32 $0x17, v48;
	v32 =	vmul.f32 $1.442695020e+00, v24;
	v24 =	vpop (erf)  }
0x13e: {  	v28 =	vld.idx.msk [tilespmem:v18+s20+$0x0], $0xffff;
	v14 =	vor.u32 $0xC, v48;
	(erf) = vpow2.f32 v50;
	v49 =	vpop (erf)  }
0x13f: {  	v29 =	vld.idx.msk [tilespmem:v12+s2+$0x0], $0xffff;
	v33 =	vadd.f32 $1.000000000e+00, v30;
	(erf) = vpow2.f32 v32;
	v34 =	vadd.f32 $1.000000000e+00, v49  }
0x140: {  	v31 =	vld.idx.msk [tilespmem:v47+s2+$0x0], $0xffff;
	v15 =	vor.u32 $0xD, v48;
	v22 =	vmul.f32 v22, v26;
	(erf) = vrcp.f32 v25;
	v25 =	vpop (erf)  }
0x141: {  	v48 =	vor.u32 $0xE, v48;
	v23 =	vmul.f32 v23, v27;
	v32 =	vld.idx.msk [tilespmem:v44+s2+$0x0], $0xffff;
	(erf) = vrcp.f32 v33;
	v50 =	vpop (erf)  }
0x142: {  	v49 =	vld.idx.msk [tilespmem:v17+s2+$0x0], $0xffff;
	v30 =	vadd.f32 $1.000000000e+00, v25;
	v25 =	vpop (erf)  }
0x143: {  	v21 =	vmul.f32 v21, v26;
	v22 =	vadd.f32 v23, v22;
	v33 =	vld.idx.msk [tilespmem:v14+s2+$0x0], $0xffff;
	(erf) = vrcp.f32 v34;
	v34 =	vpop (erf)  }
0x144: {  	v20 =	vmul.f32 v20, v28;
	v23 =	vmul.f32 v29, v27;
	v34 =	vadd.f32 $1.000000000e+00, v34  }
0x145: {  	v19 =	vmul.f32 v19, v26;
	v26 =	vmul.f32 v31, v27;
	v24 =	vadd.f32 $1.000000000e+00, v24;
	v29 =	vld.idx.msk [tilespmem:v15+s2+$0x0], $0xffff;
	v27 =	vpop (erf)  }
0x146: {  	v20 =	vadd.f32 v20, v22;
	v21 =	vadd.f32 v23, v21;
	v23 =	vld.idx.msk [tilespmem:v48+s2+$0x0], $0xffff;
	v31 =	vpop (erf)  }
0x147: {  	v26 =	vadd.f32 v26, v19;
	v22 =	vmul.f32 v32, v28;
	v49 =	vmul.f32 v49, v28;
	v32 =	vpop (erf)  }
0x148: {  	v19 =	vsub.f32 v20, v33;
	(erf) = vrcp.f32 v34;
	v34 =	vpop (erf)  }
0x149: {  	v28 =	vadd.f32 v22, v21;
	v33 =	vadd.f32 v49, v26;
	(erf) = vrcp.f32 v24;
	v24 =	vpop (erf)  }
0x14a: {  	v21 =	vadd.f32 $1.000000000e+00, v34;
	(erf) = vrcp.f32 v30;
	v30 =	vld [tilespmem:$0x1FE10];
	v34 =	vpop (erf)  }
0x14b: {  	v20 =	vsub.f32 v28, v29;
	v28 =	vmul.f32 v34, v10;
	v10 =	vsub.f32 v33, v23;
	_ =	sdelay $0x1  }
0x14c: {  	v34 =	vld [tilespmem:$0x1FE20];
	v33 =	vsub.f32 $0.0e+00, v10  }
0x14d: {  	v50 =	vadd.f32 $1.000000000e+00, v50  }
0x14e: {  	v29 =	vpop (erf);
	v23 =	vmul.f32 v28, v30;
	v28 =	vmul.f32 $1.442695020e+00, v33;
	v33 =	vld [tilespmem:$0x1FE30]  }
0x14f: {  	(erf) = vrcp.f32 v50;
	v50 =	vsub.f32 $0.0e+00, v20;
	v11 =	vmul.f32 v29, v11  }
0x150: {  	v7 =	vmul.f32 v24, v7  }
0x151: {  	v29 =	vmul.f32 $1.442695020e+00, v50;
	v11 =	vmul.f32 v11, v34;
	v50 =	vadd.f32 $0.0e+00, v23;
	_ =	sdelay $0x1  }
0x152: {  	v49 =	vsub.f32 $0.0e+00, v19;
	v11 =	vadd.f32 v11, v50;
	v7 =	vmul.f32 v7, v33;
	_ =	sdelay $0x1  }
0x153: {  	v49 =	vmul.f32 $1.442695020e+00, v49;
	v7 =	vadd.f32 v7, v11;
	v11 =	vld [tilespmem:$0x1FE40]  }
0x154: {  	(erf) = vrcp.f32 v21  }
0x155: {  	(erf) = vpow2.f32 v49;
	v49 =	vadd.f32 $1.000000000e+00, v32;
	v32 =	vpop (erf)  }
0x156: {  	v16 =	vmul.f32 v32, v16;
	_ =	sdelay $0x1  }
0x157: {  	v11 =	vmul.f32 v16, v11;
	_ =	sdelay $0x1  }
0x158: {  	v22 =	vpop (erf);
	v7 =	vadd.f32 v11, v7;
	v11 =	vld [tilespmem:$0x1FE50]  }
0x159: {  	(erf) = vpow2.f32 v29;
	v34 =	vpop (erf)  }
0x15a: {  	(erf) = vrcp.f32 v49;
	v49 =	vpop (erf)  }
0x15b: {  	v8 =	vmul.f32 v49, v8  }
0x15c: {  	v4 =	vld.idx.msk [tilespmem:v4+s20+$0x0], $0xffff  }
0x15d: {  	v2 =	vld.idx.msk [tilespmem:v2+s20+$0x0], $0xffff;
	v8 =	vmul.f32 v8, v11  }
0x15e: {  	v9 =	vld.idx.msk [tilespmem:v9+s2+$0x0], $0xffff  }
0x15f: {  	(erf) = vpow2.f32 v28;
	v7 =	vadd.f32 v8, v7;
	v8 =	vld [tilespmem:$0x1FE60]  }
0x160: {  	v25 =	vmul.f32 v25, v45;
	v45 =	vld [tilespmem:$0x1FE70]  }
0x161: {  	v26 =	vld.idx.msk [tilespmem:v47+s20+$0x0], $0xffff;
	v50 =	vpop (erf)  }
0x162: {  	v21 =	vld.idx.msk [tilespmem:v46+s20+$0x0], $0xffff;
	v11 =	vmul.f32 v50, v13  }
0x163: {  	v1 =	vmul.f32 v34, v1;
	v34 =	vld.idx.msk [tilespmem:v59+s2+$0x0], $0xffff  }
0x164: {  	v33 =	vpop (erf);
	v16 =	vld.idx.msk [tilespmem:v60+s20+$0x0], $0xffff;
	v8 =	vmul.f32 v11, v8  }
0x165: {  	v47 =	vpop (erf);
	v60 =	vld [tilespmem:$0x1FEB0];
	v11 =	vadd.f32 $1.000000000e+00, v33  }
0x166: {  	v49 =	vld.idx.msk [tilespmem:v57+s20+$0x0], $0xffff;
	v7 =	vadd.f32 v8, v7;
	v8 =	vadd.f32 $1.000000000e+00, v47  }
0x167: {  	v50 =	vpop (erf);
	(erf) = vrcp.f32 v11;
	v11 =	vld [tilespmem:$0x1FE80]  }
0x168: {  	v46 =	vmul.f32 v27, v61;
	v57 =	vpop (erf);
	(erf) = vrcp.f32 v8;
	v8 =	vld [tilespmem:$0x1FE90]  }
0x169: {  	v4 =	vmul.f32 v4, v9  }
0x16a: {  	v18 =	vld.idx.msk [tilespmem:v18+s2+$0x0], $0xffff;
	v1 =	vmul.f32 v1, v45;
	v24 =	vmul.f32 v46, v60  }
0x16b: {  	v46 =	vmul.f32 v22, v62;
	v6 =	vmul.f32 v50, v6  }
0x16c: {  	v61 =	vld [tilespmem:$0x1FEC0];
	v2 =	vmul.f32 v2, v34;
	v1 =	vadd.f32 v1, v7;
	v7 =	vadd.f32 $1.000000000e+00, v57  }
0x16d: {  	v11 =	vmul.f32 v46, v11;
	v6 =	vmul.f32 v6, v8;
	v8 =	vld [tilespmem:$0x1FEA0]  }
0x16e: {  	(erf) = vrcp.f32 v7;
	v7 =	vld.idx.msk [tilespmem:v14+s20+$0x0], $0xffff  }
0x16f: {  	v2 =	vadd.f32 v4, v2;
	v1 =	vadd.f32 v11, v1;
	v11 =	vmul.f32 v16, v18  }
0x170: {  	v32 =	vmul.f32 v31, v58  }
0x171: {  	v3 =	vadd.f32 $1.000000000e+00, v3;
	v2 =	vadd.f32 v11, v2  }
0x172: {  	v25 =	vmul.f32 v25, v61;
	v1 =	vadd.f32 v6, v1;
	v61 =	vpop (erf);
	v8 =	vmul.f32 v32, v8  }
0x173: {  	v2 =	vsub.f32 v2, v7;
	v7 =	vpop (erf);
	(erf) = vrcp.f32 v3;
	v3 =	vld [tilespmem:$0x1FED0]  }
0x174: {  	v1 =	vadd.f32 v8, v1;
	_ =	sdelay $0x1  }
0x175: {  	v13 =	vmul.f32 v61, v19;
	v1 =	vadd.f32 v24, v1  }
0x176: {  	v12 =	vld.idx.msk [tilespmem:v12+s20+$0x0], $0xffff  }
0x177: {  	v3 =	vmul.f32 v13, v3;
	v1 =	vadd.f32 v25, v1  }
0x178: {  	v58 =	vld.idx.msk [tilespmem:v44+s20+$0x0], $0xffff  }
0x179: {  	v1 =	vadd.f32 v3, v1;
	v3 =	vld [tilespmem:$0x1FEE0];
	_ =	sdelay $0x1  }
0x17a: {  	v59 =	vmul.f32 v26, v9;
	v9 =	vmul.f32 v12, v9  }
0x17b: {  	v17 =	vld.idx.msk [tilespmem:v17+s20+$0x0], $0xffff;
	v4 =	vmul.f32 v49, v34;
	v7 =	vmul.f32 v7, v20;
	_ =	sdelay $0x1  }
0x17c: {  	v4 =	vadd.f32 v9, v4;
	v9 =	vmul.f32 v58, v18;
	v3 =	vmul.f32 v7, v3  }
0x17d: {  	v6 =	vmul.f32 v21, v34  }
0x17e: {  	v5 =	vadd.f32 $1.000000000e+00, v5;
	v1 =	vadd.f32 v3, v1;
	v3 =	vld [tilespmem:$0x1FEF0]  }
0x17f: {  	v6 =	vadd.f32 v59, v6;
	v8 =	vmul.f32 v17, v18  }
0x180: {  	v4 =	vadd.f32 v9, v4;
	v60 =	vld.idx.msk [tilespmem:v15+s20+$0x0], $0xffff;
	v9 =	vpop (erf);
	(erf) = vrcp.f32 v5  }
0x181: {  	v5 =	vmul.f32 v9, v10;
	v6 =	vadd.f32 v8, v6;
	v8 =	vsub.f32 $0.0e+00, v2  }
0x182: {  	v11 =	vld.idx.msk [tilespmem:v48+s20+$0x0], $0xffff  }
0x183: {  	v3 =	vmul.f32 v5, v3;
	v5 =	vmul.f32 $1.442695020e+00, v8;
	v8 =	vld [tilespmem:$0x1FF00];
	_ =	sdelay $0x1  }
0x184: {  	v4 =	vsub.f32 v4, v60;
	(erf) = vpow2.f32 v5;
	v5 =	vld [tilespmem:$0x1FF10]  }
0x185: {  	v0 =	vmul.f32 v0, v42  }
0x186: {  	v6 =	vsub.f32 v6, v11;
	v7 =	vsub.f32 $0.0e+00, v4  }
0x187: {  	v1 =	vadd.f32 v3, v1;
	v0 =	vmul.f32 v0, v8;
	v8 =	vmul.f32 v63, v41  }
0x188: {  	v10 =	vsub.f32 $0.0e+00, v6  }
0x189: {  	v3 =	vmul.f32 $1.442695020e+00, v7;
	v5 =	vmul.f32 v8, v5;
	v0 =	vadd.f32 v1, v0  }
0x18a: {  	v8 =	vadd.f32 $1.000000000e+00, v55  }
0x18b: {  	v9 =	vpop (erf);
	(erf) = vpow2.f32 v3;
	v1 =	vmul.f32 $1.442695020e+00, v10;
	v0 =	vadd.f32 v0, v5;
	v5 =	vld [tilespmem:$0x1FF20]  }
0x18c: {  	(erf) = vrcp.f32 v8  }
0x18d: {  	v7 =	vpop (erf);
	(erf) = vpow2.f32 v1;
	v1 =	vld [tilespmem:$0x1FD70]  }
0x18e: {  	v11 =	vmul.f32 v56, v39;
	_ =	sdelay $0x1  }
0x18f: {  	v5 =	vmul.f32 v11, v5  }
0x190: {  	v3 =	vmul.f32 v9, v43;
	v9 =	vadd.f32 $1.000000000e+00, v52  }
0x191: {  	v1 =	vadd.f32 $1.000000000e+00, v1;
	v0 =	vadd.f32 v0, v5;
	v5 =	vld [tilespmem:$0x1FF30]  }
0x192: {  	(erf) = vrcp.f32 v9  }
0x193: {  	(erf) = vrcp.f32 v1;
	v1 =	vld [tilespmem:$0x1FF40];
	_ =	sdelay $0x2  }
0x194: {  	v3 =	vmul.f32 v3, v5;
	v5 =	vmul.f32 v7, v40;
	_ =	sdelay $0x1  }
0x195: {  	v0 =	vadd.f32 v0, v3;
	v1 =	vmul.f32 v5, v1  }
0x196: {  	v7 =	vld [tilespmem:$0x1FD80]  }
0x197: {  	v0 =	vadd.f32 v0, v1;
	v1 =	vld [tilespmem:$0x1FF50];
	_ =	sdelay $0x2  }
0x198: {  	v3 =	vmul.f32 v54, v37  }
0x199: {  	v8 =	vadd.f32 $1.000000000e+00, v7;
	v7 =	vpop (erf)  }
0x19a: {  	v1 =	vmul.f32 v3, v1;
	v3 =	vadd.f32 $1.000000000e+00, v7;
	v7 =	vld [tilespmem:$0x1FF60];
	_ =	sdelay $0x2  }
0x19b: {  	v5 =	vmul.f32 v53, v36;
	_ =	sdelay $0x1  }
0x19c: {  	v5 =	vmul.f32 v5, v7;
	v7 =	vld [tilespmem:$0x1FDE0]  }
0x19d: {  	(erf) = vrcp.f32 v8;
	v8 =	vpop (erf)  }
0x19e: {  	v0 =	vadd.f32 v0, v1;
	v1 =	vadd.f32 $1.000000000e+00, v8;
	v8 =	vpop (erf);
	(erf) = vrcp.f32 v3;
	v3 =	vld [tilespmem:$0x1FF70];
	_ =	sdelay $0x2  }
0x19f: {  	v7 =	vmul.f32 v51, v7;
	_ =	sdelay $0x1  }
0x1a0: {  	v0 =	vadd.f32 v0, v5;
	v3 =	vmul.f32 v7, v3;
	_ =	sdelay $0x1  }
0x1a1: {  	v0 =	vadd.f32 v0, v3;
	v3 =	vld [tilespmem:$0x1FF80];
	_ =	sdelay $0x2  }
0x1a2: {  	v9 =	vmul.f32 v8, v38;
	_ =	sdelay $0x1  }
0x1a3: {  	v3 =	vmul.f32 v9, v3;
	_ =	sdelay $0x1  }
0x1a4: {  	v0 =	vadd.f32 v0, v3;
	v3 =	vld [tilespmem:$0x1FF90]  }
0x1a5: {  	v8 =	vpop (erf)  }
0x1a6: {  	v5 =	vadd.f32 $1.000000000e+00, v8;
	v8 =	vpop (erf)  }
0x1a7: {  	(erf) = vrcp.f32 v1;
	v1 =	vmul.f32 v8, v35;
	_ =	sdelay $0x1  }
0x1a8: {  	v1 =	vmul.f32 v1, v3;
	v3 =	vld [tilespmem:$0x1FE00];
	_ =	sdelay $0x1  }
0x1a9: {  	v0 =	vadd.f32 v0, v1;
	v1 =	vld [tilespmem:$0x1FFA0];
	_ =	sdelay $0x1  }
0x1aa: {  	v7 =	vpop (erf)  }
0x1ab: {  	v3 =	vmul.f32 v7, v3;
	_ =	sdelay $0x1  }
0x1ac: {  	v1 =	vmul.f32 v3, v1;
	v3 =	vld [tilespmem:$0x1FDF0];
	_ =	sdelay $0x1  }
0x1ad: {  	v0 =	vadd.f32 v0, v1;
	v1 =	vld [tilespmem:$0x1FFB0];
	_ =	sdelay $0x1  }
0x1ae: {  	(erf) = vrcp.f32 v5;
	v5 =	vpop (erf)  }
0x1af: {  	v7 =	vmul.f32 v5, v3;
	_ =	sdelay $0x1  }
0x1b0: {  	v1 =	vmul.f32 v7, v1;
	_ =	sdelay $0x1  }
0x1b1: {  	v0 =	vadd.f32 v0, v1;
	v1 =	vld [tilespmem:$0x1FFC0];
	_ =	sdelay $0x1  }
0x1b2: {  	v5 =	vpop (erf)  }
0x1b3: {  	v2 =	vmul.f32 v5, v2;
	_ =	sdelay $0x1  }
0x1b4: {  	v1 =	vmul.f32 v2, v1;
	_ =	sdelay $0x1  }
0x1b5: {  	v0 =	vadd.f32 v1, v0;
	v1 =	vld [tilespmem:$0x1FFD0];
	_ =	sdelay $0x1  }
0x1b6: {  	v3 =	vpop (erf)  }
0x1b7: {  	v2 =	vmul.f32 v3, v4;
	_ =	sdelay $0x1  }
0x1b8: {  	v1 =	vmul.f32 v2, v1;
	_ =	sdelay $0x1  }
0x1b9: {  	v0 =	vadd.f32 v1, v0;
	v1 =	vld [tilespmem:$0x1FFE0];
	_ =	sdelay $0x1  }
0x1ba: {  	v3 =	vpop (erf)  }
0x1bb: {  	v2 =	vmul.f32 v3, v6;
	_ =	sdelay $0x1  }
0x1bc: {  	v1 =	vmul.f32 v2, v1;
	_ =	sdelay $0x1  }
0x1bd: {  	v0 =	vadd.f32 v1, v0;
	_ =	sdelay $0x1  }
0x1be: {  	v0 =	vmul.f32 $1.442695020e+00, v0;
	_ =	sdelay $0x1  }
0x1bf: {  	v1 =	vld [tilespmem:$0x1FFF0];
	(erf) = vpow2.f32 v0;
	_ =	sdelay $0x2  }
0x1c0: {  	v0 =	vmov s30  }
0x1c1: {  	v0 =	vshll.u32 v0, $0x5  }
0x1c2: {  	v48 =	vor.u32 v1, v0  }
0x1c3: {  	v1 =	vor.u32 $0x7, v48  }
0x1c4: {  	v51 =	vor.u32 $0x6, v48  }
0x1c5: {  	v56 =	vor.u32 $0x5, v48  }
0x1c6: {  	s29 =	sadd.s32 $0x10, s29;
	v4 =	vor.u32 $0xB, v48;
	v0 =	vpop (erf)  }
0x1c7: {  	[tilespmem:s29+$0x0] =	vst v0  }
0x1c8: {  	v5 =	vor.u32 $0x2, v48;
	v3 =	vld.idx.msk [tilespmem:v1+s20+$0x0], $0xffff  }
0x1c9: {  	v2 =	vor.u32 $0xA, v48;
	v36 =	vld.idx.msk [tilespmem:v51+s20+$0x0], $0xffff  }
0x1ca: {  	v0 =	vor.u32 $0x9, v48;
	v37 =	vld.idx.msk [tilespmem:v56+s20+$0x0], $0xffff  }
0x1cb: {  	v8 =	vor.u32 $0x1, v48;
	v10 =	vld.idx.msk [tilespmem:v4+s20+$0x0], $0xffff;
	_ =	sdelay $0x1  }
0x1cc: {  	v39 =	vld.idx.msk [tilespmem:v5+s20+$0x0], $0xffff;
	[tilespmem:$0x1FDE0] =	vst v3;
	v3 =	vsub.f32 $0.0e+00, v3  }
0x1cd: {  	v54 =	vor.u32 $0x8, v48;
	v11 =	vld.idx.msk [tilespmem:v2+s20+$0x0], $0xffff;
	v6 =	vsub.f32 $0.0e+00, v36  }
0x1ce: {  	v35 =	vld.idx.msk [tilespmem:v0+s20+$0x0], $0xffff;
	v7 =	vsub.f32 $0.0e+00, v37;
	v3 =	vmul.f32 $1.442695020e+00, v3  }
0x1cf: {  	v9 =	vor.u32 $0x4, v48;
	v41 =	vld.idx.msk [tilespmem:v8+s20+$0x0], $0xffff;
	[tilespmem:$0x1FDF0] =	vst v10;
	v10 =	vsub.f32 $0.0e+00, v10;
	v6 =	vmul.f32 $1.442695020e+00, v6  }
0x1d0: {  	v44 =	vor.u32 $0x16, v48;
	v42 =	vld.idx.msk [tilespmem:v48+s20+$0x0], $0xffff;
	v7 =	vmul.f32 $1.442695020e+00, v7;
	(erf) = vpow2.f32 v3  }
0x1d1: {  	v10 =	vmul.f32 $1.442695020e+00, v10;
	(erf) = vpow2.f32 v6;
	v6 =	vsub.f32 $0.0e+00, v39  }
0x1d2: {  	p0 =	sne.s32 s30, $0x1F0;
	v38 =	vld.idx.msk [tilespmem:v54+s20+$0x0], $0xffff;
	v3 =	vor.u32 $0x3, v48;
	(erf) = vpow2.f32 v7;
	v7 =	vsub.f32 $0.0e+00, v11  }
.Ltmp1:
0x1d3: {  	v46 =	vor.u32 $0x11, v48;
	[tilespmem:$0x1FE00] =	vst v11;
	v11 =	vsub.f32 $0.0e+00, v35;
	v6 =	vmul.f32 $1.442695020e+00, v6;
	(pc) =	sbr.rel @p0 .LBB2_5-.Ltmp1, $4  }
0x1d4: {  	v62 =	vsub.f32 $0.0e+00, v41;
	(erf) = vpow2.f32 v10;
	v63 =	vmul.f32 $1.442695020e+00, v7  }
0x1d5: {  	v40 =	vld.idx.msk [tilespmem:v9+s20+$0x0], $0xffff;
	v10 =	vsub.f32 $0.0e+00, v42;
	v11 =	vmul.f32 $1.442695020e+00, v11;
	(erf) = vpow2.f32 v6  }
0x1d6: {  	v47 =	vor.u32 $0x14, v48;
	v45 =	vld.idx.msk [tilespmem:v4+s2+$0x0], $0xffff;
	v4 =	vmul.f32 $1.442695020e+00, v62;
	(erf) = vpow2.f32 v63  }
0x1d7: {  	s30 =	sadd.s32 $0x10, s30;
	v7 =	vsub.f32 $0.0e+00, v38;
	v43 =	vld.idx.msk [tilespmem:v3+s20+$0x0], $0xffff;
	v6 =	vmul.f32 $1.442695020e+00, v10;
	(erf) = vpow2.f32 v11  }
0x1d8: {  	_ =	sdelay $0x2  }
0x1d9: {  	(erf) = vpow2.f32 v4;
	v7 =	vmul.f32 $1.442695020e+00, v7;
	v10 =	vpop (erf)  }
0x1da: {  	v2 =	vld.idx.msk [tilespmem:v2+s2+$0x0], $0xffff;
	(erf) = vpow2.f32 v6;
	v10 =	vadd.f32 $1.000000000e+00, v10;
	v55 =	vpop (erf)  }
0x1db: {  	v11 =	vsub.f32 $0.0e+00, v40;
	v6 =	vadd.f32 $1.000000000e+00, v55;
	v12 =	vpop (erf);
	(erf) = vpow2.f32 v7  }
0x1dc: {  	v0 =	vld.idx.msk [tilespmem:v0+s2+$0x0], $0xffff;
	v57 =	vsub.f32 $0.0e+00, v43;
	v12 =	vadd.f32 $1.000000000e+00, v12;
	(erf) = vrcp.f32 v10  }
0x1dd: {  	v13 =	vld.idx.msk [tilespmem:v5+s2+$0x0], $0xffff;
	v59 =	vsub.f32 $0.0e+00, v45;
	v11 =	vmul.f32 $1.442695020e+00, v11;
	(erf) = vrcp.f32 v6  }
0x1de: {  	v58 =	vor.u32 $0x10, v48;
	v16 =	vld.idx.msk [tilespmem:v48+s2+$0x0], $0xffff;
	v21 =	vpop (erf);
	v7 =	vmul.f32 $1.442695020e+00, v57;
	(erf) = vrcp.f32 v12  }
0x1df: {  	v15 =	vld.idx.msk [tilespmem:v9+s2+$0x0], $0xffff;
	v60 =	vsub.f32 $0.0e+00, v2;
	v10 =	vmul.f32 $1.442695020e+00, v59;
	v14 =	vpop (erf);
	(erf) = vpow2.f32 v11  }
0x1e0: {  	v4 =	vor.u32 $0x15, v48;
	v14 =	vadd.f32 $1.000000000e+00, v14;
	v22 =	vpop (erf);
	(erf) = vpow2.f32 v7  }
0x1e1: {  	v6 =	vld.idx.msk [tilespmem:v1+s2+$0x0], $0xffff;
	v61 =	vsub.f32 $0.0e+00, v0;
	v62 =	vmul.f32 $1.442695020e+00, v60;
	v52 =	vpop (erf);
	(erf) = vpow2.f32 v10  }
0x1e2: {  	v5 =	vor.u32 $0x18, v48;
	v59 =	vld.idx.msk [tilespmem:v8+s2+$0x0], $0xffff;
	v18 =	vsub.f32 $0.0e+00, v13;
	v63 =	vpop (erf);
	(erf) = vrcp.f32 v14  }
0x1e3: {  	v24 =	vsub.f32 $0.0e+00, v16;
	v1 =	vmul.f32 $1.442695020e+00, v61;
	v10 =	vld.idx.msk [tilespmem:v51+s2+$0x0], $0xffff;
	v19 =	vpop (erf);
	(erf) = vpow2.f32 v62  }
0x1e4: {  	v17 =	vor.u32 $0x19, v48;
	v31 =	vsub.f32 $0.0e+00, v15;
	v8 =	vadd.f32 $1.000000000e+00, v63;
	v57 =	vpop (erf)  }
0x1e5: {  	v11 =	vor.u32 $0xF, v48;
	v60 =	vld.idx.msk [tilespmem:v3+s2+$0x0], $0xffff;
	v7 =	vadd.f32 $1.000000000e+00, v19;
	(erf) = vpow2.f32 v1;
	v51 =	vpop (erf)  }
0x1e6: {  	v25 =	vmul.f32 $1.442695020e+00, v18;
	v26 =	vsub.f32 $0.0e+00, v6;
	(erf) = vrcp.f32 v8;
	v53 =	vpop (erf)  }
0x1e7: {  	v27 =	vmul.f32 $1.442695020e+00, v24;
	v28 =	vsub.f32 $0.0e+00, v59;
	(erf) = vrcp.f32 v7;
	v55 =	vpop (erf)  }
0x1e8: {  	v14 =	vld.idx.msk [tilespmem:v54+s2+$0x0], $0xffff;
	v18 =	vmul.f32 $1.442695020e+00, v26;
	v29 =	vsub.f32 $0.0e+00, v10;
	(erf) = vpow2.f32 v25;
	v3 =	vpop (erf)  }
0x1e9: {  	v12 =	vor.u32 $0x12, v48;
	v19 =	vld.idx.msk [tilespmem:v56+s2+$0x0], $0xffff;
	v30 =	vmul.f32 $1.442695020e+00, v28;
	(erf) = vpow2.f32 v27;
	v8 =	vpop (erf)  }
0x1ea: {  	v20 =	vsub.f32 $0.0e+00, v60;
	v7 =	vmul.f32 $1.442695020e+00, v29;
	(erf) = vpow2.f32 v18;
	v32 =	vpop (erf)  }
0x1eb: {  	v23 =	vld.idx.msk [tilespmem:v46+s2+$0x0], $0xffff;
	v9 =	vmul.f32 $1.442695020e+00, v31;
	v54 =	vor.u32 $0x13, v48;
	(erf) = vpow2.f32 v30;
	v1 =	vpop (erf)  }
0x1ec: {  	v49 =	vld.idx.msk [tilespmem:v47+s2+$0x0], $0xffff;
	v33 =	vmul.f32 $1.442695020e+00, v20;
	v25 =	vadd.f32 $1.000000000e+00, v32;
	(erf) = vpow2.f32 v7;
	v34 =	vpop (erf)  }
0x1ed: {  	v20 =	vsub.f32 $0.0e+00, v14;
	v27 =	vld.idx.msk [tilespmem:v11+s2+$0x0], $0xffff;
	(erf) = vpow2.f32 v9;
	v9 =	vadd.f32 $1.000000000e+00, v34  }
0x1ee: {  	v29 =	vsub.f32 $0.0e+00, v19;
	v18 =	vor.u32 $0x1A, v48;
	v30 =	vld.idx.msk [tilespmem:v5+s20+$0x0], $0xffff;
	v28 =	vpop (erf);
	(erf) = vrcp.f32 v25  }
0x1ef: {  	v31 =	vmul.f32 $1.442695020e+00, v20;
	v32 =	vld.idx.msk [tilespmem:v17+s20+$0x0], $0xffff;
	v28 =	vadd.f32 $1.000000000e+00, v28;
	(erf) = vpow2.f32 v33  }
0x1f0: {  	v29 =	vmul.f32 $1.442695020e+00, v29;
	v25 =	vld.idx.msk [tilespmem:v12+s2+$0x0], $0xffff;
	v7 =	vpop (erf);
	(erf) = vrcp.f32 v9  }
0x1f1: {  	v24 =	vld.idx.msk [tilespmem:v4+s2+$0x0], $0xffff;
	v20 =	vor.u32 $0x17, v48;
	v9 =	vpop (erf);
	(erf) = vrcp.f32 v28  }
0x1f2: {  	v33 =	vpop (erf);
	(erf) = vpow2.f32 v31;
	v31 =	vld.idx.msk [tilespmem:v54+s2+$0x0], $0xffff  }
0x1f3: {  	v61 =	vor.u32 $0xC, v48;
	v26 =	vld.idx.msk [tilespmem:v58+s2+$0x0], $0xffff;
	v33 =	vadd.f32 $1.000000000e+00, v33;
	v34 =	vpop (erf)  }
0x1f4: {  	v27 =	vmul.f32 v27, v30;
	v28 =	vld.idx.msk [tilespmem:v18+s20+$0x0], $0xffff;
	(erf) = vpow2.f32 v29;
	v34 =	vadd.f32 $1.000000000e+00, v34;
	v29 =	vpop (erf)  }
0x1f5: {  	v25 =	vmul.f32 v25, v32;
	v50 =	vpop (erf);
	(erf) = vrcp.f32 v33;
	v33 =	vld.idx.msk [tilespmem:v44+s2+$0x0], $0xffff  }
0x1f6: {  	(erf) = vrcp.f32 v34;
	v34 =	vadd.f32 $1.000000000e+00, v50;
	v50 =	vld.idx.msk [tilespmem:v20+s2+$0x0], $0xffff  }
0x1f7: {  	v56 =	vor.u32 $0xD, v48;
	v25 =	vadd.f32 v25, v27;
	v62 =	vpop (erf);
	v27 =	vmul.f32 v31, v32  }
0x1f8: {  	v48 =	vor.u32 $0xE, v48;
	v26 =	vmul.f32 v26, v30;
	v63 =	vpop (erf);
	(erf) = vrcp.f32 v34;
	v34 =	vld.idx.msk [tilespmem:v61+s2+$0x0], $0xffff  }
0x1f9: {  	v23 =	vmul.f32 v23, v30;
	v24 =	vmul.f32 v24, v28;
	v31 =	vpop (erf)  }
0x1fa: {  	v30 =	vmul.f32 v49, v32;
	v49 =	vpop (erf);
	v32 =	vmul.f32 v33, v28  }
0x1fb: {  	v24 =	vadd.f32 v24, v25;
	v25 =	vadd.f32 v27, v26;
	v27 =	vpop (erf);
	v28 =	vmul.f32 v50, v28  }
0x1fc: {  	v23 =	vadd.f32 v30, v23;
	v33 =	vpop (erf)  }
0x1fd: {  	v30 =	vadd.f32 $1.000000000e+00, v49;
	v24 =	vsub.f32 v24, v34;
	v34 =	vld.idx.msk [tilespmem:v48+s2+$0x0], $0xffff;
	v49 =	vpop (erf)  }
0x1fe: {  	v29 =	vadd.f32 $1.000000000e+00, v29;
	v26 =	vld.idx.msk [tilespmem:v56+s2+$0x0], $0xffff;
	v25 =	vadd.f32 v32, v25;
	v32 =	vpop (erf)  }
0x1ff: {  	v62 =	vadd.f32 $1.000000000e+00, v62;
	(erf) = vrcp.f32 v30;
	v23 =	vadd.f32 v28, v23;
	v28 =	vpop (erf)  }
0x200: {  	v50 =	vadd.f32 $1.000000000e+00, v63;
	(erf) = vrcp.f32 v29;
	v63 =	vpop (erf)  }
0x201: {  	(erf) = vrcp.f32 v62;
	v62 =	vsub.f32 $0.0e+00, v24;
	v16 =	vmul.f32 v63, v16;
	v63 =	vpop (erf)  }
0x202: {  	v29 =	vadd.f32 $1.000000000e+00, v32;
	v23 =	vsub.f32 v23, v34;
	v34 =	vmul.f32 v63, v59;
	v59 =	vld [tilespmem:$0x1FE10]  }
0x203: {  	v25 =	vsub.f32 v25, v26;
	(erf) = vrcp.f32 v50;
	v50 =	vmul.f32 $1.442695020e+00, v62;
	v63 =	vld [tilespmem:$0x1FE20]  }
0x204: {  	(erf) = vrcp.f32 v29  }
0x205: {  	v62 =	vsub.f32 $0.0e+00, v25;
	(erf) = vpow2.f32 v50;
	v50 =	vsub.f32 $0.0e+00, v23  }
0x206: {  	v4 =	vld.idx.msk [tilespmem:v4+s20+$0x0], $0xffff;
	v13 =	vmul.f32 v28, v13  }
0x207: {  	v30 =	vmul.f32 $1.442695020e+00, v62;
	v62 =	vadd.f32 $1.000000000e+00, v49;
	v49 =	vld [tilespmem:$0x1FE30];
	v26 =	vmul.f32 $1.442695020e+00, v50  }
0x208: {  	v58 =	vld.idx.msk [tilespmem:v58+s20+$0x0], $0xffff;
	v16 =	vmul.f32 v16, v59;
	v29 =	vmul.f32 v34, v63;
	v34 =	vpop (erf)  }
0x209: {  	(erf) = vpow2.f32 v30;
	v28 =	vmul.f32 v34, v60;
	v60 =	vld [tilespmem:$0x1FE40]  }
0x20a: {  	v11 =	vld.idx.msk [tilespmem:v11+s20+$0x0], $0xffff;
	(erf) = vrcp.f32 v62;
	v16 =	vadd.f32 $0.0e+00, v16  }
0x20b: {  	v63 =	vld [tilespmem:$0x1FE50];
	(erf) = vpow2.f32 v26;
	v26 =	vpop (erf)  }
0x20c: {  	v5 =	vld.idx.msk [tilespmem:v5+s2+$0x0], $0xffff;
	v13 =	vmul.f32 v13, v49;
	v16 =	vadd.f32 v29, v16;
	v50 =	vpop (erf)  }
0x20d: {  	v34 =	vld [tilespmem:$0x1FE60];
	v59 =	vpop (erf)  }
0x20e: {  	v17 =	vld.idx.msk [tilespmem:v17+s2+$0x0], $0xffff;
	v13 =	vadd.f32 v13, v16;
	v28 =	vmul.f32 v28, v60;
	v15 =	vmul.f32 v59, v15  }
0x20f: {  	v49 =	vld [tilespmem:$0x1FE70];
	v62 =	vpop (erf)  }
0x210: {  	v30 =	vld.idx.msk [tilespmem:v46+s20+$0x0], $0xffff;
	v19 =	vmul.f32 v62, v19;
	v13 =	vadd.f32 v28, v13;
	v15 =	vmul.f32 v15, v63  }
0x211: {  	v62 =	vld [tilespmem:$0x1FE80]  }
0x212: {  	v12 =	vld.idx.msk [tilespmem:v12+s20+$0x0], $0xffff;
	v10 =	vmul.f32 v50, v10;
	v13 =	vadd.f32 v15, v13;
	v15 =	vmul.f32 v19, v34  }
0x213: {  	v6 =	vmul.f32 v26, v6;
	v26 =	vld [tilespmem:$0x1FE90];
	v32 =	vpop (erf)  }
0x214: {  	v16 =	vld.idx.msk [tilespmem:v47+s20+$0x0], $0xffff;
	v10 =	vmul.f32 v10, v49;
	v46 =	vpop (erf);
	v13 =	vadd.f32 v15, v13  }
0x215: {  	v2 =	vmul.f32 v27, v2;
	v27 =	vadd.f32 $1.000000000e+00, v32;
	v28 =	vmul.f32 v30, v5;
	v30 =	vld [tilespmem:$0x1FEA0];
	v47 =	vpop (erf)  }
0x216: {  	v18 =	vld.idx.msk [tilespmem:v18+s2+$0x0], $0xffff;
	v14 =	vmul.f32 v47, v14;
	v6 =	vmul.f32 v6, v62;
	v10 =	vadd.f32 v10, v13  }
0x217: {  	v50 =	vadd.f32 $1.000000000e+00, v46;
	v46 =	vld [tilespmem:$0x1FEB0];
	(erf) = vrcp.f32 v27  }
0x218: {  	v0 =	vmul.f32 v33, v0;
	v63 =	vld.idx.msk [tilespmem:v54+s20+$0x0], $0xffff;
	v59 =	vpop (erf);
	v14 =	vmul.f32 v14, v26;
	v6 =	vadd.f32 v6, v10  }
0x219: {  	v54 =	vld [tilespmem:$0x1FEC0];
	v60 =	vadd.f32 $1.000000000e+00, v59;
	(erf) = vrcp.f32 v50  }
0x21a: {  	v11 =	vmul.f32 v11, v5;
	v0 =	vmul.f32 v0, v30;
	v6 =	vadd.f32 v14, v6  }
0x21b: {  	v3 =	vadd.f32 $1.000000000e+00, v3;
	v12 =	vmul.f32 v12, v17;
	v29 =	vld.idx.msk [tilespmem:v44+s20+$0x0], $0xffff;
	(erf) = vrcp.f32 v60  }
0x21c: {  	v44 =	vmul.f32 v31, v45;
	v34 =	vld.idx.msk [tilespmem:v61+s20+$0x0], $0xffff;
	v2 =	vmul.f32 v2, v46;
	v0 =	vadd.f32 v0, v6  }
0x21d: {  	v11 =	vadd.f32 v12, v11;
	v4 =	vmul.f32 v4, v18;
	v5 =	vmul.f32 v58, v5;
	v27 =	vld.idx.msk [tilespmem:v20+s20+$0x0], $0xffff  }
0x21e: {  	v61 =	vld [tilespmem:$0x1FED0];
	v33 =	vmul.f32 v63, v17;
	v12 =	vmul.f32 v44, v54;
	v0 =	vadd.f32 v2, v0  }
0x21f: {  	v8 =	vadd.f32 $1.000000000e+00, v8;
	v4 =	vadd.f32 v4, v11;
	v58 =	vld.idx.msk [tilespmem:v56+s20+$0x0], $0xffff;
	v32 =	vmul.f32 v16, v17  }
0x220: {  	v47 =	vmul.f32 v29, v18;
	v5 =	vadd.f32 v33, v5;
	v49 =	vpop (erf);
	v0 =	vadd.f32 v12, v0;
	v12 =	vld [tilespmem:$0x1FEE0]  }
0x221: {  	v45 =	vadd.f32 v32, v28;
	v60 =	vld.idx.msk [tilespmem:v48+s20+$0x0], $0xffff;
	v4 =	vsub.f32 v4, v34;
	v50 =	vmul.f32 v49, v24  }
0x222: {  	(erf) = vrcp.f32 v8;
	v10 =	vmul.f32 v27, v18;
	v5 =	vadd.f32 v47, v5;
	v14 =	vld [tilespmem:$0x1FEF0];
	v59 =	vpop (erf)  }
0x223: {  	v13 =	vsub.f32 $0.0e+00, v4;
	v8 =	vmul.f32 v59, v25;
	v2 =	vmul.f32 v50, v61  }
0x224: {  	v16 =	vld [tilespmem:$0x1FF00];
	(erf) = vrcp.f32 v3;
	v5 =	vsub.f32 v5, v58;
	v6 =	vadd.f32 v10, v45;
	v62 =	vpop (erf)  }
0x225: {  	v18 =	vld [tilespmem:$0x1FF10];
	v63 =	vmul.f32 v62, v23;
	v0 =	vadd.f32 v2, v0;
	v8 =	vmul.f32 v8, v12  }
0x226: {  	v9 =	vmul.f32 v9, v42;
	v3 =	vmul.f32 $1.442695020e+00, v13;
	v6 =	vsub.f32 v6, v60  }
0x227: {  	v27 =	vld [tilespmem:$0x1FF20];
	v15 =	vsub.f32 $0.0e+00, v5;
	v2 =	vmul.f32 v63, v14;
	v0 =	vadd.f32 v8, v0  }
0x228: {  	v7 =	vmul.f32 v7, v41;
	(erf) = vpow2.f32 v3;
	v17 =	vsub.f32 $0.0e+00, v6  }
0x229: {  	v8 =	vmul.f32 $1.442695020e+00, v15;
	v0 =	vadd.f32 v2, v0;
	v2 =	vmul.f32 v9, v16  }
0x22a: {  	v1 =	vmul.f32 v1, v39;
	v19 =	vadd.f32 $1.000000000e+00, v57;
	v30 =	vld [tilespmem:$0x1FF30];
	v7 =	vmul.f32 v7, v18  }
0x22b: {  	v24 =	vmul.f32 $1.442695020e+00, v17;
	(erf) = vpow2.f32 v8;
	v0 =	vadd.f32 v0, v2  }
0x22c: {  	v26 =	vadd.f32 $1.000000000e+00, v52;
	v33 =	vld [tilespmem:$0x1FF40];
	v1 =	vmul.f32 v1, v27;
	v25 =	vpop (erf);
	(erf) = vrcp.f32 v19  }
0x22d: {  	v39 =	vld [tilespmem:$0x1FF50];
	v3 =	vmul.f32 v25, v43;
	(erf) = vpow2.f32 v24;
	v0 =	vadd.f32 v0, v7  }
0x22e: {  	v42 =	vld [tilespmem:$0x1FDE0];
	v31 =	vadd.f32 $1.000000000e+00, v22;
	v28 =	vpop (erf);
	(erf) = vrcp.f32 v26  }
0x22f: {  	v29 =	vmul.f32 v28, v40;
	v40 =	vld [tilespmem:$0x1FF60];
	v2 =	vmul.f32 v3, v30;
	v0 =	vadd.f32 v0, v1  }
0x230: {  	v32 =	vmul.f32 v55, v37;
	v34 =	vadd.f32 $1.000000000e+00, v21  }
0x231: {  	v45 =	vld [tilespmem:$0x1FF70];
	(erf) = vrcp.f32 v31;
	v1 =	vmul.f32 v29, v33;
	v0 =	vadd.f32 v0, v2  }
0x232: {  	v36 =	vmul.f32 v53, v36;
	v37 =	vpop (erf);
	(erf) = vrcp.f32 v34  }
0x233: {  	v2 =	vmul.f32 v32, v39;
	v0 =	vadd.f32 v0, v1;
	v1 =	vadd.f32 $1.000000000e+00, v37  }
0x234: {  	v47 =	vld [tilespmem:$0x1FF80];
	v3 =	vmul.f32 v36, v40;
	v7 =	vmul.f32 v51, v42;
	v41 =	vpop (erf)  }
0x235: {  	v49 =	vld [tilespmem:$0x1FF90];
	v43 =	vpop (erf);
	v0 =	vadd.f32 v0, v2;
	v2 =	vadd.f32 $1.000000000e+00, v41;
	(erf) = vrcp.f32 v1  }
0x236: {  	v50 =	vld [tilespmem:$0x1FE00];
	v7 =	vmul.f32 v7, v45;
	v44 =	vpop (erf);
	v1 =	vmul.f32 v43, v38  }
0x237: {  	v53 =	vld [tilespmem:$0x1FDF0];
	v46 =	vpop (erf);
	v0 =	vadd.f32 v0, v3;
	v3 =	vadd.f32 $1.000000000e+00, v44;
	(erf) = vrcp.f32 v2  }
0x238: {  	v52 =	vld [tilespmem:$0x1FFA0];
	v2 =	vmul.f32 v46, v35  }
0x239: {  	v1 =	vmul.f32 v1, v47;
	v0 =	vadd.f32 v0, v7;
	(erf) = vrcp.f32 v3  }
0x23a: {  	v55 =	vld [tilespmem:$0x1FFB0];
	v48 =	vpop (erf)  }
0x23b: {  	v0 =	vadd.f32 v0, v1;
	v1 =	vmul.f32 v2, v49;
	v2 =	vmul.f32 v48, v50  }
0x23c: {  	v58 =	vld [tilespmem:$0x1FFC0];
	v51 =	vpop (erf)  }
0x23d: {  	v0 =	vadd.f32 v0, v1;
	v1 =	vmul.f32 v2, v52;
	v2 =	vmul.f32 v51, v53  }
0x23e: {  	v62 =	vld [tilespmem:$0x1FFD0];
	v54 =	vpop (erf)  }
0x23f: {  	v0 =	vadd.f32 v0, v1;
	v1 =	vmul.f32 v2, v55;
	v56 =	vmul.f32 v54, v4  }
0x240: {  	v63 =	vld [tilespmem:$0x1FFE0];
	v57 =	vpop (erf)  }
0x241: {  	v0 =	vadd.f32 v0, v1;
	v1 =	vmul.f32 v56, v58;
	v59 =	vmul.f32 v57, v5  }
0x242: {  	v60 =	vpop (erf)  }
0x243: {  	v0 =	vadd.f32 v1, v0;
	v61 =	vmul.f32 v60, v6;
	v2 =	vmul.f32 v59, v62;
	_ =	sdelay $0x1  }
0x244: {  	v0 =	vadd.f32 v2, v0;
	v1 =	vmul.f32 v61, v63;
	_ =	sdelay $0x1  }
0x245: {  	v0 =	vadd.f32 v1, v0;
	_ =	sdelay $0x1  }
0x246: {  	v0 =	vmul.f32 $1.442695020e+00, v0;
	_ =	sdelay $0x1  }
0x247: {  	(erf) = vpow2.f32 v0;
	_ =	sdelay $0x8  }
0x248: {  	s29 =	sadd.s32 $0x10, s29;
	v0 =	vpop (erf)  }
0x249: {  	s28 =	sadd.s32 s9, s28;
	[tilespmem:s29+$0x0] =	vst v0  }
0x24a: {  	[hbm4b:s28+s2] =	stream.linear.scatter [tilespmem:s23], [sflag:$0x3], $0x200, $0x38;
	[tilespmem:$0x9EA0] =	vst v63  }
0x24b: {  	s26 =	sadd.s32 $0x1, s26;
	_ =	swait.ge [sflag:s15], $0x200  }
0x24c: {  	p0 =	sne.s32 s26, $0x32;
	[sflag:s15] =	ssyncset.done $0x0  }
.Ltmp2:
0x24d: {  	[sflag:s15] =	ssyncadd.s32 $0xFFFFFE00;
	(pc) =	sbr.rel @p0 .LBB2_4-.Ltmp2, $4  }
0x24e: {  	[spmem:s1] =	stream.indirect.scatter.add.f32 [tilespmem:s23], [sflag:$0x3], $0x1, s17, s19, $0xb8;
	[tilespmem:$0x9EA0] =	vst v63  }
0x24f: {  	_ =	swait.ge [sflag:s15], $0x200  }
0x250: {  	[sflag:s15] =	ssyncset.done $0x0  }
0x251: {  	v21 =	vld [tilespmem:$0x1FFF0];
	[sflag:s15] =	ssyncadd.s32 $0xFFFFFE00  }
0x252: {  	[bflag:$0x0] =	sbarrier.arrive $0xFFFF  }
0x253: {  	[tilespmem:s14], [sflag:$0x3] =	stream.linear.gather [spmem:s10], $0xC40, $0x38;
	[tilespmem:$0x9EA0] =	vst v63  }
0x254: {  	s24 =	sadd.s32 $0x1, s24;
	_ =	swait.ge [sflag:s15], $0xC40  }
0x255: {  	p0 =	sne.s32 s24, s13;
	[sflag:s15] =	ssyncset.done $0x0  }
.Ltmp3:
0x256: {  	[sflag:s15] =	ssyncadd.s32 $0xFFFFF3C0;
	(pc) =	sbr.rel @p0 .LBB2_1-.Ltmp3, $4  }
0x257: {  	[hbm4b:s12+s2] =	stream.linear.scatter [tilespmem:s14], [sflag:$0x3], $0xC40, $0x38;
	[tilespmem:$0x9EA0] =	vst v63  }
0x258: {  	_ =	swait.ge [sflag:s15], $0xC40  }
0x259: {  	[sflag:s15] =	ssyncset.done $0x0  }
0x25a: {  	v1 =	vimm.f32 $0.0e+00;
	[sflag:s15] =	ssyncadd.s32 $0xFFFFF3C0  }
0x25b: {  	_ =	sfence.sel $0x180000  }
0x25c: {  	[bflag:$0x0] =	sbarrier.arrive $0xFFFF  }
0x25d: {  	p0 =	sne.s32 s3, $0x0;
	_ =	strace $0x9000004A  }
0x25e: {  	s0 =	sadd.s32 @!p0 $0x100000, s0;
	[bflag:$0x2] =	sbarrier.arrive $0xFFFF  }
0x25f: {  	[sflag:s0] =	ssyncadd.tile.s32 @!p0 $0x1;
	_ =	shalt  }
.Lfunc_end2:
_tile_overlayer_lowered:
.L_overlay_start_2:
0x260: {  	(tag) =	ssettag $0x2  }
0x261: {  	s0 =	rddreg [dreg:$0x0];
	s2 =	stileid.u32  }
0x262: {  	s1 =	rddreg [dreg:$0x1];
	p0 =	sne.s32 s2, $0x0  }
0x263: {  	s3 =	rddreg [dreg:$0x2];
	[bflag:$0x3] =	sbarrier.arrive $0xFFFF;
	s2 =	simm.s32 @!p0 $0x1C03  }
0x264: {  	[timem:s3], [sflag:s2] =	dma.local @!p0 [hbm:s0], s1  }
0x265: {  	s0 =	simm.s32 @!p0 $0x3  }
0x266: {  	_ =	swait.ge @!p0 [sflag:s0], s1  }
0x267: {  	s1 =	ssub.s32 @!p0 $0x0, s1;
	[sflag:s0] =	ssyncset.done @!p0 $0x0  }
0x268: {  	[sflag:s0] =	ssyncadd.s32 @!p0 s1  }
0x269: {  	[bflag:$0x3] =	sbarrier.arrive $0xFFFF  }
0x26a: {  	_ =	shalt  }

</sc_bundles>
